<compile_context>
chip_gen: v7x
topology: tpu7x:2x2x1
jax: 0.10.2.dev20260603
libtpu: 0.0.44.dev20260713+nightly
codegen_flags: <defaults>
</compile_context>

<pallas_src>
import functools

import jax
import jax.numpy as jnp
from jax import lax
from jax.experimental import pallas as pl
from jax.experimental.pallas import tpu as pltpu
from jax.experimental.pallas import tpu_sc as plsc

N = 10000
NP = 10240
E = 320000
D = 128
HD = 64
NC = 2
NS = 16
NW = NC * NS
CH = 128
K = 8
EP = NW * 10240
EPW = EP // NS
ITERS = EPW // CH
RPT = NP // NS
RZ = 128
DEGW = 16
CHD = 128
EPWD = EP // NW
ITD = EPWD // CHD

_MESH = dict(core_axis_name="c", subcore_axis_name="s")


def _zero_acc(zer_h, buf_v, acc_sh, s, rz):
    pltpu.sync_copy(zer_h, buf_v)
    for k in range(RPT // rz):
        pltpu.sync_copy(buf_v, acc_sh.at[pl.ds(s * RPT + k * rz, rz)])


def _read_out(out_h, buf_v, acc_sh, c, s, rz):
    for k in range(RPT // rz):
        b = s * RPT + k * rz
        pltpu.sync_copy(acc_sh.at[pl.ds(b, rz)], buf_v)
        pltpu.sync_copy(buf_v, out_h.at[c, pl.ds(b, rz)])


@functools.partial(
    pl.kernel,
    out_type=jax.ShapeDtypeStruct((NC, NP, DEGW), jnp.float32),
    mesh=plsc.VectorSubcoreMesh(**_MESH),
    scratch_types=[
        pltpu.VMEM((ITD, CHD), jnp.int32),
        pltpu.VMEM((CHD, DEGW), jnp.float32),
        pltpu.VMEM((RZ, DEGW), jnp.float32),
        pltpu.VMEM_SHARED((NP, DEGW), jnp.float32),
        pltpu.SemaphoreType.DMA,
    ],
    compiler_params=pltpu.CompilerParams(use_tc_tiling_on_sc=False),
    name="sc_degree",
)
def _sc_degree(dst_h, ones_h, zer_h, out_h, dstb_v, ones_v, buf_v, acc_sh,
               ssem):
    c = lax.axis_index("c")
    s = lax.axis_index("s")
    wid = s * NC + c
    pltpu.sync_copy(ones_h, ones_v)
    pltpu.sync_copy(dst_h.at[wid], dstb_v)
    _zero_acc(zer_h, buf_v, acc_sh, s, RZ)
    plsc.subcore_barrier()

    def step(g, carry):
        descs = [
            pltpu.async_copy(ones_v, acc_sh.at[dstb_v.at[g * K + b]], ssem,
                             add=True)
            for b in range(K)
        ]
        for d in descs:
            d.wait()
        return carry

    lax.fori_loop(0, ITD // K, step, 0)
    plsc.subcore_barrier()
    _read_out(out_h, buf_v, acc_sh, c, s, RZ)


@functools.partial(
    pl.kernel,
    out_type=jax.ShapeDtypeStruct((NC, NP, HD), jnp.float32),
    mesh=plsc.VectorSubcoreMesh(**_MESH),
    scratch_types=[
        pltpu.VMEM((EPW,), jnp.int32),
        pltpu.VMEM((ITERS, CH), jnp.int32),
        [pltpu.VMEM((CH, HD), jnp.float32)] * 2,
        pltpu.VMEM_SHARED((NP, HD), jnp.float32),
        pltpu.SemaphoreType.DMA,
        pltpu.SemaphoreType.DMA,
        pltpu.SemaphoreType.DMA,
        pltpu.SemaphoreType.DMA,
    ],
    compiler_params=pltpu.CompilerParams(use_tc_tiling_on_sc=False),
    name="sc_agg",
)
def _sc_agg(tab_h, src_h, dst_h, zer_h, out_h,
            srcb_v, dstb_v, rows, acc_sh, gsemA, gsemB, ssemA, ssemB):
    c = lax.axis_index("c")
    s = lax.axis_index("s")
    pltpu.sync_copy(src_h.at[c, s], srcb_v)
    pltpu.sync_copy(dst_h.at[s], dstb_v)
    _zero_acc(zer_h, rows[0], acc_sh, s, RZ)
    plsc.subcore_barrier()

    def step(i, carry):
        k0 = 2 * i
        k1 = 2 * i + 1
        gA = pltpu.async_copy(
            tab_h.at[srcb_v.at[pl.ds(k0 * CH, CH)]], rows[0], gsemA)
        gB = pltpu.async_copy(
            tab_h.at[srcb_v.at[pl.ds(k1 * CH, CH)]], rows[1], gsemB)
        gA.wait()
        sA = pltpu.async_copy(rows[0], acc_sh.at[dstb_v.at[k0]], ssemA,
                              add=True)
        gB.wait()
        sB = pltpu.async_copy(rows[1], acc_sh.at[dstb_v.at[k1]], ssemB,
                              add=True)
        sA.wait()
        sB.wait()
        return carry

    lax.fori_loop(0, ITERS // 2, step, 0)
    plsc.subcore_barrier()
    _read_out(out_h, rows[0], acc_sh, c, s, RZ)


_R = 1000


def _dinv_block(dp_ref):
    return lax.rsqrt(dp_ref[0] + dp_ref[1] + 1.0)[:, 0:1]


def _tc_prep(dp, x):
    def body(dp_ref, x_ref, o_ref):
        xsd = x_ref[...] * _dinv_block(dp_ref)
        o_ref[0] = xsd[:, :HD]
        o_ref[1] = xsd[:, HD:]

    return pl.pallas_call(
        body,
        grid=(N // _R,),
        in_specs=[
            pl.BlockSpec((2, _R, DEGW), lambda i: (0, i, 0)),
            pl.BlockSpec((_R, D), lambda i: (i, 0)),
        ],
        out_specs=pl.BlockSpec((2, _R, HD), lambda i: (0, i, 0)),
        out_shape=jax.ShapeDtypeStruct((2, NP, HD), jnp.float32),
    )(dp, x)


def _tc_mm1(dp, ag, x, Wc, bc):
    def body(dp_ref, ag_ref, x_ref, w_ref, b_ref, h1_ref, ys_ref):
        dinv = _dinv_block(dp_ref)
        xsd = x_ref[...] * dinv
        agf = jnp.concatenate([ag_ref[0], ag_ref[1]], axis=1)
        p1 = (agf + xsd) * dinv
        H3 = jnp.dot(p1, w_ref[...], preferred_element_type=jnp.float32)
        H3 = jnp.maximum(H3 + b_ref[...], 0.0)
        h1_ref[...] = H3[:, D:2 * D]
        ys_ref[0] = H3[:, 0:HD] * dinv
        ys_ref[1] = H3[:, HD:D] * dinv
        ys_ref[2] = H3[:, 2 * D:2 * D + HD] * dinv
        ys_ref[3] = H3[:, 2 * D + HD:3 * D] * dinv

    return pl.pallas_call(
        body,
        grid=(N // _R,),
        in_specs=[
            pl.BlockSpec((2, _R, DEGW), lambda i: (0, i, 0)),
            pl.BlockSpec((2, _R, HD), lambda i: (0, i, 0)),
            pl.BlockSpec((_R, D), lambda i: (i, 0)),
            pl.BlockSpec((D, 3 * D), lambda i: (0, 0)),
            pl.BlockSpec((1, 3 * D), lambda i: (0, 0)),
        ],
        out_specs=[
            pl.BlockSpec((_R, D), lambda i: (i, 0)),
            pl.BlockSpec((4, _R, HD), lambda i: (0, i, 0)),
        ],
        out_shape=[
            jax.ShapeDtypeStruct((N, D), jnp.float32),
            jax.ShapeDtypeStruct((4, NP, HD), jnp.float32),
        ],
    )(dp, ag, x, Wc, bc)


def _tc_final(dp, ag2a, ag2b, ys4, h1, Ws2, bs2, Wm22, bm22, wa, ba,
              Wf1, Wf2, bf):
    def body(dp_ref, aga_ref, agb_ref, ys_ref, h1_ref, ws2_ref, bs2_ref,
             wm22_ref, bm22_ref, wa_ref, ba_ref, wf1_ref, wf2_ref, bf_ref,
             o_ref):
        dinv = _dinv_block(dp_ref)
        p2s = jnp.concatenate([aga_ref[0] + ys_ref[0],
                               aga_ref[1] + ys_ref[1]], axis=1) * dinv
        hs = jnp.dot(p2s, ws2_ref[...], preferred_element_type=jnp.float32)
        hs = jnp.maximum(hs + bs2_ref[...], 0.0)
        p2m = jnp.concatenate([agb_ref[0] + ys_ref[2],
                               agb_ref[1] + ys_ref[3]], axis=1) * dinv
        h2 = jnp.dot(p2m, wm22_ref[...], preferred_element_type=jnp.float32)
        h2 = jnp.maximum(h2 + bm22_ref[...], 0.0)
        h1v = h1_ref[...]
        s1 = jnp.sum(h1v * wa_ref[...], axis=1, keepdims=True) + ba_ref[0, 0]
        s2 = jnp.sum(h2 * wa_ref[...], axis=1, keepdims=True) + ba_ref[0, 0]
        m = jnp.maximum(s1, s2)
        e1 = jnp.exp(s1 - m)
        e2 = jnp.exp(s2 - m)
        h_meta = (e1 * h1v + e2 * h2) / (e1 + e2)
        out = jnp.dot(hs, wf1_ref[...], preferred_element_type=jnp.float32)
        out = out + jnp.dot(h_meta, wf2_ref[...],
                            preferred_element_type=jnp.float32)
        o_ref[...] = out + bf_ref[...]

    full = lambda shape: pl.BlockSpec(shape, lambda i: tuple(0 for _ in shape))
    return pl.pallas_call(
        body,
        grid=(N // _R,),
        in_specs=[
            pl.BlockSpec((2, _R, DEGW), lambda i: (0, i, 0)),
            pl.BlockSpec((2, _R, HD), lambda i: (0, i, 0)),
            pl.BlockSpec((2, _R, HD), lambda i: (0, i, 0)),
            pl.BlockSpec((4, _R, HD), lambda i: (0, i, 0)),
            pl.BlockSpec((_R, D), lambda i: (i, 0)),
            full((D, D)),
            full((1, D)),
            full((D, D)),
            full((1, D)),
            full((1, D)),
            full((1, 1)),
            full((D, D)),
            full((D, D)),
            full((1, D)),
        ],
        out_specs=pl.BlockSpec((_R, D), lambda i: (i, 0)),
        out_shape=jax.ShapeDtypeStruct((N, D), jnp.float32),
    )(dp, ag2a, ag2b, ys4, h1, Ws2, bs2, Wm22, bm22, wa, ba, Wf1, Wf2, bf)


def kernel(x, edge_index, W_s1, b_s1, W_s2, b_s2, W_m1, b_m1, W_m21, b_m21,
           W_m22, b_m22, W_attn, b_attn, W_fc, b_fc):
    src = edge_index[0].astype(jnp.int32)
    dst = edge_index[1].astype(jnp.int32)
    pad = EP - E
    src_p = jnp.concatenate([src, jnp.zeros((pad,), jnp.int32)])
    dst_p = jnp.concatenate([dst, jnp.full((pad,), N, jnp.int32)])
    srcW = src_p.reshape(NS, EPW)
    srcA = jnp.stack([srcW, srcW + NP])
    srcBo = srcA + 2 * NP
    dstS = dst_p.reshape(NS, ITERS, CH)
    dstD = dst_p.reshape(NW, ITD, CHD)

    ones16 = jnp.ones((CHD, DEGW), jnp.float32)
    zer16 = jnp.zeros((RZ, DEGW), jnp.float32)
    zer64 = jnp.zeros((RZ, HD), jnp.float32)

    dp = _sc_degree(dstD, ones16, zer16)
    xs1 = _tc_prep(dp, x)
    ag1 = _sc_agg(xs1.reshape(2 * NP, HD), srcA, dstS, zer64)

    Wc = jnp.concatenate([W_s1, W_m1, W_m21], axis=1)
    bc = jnp.concatenate([b_s1, b_m1, b_m21]).reshape(1, 3 * D)
    h1, ys4 = _tc_mm1(dp, ag1, x, Wc, bc)

    ysf = ys4.reshape(4 * NP, HD)
    ag2a = _sc_agg(ysf, srcA, dstS, zer64)
    ag2b = _sc_agg(ysf, srcBo, dstS, zer64)

    out = _tc_final(
        dp, ag2a, ag2b, ys4, h1,
        W_s2, b_s2.reshape(1, D), W_m22, b_m22.reshape(1, D),
        W_attn.reshape(1, D), b_attn.reshape(1, 1),
        W_fc[:D], W_fc[D:], b_fc.reshape(1, D))
    return out

# --- scband reference (transcript-rebuilt; emitter-appended) ---
"""Pipeline reference for scband-mahgaencoder-55920474194408 (READ-ONLY COPY).

The authoritative reference and input builder live on the scoring server;
editing this copy changes nothing except your own understanding.
"""

import jax, jax.numpy as jnp
import numpy as np

N = 10000
E = 320000
D_IN = 128
D_HID = 128
D_OUT = 128


def _param(key, shape, scale=0.05):
    return jax.random.normal(key, shape, dtype=jnp.float32) * scale


def setup_inputs(seed: int = 0) -> dict:
    key = jax.random.key(seed)
    ks = jax.random.split(key, 16)
    x = jax.random.normal(ks[0], (N, D_IN), dtype=jnp.float32)
    edge_index = jax.random.randint(ks[1], (2, E), 0, N)
    return {
        "x": x,
        "edge_index": edge_index,
        "W_s1": _param(ks[2], (D_IN, D_HID)), "b_s1": jnp.zeros((D_HID,), jnp.float32),
        "W_s2": _param(ks[3], (D_HID, D_HID)), "b_s2": jnp.zeros((D_HID,), jnp.float32),
        "W_m1": _param(ks[4], (D_IN, D_HID)), "b_m1": jnp.zeros((D_HID,), jnp.float32),
        "W_m21": _param(ks[5], (D_IN, D_HID)), "b_m21": jnp.zeros((D_HID,), jnp.float32),
        "W_m22": _param(ks[6], (D_HID, D_HID)), "b_m22": jnp.zeros((D_HID,), jnp.float32),
        "W_attn": _param(ks[7], (D_HID, 1)), "b_attn": jnp.zeros((1,), jnp.float32),
        "W_fc": _param(ks[8], (2 * D_HID, D_OUT)), "b_fc": jnp.zeros((D_OUT,), jnp.float32),
    }


def gcn_conv(x, edge_index, W, b):
    # PyG GCNConv: add self-loops, symmetric normalization, linear transform, scatter-add
    n = x.shape[0]
    loops = jnp.arange(n, dtype=edge_index.dtype)
    src = jnp.concatenate([edge_index[0], loops])
    dst = jnp.concatenate([edge_index[1], loops])
    deg = jax.ops.segment_sum(jnp.ones_like(dst, dtype=x.dtype), dst, num_segments=n)
    dinv = jnp.where(deg > 0, deg ** -0.5, 0.0)
    norm = dinv[src] * dinv[dst]
    h = x @ W
    msg = h[src] * norm[:, None]
    out = jax.ops.segment_sum(msg, dst, num_segments=n)
    return out + b


def reference(x, edge_index, W_s1, b_s1, W_s2, b_s2, W_m1, b_m1, W_m21, b_m21, W_m22, b_m22, W_attn, b_attn, W_fc, b_fc):
    h_struct = jax.nn.relu(gcn_conv(x, edge_index, W_s1, b_s1))
    h_struct = jax.nn.relu(gcn_conv(h_struct, edge_index, W_s2, b_s2))
    h1 = jax.nn.relu(gcn_conv(x, edge_index, W_m1, b_m1))
    h2 = jax.nn.relu(gcn_conv(x, edge_index, W_m21, b_m21))
    h2 = jax.nn.relu(gcn_conv(h2, edge_index, W_m22, b_m22))
    H = jnp.stack([h1, h2], axis=1)               # (N, 2, D_HID)
    attn_scores = H @ W_attn + b_attn             # (N, 2, 1)
    attn_weights = jax.nn.softmax(attn_scores, axis=1)
    h_meta = jnp.sum(attn_weights * H, axis=1)    # (N, D_HID)
    h_comb = jnp.concatenate([h_struct, h_meta], axis=1)
    out = h_comb @ W_fc + b_fc
    return out

if __name__ == "__main__":
    import jax
    _d = setup_inputs()
    print(jax.jit(kernel)(*tuple(_d.values())))

</pallas_src>

<mosaic_0001>
#map = affine_map<(d0, d1) -> (0, 0)>
#map1 = affine_map<(d0, d1) -> (0, 0, 0)>
module attributes {stable_mosaic.version = 14 : i64} {
  func.func @sc_agg(%arg0: i32, %arg1: i32, %arg2: memref<40960x64xf32, #tpu.memory_space<hbm>>, %arg3: memref<2x16x20480xi32, #tpu.memory_space<hbm>>, %arg4: memref<16x160x128xi32, #tpu.memory_space<hbm>>, %arg5: memref<128x64xf32, #tpu.memory_space<hbm>>, %arg6: memref<2x10240x64xf32, #tpu.memory_space<hbm>>, %arg7: memref<20480xi32, #tpu.memory_space<vmem>>, %arg8: memref<160x128xi32, #tpu.memory_space<vmem>>, %arg9: memref<128x64xf32, #tpu.memory_space<vmem>>, %arg10: memref<128x64xf32, #tpu.memory_space<vmem>>, %arg11: memref<10240x64xf32, #tpu.memory_space<vmem_shared>>, %arg12: memref<!tpu.dma_semaphore, #tpu.memory_space<semaphore_mem>>, %arg13: memref<!tpu.dma_semaphore, #tpu.memory_space<semaphore_mem>>, %arg14: memref<!tpu.dma_semaphore, #tpu.memory_space<semaphore_mem>>, %arg15: memref<!tpu.dma_semaphore, #tpu.memory_space<semaphore_mem>>) attributes {dimension_semantics = [#tpu.dimension_semantics<core_parallel>, #tpu.dimension_semantics<subcore_parallel>], iteration_bounds = array<i64: 2, 16>, scalar_prefetch = 0 : i64, scratch_operands = 9 : i64, tpu.core_type = #tpu.core_type<sc_vector_subcore>, window_params = [{transform_indices = #map}, {transform_indices = #map1}, {transform_indices = #map1}, {transform_indices = #map}, {transform_indices = #map1}]} {
    "tpu.region"() ({
      %run_scoped3A = tpu.sem_alloc : memref<!tpu.dma_semaphore, #tpu.memory_space<semaphore_mem>>
      %dma_start3A = arith.constant 0 : i32
      %dma_start3A_44 = tpu.memref_slice %arg3[%arg0, %arg1, %dma_start3A] : memref<2x16x20480xi32, #tpu.memory_space<hbm>> -> memref<1x1x20480xi32, #tpu.memory_space<hbm>>
      %dma_start3A_45 = tpu.memref_squeeze %dma_start3A_44 : memref<1x1x20480xi32, #tpu.memory_space<hbm>> -> memref<20480xi32, #tpu.memory_space<hbm>>
      %dma_start3A_46 = arith.constant 0 : i32
      %dma_start3A_47 = tpu.memref_slice %arg3[%arg0, %arg1, %dma_start3A_46] : memref<2x16x20480xi32, #tpu.memory_space<hbm>> -> memref<1x1x20480xi32, #tpu.memory_space<hbm>>
      %dma_start3A_48 = tpu.memref_squeeze %dma_start3A_47 : memref<1x1x20480xi32, #tpu.memory_space<hbm>> -> memref<20480xi32, #tpu.memory_space<hbm>>
      tpu.enqueue_dma source(%dma_start3A_48 : memref<20480xi32, #tpu.memory_space<hbm>>) target(%arg7 : memref<20480xi32, #tpu.memory_space<vmem>>) target_semaphore(%run_scoped3A : memref<!tpu.dma_semaphore, #tpu.memory_space<semaphore_mem>>)
      %dma_wait3A = arith.constant 0 : i32
      %dma_wait3A_49 = tpu.memref_slice %arg3[%arg0, %arg1, %dma_wait3A] : memref<2x16x20480xi32, #tpu.memory_space<hbm>> -> memref<1x1x20480xi32, #tpu.memory_space<hbm>>
      %dma_wait3A_50 = tpu.memref_squeeze %dma_wait3A_49 : memref<1x1x20480xi32, #tpu.memory_space<hbm>> -> memref<20480xi32, #tpu.memory_space<hbm>>
      %dma_wait3A_51 = arith.constant 0 : i32
      %dma_wait3A_52 = tpu.memref_slice %arg3[%arg0, %arg1, %dma_wait3A_51] : memref<2x16x20480xi32, #tpu.memory_space<hbm>> -> memref<1x1x20480xi32, #tpu.memory_space<hbm>>
      %dma_wait3A_53 = tpu.memref_squeeze %dma_wait3A_52 : memref<1x1x20480xi32, #tpu.memory_space<hbm>> -> memref<20480xi32, #tpu.memory_space<hbm>>
      tpu.wait_dma2 semaphore(%run_scoped3A : memref<!tpu.dma_semaphore, #tpu.memory_space<semaphore_mem>>) src(%dma_wait3A_53 : memref<20480xi32, #tpu.memory_space<hbm>>) dst(%arg7 : memref<20480xi32, #tpu.memory_space<vmem>>)
      tpu.yield
    }) : () -> ()
    "tpu.region"() ({
      %run_scoped3A = tpu.sem_alloc : memref<!tpu.dma_semaphore, #tpu.memory_space<semaphore_mem>>
      %dma_start3A = arith.constant 0 : i32
      %dma_start3A_44 = arith.constant 0 : i32
      %dma_start3A_45 = tpu.memref_slice %arg4[%arg1, %dma_start3A, %dma_start3A_44] : memref<16x160x128xi32, #tpu.memory_space<hbm>> -> memref<1x160x128xi32, #tpu.memory_space<hbm>>
      %dma_start3A_46 = tpu.memref_squeeze %dma_start3A_45 : memref<1x160x128xi32, #tpu.memory_space<hbm>> -> memref<160x128xi32, #tpu.memory_space<hbm>>
      %dma_start3A_47 = arith.constant 0 : i32
      %dma_start3A_48 = arith.constant 0 : i32
      %dma_start3A_49 = tpu.memref_slice %arg4[%arg1, %dma_start3A_47, %dma_start3A_48] : memref<16x160x128xi32, #tpu.memory_space<hbm>> -> memref<1x160x128xi32, #tpu.memory_space<hbm>>
      %dma_start3A_50 = tpu.memref_squeeze %dma_start3A_49 : memref<1x160x128xi32, #tpu.memory_space<hbm>> -> memref<160x128xi32, #tpu.memory_space<hbm>>
      tpu.enqueue_dma source(%dma_start3A_50 : memref<160x128xi32, #tpu.memory_space<hbm>>) target(%arg8 : memref<160x128xi32, #tpu.memory_space<vmem>>) target_semaphore(%run_scoped3A : memref<!tpu.dma_semaphore, #tpu.memory_space<semaphore_mem>>)
      %dma_wait3A = arith.constant 0 : i32
      %dma_wait3A_51 = arith.constant 0 : i32
      %dma_wait3A_52 = tpu.memref_slice %arg4[%arg1, %dma_wait3A, %dma_wait3A_51] : memref<16x160x128xi32, #tpu.memory_space<hbm>> -> memref<1x160x128xi32, #tpu.memory_space<hbm>>
      %dma_wait3A_53 = tpu.memref_squeeze %dma_wait3A_52 : memref<1x160x128xi32, #tpu.memory_space<hbm>> -> memref<160x128xi32, #tpu.memory_space<hbm>>
      %dma_wait3A_54 = arith.constant 0 : i32
      %dma_wait3A_55 = arith.constant 0 : i32
      %dma_wait3A_56 = tpu.memref_slice %arg4[%arg1, %dma_wait3A_54, %dma_wait3A_55] : memref<16x160x128xi32, #tpu.memory_space<hbm>> -> memref<1x160x128xi32, #tpu.memory_space<hbm>>
      %dma_wait3A_57 = tpu.memref_squeeze %dma_wait3A_56 : memref<1x160x128xi32, #tpu.memory_space<hbm>> -> memref<160x128xi32, #tpu.memory_space<hbm>>
      tpu.wait_dma2 semaphore(%run_scoped3A : memref<!tpu.dma_semaphore, #tpu.memory_space<semaphore_mem>>) src(%dma_wait3A_57 : memref<160x128xi32, #tpu.memory_space<hbm>>) dst(%arg8 : memref<160x128xi32, #tpu.memory_space<vmem>>)
      tpu.yield
    }) : () -> ()
    "tpu.region"() ({
      %run_scoped3A = tpu.sem_alloc : memref<!tpu.dma_semaphore, #tpu.memory_space<semaphore_mem>>
      tpu.enqueue_dma source(%arg5 : memref<128x64xf32, #tpu.memory_space<hbm>>) target(%arg9 : memref<128x64xf32, #tpu.memory_space<vmem>>) target_semaphore(%run_scoped3A : memref<!tpu.dma_semaphore, #tpu.memory_space<semaphore_mem>>)
      tpu.wait_dma2 semaphore(%run_scoped3A : memref<!tpu.dma_semaphore, #tpu.memory_space<semaphore_mem>>) src(%arg5 : memref<128x64xf32, #tpu.memory_space<hbm>>) dst(%arg9 : memref<128x64xf32, #tpu.memory_space<vmem>>)
      tpu.yield
    }) : () -> ()
    %mul3A = arith.constant 640 : i32
    %mul3A_0 = arith.muli %arg1, %mul3A : i32
    %add3A = arith.constant 0 : i32
    %add3A_1 = arith.addi %mul3A_0, %add3A : i32
    "tpu.region"() ({
      %run_scoped3A = tpu.sem_alloc : memref<!tpu.dma_semaphore, #tpu.memory_space<semaphore_mem>>
      %dma_start3A = arith.constant 0 : i32
      %dma_start3A_44 = tpu.memref_slice %arg11[%add3A_1, %dma_start3A] : memref<10240x64xf32, #tpu.memory_space<vmem_shared>> -> memref<128x64xf32, #tpu.memory_space<vmem_shared>>
      %dma_start3A_45 = arith.constant 0 : i32
      %dma_start3A_46 = tpu.memref_slice %arg11[%add3A_1, %dma_start3A_45] : memref<10240x64xf32, #tpu.memory_space<vmem_shared>> -> memref<128x64xf32, #tpu.memory_space<vmem_shared>>
      tpu.enqueue_dma source(%arg9 : memref<128x64xf32, #tpu.memory_space<vmem>>) target(%dma_start3A_46 : memref<128x64xf32, #tpu.memory_space<vmem_shared>>) target_semaphore(%run_scoped3A : memref<!tpu.dma_semaphore, #tpu.memory_space<semaphore_mem>>)
      %dma_wait3A = arith.constant 0 : i32
      %dma_wait3A_47 = tpu.memref_slice %arg11[%add3A_1, %dma_wait3A] : memref<10240x64xf32, #tpu.memory_space<vmem_shared>> -> memref<128x64xf32, #tpu.memory_space<vmem_shared>>
      %dma_wait3A_48 = arith.constant 0 : i32
      %dma_wait3A_49 = tpu.memref_slice %arg11[%add3A_1, %dma_wait3A_48] : memref<10240x64xf32, #tpu.memory_space<vmem_shared>> -> memref<128x64xf32, #tpu.memory_space<vmem_shared>>
      tpu.wait_dma2 semaphore(%run_scoped3A : memref<!tpu.dma_semaphore, #tpu.memory_space<semaphore_mem>>) src(%arg9 : memref<128x64xf32, #tpu.memory_space<vmem>>) dst(%dma_wait3A_49 : memref<128x64xf32, #tpu.memory_space<vmem_shared>>)
      tpu.yield
    }) : () -> ()
    %mul3A_2 = arith.constant 640 : i32
    %mul3A_3 = arith.muli %arg1, %mul3A_2 : i32
    %add3A_4 = arith.constant 128 : i32
    %add3A_5 = arith.addi %mul3A_3, %add3A_4 : i32
    "tpu.region"() ({
      %run_scoped3A = tpu.sem_alloc : memref<!tpu.dma_semaphore, #tpu.memory_space<semaphore_mem>>
      %dma_start3A = arith.constant 0 : i32
      %dma_start3A_44 = tpu.memref_slice %arg11[%add3A_5, %dma_start3A] : memref<10240x64xf32, #tpu.memory_space<vmem_shared>> -> memref<128x64xf32, #tpu.memory_space<vmem_shared>>
      %dma_start3A_45 = arith.constant 0 : i32
      %dma_start3A_46 = tpu.memref_slice %arg11[%add3A_5, %dma_start3A_45] : memref<10240x64xf32, #tpu.memory_space<vmem_shared>> -> memref<128x64xf32, #tpu.memory_space<vmem_shared>>
      tpu.enqueue_dma source(%arg9 : memref<128x64xf32, #tpu.memory_space<vmem>>) target(%dma_start3A_46 : memref<128x64xf32, #tpu.memory_space<vmem_shared>>) target_semaphore(%run_scoped3A : memref<!tpu.dma_semaphore, #tpu.memory_space<semaphore_mem>>)
      %dma_wait3A = arith.constant 0 : i32
      %dma_wait3A_47 = tpu.memref_slice %arg11[%add3A_5, %dma_wait3A] : memref<10240x64xf32, #tpu.memory_space<vmem_shared>> -> memref<128x64xf32, #tpu.memory_space<vmem_shared>>
      %dma_wait3A_48 = arith.constant 0 : i32
      %dma_wait3A_49 = tpu.memref_slice %arg11[%add3A_5, %dma_wait3A_48] : memref<10240x64xf32, #tpu.memory_space<vmem_shared>> -> memref<128x64xf32, #tpu.memory_space<vmem_shared>>
      tpu.wait_dma2 semaphore(%run_scoped3A : memref<!tpu.dma_semaphore, #tpu.memory_space<semaphore_mem>>) src(%arg9 : memref<128x64xf32, #tpu.memory_space<vmem>>) dst(%dma_wait3A_49 : memref<128x64xf32, #tpu.memory_space<vmem_shared>>)
      tpu.yield
    }) : () -> ()
    %mul3A_6 = arith.constant 640 : i32
    %mul3A_7 = arith.muli %arg1, %mul3A_6 : i32
    %add3A_8 = arith.constant 256 : i32
    %add3A_9 = arith.addi %mul3A_7, %add3A_8 : i32
    "tpu.region"() ({
      %run_scoped3A = tpu.sem_alloc : memref<!tpu.dma_semaphore, #tpu.memory_space<semaphore_mem>>
      %dma_start3A = arith.constant 0 : i32
      %dma_start3A_44 = tpu.memref_slice %arg11[%add3A_9, %dma_start3A] : memref<10240x64xf32, #tpu.memory_space<vmem_shared>> -> memref<128x64xf32, #tpu.memory_space<vmem_shared>>
      %dma_start3A_45 = arith.constant 0 : i32
      %dma_start3A_46 = tpu.memref_slice %arg11[%add3A_9, %dma_start3A_45] : memref<10240x64xf32, #tpu.memory_space<vmem_shared>> -> memref<128x64xf32, #tpu.memory_space<vmem_shared>>
      tpu.enqueue_dma source(%arg9 : memref<128x64xf32, #tpu.memory_space<vmem>>) target(%dma_start3A_46 : memref<128x64xf32, #tpu.memory_space<vmem_shared>>) target_semaphore(%run_scoped3A : memref<!tpu.dma_semaphore, #tpu.memory_space<semaphore_mem>>)
      %dma_wait3A = arith.constant 0 : i32
      %dma_wait3A_47 = tpu.memref_slice %arg11[%add3A_9, %dma_wait3A] : memref<10240x64xf32, #tpu.memory_space<vmem_shared>> -> memref<128x64xf32, #tpu.memory_space<vmem_shared>>
      %dma_wait3A_48 = arith.constant 0 : i32
      %dma_wait3A_49 = tpu.memref_slice %arg11[%add3A_9, %dma_wait3A_48] : memref<10240x64xf32, #tpu.memory_space<vmem_shared>> -> memref<128x64xf32, #tpu.memory_space<vmem_shared>>
      tpu.wait_dma2 semaphore(%run_scoped3A : memref<!tpu.dma_semaphore, #tpu.memory_space<semaphore_mem>>) src(%arg9 : memref<128x64xf32, #tpu.memory_space<vmem>>) dst(%dma_wait3A_49 : memref<128x64xf32, #tpu.memory_space<vmem_shared>>)
      tpu.yield
    }) : () -> ()
    %mul3A_10 = arith.constant 640 : i32
    %mul3A_11 = arith.muli %arg1, %mul3A_10 : i32
    %add3A_12 = arith.constant 384 : i32
    %add3A_13 = arith.addi %mul3A_11, %add3A_12 : i32
    "tpu.region"() ({
      %run_scoped3A = tpu.sem_alloc : memref<!tpu.dma_semaphore, #tpu.memory_space<semaphore_mem>>
      %dma_start3A = arith.constant 0 : i32
      %dma_start3A_44 = tpu.memref_slice %arg11[%add3A_13, %dma_start3A] : memref<10240x64xf32, #tpu.memory_space<vmem_shared>> -> memref<128x64xf32, #tpu.memory_space<vmem_shared>>
      %dma_start3A_45 = arith.constant 0 : i32
      %dma_start3A_46 = tpu.memref_slice %arg11[%add3A_13, %dma_start3A_45] : memref<10240x64xf32, #tpu.memory_space<vmem_shared>> -> memref<128x64xf32, #tpu.memory_space<vmem_shared>>
      tpu.enqueue_dma source(%arg9 : memref<128x64xf32, #tpu.memory_space<vmem>>) target(%dma_start3A_46 : memref<128x64xf32, #tpu.memory_space<vmem_shared>>) target_semaphore(%run_scoped3A : memref<!tpu.dma_semaphore, #tpu.memory_space<semaphore_mem>>)
      %dma_wait3A = arith.constant 0 : i32
      %dma_wait3A_47 = tpu.memref_slice %arg11[%add3A_13, %dma_wait3A] : memref<10240x64xf32, #tpu.memory_space<vmem_shared>> -> memref<128x64xf32, #tpu.memory_space<vmem_shared>>
      %dma_wait3A_48 = arith.constant 0 : i32
      %dma_wait3A_49 = tpu.memref_slice %arg11[%add3A_13, %dma_wait3A_48] : memref<10240x64xf32, #tpu.memory_space<vmem_shared>> -> memref<128x64xf32, #tpu.memory_space<vmem_shared>>
      tpu.wait_dma2 semaphore(%run_scoped3A : memref<!tpu.dma_semaphore, #tpu.memory_space<semaphore_mem>>) src(%arg9 : memref<128x64xf32, #tpu.memory_space<vmem>>) dst(%dma_wait3A_49 : memref<128x64xf32, #tpu.memory_space<vmem_shared>>)
      tpu.yield
    }) : () -> ()
    %mul3A_14 = arith.constant 640 : i32
    %mul3A_15 = arith.muli %arg1, %mul3A_14 : i32
    %add3A_16 = arith.constant 512 : i32
    %add3A_17 = arith.addi %mul3A_15, %add3A_16 : i32
    "tpu.region"() ({
      %run_scoped3A = tpu.sem_alloc : memref<!tpu.dma_semaphore, #tpu.memory_space<semaphore_mem>>
      %dma_start3A = arith.constant 0 : i32
      %dma_start3A_44 = tpu.memref_slice %arg11[%add3A_17, %dma_start3A] : memref<10240x64xf32, #tpu.memory_space<vmem_shared>> -> memref<128x64xf32, #tpu.memory_space<vmem_shared>>
      %dma_start3A_45 = arith.constant 0 : i32
      %dma_start3A_46 = tpu.memref_slice %arg11[%add3A_17, %dma_start3A_45] : memref<10240x64xf32, #tpu.memory_space<vmem_shared>> -> memref<128x64xf32, #tpu.memory_space<vmem_shared>>
      tpu.enqueue_dma source(%arg9 : memref<128x64xf32, #tpu.memory_space<vmem>>) target(%dma_start3A_46 : memref<128x64xf32, #tpu.memory_space<vmem_shared>>) target_semaphore(%run_scoped3A : memref<!tpu.dma_semaphore, #tpu.memory_space<semaphore_mem>>)
      %dma_wait3A = arith.constant 0 : i32
      %dma_wait3A_47 = tpu.memref_slice %arg11[%add3A_17, %dma_wait3A] : memref<10240x64xf32, #tpu.memory_space<vmem_shared>> -> memref<128x64xf32, #tpu.memory_space<vmem_shared>>
      %dma_wait3A_48 = arith.constant 0 : i32
      %dma_wait3A_49 = tpu.memref_slice %arg11[%add3A_17, %dma_wait3A_48] : memref<10240x64xf32, #tpu.memory_space<vmem_shared>> -> memref<128x64xf32, #tpu.memory_space<vmem_shared>>
      tpu.wait_dma2 semaphore(%run_scoped3A : memref<!tpu.dma_semaphore, #tpu.memory_space<semaphore_mem>>) src(%arg9 : memref<128x64xf32, #tpu.memory_space<vmem>>) dst(%dma_wait3A_49 : memref<128x64xf32, #tpu.memory_space<vmem_shared>>)
      tpu.yield
    }) : () -> ()
    %barrier3A = arith.constant 0 : index
    tpu.barrier barrier_id(%barrier3A)
    %scan3A = arith.constant 0 : i32
    %scan3A_18 = arith.constant 0 : i32
    %scan3A_19 = arith.constant 80 : i32
    %scan3A_20 = arith.addi %scan3A_18, %scan3A_19 : i32
    %scan3A_21 = arith.constant 1 : i32
    scf.for %scan3A_44 = %scan3A_18 to %scan3A_20 step %scan3A_21  : i32 {
      %mul3A_45 = arith.constant 2 : i32
      %mul3A_46 = arith.muli %mul3A_45, %scan3A_44 : i32
      %mul3A_47 = arith.constant 2 : i32
      %mul3A_48 = arith.muli %mul3A_47, %scan3A_44 : i32
      %add3A_49 = arith.constant 1 : i32
      %add3A_50 = arith.addi %mul3A_48, %add3A_49 : i32
      %mul3A_51 = arith.constant 128 : i32
      %mul3A_52 = arith.muli %mul3A_46, %mul3A_51 : i32
      %dma_start3A = tpu.memref_slice %arg7[%mul3A_52] : memref<20480xi32, #tpu.memory_space<vmem>> -> memref<128xi32, #tpu.memory_space<vmem>>
      %dma_start3A_53 = arith.constant 0 : i32
      %dma_start3A_54 = arith.constant 0 : i32
      %dma_start3A_55 = tpu.memref_slice %arg2[%dma_start3A_53, %dma_start3A_54] : memref<40960x64xf32, #tpu.memory_space<hbm>> -> memref<40960x64xf32, #tpu.memory_space<hbm>>
      tpu.enqueue_indirect_dma source(%dma_start3A_55 : memref<40960x64xf32, #tpu.memory_space<hbm>>) target(%arg9 : memref<128x64xf32, #tpu.memory_space<vmem>>) offsets(%dma_start3A : memref<128xi32, #tpu.memory_space<vmem>>) semaphore(%arg12 : memref<!tpu.dma_semaphore, #tpu.memory_space<semaphore_mem>>)
      %mul3A_56 = arith.constant 128 : i32
      %mul3A_57 = arith.muli %add3A_50, %mul3A_56 : i32
      %dma_start3A_58 = tpu.memref_slice %arg7[%mul3A_57] : memref<20480xi32, #tpu.memory_space<vmem>> -> memref<128xi32, #tpu.memory_space<vmem>>
      %dma_start3A_59 = arith.constant 0 : i32
      %dma_start3A_60 = arith.constant 0 : i32
      %dma_start3A_61 = tpu.memref_slice %arg2[%dma_start3A_59, %dma_start3A_60] : memref<40960x64xf32, #tpu.memory_space<hbm>> -> memref<40960x64xf32, #tpu.memory_space<hbm>>
      tpu.enqueue_indirect_dma source(%dma_start3A_61 : memref<40960x64xf32, #tpu.memory_space<hbm>>) target(%arg10 : memref<128x64xf32, #tpu.memory_space<vmem>>) offsets(%dma_start3A_58 : memref<128xi32, #tpu.memory_space<vmem>>) semaphore(%arg13 : memref<!tpu.dma_semaphore, #tpu.memory_space<semaphore_mem>>)
      %dma_wait3A = tpu.memref_slice %arg7[%mul3A_52] : memref<20480xi32, #tpu.memory_space<vmem>> -> memref<128xi32, #tpu.memory_space<vmem>>
      %dma_wait3A_62 = arith.constant 0 : i32
      %dma_wait3A_63 = arith.constant 0 : i32
      %dma_wait3A_64 = tpu.memref_slice %arg2[%dma_wait3A_62, %dma_wait3A_63] : memref<40960x64xf32, #tpu.memory_space<hbm>> -> memref<40960x64xf32, #tpu.memory_space<hbm>>
      tpu.wait_indirect_dma semaphore(%arg12 : memref<!tpu.dma_semaphore, #tpu.memory_space<semaphore_mem>>) src(%dma_wait3A_64 : memref<40960x64xf32, #tpu.memory_space<hbm>>) dst(%arg9 : memref<128x64xf32, #tpu.memory_space<vmem>>)
      %dma_start3A_65 = arith.constant 0 : i32
      %dma_start3A_66 = tpu.memref_slice %arg8[%mul3A_46, %dma_start3A_65] : memref<160x128xi32, #tpu.memory_space<vmem>> -> memref<1x128xi32, #tpu.memory_space<vmem>>
      %dma_start3A_67 = tpu.memref_squeeze %dma_start3A_66 : memref<1x128xi32, #tpu.memory_space<vmem>> -> memref<128xi32, #tpu.memory_space<vmem>>
      %dma_start3A_68 = arith.constant 0 : i32
      %dma_start3A_69 = arith.constant 0 : i32
      %dma_start3A_70 = tpu.memref_slice %arg11[%dma_start3A_68, %dma_start3A_69] : memref<10240x64xf32, #tpu.memory_space<vmem_shared>> -> memref<10240x64xf32, #tpu.memory_space<vmem_shared>>
      tpu.enqueue_indirect_dma source(%arg9 : memref<128x64xf32, #tpu.memory_space<vmem>>) target(%dma_start3A_70 : memref<10240x64xf32, #tpu.memory_space<vmem_shared>>) offsets(%dma_start3A_67 : memref<128xi32, #tpu.memory_space<vmem>>) semaphore(%arg14 : memref<!tpu.dma_semaphore, #tpu.memory_space<semaphore_mem>>) {add = true}
      %dma_wait3A_71 = tpu.memref_slice %arg7[%mul3A_57] : memref<20480xi32, #tpu.memory_space<vmem>> -> memref<128xi32, #tpu.memory_space<vmem>>
      %dma_wait3A_72 = arith.constant 0 : i32
      %dma_wait3A_73 = arith.constant 0 : i32
      %dma_wait3A_74 = tpu.memref_slice %arg2[%dma_wait3A_72, %dma_wait3A_73] : memref<40960x64xf32, #tpu.memory_space<hbm>> -> memref<40960x64xf32, #tpu.memory_space<hbm>>
      tpu.wait_indirect_dma semaphore(%arg13 : memref<!tpu.dma_semaphore, #tpu.memory_space<semaphore_mem>>) src(%dma_wait3A_74 : memref<40960x64xf32, #tpu.memory_space<hbm>>) dst(%arg10 : memref<128x64xf32, #tpu.memory_space<vmem>>)
      %dma_start3A_75 = arith.constant 0 : i32
      %dma_start3A_76 = tpu.memref_slice %arg8[%add3A_50, %dma_start3A_75] : memref<160x128xi32, #tpu.memory_space<vmem>> -> memref<1x128xi32, #tpu.memory_space<vmem>>
      %dma_start3A_77 = tpu.memref_squeeze %dma_start3A_76 : memref<1x128xi32, #tpu.memory_space<vmem>> -> memref<128xi32, #tpu.memory_space<vmem>>
      %dma_start3A_78 = arith.constant 0 : i32
      %dma_start3A_79 = arith.constant 0 : i32
      %dma_start3A_80 = tpu.memref_slice %arg11[%dma_start3A_78, %dma_start3A_79] : memref<10240x64xf32, #tpu.memory_space<vmem_shared>> -> memref<10240x64xf32, #tpu.memory_space<vmem_shared>>
      tpu.enqueue_indirect_dma source(%arg10 : memref<128x64xf32, #tpu.memory_space<vmem>>) target(%dma_start3A_80 : memref<10240x64xf32, #tpu.memory_space<vmem_shared>>) offsets(%dma_start3A_77 : memref<128xi32, #tpu.memory_space<vmem>>) semaphore(%arg15 : memref<!tpu.dma_semaphore, #tpu.memory_space<semaphore_mem>>) {add = true}
      %dma_wait3A_81 = arith.constant 0 : i32
      %dma_wait3A_82 = tpu.memref_slice %arg8[%mul3A_46, %dma_wait3A_81] : memref<160x128xi32, #tpu.memory_space<vmem>> -> memref<1x128xi32, #tpu.memory_space<vmem>>
      %dma_wait3A_83 = tpu.memref_squeeze %dma_wait3A_82 : memref<1x128xi32, #tpu.memory_space<vmem>> -> memref<128xi32, #tpu.memory_space<vmem>>
      %dma_wait3A_84 = arith.constant 0 : i32
      %dma_wait3A_85 = arith.constant 0 : i32
      %dma_wait3A_86 = tpu.memref_slice %arg11[%dma_wait3A_84, %dma_wait3A_85] : memref<10240x64xf32, #tpu.memory_space<vmem_shared>> -> memref<10240x64xf32, #tpu.memory_space<vmem_shared>>
      tpu.wait_indirect_dma semaphore(%arg14 : memref<!tpu.dma_semaphore, #tpu.memory_space<semaphore_mem>>) src(%arg9 : memref<128x64xf32, #tpu.memory_space<vmem>>) dst(%dma_wait3A_86 : memref<10240x64xf32, #tpu.memory_space<vmem_shared>>)
      %dma_wait3A_87 = arith.constant 0 : i32
      %dma_wait3A_88 = tpu.memref_slice %arg8[%add3A_50, %dma_wait3A_87] : memref<160x128xi32, #tpu.memory_space<vmem>> -> memref<1x128xi32, #tpu.memory_space<vmem>>
      %dma_wait3A_89 = tpu.memref_squeeze %dma_wait3A_88 : memref<1x128xi32, #tpu.memory_space<vmem>> -> memref<128xi32, #tpu.memory_space<vmem>>
      %dma_wait3A_90 = arith.constant 0 : i32
      %dma_wait3A_91 = arith.constant 0 : i32
      %dma_wait3A_92 = tpu.memref_slice %arg11[%dma_wait3A_90, %dma_wait3A_91] : memref<10240x64xf32, #tpu.memory_space<vmem_shared>> -> memref<10240x64xf32, #tpu.memory_space<vmem_shared>>
      tpu.wait_indirect_dma semaphore(%arg15 : memref<!tpu.dma_semaphore, #tpu.memory_space<semaphore_mem>>) src(%arg10 : memref<128x64xf32, #tpu.memory_space<vmem>>) dst(%dma_wait3A_92 : memref<10240x64xf32, #tpu.memory_space<vmem_shared>>)
    }
    %scan3A_22 = arith.constant 80 : i32
    %barrier3A_23 = arith.constant 0 : index
    tpu.barrier barrier_id(%barrier3A_23)
    %mul3A_24 = arith.constant 640 : i32
    %mul3A_25 = arith.muli %arg1, %mul3A_24 : i32
    %add3A_26 = arith.constant 0 : i32
    %add3A_27 = arith.addi %mul3A_25, %add3A_26 : i32
    "tpu.region"() ({
      %run_scoped3A = tpu.sem_alloc : memref<!tpu.dma_semaphore, #tpu.memory_space<semaphore_mem>>
      %dma_start3A = arith.constant 0 : i32
      %dma_start3A_44 = tpu.memref_slice %arg11[%add3A_27, %dma_start3A] : memref<10240x64xf32, #tpu.memory_space<vmem_shared>> -> memref<128x64xf32, #tpu.memory_space<vmem_shared>>
      %dma_start3A_45 = arith.constant 0 : i32
      %dma_start3A_46 = tpu.memref_slice %arg11[%add3A_27, %dma_start3A_45] : memref<10240x64xf32, #tpu.memory_space<vmem_shared>> -> memref<128x64xf32, #tpu.memory_space<vmem_shared>>
      tpu.enqueue_dma source(%dma_start3A_46 : memref<128x64xf32, #tpu.memory_space<vmem_shared>>) target(%arg9 : memref<128x64xf32, #tpu.memory_space<vmem>>) target_semaphore(%run_scoped3A : memref<!tpu.dma_semaphore, #tpu.memory_space<semaphore_mem>>)
      %dma_wait3A = arith.constant 0 : i32
      %dma_wait3A_47 = tpu.memref_slice %arg11[%add3A_27, %dma_wait3A] : memref<10240x64xf32, #tpu.memory_space<vmem_shared>> -> memref<128x64xf32, #tpu.memory_space<vmem_shared>>
      %dma_wait3A_48 = arith.constant 0 : i32
      %dma_wait3A_49 = tpu.memref_slice %arg11[%add3A_27, %dma_wait3A_48] : memref<10240x64xf32, #tpu.memory_space<vmem_shared>> -> memref<128x64xf32, #tpu.memory_space<vmem_shared>>
      tpu.wait_dma2 semaphore(%run_scoped3A : memref<!tpu.dma_semaphore, #tpu.memory_space<semaphore_mem>>) src(%dma_wait3A_49 : memref<128x64xf32, #tpu.memory_space<vmem_shared>>) dst(%arg9 : memref<128x64xf32, #tpu.memory_space<vmem>>)
      tpu.yield
    }) : () -> ()
    "tpu.region"() ({
      %run_scoped3A = tpu.sem_alloc : memref<!tpu.dma_semaphore, #tpu.memory_space<semaphore_mem>>
      %dma_start3A = arith.constant 0 : i32
      %dma_start3A_44 = tpu.memref_slice %arg6[%arg0, %add3A_27, %dma_start3A] : memref<2x10240x64xf32, #tpu.memory_space<hbm>> -> memref<1x128x64xf32, #tpu.memory_space<hbm>>
      %dma_start3A_45 = tpu.memref_squeeze %dma_start3A_44 : memref<1x128x64xf32, #tpu.memory_space<hbm>> -> memref<128x64xf32, #tpu.memory_space<hbm>>
      %dma_start3A_46 = arith.constant 0 : i32
      %dma_start3A_47 = tpu.memref_slice %arg6[%arg0, %add3A_27, %dma_start3A_46] : memref<2x10240x64xf32, #tpu.memory_space<hbm>> -> memref<1x128x64xf32, #tpu.memory_space<hbm>>
      %dma_start3A_48 = tpu.memref_squeeze %dma_start3A_47 : memref<1x128x64xf32, #tpu.memory_space<hbm>> -> memref<128x64xf32, #tpu.memory_space<hbm>>
      tpu.enqueue_dma source(%arg9 : memref<128x64xf32, #tpu.memory_space<vmem>>) target(%dma_start3A_48 : memref<128x64xf32, #tpu.memory_space<hbm>>) target_semaphore(%run_scoped3A : memref<!tpu.dma_semaphore, #tpu.memory_space<semaphore_mem>>)
      %dma_wait3A = arith.constant 0 : i32
      %dma_wait3A_49 = tpu.memref_slice %arg6[%arg0, %add3A_27, %dma_wait3A] : memref<2x10240x64xf32, #tpu.memory_space<hbm>> -> memref<1x128x64xf32, #tpu.memory_space<hbm>>
      %dma_wait3A_50 = tpu.memref_squeeze %dma_wait3A_49 : memref<1x128x64xf32, #tpu.memory_space<hbm>> -> memref<128x64xf32, #tpu.memory_space<hbm>>
      %dma_wait3A_51 = arith.constant 0 : i32
      %dma_wait3A_52 = tpu.memref_slice %arg6[%arg0, %add3A_27, %dma_wait3A_51] : memref<2x10240x64xf32, #tpu.memory_space<hbm>> -> memref<1x128x64xf32, #tpu.memory_space<hbm>>
      %dma_wait3A_53 = tpu.memref_squeeze %dma_wait3A_52 : memref<1x128x64xf32, #tpu.memory_space<hbm>> -> memref<128x64xf32, #tpu.memory_space<hbm>>
      tpu.wait_dma2 semaphore(%run_scoped3A : memref<!tpu.dma_semaphore, #tpu.memory_space<semaphore_mem>>) src(%arg9 : memref<128x64xf32, #tpu.memory_space<vmem>>) dst(%dma_wait3A_53 : memref<128x64xf32, #tpu.memory_space<hbm>>)
      tpu.yield
    }) : () -> ()
    %mul3A_28 = arith.constant 640 : i32
    %mul3A_29 = arith.muli %arg1, %mul3A_28 : i32
    %add3A_30 = arith.constant 128 : i32
    %add3A_31 = arith.addi %mul3A_29, %add3A_30 : i32
    "tpu.region"() ({
      %run_scoped3A = tpu.sem_alloc : memref<!tpu.dma_semaphore, #tpu.memory_space<semaphore_mem>>
      %dma_start3A = arith.constant 0 : i32
      %dma_start3A_44 = tpu.memref_slice %arg11[%add3A_31, %dma_start3A] : memref<10240x64xf32, #tpu.memory_space<vmem_shared>> -> memref<128x64xf32, #tpu.memory_space<vmem_shared>>
      %dma_start3A_45 = arith.constant 0 : i32
      %dma_start3A_46 = tpu.memref_slice %arg11[%add3A_31, %dma_start3A_45] : memref<10240x64xf32, #tpu.memory_space<vmem_shared>> -> memref<128x64xf32, #tpu.memory_space<vmem_shared>>
      tpu.enqueue_dma source(%dma_start3A_46 : memref<128x64xf32, #tpu.memory_space<vmem_shared>>) target(%arg9 : memref<128x64xf32, #tpu.memory_space<vmem>>) target_semaphore(%run_scoped3A : memref<!tpu.dma_semaphore, #tpu.memory_space<semaphore_mem>>)
      %dma_wait3A = arith.constant 0 : i32
      %dma_wait3A_47 = tpu.memref_slice %arg11[%add3A_31, %dma_wait3A] : memref<10240x64xf32, #tpu.memory_space<vmem_shared>> -> memref<128x64xf32, #tpu.memory_space<vmem_shared>>
      %dma_wait3A_48 = arith.constant 0 : i32
      %dma_wait3A_49 = tpu.memref_slice %arg11[%add3A_31, %dma_wait3A_48] : memref<10240x64xf32, #tpu.memory_space<vmem_shared>> -> memref<128x64xf32, #tpu.memory_space<vmem_shared>>
      tpu.wait_dma2 semaphore(%run_scoped3A : memref<!tpu.dma_semaphore, #tpu.memory_space<semaphore_mem>>) src(%dma_wait3A_49 : memref<128x64xf32, #tpu.memory_space<vmem_shared>>) dst(%arg9 : memref<128x64xf32, #tpu.memory_space<vmem>>)
      tpu.yield
    }) : () -> ()
    "tpu.region"() ({
      %run_scoped3A = tpu.sem_alloc : memref<!tpu.dma_semaphore, #tpu.memory_space<semaphore_mem>>
      %dma_start3A = arith.constant 0 : i32
      %dma_start3A_44 = tpu.memref_slice %arg6[%arg0, %add3A_31, %dma_start3A] : memref<2x10240x64xf32, #tpu.memory_space<hbm>> -> memref<1x128x64xf32, #tpu.memory_space<hbm>>
      %dma_start3A_45 = tpu.memref_squeeze %dma_start3A_44 : memref<1x128x64xf32, #tpu.memory_space<hbm>> -> memref<128x64xf32, #tpu.memory_space<hbm>>
      %dma_start3A_46 = arith.constant 0 : i32
      %dma_start3A_47 = tpu.memref_slice %arg6[%arg0, %add3A_31, %dma_start3A_46] : memref<2x10240x64xf32, #tpu.memory_space<hbm>> -> memref<1x128x64xf32, #tpu.memory_space<hbm>>
      %dma_start3A_48 = tpu.memref_squeeze %dma_start3A_47 : memref<1x128x64xf32, #tpu.memory_space<hbm>> -> memref<128x64xf32, #tpu.memory_space<hbm>>
      tpu.enqueue_dma source(%arg9 : memref<128x64xf32, #tpu.memory_space<vmem>>) target(%dma_start3A_48 : memref<128x64xf32, #tpu.memory_space<hbm>>) target_semaphore(%run_scoped3A : memref<!tpu.dma_semaphore, #tpu.memory_space<semaphore_mem>>)
      %dma_wait3A = arith.constant 0 : i32
      %dma_wait3A_49 = tpu.memref_slice %arg6[%arg0, %add3A_31, %dma_wait3A] : memref<2x10240x64xf32, #tpu.memory_space<hbm>> -> memref<1x128x64xf32, #tpu.memory_space<hbm>>
      %dma_wait3A_50 = tpu.memref_squeeze %dma_wait3A_49 : memref<1x128x64xf32, #tpu.memory_space<hbm>> -> memref<128x64xf32, #tpu.memory_space<hbm>>
      %dma_wait3A_51 = arith.constant 0 : i32
      %dma_wait3A_52 = tpu.memref_slice %arg6[%arg0, %add3A_31, %dma_wait3A_51] : memref<2x10240x64xf32, #tpu.memory_space<hbm>> -> memref<1x128x64xf32, #tpu.memory_space<hbm>>
      %dma_wait3A_53 = tpu.memref_squeeze %dma_wait3A_52 : memref<1x128x64xf32, #tpu.memory_space<hbm>> -> memref<128x64xf32, #tpu.memory_space<hbm>>
      tpu.wait_dma2 semaphore(%run_scoped3A : memref<!tpu.dma_semaphore, #tpu.memory_space<semaphore_mem>>) src(%arg9 : memref<128x64xf32, #tpu.memory_space<vmem>>) dst(%dma_wait3A_53 : memref<128x64xf32, #tpu.memory_space<hbm>>)
      tpu.yield
    }) : () -> ()
    %mul3A_32 = arith.constant 640 : i32
    %mul3A_33 = arith.muli %arg1, %mul3A_32 : i32
    %add3A_34 = arith.constant 256 : i32
    %add3A_35 = arith.addi %mul3A_33, %add3A_34 : i32
    "tpu.region"() ({
      %run_scoped3A = tpu.sem_alloc : memref<!tpu.dma_semaphore, #tpu.memory_space<semaphore_mem>>
      %dma_start3A = arith.constant 0 : i32
      %dma_start3A_44 = tpu.memref_slice %arg11[%add3A_35, %dma_start3A] : memref<10240x64xf32, #tpu.memory_space<vmem_shared>> -> memref<128x64xf32, #tpu.memory_space<vmem_shared>>
      %dma_start3A_45 = arith.constant 0 : i32
      %dma_start3A_46 = tpu.memref_slice %arg11[%add3A_35, %dma_start3A_45] : memref<10240x64xf32, #tpu.memory_space<vmem_shared>> -> memref<128x64xf32, #tpu.memory_space<vmem_shared>>
      tpu.enqueue_dma source(%dma_start3A_46 : memref<128x64xf32, #tpu.memory_space<vmem_shared>>) target(%arg9 : memref<128x64xf32, #tpu.memory_space<vmem>>) target_semaphore(%run_scoped3A : memref<!tpu.dma_semaphore, #tpu.memory_space<semaphore_mem>>)
      %dma_wait3A = arith.constant 0 : i32
      %dma_wait3A_47 = tpu.memref_slice %arg11[%add3A_35, %dma_wait3A] : memref<10240x64xf32, #tpu.memory_space<vmem_shared>> -> memref<128x64xf32, #tpu.memory_space<vmem_shared>>
      %dma_wait3A_48 = arith.constant 0 : i32
      %dma_wait3A_49 = tpu.memref_slice %arg11[%add3A_35, %dma_wait3A_48] : memref<10240x64xf32, #tpu.memory_space<vmem_shared>> -> memref<128x64xf32, #tpu.memory_space<vmem_shared>>
      tpu.wait_dma2 semaphore(%run_scoped3A : memref<!tpu.dma_semaphore, #tpu.memory_space<semaphore_mem>>) src(%dma_wait3A_49 : memref<128x64xf32, #tpu.memory_space<vmem_shared>>) dst(%arg9 : memref<128x64xf32, #tpu.memory_space<vmem>>)
      tpu.yield
    }) : () -> ()
    "tpu.region"() ({
      %run_scoped3A = tpu.sem_alloc : memref<!tpu.dma_semaphore, #tpu.memory_space<semaphore_mem>>
      %dma_start3A = arith.constant 0 : i32
      %dma_start3A_44 = tpu.memref_slice %arg6[%arg0, %add3A_35, %dma_start3A] : memref<2x10240x64xf32, #tpu.memory_space<hbm>> -> memref<1x128x64xf32, #tpu.memory_space<hbm>>
      %dma_start3A_45 = tpu.memref_squeeze %dma_start3A_44 : memref<1x128x64xf32, #tpu.memory_space<hbm>> -> memref<128x64xf32, #tpu.memory_space<hbm>>
      %dma_start3A_46 = arith.constant 0 : i32
      %dma_start3A_47 = tpu.memref_slice %arg6[%arg0, %add3A_35, %dma_start3A_46] : memref<2x10240x64xf32, #tpu.memory_space<hbm>> -> memref<1x128x64xf32, #tpu.memory_space<hbm>>
      %dma_start3A_48 = tpu.memref_squeeze %dma_start3A_47 : memref<1x128x64xf32, #tpu.memory_space<hbm>> -> memref<128x64xf32, #tpu.memory_space<hbm>>
      tpu.enqueue_dma source(%arg9 : memref<128x64xf32, #tpu.memory_space<vmem>>) target(%dma_start3A_48 : memref<128x64xf32, #tpu.memory_space<hbm>>) target_semaphore(%run_scoped3A : memref<!tpu.dma_semaphore, #tpu.memory_space<semaphore_mem>>)
      %dma_wait3A = arith.constant 0 : i32
      %dma_wait3A_49 = tpu.memref_slice %arg6[%arg0, %add3A_35, %dma_wait3A] : memref<2x10240x64xf32, #tpu.memory_space<hbm>> -> memref<1x128x64xf32, #tpu.memory_space<hbm>>
      %dma_wait3A_50 = tpu.memref_squeeze %dma_wait3A_49 : memref<1x128x64xf32, #tpu.memory_space<hbm>> -> memref<128x64xf32, #tpu.memory_space<hbm>>
      %dma_wait3A_51 = arith.constant 0 : i32
      %dma_wait3A_52 = tpu.memref_slice %arg6[%arg0, %add3A_35, %dma_wait3A_51] : memref<2x10240x64xf32, #tpu.memory_space<hbm>> -> memref<1x128x64xf32, #tpu.memory_space<hbm>>
      %dma_wait3A_53 = tpu.memref_squeeze %dma_wait3A_52 : memref<1x128x64xf32, #tpu.memory_space<hbm>> -> memref<128x64xf32, #tpu.memory_space<hbm>>
      tpu.wait_dma2 semaphore(%run_scoped3A : memref<!tpu.dma_semaphore, #tpu.memory_space<semaphore_mem>>) src(%arg9 : memref<128x64xf32, #tpu.memory_space<vmem>>) dst(%dma_wait3A_53 : memref<128x64xf32, #tpu.memory_space<hbm>>)
      tpu.yield
    }) : () -> ()
    %mul3A_36 = arith.constant 640 : i32
    %mul3A_37 = arith.muli %arg1, %mul3A_36 : i32
    %add3A_38 = arith.constant 384 : i32
    %add3A_39 = arith.addi %mul3A_37, %add3A_38 : i32
    "tpu.region"() ({
      %run_scoped3A = tpu.sem_alloc : memref<!tpu.dma_semaphore, #tpu.memory_space<semaphore_mem>>
      %dma_start3A = arith.constant 0 : i32
      %dma_start3A_44 = tpu.memref_slice %arg11[%add3A_39, %dma_start3A] : memref<10240x64xf32, #tpu.memory_space<vmem_shared>> -> memref<128x64xf32, #tpu.memory_space<vmem_shared>>
      %dma_start3A_45 = arith.constant 0 : i32
      %dma_start3A_46 = tpu.memref_slice %arg11[%add3A_39, %dma_start3A_45] : memref<10240x64xf32, #tpu.memory_space<vmem_shared>> -> memref<128x64xf32, #tpu.memory_space<vmem_shared>>
      tpu.enqueue_dma source(%dma_start3A_46 : memref<128x64xf32, #tpu.memory_space<vmem_shared>>) target(%arg9 : memref<128x64xf32, #tpu.memory_space<vmem>>) target_semaphore(%run_scoped3A : memref<!tpu.dma_semaphore, #tpu.memory_space<semaphore_mem>>)
      %dma_wait3A = arith.constant 0 : i32
      %dma_wait3A_47 = tpu.memref_slice %arg11[%add3A_39, %dma_wait3A] : memref<10240x64xf32, #tpu.memory_space<vmem_shared>> -> memref<128x64xf32, #tpu.memory_space<vmem_shared>>
      %dma_wait3A_48 = arith.constant 0 : i32
      %dma_wait3A_49 = tpu.memref_slice %arg11[%add3A_39, %dma_wait3A_48] : memref<10240x64xf32, #tpu.memory_space<vmem_shared>> -> memref<128x64xf32, #tpu.memory_space<vmem_shared>>
      tpu.wait_dma2 semaphore(%run_scoped3A : memref<!tpu.dma_semaphore, #tpu.memory_space<semaphore_mem>>) src(%dma_wait3A_49 : memref<128x64xf32, #tpu.memory_space<vmem_shared>>) dst(%arg9 : memref<128x64xf32, #tpu.memory_space<vmem>>)
      tpu.yield
    }) : () -> ()
    "tpu.region"() ({
      %run_scoped3A = tpu.sem_alloc : memref<!tpu.dma_semaphore, #tpu.memory_space<semaphore_mem>>
      %dma_start3A = arith.constant 0 : i32
      %dma_start3A_44 = tpu.memref_slice %arg6[%arg0, %add3A_39, %dma_start3A] : memref<2x10240x64xf32, #tpu.memory_space<hbm>> -> memref<1x128x64xf32, #tpu.memory_space<hbm>>
      %dma_start3A_45 = tpu.memref_squeeze %dma_start3A_44 : memref<1x128x64xf32, #tpu.memory_space<hbm>> -> memref<128x64xf32, #tpu.memory_space<hbm>>
      %dma_start3A_46 = arith.constant 0 : i32
      %dma_start3A_47 = tpu.memref_slice %arg6[%arg0, %add3A_39, %dma_start3A_46] : memref<2x10240x64xf32, #tpu.memory_space<hbm>> -> memref<1x128x64xf32, #tpu.memory_space<hbm>>
      %dma_start3A_48 = tpu.memref_squeeze %dma_start3A_47 : memref<1x128x64xf32, #tpu.memory_space<hbm>> -> memref<128x64xf32, #tpu.memory_space<hbm>>
      tpu.enqueue_dma source(%arg9 : memref<128x64xf32, #tpu.memory_space<vmem>>) target(%dma_start3A_48 : memref<128x64xf32, #tpu.memory_space<hbm>>) target_semaphore(%run_scoped3A : memref<!tpu.dma_semaphore, #tpu.memory_space<semaphore_mem>>)
      %dma_wait3A = arith.constant 0 : i32
      %dma_wait3A_49 = tpu.memref_slice %arg6[%arg0, %add3A_39, %dma_wait3A] : memref<2x10240x64xf32, #tpu.memory_space<hbm>> -> memref<1x128x64xf32, #tpu.memory_space<hbm>>
      %dma_wait3A_50 = tpu.memref_squeeze %dma_wait3A_49 : memref<1x128x64xf32, #tpu.memory_space<hbm>> -> memref<128x64xf32, #tpu.memory_space<hbm>>
      %dma_wait3A_51 = arith.constant 0 : i32
      %dma_wait3A_52 = tpu.memref_slice %arg6[%arg0, %add3A_39, %dma_wait3A_51] : memref<2x10240x64xf32, #tpu.memory_space<hbm>> -> memref<1x128x64xf32, #tpu.memory_space<hbm>>
      %dma_wait3A_53 = tpu.memref_squeeze %dma_wait3A_52 : memref<1x128x64xf32, #tpu.memory_space<hbm>> -> memref<128x64xf32, #tpu.memory_space<hbm>>
      tpu.wait_dma2 semaphore(%run_scoped3A : memref<!tpu.dma_semaphore, #tpu.memory_space<semaphore_mem>>) src(%arg9 : memref<128x64xf32, #tpu.memory_space<vmem>>) dst(%dma_wait3A_53 : memref<128x64xf32, #tpu.memory_space<hbm>>)
      tpu.yield
    }) : () -> ()
    %mul3A_40 = arith.constant 640 : i32
    %mul3A_41 = arith.muli %arg1, %mul3A_40 : i32
    %add3A_42 = arith.constant 512 : i32
    %add3A_43 = arith.addi %mul3A_41, %add3A_42 : i32
    "tpu.region"() ({
      %run_scoped3A = tpu.sem_alloc : memref<!tpu.dma_semaphore, #tpu.memory_space<semaphore_mem>>
      %dma_start3A = arith.constant 0 : i32
      %dma_start3A_44 = tpu.memref_slice %arg11[%add3A_43, %dma_start3A] : memref<10240x64xf32, #tpu.memory_space<vmem_shared>> -> memref<128x64xf32, #tpu.memory_space<vmem_shared>>
      %dma_start3A_45 = arith.constant 0 : i32
      %dma_start3A_46 = tpu.memref_slice %arg11[%add3A_43, %dma_start3A_45] : memref<10240x64xf32, #tpu.memory_space<vmem_shared>> -> memref<128x64xf32, #tpu.memory_space<vmem_shared>>
      tpu.enqueue_dma source(%dma_start3A_46 : memref<128x64xf32, #tpu.memory_space<vmem_shared>>) target(%arg9 : memref<128x64xf32, #tpu.memory_space<vmem>>) target_semaphore(%run_scoped3A : memref<!tpu.dma_semaphore, #tpu.memory_space<semaphore_mem>>)
      %dma_wait3A = arith.constant 0 : i32
      %dma_wait3A_47 = tpu.memref_slice %arg11[%add3A_43, %dma_wait3A] : memref<10240x64xf32, #tpu.memory_space<vmem_shared>> -> memref<128x64xf32, #tpu.memory_space<vmem_shared>>
      %dma_wait3A_48 = arith.constant 0 : i32
      %dma_wait3A_49 = tpu.memref_slice %arg11[%add3A_43, %dma_wait3A_48] : memref<10240x64xf32, #tpu.memory_space<vmem_shared>> -> memref<128x64xf32, #tpu.memory_space<vmem_shared>>
      tpu.wait_dma2 semaphore(%run_scoped3A : memref<!tpu.dma_semaphore, #tpu.memory_space<semaphore_mem>>) src(%dma_wait3A_49 : memref<128x64xf32, #tpu.memory_space<vmem_shared>>) dst(%arg9 : memref<128x64xf32, #tpu.memory_space<vmem>>)
      tpu.yield
    }) : () -> ()
    "tpu.region"() ({
      %run_scoped3A = tpu.sem_alloc : memref<!tpu.dma_semaphore, #tpu.memory_space<semaphore_mem>>
      %dma_start3A = arith.constant 0 : i32
      %dma_start3A_44 = tpu.memref_slice %arg6[%arg0, %add3A_43, %dma_start3A] : memref<2x10240x64xf32, #tpu.memory_space<hbm>> -> memref<1x128x64xf32, #tpu.memory_space<hbm>>
      %dma_start3A_45 = tpu.memref_squeeze %dma_start3A_44 : memref<1x128x64xf32, #tpu.memory_space<hbm>> -> memref<128x64xf32, #tpu.memory_space<hbm>>
      %dma_start3A_46 = arith.constant 0 : i32
      %dma_start3A_47 = tpu.memref_slice %arg6[%arg0, %add3A_43, %dma_start3A_46] : memref<2x10240x64xf32, #tpu.memory_space<hbm>> -> memref<1x128x64xf32, #tpu.memory_space<hbm>>
      %dma_start3A_48 = tpu.memref_squeeze %dma_start3A_47 : memref<1x128x64xf32, #tpu.memory_space<hbm>> -> memref<128x64xf32, #tpu.memory_space<hbm>>
      tpu.enqueue_dma source(%arg9 : memref<128x64xf32, #tpu.memory_space<vmem>>) target(%dma_start3A_48 : memref<128x64xf32, #tpu.memory_space<hbm>>) target_semaphore(%run_scoped3A : memref<!tpu.dma_semaphore, #tpu.memory_space<semaphore_mem>>)
      %dma_wait3A = arith.constant 0 : i32
      %dma_wait3A_49 = tpu.memref_slice %arg6[%arg0, %add3A_43, %dma_wait3A] : memref<2x10240x64xf32, #tpu.memory_space<hbm>> -> memref<1x128x64xf32, #tpu.memory_space<hbm>>
      %dma_wait3A_50 = tpu.memref_squeeze %dma_wait3A_49 : memref<1x128x64xf32, #tpu.memory_space<hbm>> -> memref<128x64xf32, #tpu.memory_space<hbm>>
      %dma_wait3A_51 = arith.constant 0 : i32
      %dma_wait3A_52 = tpu.memref_slice %arg6[%arg0, %add3A_43, %dma_wait3A_51] : memref<2x10240x64xf32, #tpu.memory_space<hbm>> -> memref<1x128x64xf32, #tpu.memory_space<hbm>>
      %dma_wait3A_53 = tpu.memref_squeeze %dma_wait3A_52 : memref<1x128x64xf32, #tpu.memory_space<hbm>> -> memref<128x64xf32, #tpu.memory_space<hbm>>
      tpu.wait_dma2 semaphore(%run_scoped3A : memref<!tpu.dma_semaphore, #tpu.memory_space<semaphore_mem>>) src(%arg9 : memref<128x64xf32, #tpu.memory_space<vmem>>) dst(%dma_wait3A_53 : memref<128x64xf32, #tpu.memory_space<hbm>>)
      tpu.yield
    }) : () -> ()
    return
  }
}

#map = affine_map<(d0, d1) -> (0, 0)>
#map1 = affine_map<(d0, d1) -> (0, 0, 0)>
module attributes {stable_mosaic.version = 14 : i64} {
  func.func @sc_agg(%arg0: i32, %arg1: i32, %arg2: memref<40960x64xf32, #tpu.memory_space<hbm>>, %arg3: memref<2x16x20480xi32, #tpu.memory_space<hbm>>, %arg4: memref<16x160x128xi32, #tpu.memory_space<hbm>>, %arg5: memref<128x64xf32, #tpu.memory_space<hbm>>, %arg6: memref<2x10240x64xf32, #tpu.memory_space<hbm>>, %arg7: memref<20480xi32, #tpu.memory_space<vmem>>, %arg8: memref<160x128xi32, #tpu.memory_space<vmem>>, %arg9: memref<128x64xf32, #tpu.memory_space<vmem>>, %arg10: memref<128x64xf32, #tpu.memory_space<vmem>>, %arg11: memref<10240x64xf32, #tpu.memory_space<vmem_shared>>, %arg12: memref<!tpu.dma_semaphore, #tpu.memory_space<semaphore_mem>>, %arg13: memref<!tpu.dma_semaphore, #tpu.memory_space<semaphore_mem>>, %arg14: memref<!tpu.dma_semaphore, #tpu.memory_space<semaphore_mem>>, %arg15: memref<!tpu.dma_semaphore, #tpu.memory_space<semaphore_mem>>) attributes {dimension_semantics = [#tpu.dimension_semantics<core_parallel>, #tpu.dimension_semantics<subcore_parallel>], iteration_bounds = array<i64: 2, 16>, scalar_prefetch = 0 : i64, scratch_operands = 9 : i64, tpu.core_type = #tpu.core_type<sc_vector_subcore>, window_params = [{transform_indices = #map}, {transform_indices = #map1}, {transform_indices = #map1}, {transform_indices = #map}, {transform_indices = #map1}]} {
    "tpu.region"() ({
      %run_scoped3A = tpu.sem_alloc : memref<!tpu.dma_semaphore, #tpu.memory_space<semaphore_mem>>
      %dma_start3A = arith.constant 0 : i32
      %dma_start3A_44 = tpu.memref_slice %arg3[%arg0, %arg1, %dma_start3A] : memref<2x16x20480xi32, #tpu.memory_space<hbm>> -> memref<1x1x20480xi32, #tpu.memory_space<hbm>>
      %dma_start3A_45 = tpu.memref_squeeze %dma_start3A_44 : memref<1x1x20480xi32, #tpu.memory_space<hbm>> -> memref<20480xi32, #tpu.memory_space<hbm>>
      %dma_start3A_46 = arith.constant 0 : i32
      %dma_start3A_47 = tpu.memref_slice %arg3[%arg0, %arg1, %dma_start3A_46] : memref<2x16x20480xi32, #tpu.memory_space<hbm>> -> memref<1x1x20480xi32, #tpu.memory_space<hbm>>
      %dma_start3A_48 = tpu.memref_squeeze %dma_start3A_47 : memref<1x1x20480xi32, #tpu.memory_space<hbm>> -> memref<20480xi32, #tpu.memory_space<hbm>>
      tpu.enqueue_dma source(%dma_start3A_48 : memref<20480xi32, #tpu.memory_space<hbm>>) target(%arg7 : memref<20480xi32, #tpu.memory_space<vmem>>) target_semaphore(%run_scoped3A : memref<!tpu.dma_semaphore, #tpu.memory_space<semaphore_mem>>)
      %dma_wait3A = arith.constant 0 : i32
      %dma_wait3A_49 = tpu.memref_slice %arg3[%arg0, %arg1, %dma_wait3A] : memref<2x16x20480xi32, #tpu.memory_space<hbm>> -> memref<1x1x20480xi32, #tpu.memory_space<hbm>>
      %dma_wait3A_50 = tpu.memref_squeeze %dma_wait3A_49 : memref<1x1x20480xi32, #tpu.memory_space<hbm>> -> memref<20480xi32, #tpu.memory_space<hbm>>
      %dma_wait3A_51 = arith.constant 0 : i32
      %dma_wait3A_52 = tpu.memref_slice %arg3[%arg0, %arg1, %dma_wait3A_51] : memref<2x16x20480xi32, #tpu.memory_space<hbm>> -> memref<1x1x20480xi32, #tpu.memory_space<hbm>>
      %dma_wait3A_53 = tpu.memref_squeeze %dma_wait3A_52 : memref<1x1x20480xi32, #tpu.memory_space<hbm>> -> memref<20480xi32, #tpu.memory_space<hbm>>
      tpu.wait_dma2 semaphore(%run_scoped3A : memref<!tpu.dma_semaphore, #tpu.memory_space<semaphore_mem>>) src(%dma_wait3A_53 : memref<20480xi32, #tpu.memory_space<hbm>>) dst(%arg7 : memref<20480xi32, #tpu.memory_space<vmem>>)
      tpu.yield
    }) : () -> ()
    "tpu.region"() ({
      %run_scoped3A = tpu.sem_alloc : memref<!tpu.dma_semaphore, #tpu.memory_space<semaphore_mem>>
      %dma_start3A = arith.constant 0 : i32
      %dma_start3A_44 = arith.constant 0 : i32
      %dma_start3A_45 = tpu.memref_slice %arg4[%arg1, %dma_start3A, %dma_start3A_44] : memref<16x160x128xi32, #tpu.memory_space<hbm>> -> memref<1x160x128xi32, #tpu.memory_space<hbm>>
      %dma_start3A_46 = tpu.memref_squeeze %dma_start3A_45 : memref<1x160x128xi32, #tpu.memory_space<hbm>> -> memref<160x128xi32, #tpu.memory_space<hbm>>
      %dma_start3A_47 = arith.constant 0 : i32
      %dma_start3A_48 = arith.constant 0 : i32
      %dma_start3A_49 = tpu.memref_slice %arg4[%arg1, %dma_start3A_47, %dma_start3A_48] : memref<16x160x128xi32, #tpu.memory_space<hbm>> -> memref<1x160x128xi32, #tpu.memory_space<hbm>>
      %dma_start3A_50 = tpu.memref_squeeze %dma_start3A_49 : memref<1x160x128xi32, #tpu.memory_space<hbm>> -> memref<160x128xi32, #tpu.memory_space<hbm>>
      tpu.enqueue_dma source(%dma_start3A_50 : memref<160x128xi32, #tpu.memory_space<hbm>>) target(%arg8 : memref<160x128xi32, #tpu.memory_space<vmem>>) target_semaphore(%run_scoped3A : memref<!tpu.dma_semaphore, #tpu.memory_space<semaphore_mem>>)
      %dma_wait3A = arith.constant 0 : i32
      %dma_wait3A_51 = arith.constant 0 : i32
      %dma_wait3A_52 = tpu.memref_slice %arg4[%arg1, %dma_wait3A, %dma_wait3A_51] : memref<16x160x128xi32, #tpu.memory_space<hbm>> -> memref<1x160x128xi32, #tpu.memory_space<hbm>>
      %dma_wait3A_53 = tpu.memref_squeeze %dma_wait3A_52 : memref<1x160x128xi32, #tpu.memory_space<hbm>> -> memref<160x128xi32, #tpu.memory_space<hbm>>
      %dma_wait3A_54 = arith.constant 0 : i32
      %dma_wait3A_55 = arith.constant 0 : i32
      %dma_wait3A_56 = tpu.memref_slice %arg4[%arg1, %dma_wait3A_54, %dma_wait3A_55] : memref<16x160x128xi32, #tpu.memory_space<hbm>> -> memref<1x160x128xi32, #tpu.memory_space<hbm>>
      %dma_wait3A_57 = tpu.memref_squeeze %dma_wait3A_56 : memref<1x160x128xi32, #tpu.memory_space<hbm>> -> memref<160x128xi32, #tpu.memory_space<hbm>>
      tpu.wait_dma2 semaphore(%run_scoped3A : memref<!tpu.dma_semaphore, #tpu.memory_space<semaphore_mem>>) src(%dma_wait3A_57 : memref<160x128xi32, #tpu.memory_space<hbm>>) dst(%arg8 : memref<160x128xi32, #tpu.memory_space<vmem>>)
      tpu.yield
    }) : () -> ()
    "tpu.region"() ({
      %run_scoped3A = tpu.sem_alloc : memref<!tpu.dma_semaphore, #tpu.memory_space<semaphore_mem>>
      tpu.enqueue_dma source(%arg5 : memref<128x64xf32, #tpu.memory_space<hbm>>) target(%arg9 : memref<128x64xf32, #tpu.memory_space<vmem>>) target_semaphore(%run_scoped3A : memref<!tpu.dma_semaphore, #tpu.memory_space<semaphore_mem>>)
      tpu.wait_dma2 semaphore(%run_scoped3A : memref<!tpu.dma_semaphore, #tpu.memory_space<semaphore_mem>>) src(%arg5 : memref<128x64xf32, #tpu.memory_space<hbm>>) dst(%arg9 : memref<128x64xf32, #tpu.memory_space<vmem>>)
      tpu.yield
    }) : () -> ()
    %mul3A = arith.constant 640 : i32
    %mul3A_0 = arith.muli %arg1, %mul3A : i32
    %add3A = arith.constant 0 : i32
    %add3A_1 = arith.addi %mul3A_0, %add3A : i32
    "tpu.region"() ({
      %run_scoped3A = tpu.sem_alloc : memref<!tpu.dma_semaphore, #tpu.memory_space<semaphore_mem>>
      %dma_start3A = arith.constant 0 : i32
      %dma_start3A_44 = tpu.memref_slice %arg11[%add3A_1, %dma_start3A] : memref<10240x64xf32, #tpu.memory_space<vmem_shared>> -> memref<128x64xf32, #tpu.memory_space<vmem_shared>>
      %dma_start3A_45 = arith.constant 0 : i32
      %dma_start3A_46 = tpu.memref_slice %arg11[%add3A_1, %dma_start3A_45] : memref<10240x64xf32, #tpu.memory_space<vmem_shared>> -> memref<128x64xf32, #tpu.memory_space<vmem_shared>>
      tpu.enqueue_dma source(%arg9 : memref<128x64xf32, #tpu.memory_space<vmem>>) target(%dma_start3A_46 : memref<128x64xf32, #tpu.memory_space<vmem_shared>>) target_semaphore(%run_scoped3A : memref<!tpu.dma_semaphore, #tpu.memory_space<semaphore_mem>>)
      %dma_wait3A = arith.constant 0 : i32
      %dma_wait3A_47 = tpu.memref_slice %arg11[%add3A_1, %dma_wait3A] : memref<10240x64xf32, #tpu.memory_space<vmem_shared>> -> memref<128x64xf32, #tpu.memory_space<vmem_shared>>
      %dma_wait3A_48 = arith.constant 0 : i32
      %dma_wait3A_49 = tpu.memref_slice %arg11[%add3A_1, %dma_wait3A_48] : memref<10240x64xf32, #tpu.memory_space<vmem_shared>> -> memref<128x64xf32, #tpu.memory_space<vmem_shared>>
      tpu.wait_dma2 semaphore(%run_scoped3A : memref<!tpu.dma_semaphore, #tpu.memory_space<semaphore_mem>>) src(%arg9 : memref<128x64xf32, #tpu.memory_space<vmem>>) dst(%dma_wait3A_49 : memref<128x64xf32, #tpu.memory_space<vmem_shared>>)
      tpu.yield
    }) : () -> ()
    %mul3A_2 = arith.constant 640 : i32
    %mul3A_3 = arith.muli %arg1, %mul3A_2 : i32
    %add3A_4 = arith.constant 128 : i32
    %add3A_5 = arith.addi %mul3A_3, %add3A_4 : i32
    "tpu.region"() ({
      %run_scoped3A = tpu.sem_alloc : memref<!tpu.dma_semaphore, #tpu.memory_space<semaphore_mem>>
      %dma_start3A = arith.constant 0 : i32
      %dma_start3A_44 = tpu.memref_slice %arg11[%add3A_5, %dma_start3A] : memref<10240x64xf32, #tpu.memory_space<vmem_shared>> -> memref<128x64xf32, #tpu.memory_space<vmem_shared>>
      %dma_start3A_45 = arith.constant 0 : i32
      %dma_start3A_46 = tpu.memref_slice %arg11[%add3A_5, %dma_start3A_45] : memref<10240x64xf32, #tpu.memory_space<vmem_shared>> -> memref<128x64xf32, #tpu.memory_space<vmem_shared>>
      tpu.enqueue_dma source(%arg9 : memref<128x64xf32, #tpu.memory_space<vmem>>) target(%dma_start3A_46 : memref<128x64xf32, #tpu.memory_space<vmem_shared>>) target_semaphore(%run_scoped3A : memref<!tpu.dma_semaphore, #tpu.memory_space<semaphore_mem>>)
      %dma_wait3A = arith.constant 0 : i32
      %dma_wait3A_47 = tpu.memref_slice %arg11[%add3A_5, %dma_wait3A] : memref<10240x64xf32, #tpu.memory_space<vmem_shared>> -> memref<128x64xf32, #tpu.memory_space<vmem_shared>>
      %dma_wait3A_48 = arith.constant 0 : i32
      %dma_wait3A_49 = tpu.memref_slice %arg11[%add3A_5, %dma_wait3A_48] : memref<10240x64xf32, #tpu.memory_space<vmem_shared>> -> memref<128x64xf32, #tpu.memory_space<vmem_shared>>
      tpu.wait_dma2 semaphore(%run_scoped3A : memref<!tpu.dma_semaphore, #tpu.memory_space<semaphore_mem>>) src(%arg9 : memref<128x64xf32, #tpu.memory_space<vmem>>) dst(%dma_wait3A_49 : memref<128x64xf32, #tpu.memory_space<vmem_shared>>)
      tpu.yield
    }) : () -> ()
    %mul3A_6 = arith.constant 640 : i32
    %mul3A_7 = arith.muli %arg1, %mul3A_6 : i32
    %add3A_8 = arith.constant 256 : i32
    %add3A_9 = arith.addi %mul3A_7, %add3A_8 : i32
    "tpu.region"() ({
      %run_scoped3A = tpu.sem_alloc : memref<!tpu.dma_semaphore, #tpu.memory_space<semaphore_mem>>
      %dma_start3A = arith.constant 0 : i32
      %dma_start3A_44 = tpu.memref_slice %arg11[%add3A_9, %dma_start3A] : memref<10240x64xf32, #tpu.memory_space<vmem_shared>> -> memref<128x64xf32, #tpu.memory_space<vmem_shared>>
      %dma_start3A_45 = arith.constant 0 : i32
      %dma_start3A_46 = tpu.memref_slice %arg11[%add3A_9, %dma_start3A_45] : memref<10240x64xf32, #tpu.memory_space<vmem_shared>> -> memref<128x64xf32, #tpu.memory_space<vmem_shared>>
      tpu.enqueue_dma source(%arg9 : memref<128x64xf32, #tpu.memory_space<vmem>>) target(%dma_start3A_46 : memref<128x64xf32, #tpu.memory_space<vmem_shared>>) target_semaphore(%run_scoped3A : memref<!tpu.dma_semaphore, #tpu.memory_space<semaphore_mem>>)
      %dma_wait3A = arith.constant 0 : i32
      %dma_wait3A_47 = tpu.memref_slice %arg11[%add3A_9, %dma_wait3A] : memref<10240x64xf32, #tpu.memory_space<vmem_shared>> -> memref<128x64xf32, #tpu.memory_space<vmem_shared>>
      %dma_wait3A_48 = arith.constant 0 : i32
      %dma_wait3A_49 = tpu.memref_slice %arg11[%add3A_9, %dma_wait3A_48] : memref<10240x64xf32, #tpu.memory_space<vmem_shared>> -> memref<128x64xf32, #tpu.memory_space<vmem_shared>>
      tpu.wait_dma2 semaphore(%run_scoped3A : memref<!tpu.dma_semaphore, #tpu.memory_space<semaphore_mem>>) src(%arg9 : memref<128x64xf32, #tpu.memory_space<vmem>>) dst(%dma_wait3A_49 : memref<128x64xf32, #tpu.memory_space<vmem_shared>>)
      tpu.yield
    }) : () -> ()
    %mul3A_10 = arith.constant 640 : i32
    %mul3A_11 = arith.muli %arg1, %mul3A_10 : i32
    %add3A_12 = arith.constant 384 : i32
    %add3A_13 = arith.addi %mul3A_11, %add3A_12 : i32
    "tpu.region"() ({
      %run_scoped3A = tpu.sem_alloc : memref<!tpu.dma_semaphore, #tpu.memory_space<semaphore_mem>>
      %dma_start3A = arith.constant 0 : i32
      %dma_start3A_44 = tpu.memref_slice %arg11[%add3A_13, %dma_start3A] : memref<10240x64xf32, #tpu.memory_space<vmem_shared>> -> memref<128x64xf32, #tpu.memory_space<vmem_shared>>
      %dma_start3A_45 = arith.constant 0 : i32
      %dma_start3A_46 = tpu.memref_slice %arg11[%add3A_13, %dma_start3A_45] : memref<10240x64xf32, #tpu.memory_space<vmem_shared>> -> memref<128x64xf32, #tpu.memory_space<vmem_shared>>
      tpu.enqueue_dma source(%arg9 : memref<128x64xf32, #tpu.memory_space<vmem>>) target(%dma_start3A_46 : memref<128x64xf32, #tpu.memory_space<vmem_shared>>) target_semaphore(%run_scoped3A : memref<!tpu.dma_semaphore, #tpu.memory_space<semaphore_mem>>)
      %dma_wait3A = arith.constant 0 : i32
      %dma_wait3A_47 = tpu.memref_slice %arg11[%add3A_13, %dma_wait3A] : memref<10240x64xf32, #tpu.memory_space<vmem_shared>> -> memref<128x64xf32, #tpu.memory_space<vmem_shared>>
      %dma_wait3A_48 = arith.constant 0 : i32
      %dma_wait3A_49 = tpu.memref_slice %arg11[%add3A_13, %dma_wait3A_48] : memref<10240x64xf32, #tpu.memory_space<vmem_shared>> -> memref<128x64xf32, #tpu.memory_space<vmem_shared>>
      tpu.wait_dma2 semaphore(%run_scoped3A : memref<!tpu.dma_semaphore, #tpu.memory_space<semaphore_mem>>) src(%arg9 : memref<128x64xf32, #tpu.memory_space<vmem>>) dst(%dma_wait3A_49 : memref<128x64xf32, #tpu.memory_space<vmem_shared>>)
      tpu.yield
    }) : () -> ()
    %mul3A_14 = arith.constant 640 : i32
    %mul3A_15 = arith.muli %arg1, %mul3A_14 : i32
    %add3A_16 = arith.constant 512 : i32
    %add3A_17 = arith.addi %mul3A_15, %add3A_16 : i32
    "tpu.region"() ({
      %run_scoped3A = tpu.sem_alloc : memref<!tpu.dma_semaphore, #tpu.memory_space<semaphore_mem>>
      %dma_start3A = arith.constant 0 : i32
      %dma_start3A_44 = tpu.memref_slice %arg11[%add3A_17, %dma_start3A] : memref<10240x64xf32, #tpu.memory_space<vmem_shared>> -> memref<128x64xf32, #tpu.memory_space<vmem_shared>>
      %dma_start3A_45 = arith.constant 0 : i32
      %dma_start3A_46 = tpu.memref_slice %arg11[%add3A_17, %dma_start3A_45] : memref<10240x64xf32, #tpu.memory_space<vmem_shared>> -> memref<128x64xf32, #tpu.memory_space<vmem_shared>>
      tpu.enqueue_dma source(%arg9 : memref<128x64xf32, #tpu.memory_space<vmem>>) target(%dma_start3A_46 : memref<128x64xf32, #tpu.memory_space<vmem_shared>>) target_semaphore(%run_scoped3A : memref<!tpu.dma_semaphore, #tpu.memory_space<semaphore_mem>>)
      %dma_wait3A = arith.constant 0 : i32
      %dma_wait3A_47 = tpu.memref_slice %arg11[%add3A_17, %dma_wait3A] : memref<10240x64xf32, #tpu.memory_space<vmem_shared>> -> memref<128x64xf32, #tpu.memory_space<vmem_shared>>
      %dma_wait3A_48 = arith.constant 0 : i32
      %dma_wait3A_49 = tpu.memref_slice %arg11[%add3A_17, %dma_wait3A_48] : memref<10240x64xf32, #tpu.memory_space<vmem_shared>> -> memref<128x64xf32, #tpu.memory_space<vmem_shared>>
      tpu.wait_dma2 semaphore(%run_scoped3A : memref<!tpu.dma_semaphore, #tpu.memory_space<semaphore_mem>>) src(%arg9 : memref<128x64xf32, #tpu.memory_space<vmem>>) dst(%dma_wait3A_49 : memref<128x64xf32, #tpu.memory_space<vmem_shared>>)
      tpu.yield
    }) : () -> ()
    %barrier3A = arith.constant 0 : index
    tpu.barrier barrier_id(%barrier3A)
    %scan3A = arith.constant 0 : i32
    %scan3A_18 = arith.constant 0 : i32
    %scan3A_19 = arith.constant 80 : i32
    %scan3A_20 = arith.addi %scan3A_18, %scan3A_19 : i32
    %scan3A_21 = arith.constant 1 : i32
    scf.for %scan3A_44 = %scan3A_18 to %scan3A_20 step %scan3A_21  : i32 {
      %mul3A_45 = arith.constant 2 : i32
      %mul3A_46 = arith.muli %mul3A_45, %scan3A_44 : i32
      %mul3A_47 = arith.constant 2 : i32
      %mul3A_48 = arith.muli %mul3A_47, %scan3A_44 : i32
      %add3A_49 = arith.constant 1 : i32
      %add3A_50 = arith.addi %mul3A_48, %add3A_49 : i32
      %mul3A_51 = arith.constant 128 : i32
      %mul3A_52 = arith.muli %mul3A_46, %mul3A_51 : i32
      %dma_start3A = tpu.memref_slice %arg7[%mul3A_52] : memref<20480xi32, #tpu.memory_space<vmem>> -> memref<128xi32, #tpu.memory_space<vmem>>
      %dma_start3A_53 = arith.constant 0 : i32
      %dma_start3A_54 = arith.constant 0 : i32
      %dma_start3A_55 = tpu.memref_slice %arg2[%dma_start3A_53, %dma_start3A_54] : memref<40960x64xf32, #tpu.memory_space<hbm>> -> memref<40960x64xf32, #tpu.memory_space<hbm>>
      tpu.enqueue_indirect_dma source(%dma_start3A_55 : memref<40960x64xf32, #tpu.memory_space<hbm>>) target(%arg9 : memref<128x64xf32, #tpu.memory_space<vmem>>) offsets(%dma_start3A : memref<128xi32, #tpu.memory_space<vmem>>) semaphore(%arg12 : memref<!tpu.dma_semaphore, #tpu.memory_space<semaphore_mem>>)
      %mul3A_56 = arith.constant 128 : i32
      %mul3A_57 = arith.muli %add3A_50, %mul3A_56 : i32
      %dma_start3A_58 = tpu.memref_slice %arg7[%mul3A_57] : memref<20480xi32, #tpu.memory_space<vmem>> -> memref<128xi32, #tpu.memory_space<vmem>>
      %dma_start3A_59 = arith.constant 0 : i32
      %dma_start3A_60 = arith.constant 0 : i32
      %dma_start3A_61 = tpu.memref_slice %arg2[%dma_start3A_59, %dma_start3A_60] : memref<40960x64xf32, #tpu.memory_space<hbm>> -> memref<40960x64xf32, #tpu.memory_space<hbm>>
      tpu.enqueue_indirect_dma source(%dma_start3A_61 : memref<40960x64xf32, #tpu.memory_space<hbm>>) target(%arg10 : memref<128x64xf32, #tpu.memory_space<vmem>>) offsets(%dma_start3A_58 : memref<128xi32, #tpu.memory_space<vmem>>) semaphore(%arg13 : memref<!tpu.dma_semaphore, #tpu.memory_space<semaphore_mem>>)
      %dma_wait3A = tpu.memref_slice %arg7[%mul3A_52] : memref<20480xi32, #tpu.memory_space<vmem>> -> memref<128xi32, #tpu.memory_space<vmem>>
      %dma_wait3A_62 = arith.constant 0 : i32
      %dma_wait3A_63 = arith.constant 0 : i32
      %dma_wait3A_64 = tpu.memref_slice %arg2[%dma_wait3A_62, %dma_wait3A_63] : memref<40960x64xf32, #tpu.memory_space<hbm>> -> memref<40960x64xf32, #tpu.memory_space<hbm>>
      tpu.wait_indirect_dma semaphore(%arg12 : memref<!tpu.dma_semaphore, #tpu.memory_space<semaphore_mem>>) src(%dma_wait3A_64 : memref<40960x64xf32, #tpu.memory_space<hbm>>) dst(%arg9 : memref<128x64xf32, #tpu.memory_space<vmem>>)
      %dma_start3A_65 = arith.constant 0 : i32
      %dma_start3A_66 = tpu.memref_slice %arg8[%mul3A_46, %dma_start3A_65] : memref<160x128xi32, #tpu.memory_space<vmem>> -> memref<1x128xi32, #tpu.memory_space<vmem>>
      %dma_start3A_67 = tpu.memref_squeeze %dma_start3A_66 : memref<1x128xi32, #tpu.memory_space<vmem>> -> memref<128xi32, #tpu.memory_space<vmem>>
      %dma_start3A_68 = arith.constant 0 : i32
      %dma_start3A_69 = arith.constant 0 : i32
      %dma_start3A_70 = tpu.memref_slice %arg11[%dma_start3A_68, %dma_start3A_69] : memref<10240x64xf32, #tpu.memory_space<vmem_shared>> -> memref<10240x64xf32, #tpu.memory_space<vmem_shared>>
      tpu.enqueue_indirect_dma source(%arg9 : memref<128x64xf32, #tpu.memory_space<vmem>>) target(%dma_start3A_70 : memref<10240x64xf32, #tpu.memory_space<vmem_shared>>) offsets(%dma_start3A_67 : memref<128xi32, #tpu.memory_space<vmem>>) semaphore(%arg14 : memref<!tpu.dma_semaphore, #tpu.memory_space<semaphore_mem>>) {add = true}
      %dma_wait3A_71 = tpu.memref_slice %arg7[%mul3A_57] : memref<20480xi32, #tpu.memory_space<vmem>> -> memref<128xi32, #tpu.memory_space<vmem>>
      %dma_wait3A_72 = arith.constant 0 : i32
      %dma_wait3A_73 = arith.constant 0 : i32
      %dma_wait3A_74 = tpu.memref_slice %arg2[%dma_wait3A_72, %dma_wait3A_73] : memref<40960x64xf32, #tpu.memory_space<hbm>> -> memref<40960x64xf32, #tpu.memory_space<hbm>>
      tpu.wait_indirect_dma semaphore(%arg13 : memref<!tpu.dma_semaphore, #tpu.memory_space<semaphore_mem>>) src(%dma_wait3A_74 : memref<40960x64xf32, #tpu.memory_space<hbm>>) dst(%arg10 : memref<128x64xf32, #tpu.memory_space<vmem>>)
      %dma_start3A_75 = arith.constant 0 : i32
      %dma_start3A_76 = tpu.memref_slice %arg8[%add3A_50, %dma_start3A_75] : memref<160x128xi32, #tpu.memory_space<vmem>> -> memref<1x128xi32, #tpu.memory_space<vmem>>
      %dma_start3A_77 = tpu.memref_squeeze %dma_start3A_76 : memref<1x128xi32, #tpu.memory_space<vmem>> -> memref<128xi32, #tpu.memory_space<vmem>>
      %dma_start3A_78 = arith.constant 0 : i32
      %dma_start3A_79 = arith.constant 0 : i32
      %dma_start3A_80 = tpu.memref_slice %arg11[%dma_start3A_78, %dma_start3A_79] : memref<10240x64xf32, #tpu.memory_space<vmem_shared>> -> memref<10240x64xf32, #tpu.memory_space<vmem_shared>>
      tpu.enqueue_indirect_dma source(%arg10 : memref<128x64xf32, #tpu.memory_space<vmem>>) target(%dma_start3A_80 : memref<10240x64xf32, #tpu.memory_space<vmem_shared>>) offsets(%dma_start3A_77 : memref<128xi32, #tpu.memory_space<vmem>>) semaphore(%arg15 : memref<!tpu.dma_semaphore, #tpu.memory_space<semaphore_mem>>) {add = true}
      %dma_wait3A_81 = arith.constant 0 : i32
      %dma_wait3A_82 = tpu.memref_slice %arg8[%mul3A_46, %dma_wait3A_81] : memref<160x128xi32, #tpu.memory_space<vmem>> -> memref<1x128xi32, #tpu.memory_space<vmem>>
      %dma_wait3A_83 = tpu.memref_squeeze %dma_wait3A_82 : memref<1x128xi32, #tpu.memory_space<vmem>> -> memref<128xi32, #tpu.memory_space<vmem>>
      %dma_wait3A_84 = arith.constant 0 : i32
      %dma_wait3A_85 = arith.constant 0 : i32
      %dma_wait3A_86 = tpu.memref_slice %arg11[%dma_wait3A_84, %dma_wait3A_85] : memref<10240x64xf32, #tpu.memory_space<vmem_shared>> -> memref<10240x64xf32, #tpu.memory_space<vmem_shared>>
      tpu.wait_indirect_dma semaphore(%arg14 : memref<!tpu.dma_semaphore, #tpu.memory_space<semaphore_mem>>) src(%arg9 : memref<128x64xf32, #tpu.memory_space<vmem>>) dst(%dma_wait3A_86 : memref<10240x64xf32, #tpu.memory_space<vmem_shared>>)
      %dma_wait3A_87 = arith.constant 0 : i32
      %dma_wait3A_88 = tpu.memref_slice %arg8[%add3A_50, %dma_wait3A_87] : memref<160x128xi32, #tpu.memory_space<vmem>> -> memref<1x128xi32, #tpu.memory_space<vmem>>
      %dma_wait3A_89 = tpu.memref_squeeze %dma_wait3A_88 : memref<1x128xi32, #tpu.memory_space<vmem>> -> memref<128xi32, #tpu.memory_space<vmem>>
      %dma_wait3A_90 = arith.constant 0 : i32
      %dma_wait3A_91 = arith.constant 0 : i32
      %dma_wait3A_92 = tpu.memref_slice %arg11[%dma_wait3A_90, %dma_wait3A_91] : memref<10240x64xf32, #tpu.memory_space<vmem_shared>> -> memref<10240x64xf32, #tpu.memory_space<vmem_shared>>
      tpu.wait_indirect_dma semaphore(%arg15 : memref<!tpu.dma_semaphore, #tpu.memory_space<semaphore_mem>>) src(%arg10 : memref<128x64xf32, #tpu.memory_space<vmem>>) dst(%dma_wait3A_92 : memref<10240x64xf32, #tpu.memory_space<vmem_shared>>)
    }
    %scan3A_22 = arith.constant 80 : i32
    %barrier3A_23 = arith.constant 0 : index
    tpu.barrier barrier_id(%barrier3A_23)
    %mul3A_24 = arith.constant 640 : i32
    %mul3A_25 = arith.muli %arg1, %mul3A_24 : i32
    %add3A_26 = arith.constant 0 : i32
    %add3A_27 = arith.addi %mul3A_25, %add3A_26 : i32
    "tpu.region"() ({
      %run_scoped3A = tpu.sem_alloc : memref<!tpu.dma_semaphore, #tpu.memory_space<semaphore_mem>>
      %dma_start3A = arith.constant 0 : i32
      %dma_start3A_44 = tpu.memref_slice %arg11[%add3A_27, %dma_start3A] : memref<10240x64xf32, #tpu.memory_space<vmem_shared>> -> memref<128x64xf32, #tpu.memory_space<vmem_shared>>
      %dma_start3A_45 = arith.constant 0 : i32
      %dma_start3A_46 = tpu.memref_slice %arg11[%add3A_27, %dma_start3A_45] : memref<10240x64xf32, #tpu.memory_space<vmem_shared>> -> memref<128x64xf32, #tpu.memory_space<vmem_shared>>
      tpu.enqueue_dma source(%dma_start3A_46 : memref<128x64xf32, #tpu.memory_space<vmem_shared>>) target(%arg9 : memref<128x64xf32, #tpu.memory_space<vmem>>) target_semaphore(%run_scoped3A : memref<!tpu.dma_semaphore, #tpu.memory_space<semaphore_mem>>)
      %dma_wait3A = arith.constant 0 : i32
      %dma_wait3A_47 = tpu.memref_slice %arg11[%add3A_27, %dma_wait3A] : memref<10240x64xf32, #tpu.memory_space<vmem_shared>> -> memref<128x64xf32, #tpu.memory_space<vmem_shared>>
      %dma_wait3A_48 = arith.constant 0 : i32
      %dma_wait3A_49 = tpu.memref_slice %arg11[%add3A_27, %dma_wait3A_48] : memref<10240x64xf32, #tpu.memory_space<vmem_shared>> -> memref<128x64xf32, #tpu.memory_space<vmem_shared>>
      tpu.wait_dma2 semaphore(%run_scoped3A : memref<!tpu.dma_semaphore, #tpu.memory_space<semaphore_mem>>) src(%dma_wait3A_49 : memref<128x64xf32, #tpu.memory_space<vmem_shared>>) dst(%arg9 : memref<128x64xf32, #tpu.memory_space<vmem>>)
      tpu.yield
    }) : () -> ()
    "tpu.region"() ({
      %run_scoped3A = tpu.sem_alloc : memref<!tpu.dma_semaphore, #tpu.memory_space<semaphore_mem>>
      %dma_start3A = arith.constant 0 : i32
      %dma_start3A_44 = tpu.memref_slice %arg6[%arg0, %add3A_27, %dma_start3A] : memref<2x10240x64xf32, #tpu.memory_space<hbm>> -> memref<1x128x64xf32, #tpu.memory_space<hbm>>
      %dma_start3A_45 = tpu.memref_squeeze %dma_start3A_44 : memref<1x128x64xf32, #tpu.memory_space<hbm>> -> memref<128x64xf32, #tpu.memory_space<hbm>>
      %dma_start3A_46 = arith.constant 0 : i32
      %dma_start3A_47 = tpu.memref_slice %arg6[%arg0, %add3A_27, %dma_start3A_46] : memref<2x10240x64xf32, #tpu.memory_space<hbm>> -> memref<1x128x64xf32, #tpu.memory_space<hbm>>
      %dma_start3A_48 = tpu.memref_squeeze %dma_start3A_47 : memref<1x128x64xf32, #tpu.memory_space<hbm>> -> memref<128x64xf32, #tpu.memory_space<hbm>>
      tpu.enqueue_dma source(%arg9 : memref<128x64xf32, #tpu.memory_space<vmem>>) target(%dma_start3A_48 : memref<128x64xf32, #tpu.memory_space<hbm>>) target_semaphore(%run_scoped3A : memref<!tpu.dma_semaphore, #tpu.memory_space<semaphore_mem>>)
      %dma_wait3A = arith.constant 0 : i32
      %dma_wait3A_49 = tpu.memref_slice %arg6[%arg0, %add3A_27, %dma_wait3A] : memref<2x10240x64xf32, #tpu.memory_space<hbm>> -> memref<1x128x64xf32, #tpu.memory_space<hbm>>
      %dma_wait3A_50 = tpu.memref_squeeze %dma_wait3A_49 : memref<1x128x64xf32, #tpu.memory_space<hbm>> -> memref<128x64xf32, #tpu.memory_space<hbm>>
      %dma_wait3A_51 = arith.constant 0 : i32
      %dma_wait3A_52 = tpu.memref_slice %arg6[%arg0, %add3A_27, %dma_wait3A_51] : memref<2x10240x64xf32, #tpu.memory_space<hbm>> -> memref<1x128x64xf32, #tpu.memory_space<hbm>>
      %dma_wait3A_53 = tpu.memref_squeeze %dma_wait3A_52 : memref<1x128x64xf32, #tpu.memory_space<hbm>> -> memref<128x64xf32, #tpu.memory_space<hbm>>
      tpu.wait_dma2 semaphore(%run_scoped3A : memref<!tpu.dma_semaphore, #tpu.memory_space<semaphore_mem>>) src(%arg9 : memref<128x64xf32, #tpu.memory_space<vmem>>) dst(%dma_wait3A_53 : memref<128x64xf32, #tpu.memory_space<hbm>>)
      tpu.yield
    }) : () -> ()
    %mul3A_28 = arith.constant 640 : i32
    %mul3A_29 = arith.muli %arg1, %mul3A_28 : i32
    %add3A_30 = arith.constant 128 : i32
    %add3A_31 = arith.addi %mul3A_29, %add3A_30 : i32
    "tpu.region"() ({
      %run_scoped3A = tpu.sem_alloc : memref<!tpu.dma_semaphore, #tpu.memory_space<semaphore_mem>>
      %dma_start3A = arith.constant 0 : i32
      %dma_start3A_44 = tpu.memref_slice %arg11[%add3A_31, %dma_start3A] : memref<10240x64xf32, #tpu.memory_space<vmem_shared>> -> memref<128x64xf32, #tpu.memory_space<vmem_shared>>
      %dma_start3A_45 = arith.constant 0 : i32
      %dma_start3A_46 = tpu.memref_slice %arg11[%add3A_31, %dma_start3A_45] : memref<10240x64xf32, #tpu.memory_space<vmem_shared>> -> memref<128x64xf32, #tpu.memory_space<vmem_shared>>
      tpu.enqueue_dma source(%dma_start3A_46 : memref<128x64xf32, #tpu.memory_space<vmem_shared>>) target(%arg9 : memref<128x64xf32, #tpu.memory_space<vmem>>) target_semaphore(%run_scoped3A : memref<!tpu.dma_semaphore, #tpu.memory_space<semaphore_mem>>)
      %dma_wait3A = arith.constant 0 : i32
      %dma_wait3A_47 = tpu.memref_slice %arg11[%add3A_31, %dma_wait3A] : memref<10240x64xf32, #tpu.memory_space<vmem_shared>> -> memref<128x64xf32, #tpu.memory_space<vmem_shared>>
      %dma_wait3A_48 = arith.constant 0 : i32
      %dma_wait3A_49 = tpu.memref_slice %arg11[%add3A_31, %dma_wait3A_48] : memref<10240x64xf32, #tpu.memory_space<vmem_shared>> -> memref<128x64xf32, #tpu.memory_space<vmem_shared>>
      tpu.wait_dma2 semaphore(%run_scoped3A : memref<!tpu.dma_semaphore, #tpu.memory_space<semaphore_mem>>) src(%dma_wait3A_49 : memref<128x64xf32, #tpu.memory_space<vmem_shared>>) dst(%arg9 : memref<128x64xf32, #tpu.memory_space<vmem>>)
      tpu.yield
    }) : () -> ()
    "tpu.region"() ({
      %run_scoped3A = tpu.sem_alloc : memref<!tpu.dma_semaphore, #tpu.memory_space<semaphore_mem>>
      %dma_start3A = arith.constant 0 : i32
      %dma_start3A_44 = tpu.memref_slice %arg6[%arg0, %add3A_31, %dma_start3A] : memref<2x10240x64xf32, #tpu.memory_space<hbm>> -> memref<1x128x64xf32, #tpu.memory_space<hbm>>
      %dma_start3A_45 = tpu.memref_squeeze %dma_start3A_44 : memref<1x128x64xf32, #tpu.memory_space<hbm>> -> memref<128x64xf32, #tpu.memory_space<hbm>>
      %dma_start3A_46 = arith.constant 0 : i32
      %dma_start3A_47 = tpu.memref_slice %arg6[%arg0, %add3A_31, %dma_start3A_46] : memref<2x10240x64xf32, #tpu.memory_space<hbm>> -> memref<1x128x64xf32, #tpu.memory_space<hbm>>
      %dma_start3A_48 = tpu.memref_squeeze %dma_start3A_47 : memref<1x128x64xf32, #tpu.memory_space<hbm>> -> memref<128x64xf32, #tpu.memory_space<hbm>>
      tpu.enqueue_dma source(%arg9 : memref<128x64xf32, #tpu.memory_space<vmem>>) target(%dma_start3A_48 : memref<128x64xf32, #tpu.memory_space<hbm>>) target_semaphore(%run_scoped3A : memref<!tpu.dma_semaphore, #tpu.memory_space<semaphore_mem>>)
      %dma_wait3A = arith.constant 0 : i32
      %dma_wait3A_49 = tpu.memref_slice %arg6[%arg0, %add3A_31, %dma_wait3A] : memref<2x10240x64xf32, #tpu.memory_space<hbm>> -> memref<1x128x64xf32, #tpu.memory_space<hbm>>
      %dma_wait3A_50 = tpu.memref_squeeze %dma_wait3A_49 : memref<1x128x64xf32, #tpu.memory_space<hbm>> -> memref<128x64xf32, #tpu.memory_space<hbm>>
      %dma_wait3A_51 = arith.constant 0 : i32
      %dma_wait3A_52 = tpu.memref_slice %arg6[%arg0, %add3A_31, %dma_wait3A_51] : memref<2x10240x64xf32, #tpu.memory_space<hbm>> -> memref<1x128x64xf32, #tpu.memory_space<hbm>>
      %dma_wait3A_53 = tpu.memref_squeeze %dma_wait3A_52 : memref<1x128x64xf32, #tpu.memory_space<hbm>> -> memref<128x64xf32, #tpu.memory_space<hbm>>
      tpu.wait_dma2 semaphore(%run_scoped3A : memref<!tpu.dma_semaphore, #tpu.memory_space<semaphore_mem>>) src(%arg9 : memref<128x64xf32, #tpu.memory_space<vmem>>) dst(%dma_wait3A_53 : memref<128x64xf32, #tpu.memory_space<hbm>>)
      tpu.yield
    }) : () -> ()
    %mul3A_32 = arith.constant 640 : i32
    %mul3A_33 = arith.muli %arg1, %mul3A_32 : i32
    %add3A_34 = arith.constant 256 : i32
    %add3A_35 = arith.addi %mul3A_33, %add3A_34 : i32
    "tpu.region"() ({
      %run_scoped3A = tpu.sem_alloc : memref<!tpu.dma_semaphore, #tpu.memory_space<semaphore_mem>>
      %dma_start3A = arith.constant 0 : i32
      %dma_start3A_44 = tpu.memref_slice %arg11[%add3A_35, %dma_start3A] : memref<10240x64xf32, #tpu.memory_space<vmem_shared>> -> memref<128x64xf32, #tpu.memory_space<vmem_shared>>
      %dma_start3A_45 = arith.constant 0 : i32
      %dma_start3A_46 = tpu.memref_slice %arg11[%add3A_35, %dma_start3A_45] : memref<10240x64xf32, #tpu.memory_space<vmem_shared>> -> memref<128x64xf32, #tpu.memory_space<vmem_shared>>
      tpu.enqueue_dma source(%dma_start3A_46 : memref<128x64xf32, #tpu.memory_space<vmem_shared>>) target(%arg9 : memref<128x64xf32, #tpu.memory_space<vmem>>) target_semaphore(%run_scoped3A : memref<!tpu.dma_semaphore, #tpu.memory_space<semaphore_mem>>)
      %dma_wait3A = arith.constant 0 : i32
      %dma_wait3A_47 = tpu.memref_slice %arg11[%add3A_35, %dma_wait3A] : memref<10240x64xf32, #tpu.memory_space<vmem_shared>> -> memref<128x64xf32, #tpu.memory_space<vmem_shared>>
      %dma_wait3A_48 = arith.constant 0 : i32
      %dma_wait3A_49 = tpu.memref_slice %arg11[%add3A_35, %dma_wait3A_48] : memref<10240x64xf32, #tpu.memory_space<vmem_shared>> -> memref<128x64xf32, #tpu.memory_space<vmem_shared>>
      tpu.wait_dma2 semaphore(%run_scoped3A : memref<!tpu.dma_semaphore, #tpu.memory_space<semaphore_mem>>) src(%dma_wait3A_49 : memref<128x64xf32, #tpu.memory_space<vmem_shared>>) dst(%arg9 : memref<128x64xf32, #tpu.memory_space<vmem>>)
      tpu.yield
    }) : () -> ()
    "tpu.region"() ({
      %run_scoped3A = tpu.sem_alloc : memref<!tpu.dma_semaphore, #tpu.memory_space<semaphore_mem>>
      %dma_start3A = arith.constant 0 : i32
      %dma_start3A_44 = tpu.memref_slice %arg6[%arg0, %add3A_35, %dma_start3A] : memref<2x10240x64xf32, #tpu.memory_space<hbm>> -> memref<1x128x64xf32, #tpu.memory_space<hbm>>
      %dma_start3A_45 = tpu.memref_squeeze %dma_start3A_44 : memref<1x128x64xf32, #tpu.memory_space<hbm>> -> memref<128x64xf32, #tpu.memory_space<hbm>>
      %dma_start3A_46 = arith.constant 0 : i32
      %dma_start3A_47 = tpu.memref_slice %arg6[%arg0, %add3A_35, %dma_start3A_46] : memref<2x10240x64xf32, #tpu.memory_space<hbm>> -> memref<1x128x64xf32, #tpu.memory_space<hbm>>
      %dma_start3A_48 = tpu.memref_squeeze %dma_start3A_47 : memref<1x128x64xf32, #tpu.memory_space<hbm>> -> memref<128x64xf32, #tpu.memory_space<hbm>>
      tpu.enqueue_dma source(%arg9 : memref<128x64xf32, #tpu.memory_space<vmem>>) target(%dma_start3A_48 : memref<128x64xf32, #tpu.memory_space<hbm>>) target_semaphore(%run_scoped3A : memref<!tpu.dma_semaphore, #tpu.memory_space<semaphore_mem>>)
      %dma_wait3A = arith.constant 0 : i32
      %dma_wait3A_49 = tpu.memref_slice %arg6[%arg0, %add3A_35, %dma_wait3A] : memref<2x10240x64xf32, #tpu.memory_space<hbm>> -> memref<1x128x64xf32, #tpu.memory_space<hbm>>
      %dma_wait3A_50 = tpu.memref_squeeze %dma_wait3A_49 : memref<1x128x64xf32, #tpu.memory_space<hbm>> -> memref<128x64xf32, #tpu.memory_space<hbm>>
      %dma_wait3A_51 = arith.constant 0 : i32
      %dma_wait3A_52 = tpu.memref_slice %arg6[%arg0, %add3A_35, %dma_wait3A_51] : memref<2x10240x64xf32, #tpu.memory_space<hbm>> -> memref<1x128x64xf32, #tpu.memory_space<hbm>>
      %dma_wait3A_53 = tpu.memref_squeeze %dma_wait3A_52 : memref<1x128x64xf32, #tpu.memory_space<hbm>> -> memref<128x64xf32, #tpu.memory_space<hbm>>
      tpu.wait_dma2 semaphore(%run_scoped3A : memref<!tpu.dma_semaphore, #tpu.memory_space<semaphore_mem>>) src(%arg9 : memref<128x64xf32, #tpu.memory_space<vmem>>) dst(%dma_wait3A_53 : memref<128x64xf32, #tpu.memory_space<hbm>>)
      tpu.yield
    }) : () -> ()
    %mul3A_36 = arith.constant 640 : i32
    %mul3A_37 = arith.muli %arg1, %mul3A_36 : i32
    %add3A_38 = arith.constant 384 : i32
    %add3A_39 = arith.addi %mul3A_37, %add3A_38 : i32
    "tpu.region"() ({
      %run_scoped3A = tpu.sem_alloc : memref<!tpu.dma_semaphore, #tpu.memory_space<semaphore_mem>>
      %dma_start3A = arith.constant 0 : i32
      %dma_start3A_44 = tpu.memref_slice %arg11[%add3A_39, %dma_start3A] : memref<10240x64xf32, #tpu.memory_space<vmem_shared>> -> memref<128x64xf32, #tpu.memory_space<vmem_shared>>
      %dma_start3A_45 = arith.constant 0 : i32
      %dma_start3A_46 = tpu.memref_slice %arg11[%add3A_39, %dma_start3A_45] : memref<10240x64xf32, #tpu.memory_space<vmem_shared>> -> memref<128x64xf32, #tpu.memory_space<vmem_shared>>
      tpu.enqueue_dma source(%dma_start3A_46 : memref<128x64xf32, #tpu.memory_space<vmem_shared>>) target(%arg9 : memref<128x64xf32, #tpu.memory_space<vmem>>) target_semaphore(%run_scoped3A : memref<!tpu.dma_semaphore, #tpu.memory_space<semaphore_mem>>)
      %dma_wait3A = arith.constant 0 : i32
      %dma_wait3A_47 = tpu.memref_slice %arg11[%add3A_39, %dma_wait3A] : memref<10240x64xf32, #tpu.memory_space<vmem_shared>> -> memref<128x64xf32, #tpu.memory_space<vmem_shared>>
      %dma_wait3A_48 = arith.constant 0 : i32
      %dma_wait3A_49 = tpu.memref_slice %arg11[%add3A_39, %dma_wait3A_48] : memref<10240x64xf32, #tpu.memory_space<vmem_shared>> -> memref<128x64xf32, #tpu.memory_space<vmem_shared>>
      tpu.wait_dma2 semaphore(%run_scoped3A : memref<!tpu.dma_semaphore, #tpu.memory_space<semaphore_mem>>) src(%dma_wait3A_49 : memref<128x64xf32, #tpu.memory_space<vmem_shared>>) dst(%arg9 : memref<128x64xf32, #tpu.memory_space<vmem>>)
      tpu.yield
    }) : () -> ()
    "tpu.region"() ({
      %run_scoped3A = tpu.sem_alloc : memref<!tpu.dma_semaphore, #tpu.memory_space<semaphore_mem>>
      %dma_start3A = arith.constant 0 : i32
      %dma_start3A_44 = tpu.memref_slice %arg6[%arg0, %add3A_39, %dma_start3A] : memref<2x10240x64xf32, #tpu.memory_space<hbm>> -> memref<1x128x64xf32, #tpu.memory_space<hbm>>
      %dma_start3A_45 = tpu.memref_squeeze %dma_start3A_44 : memref<1x128x64xf32, #tpu.memory_space<hbm>> -> memref<128x64xf32, #tpu.memory_space<hbm>>
      %dma_start3A_46 = arith.constant 0 : i32
      %dma_start3A_47 = tpu.memref_slice %arg6[%arg0, %add3A_39, %dma_start3A_46] : memref<2x10240x64xf32, #tpu.memory_space<hbm>> -> memref<1x128x64xf32, #tpu.memory_space<hbm>>
      %dma_start3A_48 = tpu.memref_squeeze %dma_start3A_47 : memref<1x128x64xf32, #tpu.memory_space<hbm>> -> memref<128x64xf32, #tpu.memory_space<hbm>>
      tpu.enqueue_dma source(%arg9 : memref<128x64xf32, #tpu.memory_space<vmem>>) target(%dma_start3A_48 : memref<128x64xf32, #tpu.memory_space<hbm>>) target_semaphore(%run_scoped3A : memref<!tpu.dma_semaphore, #tpu.memory_space<semaphore_mem>>)
      %dma_wait3A = arith.constant 0 : i32
      %dma_wait3A_49 = tpu.memref_slice %arg6[%arg0, %add3A_39, %dma_wait3A] : memref<2x10240x64xf32, #tpu.memory_space<hbm>> -> memref<1x128x64xf32, #tpu.memory_space<hbm>>
      %dma_wait3A_50 = tpu.memref_squeeze %dma_wait3A_49 : memref<1x128x64xf32, #tpu.memory_space<hbm>> -> memref<128x64xf32, #tpu.memory_space<hbm>>
      %dma_wait3A_51 = arith.constant 0 : i32
      %dma_wait3A_52 = tpu.memref_slice %arg6[%arg0, %add3A_39, %dma_wait3A_51] : memref<2x10240x64xf32, #tpu.memory_space<hbm>> -> memref<1x128x64xf32, #tpu.memory_space<hbm>>
      %dma_wait3A_53 = tpu.memref_squeeze %dma_wait3A_52 : memref<1x128x64xf32, #tpu.memory_space<hbm>> -> memref<128x64xf32, #tpu.memory_space<hbm>>
      tpu.wait_dma2 semaphore(%run_scoped3A : memref<!tpu.dma_semaphore, #tpu.memory_space<semaphore_mem>>) src(%arg9 : memref<128x64xf32, #tpu.memory_space<vmem>>) dst(%dma_wait3A_53 : memref<128x64xf32, #tpu.memory_space<hbm>>)
      tpu.yield
    }) : () -> ()
    %mul3A_40 = arith.constant 640 : i32
    %mul3A_41 = arith.muli %arg1, %mul3A_40 : i32
    %add3A_42 = arith.constant 512 : i32
    %add3A_43 = arith.addi %mul3A_41, %add3A_42 : i32
    "tpu.region"() ({
      %run_scoped3A = tpu.sem_alloc : memref<!tpu.dma_semaphore, #tpu.memory_space<semaphore_mem>>
      %dma_start3A = arith.constant 0 : i32
      %dma_start3A_44 = tpu.memref_slice %arg11[%add3A_43, %dma_start3A] : memref<10240x64xf32, #tpu.memory_space<vmem_shared>> -> memref<128x64xf32, #tpu.memory_space<vmem_shared>>
      %dma_start3A_45 = arith.constant 0 : i32
      %dma_start3A_46 = tpu.memref_slice %arg11[%add3A_43, %dma_start3A_45] : memref<10240x64xf32, #tpu.memory_space<vmem_shared>> -> memref<128x64xf32, #tpu.memory_space<vmem_shared>>
      tpu.enqueue_dma source(%dma_start3A_46 : memref<128x64xf32, #tpu.memory_space<vmem_shared>>) target(%arg9 : memref<128x64xf32, #tpu.memory_space<vmem>>) target_semaphore(%run_scoped3A : memref<!tpu.dma_semaphore, #tpu.memory_space<semaphore_mem>>)
      %dma_wait3A = arith.constant 0 : i32
      %dma_wait3A_47 = tpu.memref_slice %arg11[%add3A_43, %dma_wait3A] : memref<10240x64xf32, #tpu.memory_space<vmem_shared>> -> memref<128x64xf32, #tpu.memory_space<vmem_shared>>
      %dma_wait3A_48 = arith.constant 0 : i32
      %dma_wait3A_49 = tpu.memref_slice %arg11[%add3A_43, %dma_wait3A_48] : memref<10240x64xf32, #tpu.memory_space<vmem_shared>> -> memref<128x64xf32, #tpu.memory_space<vmem_shared>>
      tpu.wait_dma2 semaphore(%run_scoped3A : memref<!tpu.dma_semaphore, #tpu.memory_space<semaphore_mem>>) src(%dma_wait3A_49 : memref<128x64xf32, #tpu.memory_space<vmem_shared>>) dst(%arg9 : memref<128x64xf32, #tpu.memory_space<vmem>>)
      tpu.yield
    }) : () -> ()
    "tpu.region"() ({
      %run_scoped3A = tpu.sem_alloc : memref<!tpu.dma_semaphore, #tpu.memory_space<semaphore_mem>>
      %dma_start3A = arith.constant 0 : i32
      %dma_start3A_44 = tpu.memref_slice %arg6[%arg0, %add3A_43, %dma_start3A] : memref<2x10240x64xf32, #tpu.memory_space<hbm>> -> memref<1x128x64xf32, #tpu.memory_space<hbm>>
      %dma_start3A_45 = tpu.memref_squeeze %dma_start3A_44 : memref<1x128x64xf32, #tpu.memory_space<hbm>> -> memref<128x64xf32, #tpu.memory_space<hbm>>
      %dma_start3A_46 = arith.constant 0 : i32
      %dma_start3A_47 = tpu.memref_slice %arg6[%arg0, %add3A_43, %dma_start3A_46] : memref<2x10240x64xf32, #tpu.memory_space<hbm>> -> memref<1x128x64xf32, #tpu.memory_space<hbm>>
      %dma_start3A_48 = tpu.memref_squeeze %dma_start3A_47 : memref<1x128x64xf32, #tpu.memory_space<hbm>> -> memref<128x64xf32, #tpu.memory_space<hbm>>
      tpu.enqueue_dma source(%arg9 : memref<128x64xf32, #tpu.memory_space<vmem>>) target(%dma_start3A_48 : memref<128x64xf32, #tpu.memory_space<hbm>>) target_semaphore(%run_scoped3A : memref<!tpu.dma_semaphore, #tpu.memory_space<semaphore_mem>>)
      %dma_wait3A = arith.constant 0 : i32
      %dma_wait3A_49 = tpu.memref_slice %arg6[%arg0, %add3A_43, %dma_wait3A] : memref<2x10240x64xf32, #tpu.memory_space<hbm>> -> memref<1x128x64xf32, #tpu.memory_space<hbm>>
      %dma_wait3A_50 = tpu.memref_squeeze %dma_wait3A_49 : memref<1x128x64xf32, #tpu.memory_space<hbm>> -> memref<128x64xf32, #tpu.memory_space<hbm>>
      %dma_wait3A_51 = arith.constant 0 : i32
      %dma_wait3A_52 = tpu.memref_slice %arg6[%arg0, %add3A_43, %dma_wait3A_51] : memref<2x10240x64xf32, #tpu.memory_space<hbm>> -> memref<1x128x64xf32, #tpu.memory_space<hbm>>
      %dma_wait3A_53 = tpu.memref_squeeze %dma_wait3A_52 : memref<1x128x64xf32, #tpu.memory_space<hbm>> -> memref<128x64xf32, #tpu.memory_space<hbm>>
      tpu.wait_dma2 semaphore(%run_scoped3A : memref<!tpu.dma_semaphore, #tpu.memory_space<semaphore_mem>>) src(%arg9 : memref<128x64xf32, #tpu.memory_space<vmem>>) dst(%dma_wait3A_53 : memref<128x64xf32, #tpu.memory_space<hbm>>)
      tpu.yield
    }) : () -> ()
    return
  }
}

#map = affine_map<(d0, d1) -> (0, 0, 0)>
#map1 = affine_map<(d0, d1) -> (0, 0)>
module attributes {stable_mosaic.version = 14 : i64} {
  func.func @sc_degree(%arg0: i32, %arg1: i32, %arg2: memref<32x80x128xi32, #tpu.memory_space<hbm>>, %arg3: memref<128x16xf32, #tpu.memory_space<hbm>>, %arg4: memref<128x16xf32, #tpu.memory_space<hbm>>, %arg5: memref<2x10240x16xf32, #tpu.memory_space<hbm>>, %arg6: memref<80x128xi32, #tpu.memory_space<vmem>>, %arg7: memref<128x16xf32, #tpu.memory_space<vmem>>, %arg8: memref<128x16xf32, #tpu.memory_space<vmem>>, %arg9: memref<10240x16xf32, #tpu.memory_space<vmem_shared>>, %arg10: memref<!tpu.dma_semaphore, #tpu.memory_space<semaphore_mem>>) attributes {dimension_semantics = [#tpu.dimension_semantics<core_parallel>, #tpu.dimension_semantics<subcore_parallel>], iteration_bounds = array<i64: 2, 16>, scalar_prefetch = 0 : i64, scratch_operands = 5 : i64, tpu.core_type = #tpu.core_type<sc_vector_subcore>, window_params = [{transform_indices = #map}, {transform_indices = #map1}, {transform_indices = #map1}, {transform_indices = #map}]} {
    %mul3A = arith.constant 2 : i32
    %mul3A_0 = arith.muli %arg1, %mul3A : i32
    %add3A = arith.addi %mul3A_0, %arg0 : i32
    "tpu.region"() ({
      %run_scoped3A = tpu.sem_alloc : memref<!tpu.dma_semaphore, #tpu.memory_space<semaphore_mem>>
      tpu.enqueue_dma source(%arg3 : memref<128x16xf32, #tpu.memory_space<hbm>>) target(%arg7 : memref<128x16xf32, #tpu.memory_space<vmem>>) target_semaphore(%run_scoped3A : memref<!tpu.dma_semaphore, #tpu.memory_space<semaphore_mem>>)
      tpu.wait_dma2 semaphore(%run_scoped3A : memref<!tpu.dma_semaphore, #tpu.memory_space<semaphore_mem>>) src(%arg3 : memref<128x16xf32, #tpu.memory_space<hbm>>) dst(%arg7 : memref<128x16xf32, #tpu.memory_space<vmem>>)
      tpu.yield
    }) : () -> ()
    "tpu.region"() ({
      %run_scoped3A = tpu.sem_alloc : memref<!tpu.dma_semaphore, #tpu.memory_space<semaphore_mem>>
      %dma_start3A = arith.constant 0 : i32
      %dma_start3A_47 = arith.constant 0 : i32
      %dma_start3A_48 = tpu.memref_slice %arg2[%add3A, %dma_start3A, %dma_start3A_47] : memref<32x80x128xi32, #tpu.memory_space<hbm>> -> memref<1x80x128xi32, #tpu.memory_space<hbm>>
      %dma_start3A_49 = tpu.memref_squeeze %dma_start3A_48 : memref<1x80x128xi32, #tpu.memory_space<hbm>> -> memref<80x128xi32, #tpu.memory_space<hbm>>
      %dma_start3A_50 = arith.constant 0 : i32
      %dma_start3A_51 = arith.constant 0 : i32
      %dma_start3A_52 = tpu.memref_slice %arg2[%add3A, %dma_start3A_50, %dma_start3A_51] : memref<32x80x128xi32, #tpu.memory_space<hbm>> -> memref<1x80x128xi32, #tpu.memory_space<hbm>>
      %dma_start3A_53 = tpu.memref_squeeze %dma_start3A_52 : memref<1x80x128xi32, #tpu.memory_space<hbm>> -> memref<80x128xi32, #tpu.memory_space<hbm>>
      tpu.enqueue_dma source(%dma_start3A_53 : memref<80x128xi32, #tpu.memory_space<hbm>>) target(%arg6 : memref<80x128xi32, #tpu.memory_space<vmem>>) target_semaphore(%run_scoped3A : memref<!tpu.dma_semaphore, #tpu.memory_space<semaphore_mem>>)
      %dma_wait3A = arith.constant 0 : i32
      %dma_wait3A_54 = arith.constant 0 : i32
      %dma_wait3A_55 = tpu.memref_slice %arg2[%add3A, %dma_wait3A, %dma_wait3A_54] : memref<32x80x128xi32, #tpu.memory_space<hbm>> -> memref<1x80x128xi32, #tpu.memory_space<hbm>>
      %dma_wait3A_56 = tpu.memref_squeeze %dma_wait3A_55 : memref<1x80x128xi32, #tpu.memory_space<hbm>> -> memref<80x128xi32, #tpu.memory_space<hbm>>
      %dma_wait3A_57 = arith.constant 0 : i32
      %dma_wait3A_58 = arith.constant 0 : i32
      %dma_wait3A_59 = tpu.memref_slice %arg2[%add3A, %dma_wait3A_57, %dma_wait3A_58] : memref<32x80x128xi32, #tpu.memory_space<hbm>> -> memref<1x80x128xi32, #tpu.memory_space<hbm>>
      %dma_wait3A_60 = tpu.memref_squeeze %dma_wait3A_59 : memref<1x80x128xi32, #tpu.memory_space<hbm>> -> memref<80x128xi32, #tpu.memory_space<hbm>>
      tpu.wait_dma2 semaphore(%run_scoped3A : memref<!tpu.dma_semaphore, #tpu.memory_space<semaphore_mem>>) src(%dma_wait3A_60 : memref<80x128xi32, #tpu.memory_space<hbm>>) dst(%arg6 : memref<80x128xi32, #tpu.memory_space<vmem>>)
      tpu.yield
    }) : () -> ()
    "tpu.region"() ({
      %run_scoped3A = tpu.sem_alloc : memref<!tpu.dma_semaphore, #tpu.memory_space<semaphore_mem>>
      tpu.enqueue_dma source(%arg4 : memref<128x16xf32, #tpu.memory_space<hbm>>) target(%arg8 : memref<128x16xf32, #tpu.memory_space<vmem>>) target_semaphore(%run_scoped3A : memref<!tpu.dma_semaphore, #tpu.memory_space<semaphore_mem>>)
      tpu.wait_dma2 semaphore(%run_scoped3A : memref<!tpu.dma_semaphore, #tpu.memory_space<semaphore_mem>>) src(%arg4 : memref<128x16xf32, #tpu.memory_space<hbm>>) dst(%arg8 : memref<128x16xf32, #tpu.memory_space<vmem>>)
      tpu.yield
    }) : () -> ()
    %mul3A_1 = arith.constant 640 : i32
    %mul3A_2 = arith.muli %arg1, %mul3A_1 : i32
    %add3A_3 = arith.constant 0 : i32
    %add3A_4 = arith.addi %mul3A_2, %add3A_3 : i32
    "tpu.region"() ({
      %run_scoped3A = tpu.sem_alloc : memref<!tpu.dma_semaphore, #tpu.memory_space<semaphore_mem>>
      %dma_start3A = arith.constant 0 : i32
      %dma_start3A_47 = tpu.memref_slice %arg9[%add3A_4, %dma_start3A] : memref<10240x16xf32, #tpu.memory_space<vmem_shared>> -> memref<128x16xf32, #tpu.memory_space<vmem_shared>>
      %dma_start3A_48 = arith.constant 0 : i32
      %dma_start3A_49 = tpu.memref_slice %arg9[%add3A_4, %dma_start3A_48] : memref<10240x16xf32, #tpu.memory_space<vmem_shared>> -> memref<128x16xf32, #tpu.memory_space<vmem_shared>>
      tpu.enqueue_dma source(%arg8 : memref<128x16xf32, #tpu.memory_space<vmem>>) target(%dma_start3A_49 : memref<128x16xf32, #tpu.memory_space<vmem_shared>>) target_semaphore(%run_scoped3A : memref<!tpu.dma_semaphore, #tpu.memory_space<semaphore_mem>>)
      %dma_wait3A = arith.constant 0 : i32
      %dma_wait3A_50 = tpu.memref_slice %arg9[%add3A_4, %dma_wait3A] : memref<10240x16xf32, #tpu.memory_space<vmem_shared>> -> memref<128x16xf32, #tpu.memory_space<vmem_shared>>
      %dma_wait3A_51 = arith.constant 0 : i32
      %dma_wait3A_52 = tpu.memref_slice %arg9[%add3A_4, %dma_wait3A_51] : memref<10240x16xf32, #tpu.memory_space<vmem_shared>> -> memref<128x16xf32, #tpu.memory_space<vmem_shared>>
      tpu.wait_dma2 semaphore(%run_scoped3A : memref<!tpu.dma_semaphore, #tpu.memory_space<semaphore_mem>>) src(%arg8 : memref<128x16xf32, #tpu.memory_space<vmem>>) dst(%dma_wait3A_52 : memref<128x16xf32, #tpu.memory_space<vmem_shared>>)
      tpu.yield
    }) : () -> ()
    %mul3A_5 = arith.constant 640 : i32
    %mul3A_6 = arith.muli %arg1, %mul3A_5 : i32
    %add3A_7 = arith.constant 128 : i32
    %add3A_8 = arith.addi %mul3A_6, %add3A_7 : i32
    "tpu.region"() ({
      %run_scoped3A = tpu.sem_alloc : memref<!tpu.dma_semaphore, #tpu.memory_space<semaphore_mem>>
      %dma_start3A = arith.constant 0 : i32
      %dma_start3A_47 = tpu.memref_slice %arg9[%add3A_8, %dma_start3A] : memref<10240x16xf32, #tpu.memory_space<vmem_shared>> -> memref<128x16xf32, #tpu.memory_space<vmem_shared>>
      %dma_start3A_48 = arith.constant 0 : i32
      %dma_start3A_49 = tpu.memref_slice %arg9[%add3A_8, %dma_start3A_48] : memref<10240x16xf32, #tpu.memory_space<vmem_shared>> -> memref<128x16xf32, #tpu.memory_space<vmem_shared>>
      tpu.enqueue_dma source(%arg8 : memref<128x16xf32, #tpu.memory_space<vmem>>) target(%dma_start3A_49 : memref<128x16xf32, #tpu.memory_space<vmem_shared>>) target_semaphore(%run_scoped3A : memref<!tpu.dma_semaphore, #tpu.memory_space<semaphore_mem>>)
      %dma_wait3A = arith.constant 0 : i32
      %dma_wait3A_50 = tpu.memref_slice %arg9[%add3A_8, %dma_wait3A] : memref<10240x16xf32, #tpu.memory_space<vmem_shared>> -> memref<128x16xf32, #tpu.memory_space<vmem_shared>>
      %dma_wait3A_51 = arith.constant 0 : i32
      %dma_wait3A_52 = tpu.memref_slice %arg9[%add3A_8, %dma_wait3A_51] : memref<10240x16xf32, #tpu.memory_space<vmem_shared>> -> memref<128x16xf32, #tpu.memory_space<vmem_shared>>
      tpu.wait_dma2 semaphore(%run_scoped3A : memref<!tpu.dma_semaphore, #tpu.memory_space<semaphore_mem>>) src(%arg8 : memref<128x16xf32, #tpu.memory_space<vmem>>) dst(%dma_wait3A_52 : memref<128x16xf32, #tpu.memory_space<vmem_shared>>)
      tpu.yield
    }) : () -> ()
    %mul3A_9 = arith.constant 640 : i32
    %mul3A_10 = arith.muli %arg1, %mul3A_9 : i32
    %add3A_11 = arith.constant 256 : i32
    %add3A_12 = arith.addi %mul3A_10, %add3A_11 : i32
    "tpu.region"() ({
      %run_scoped3A = tpu.sem_alloc : memref<!tpu.dma_semaphore, #tpu.memory_space<semaphore_mem>>
      %dma_start3A = arith.constant 0 : i32
      %dma_start3A_47 = tpu.memref_slice %arg9[%add3A_12, %dma_start3A] : memref<10240x16xf32, #tpu.memory_space<vmem_shared>> -> memref<128x16xf32, #tpu.memory_space<vmem_shared>>
      %dma_start3A_48 = arith.constant 0 : i32
      %dma_start3A_49 = tpu.memref_slice %arg9[%add3A_12, %dma_start3A_48] : memref<10240x16xf32, #tpu.memory_space<vmem_shared>> -> memref<128x16xf32, #tpu.memory_space<vmem_shared>>
      tpu.enqueue_dma source(%arg8 : memref<128x16xf32, #tpu.memory_space<vmem>>) target(%dma_start3A_49 : memref<128x16xf32, #tpu.memory_space<vmem_shared>>) target_semaphore(%run_scoped3A : memref<!tpu.dma_semaphore, #tpu.memory_space<semaphore_mem>>)
      %dma_wait3A = arith.constant 0 : i32
      %dma_wait3A_50 = tpu.memref_slice %arg9[%add3A_12, %dma_wait3A] : memref<10240x16xf32, #tpu.memory_space<vmem_shared>> -> memref<128x16xf32, #tpu.memory_space<vmem_shared>>
      %dma_wait3A_51 = arith.constant 0 : i32
      %dma_wait3A_52 = tpu.memref_slice %arg9[%add3A_12, %dma_wait3A_51] : memref<10240x16xf32, #tpu.memory_space<vmem_shared>> -> memref<128x16xf32, #tpu.memory_space<vmem_shared>>
      tpu.wait_dma2 semaphore(%run_scoped3A : memref<!tpu.dma_semaphore, #tpu.memory_space<semaphore_mem>>) src(%arg8 : memref<128x16xf32, #tpu.memory_space<vmem>>) dst(%dma_wait3A_52 : memref<128x16xf32, #tpu.memory_space<vmem_shared>>)
      tpu.yield
    }) : () -> ()
    %mul3A_13 = arith.constant 640 : i32
    %mul3A_14 = arith.muli %arg1, %mul3A_13 : i32
    %add3A_15 = arith.constant 384 : i32
    %add3A_16 = arith.addi %mul3A_14, %add3A_15 : i32
    "tpu.region"() ({
      %run_scoped3A = tpu.sem_alloc : memref<!tpu.dma_semaphore, #tpu.memory_space<semaphore_mem>>
      %dma_start3A = arith.constant 0 : i32
      %dma_start3A_47 = tpu.memref_slice %arg9[%add3A_16, %dma_start3A] : memref<10240x16xf32, #tpu.memory_space<vmem_shared>> -> memref<128x16xf32, #tpu.memory_space<vmem_shared>>
      %dma_start3A_48 = arith.constant 0 : i32
      %dma_start3A_49 = tpu.memref_slice %arg9[%add3A_16, %dma_start3A_48] : memref<10240x16xf32, #tpu.memory_space<vmem_shared>> -> memref<128x16xf32, #tpu.memory_space<vmem_shared>>
      tpu.enqueue_dma source(%arg8 : memref<128x16xf32, #tpu.memory_space<vmem>>) target(%dma_start3A_49 : memref<128x16xf32, #tpu.memory_space<vmem_shared>>) target_semaphore(%run_scoped3A : memref<!tpu.dma_semaphore, #tpu.memory_space<semaphore_mem>>)
      %dma_wait3A = arith.constant 0 : i32
      %dma_wait3A_50 = tpu.memref_slice %arg9[%add3A_16, %dma_wait3A] : memref<10240x16xf32, #tpu.memory_space<vmem_shared>> -> memref<128x16xf32, #tpu.memory_space<vmem_shared>>
      %dma_wait3A_51 = arith.constant 0 : i32
      %dma_wait3A_52 = tpu.memref_slice %arg9[%add3A_16, %dma_wait3A_51] : memref<10240x16xf32, #tpu.memory_space<vmem_shared>> -> memref<128x16xf32, #tpu.memory_space<vmem_shared>>
      tpu.wait_dma2 semaphore(%run_scoped3A : memref<!tpu.dma_semaphore, #tpu.memory_space<semaphore_mem>>) src(%arg8 : memref<128x16xf32, #tpu.memory_space<vmem>>) dst(%dma_wait3A_52 : memref<128x16xf32, #tpu.memory_space<vmem_shared>>)
      tpu.yield
    }) : () -> ()
    %mul3A_17 = arith.constant 640 : i32
    %mul3A_18 = arith.muli %arg1, %mul3A_17 : i32
    %add3A_19 = arith.constant 512 : i32
    %add3A_20 = arith.addi %mul3A_18, %add3A_19 : i32
    "tpu.region"() ({
      %run_scoped3A = tpu.sem_alloc : memref<!tpu.dma_semaphore, #tpu.memory_space<semaphore_mem>>
      %dma_start3A = arith.constant 0 : i32
      %dma_start3A_47 = tpu.memref_slice %arg9[%add3A_20, %dma_start3A] : memref<10240x16xf32, #tpu.memory_space<vmem_shared>> -> memref<128x16xf32, #tpu.memory_space<vmem_shared>>
      %dma_start3A_48 = arith.constant 0 : i32
      %dma_start3A_49 = tpu.memref_slice %arg9[%add3A_20, %dma_start3A_48] : memref<10240x16xf32, #tpu.memory_space<vmem_shared>> -> memref<128x16xf32, #tpu.memory_space<vmem_shared>>
      tpu.enqueue_dma source(%arg8 : memref<128x16xf32, #tpu.memory_space<vmem>>) target(%dma_start3A_49 : memref<128x16xf32, #tpu.memory_space<vmem_shared>>) target_semaphore(%run_scoped3A : memref<!tpu.dma_semaphore, #tpu.memory_space<semaphore_mem>>)
      %dma_wait3A = arith.constant 0 : i32
      %dma_wait3A_50 = tpu.memref_slice %arg9[%add3A_20, %dma_wait3A] : memref<10240x16xf32, #tpu.memory_space<vmem_shared>> -> memref<128x16xf32, #tpu.memory_space<vmem_shared>>
      %dma_wait3A_51 = arith.constant 0 : i32
      %dma_wait3A_52 = tpu.memref_slice %arg9[%add3A_20, %dma_wait3A_51] : memref<10240x16xf32, #tpu.memory_space<vmem_shared>> -> memref<128x16xf32, #tpu.memory_space<vmem_shared>>
      tpu.wait_dma2 semaphore(%run_scoped3A : memref<!tpu.dma_semaphore, #tpu.memory_space<semaphore_mem>>) src(%arg8 : memref<128x16xf32, #tpu.memory_space<vmem>>) dst(%dma_wait3A_52 : memref<128x16xf32, #tpu.memory_space<vmem_shared>>)
      tpu.yield
    }) : () -> ()
    %barrier3A = arith.constant 0 : index
    tpu.barrier barrier_id(%barrier3A)
    %scan3A = arith.constant 0 : i32
    %scan3A_21 = arith.constant 0 : i32
    %scan3A_22 = arith.constant 10 : i32
    %scan3A_23 = arith.addi %scan3A_21, %scan3A_22 : i32
    %scan3A_24 = arith.constant 1 : i32
    scf.for %scan3A_47 = %scan3A_21 to %scan3A_23 step %scan3A_24  : i32 {
      %mul3A_48 = arith.constant 8 : i32
      %mul3A_49 = arith.muli %scan3A_47, %mul3A_48 : i32
      %add3A_50 = arith.constant 0 : i32
      %add3A_51 = arith.addi %mul3A_49, %add3A_50 : i32
      %dma_start3A = arith.constant 0 : i32
      %dma_start3A_52 = tpu.memref_slice %arg6[%add3A_51, %dma_start3A] : memref<80x128xi32, #tpu.memory_space<vmem>> -> memref<1x128xi32, #tpu.memory_space<vmem>>
      %dma_start3A_53 = tpu.memref_squeeze %dma_start3A_52 : memref<1x128xi32, #tpu.memory_space<vmem>> -> memref<128xi32, #tpu.memory_space<vmem>>
      %dma_start3A_54 = arith.constant 0 : i32
      %dma_start3A_55 = arith.constant 0 : i32
      %dma_start3A_56 = tpu.memref_slice %arg9[%dma_start3A_54, %dma_start3A_55] : memref<10240x16xf32, #tpu.memory_space<vmem_shared>> -> memref<10240x16xf32, #tpu.memory_space<vmem_shared>>
      tpu.enqueue_indirect_dma source(%arg7 : memref<128x16xf32, #tpu.memory_space<vmem>>) target(%dma_start3A_56 : memref<10240x16xf32, #tpu.memory_space<vmem_shared>>) offsets(%dma_start3A_53 : memref<128xi32, #tpu.memory_space<vmem>>) semaphore(%arg10 : memref<!tpu.dma_semaphore, #tpu.memory_space<semaphore_mem>>) {add = true}
      %mul3A_57 = arith.constant 8 : i32
      %mul3A_58 = arith.muli %scan3A_47, %mul3A_57 : i32
      %add3A_59 = arith.constant 1 : i32
      %add3A_60 = arith.addi %mul3A_58, %add3A_59 : i32
      %dma_start3A_61 = arith.constant 0 : i32
      %dma_start3A_62 = tpu.memref_slice %arg6[%add3A_60, %dma_start3A_61] : memref<80x128xi32, #tpu.memory_space<vmem>> -> memref<1x128xi32, #tpu.memory_space<vmem>>
      %dma_start3A_63 = tpu.memref_squeeze %dma_start3A_62 : memref<1x128xi32, #tpu.memory_space<vmem>> -> memref<128xi32, #tpu.memory_space<vmem>>
      %dma_start3A_64 = arith.constant 0 : i32
      %dma_start3A_65 = arith.constant 0 : i32
      %dma_start3A_66 = tpu.memref_slice %arg9[%dma_start3A_64, %dma_start3A_65] : memref<10240x16xf32, #tpu.memory_space<vmem_shared>> -> memref<10240x16xf32, #tpu.memory_space<vmem_shared>>
      tpu.enqueue_indirect_dma source(%arg7 : memref<128x16xf32, #tpu.memory_space<vmem>>) target(%dma_start3A_66 : memref<10240x16xf32, #tpu.memory_space<vmem_shared>>) offsets(%dma_start3A_63 : memref<128xi32, #tpu.memory_space<vmem>>) semaphore(%arg10 : memref<!tpu.dma_semaphore, #tpu.memory_space<semaphore_mem>>) {add = true}
      %mul3A_67 = arith.constant 8 : i32
      %mul3A_68 = arith.muli %scan3A_47, %mul3A_67 : i32
      %add3A_69 = arith.constant 2 : i32
      %add3A_70 = arith.addi %mul3A_68, %add3A_69 : i32
      %dma_start3A_71 = arith.constant 0 : i32
      %dma_start3A_72 = tpu.memref_slice %arg6[%add3A_70, %dma_start3A_71] : memref<80x128xi32, #tpu.memory_space<vmem>> -> memref<1x128xi32, #tpu.memory_space<vmem>>
      %dma_start3A_73 = tpu.memref_squeeze %dma_start3A_72 : memref<1x128xi32, #tpu.memory_space<vmem>> -> memref<128xi32, #tpu.memory_space<vmem>>
      %dma_start3A_74 = arith.constant 0 : i32
      %dma_start3A_75 = arith.constant 0 : i32
      %dma_start3A_76 = tpu.memref_slice %arg9[%dma_start3A_74, %dma_start3A_75] : memref<10240x16xf32, #tpu.memory_space<vmem_shared>> -> memref<10240x16xf32, #tpu.memory_space<vmem_shared>>
      tpu.enqueue_indirect_dma source(%arg7 : memref<128x16xf32, #tpu.memory_space<vmem>>) target(%dma_start3A_76 : memref<10240x16xf32, #tpu.memory_space<vmem_shared>>) offsets(%dma_start3A_73 : memref<128xi32, #tpu.memory_space<vmem>>) semaphore(%arg10 : memref<!tpu.dma_semaphore, #tpu.memory_space<semaphore_mem>>) {add = true}
      %mul3A_77 = arith.constant 8 : i32
      %mul3A_78 = arith.muli %scan3A_47, %mul3A_77 : i32
      %add3A_79 = arith.constant 3 : i32
      %add3A_80 = arith.addi %mul3A_78, %add3A_79 : i32
      %dma_start3A_81 = arith.constant 0 : i32
      %dma_start3A_82 = tpu.memref_slice %arg6[%add3A_80, %dma_start3A_81] : memref<80x128xi32, #tpu.memory_space<vmem>> -> memref<1x128xi32, #tpu.memory_space<vmem>>
      %dma_start3A_83 = tpu.memref_squeeze %dma_start3A_82 : memref<1x128xi32, #tpu.memory_space<vmem>> -> memref<128xi32, #tpu.memory_space<vmem>>
      %dma_start3A_84 = arith.constant 0 : i32
      %dma_start3A_85 = arith.constant 0 : i32
      %dma_start3A_86 = tpu.memref_slice %arg9[%dma_start3A_84, %dma_start3A_85] : memref<10240x16xf32, #tpu.memory_space<vmem_shared>> -> memref<10240x16xf32, #tpu.memory_space<vmem_shared>>
      tpu.enqueue_indirect_dma source(%arg7 : memref<128x16xf32, #tpu.memory_space<vmem>>) target(%dma_start3A_86 : memref<10240x16xf32, #tpu.memory_space<vmem_shared>>) offsets(%dma_start3A_83 : memref<128xi32, #tpu.memory_space<vmem>>) semaphore(%arg10 : memref<!tpu.dma_semaphore, #tpu.memory_space<semaphore_mem>>) {add = true}
      %mul3A_87 = arith.constant 8 : i32
      %mul3A_88 = arith.muli %scan3A_47, %mul3A_87 : i32
      %add3A_89 = arith.constant 4 : i32
      %add3A_90 = arith.addi %mul3A_88, %add3A_89 : i32
      %dma_start3A_91 = arith.constant 0 : i32
      %dma_start3A_92 = tpu.memref_slice %arg6[%add3A_90, %dma_start3A_91] : memref<80x128xi32, #tpu.memory_space<vmem>> -> memref<1x128xi32, #tpu.memory_space<vmem>>
      %dma_start3A_93 = tpu.memref_squeeze %dma_start3A_92 : memref<1x128xi32, #tpu.memory_space<vmem>> -> memref<128xi32, #tpu.memory_space<vmem>>
      %dma_start3A_94 = arith.constant 0 : i32
      %dma_start3A_95 = arith.constant 0 : i32
      %dma_start3A_96 = tpu.memref_slice %arg9[%dma_start3A_94, %dma_start3A_95] : memref<10240x16xf32, #tpu.memory_space<vmem_shared>> -> memref<10240x16xf32, #tpu.memory_space<vmem_shared>>
      tpu.enqueue_indirect_dma source(%arg7 : memref<128x16xf32, #tpu.memory_space<vmem>>) target(%dma_start3A_96 : memref<10240x16xf32, #tpu.memory_space<vmem_shared>>) offsets(%dma_start3A_93 : memref<128xi32, #tpu.memory_space<vmem>>) semaphore(%arg10 : memref<!tpu.dma_semaphore, #tpu.memory_space<semaphore_mem>>) {add = true}
      %mul3A_97 = arith.constant 8 : i32
      %mul3A_98 = arith.muli %scan3A_47, %mul3A_97 : i32
      %add3A_99 = arith.constant 5 : i32
      %add3A_100 = arith.addi %mul3A_98, %add3A_99 : i32
      %dma_start3A_101 = arith.constant 0 : i32
      %dma_start3A_102 = tpu.memref_slice %arg6[%add3A_100, %dma_start3A_101] : memref<80x128xi32, #tpu.memory_space<vmem>> -> memref<1x128xi32, #tpu.memory_space<vmem>>
      %dma_start3A_103 = tpu.memref_squeeze %dma_start3A_102 : memref<1x128xi32, #tpu.memory_space<vmem>> -> memref<128xi32, #tpu.memory_space<vmem>>
      %dma_start3A_104 = arith.constant 0 : i32
      %dma_start3A_105 = arith.constant 0 : i32
      %dma_start3A_106 = tpu.memref_slice %arg9[%dma_start3A_104, %dma_start3A_105] : memref<10240x16xf32, #tpu.memory_space<vmem_shared>> -> memref<10240x16xf32, #tpu.memory_space<vmem_shared>>
      tpu.enqueue_indirect_dma source(%arg7 : memref<128x16xf32, #tpu.memory_space<vmem>>) target(%dma_start3A_106 : memref<10240x16xf32, #tpu.memory_space<vmem_shared>>) offsets(%dma_start3A_103 : memref<128xi32, #tpu.memory_space<vmem>>) semaphore(%arg10 : memref<!tpu.dma_semaphore, #tpu.memory_space<semaphore_mem>>) {add = true}
      %mul3A_107 = arith.constant 8 : i32
      %mul3A_108 = arith.muli %scan3A_47, %mul3A_107 : i32
      %add3A_109 = arith.constant 6 : i32
      %add3A_110 = arith.addi %mul3A_108, %add3A_109 : i32
      %dma_start3A_111 = arith.constant 0 : i32
      %dma_start3A_112 = tpu.memref_slice %arg6[%add3A_110, %dma_start3A_111] : memref<80x128xi32, #tpu.memory_space<vmem>> -> memref<1x128xi32, #tpu.memory_space<vmem>>
      %dma_start3A_113 = tpu.memref_squeeze %dma_start3A_112 : memref<1x128xi32, #tpu.memory_space<vmem>> -> memref<128xi32, #tpu.memory_space<vmem>>
      %dma_start3A_114 = arith.constant 0 : i32
      %dma_start3A_115 = arith.constant 0 : i32
      %dma_start3A_116 = tpu.memref_slice %arg9[%dma_start3A_114, %dma_start3A_115] : memref<10240x16xf32, #tpu.memory_space<vmem_shared>> -> memref<10240x16xf32, #tpu.memory_space<vmem_shared>>
      tpu.enqueue_indirect_dma source(%arg7 : memref<128x16xf32, #tpu.memory_space<vmem>>) target(%dma_start3A_116 : memref<10240x16xf32, #tpu.memory_space<vmem_shared>>) offsets(%dma_start3A_113 : memref<128xi32, #tpu.memory_space<vmem>>) semaphore(%arg10 : memref<!tpu.dma_semaphore, #tpu.memory_space<semaphore_mem>>) {add = true}
      %mul3A_117 = arith.constant 8 : i32
      %mul3A_118 = arith.muli %scan3A_47, %mul3A_117 : i32
      %add3A_119 = arith.constant 7 : i32
      %add3A_120 = arith.addi %mul3A_118, %add3A_119 : i32
      %dma_start3A_121 = arith.constant 0 : i32
      %dma_start3A_122 = tpu.memref_slice %arg6[%add3A_120, %dma_start3A_121] : memref<80x128xi32, #tpu.memory_space<vmem>> -> memref<1x128xi32, #tpu.memory_space<vmem>>
      %dma_start3A_123 = tpu.memref_squeeze %dma_start3A_122 : memref<1x128xi32, #tpu.memory_space<vmem>> -> memref<128xi32, #tpu.memory_space<vmem>>
      %dma_start3A_124 = arith.constant 0 : i32
      %dma_start3A_125 = arith.constant 0 : i32
      %dma_start3A_126 = tpu.memref_slice %arg9[%dma_start3A_124, %dma_start3A_125] : memref<10240x16xf32, #tpu.memory_space<vmem_shared>> -> memref<10240x16xf32, #tpu.memory_space<vmem_shared>>
      tpu.enqueue_indirect_dma source(%arg7 : memref<128x16xf32, #tpu.memory_space<vmem>>) target(%dma_start3A_126 : memref<10240x16xf32, #tpu.memory_space<vmem_shared>>) offsets(%dma_start3A_123 : memref<128xi32, #tpu.memory_space<vmem>>) semaphore(%arg10 : memref<!tpu.dma_semaphore, #tpu.memory_space<semaphore_mem>>) {add = true}
      %dma_wait3A = arith.constant 0 : i32
      %dma_wait3A_127 = tpu.memref_slice %arg6[%add3A_51, %dma_wait3A] : memref<80x128xi32, #tpu.memory_space<vmem>> -> memref<1x128xi32, #tpu.memory_space<vmem>>
      %dma_wait3A_128 = tpu.memref_squeeze %dma_wait3A_127 : memref<1x128xi32, #tpu.memory_space<vmem>> -> memref<128xi32, #tpu.memory_space<vmem>>
      %dma_wait3A_129 = arith.constant 0 : i32
      %dma_wait3A_130 = arith.constant 0 : i32
      %dma_wait3A_131 = tpu.memref_slice %arg9[%dma_wait3A_129, %dma_wait3A_130] : memref<10240x16xf32, #tpu.memory_space<vmem_shared>> -> memref<10240x16xf32, #tpu.memory_space<vmem_shared>>
      tpu.wait_indirect_dma semaphore(%arg10 : memref<!tpu.dma_semaphore, #tpu.memory_space<semaphore_mem>>) src(%arg7 : memref<128x16xf32, #tpu.memory_space<vmem>>) dst(%dma_wait3A_131 : memref<10240x16xf32, #tpu.memory_space<vmem_shared>>)
      %dma_wait3A_132 = arith.constant 0 : i32
      %dma_wait3A_133 = tpu.memref_slice %arg6[%add3A_60, %dma_wait3A_132] : memref<80x128xi32, #tpu.memory_space<vmem>> -> memref<1x128xi32, #tpu.memory_space<vmem>>
      %dma_wait3A_134 = tpu.memref_squeeze %dma_wait3A_133 : memref<1x128xi32, #tpu.memory_space<vmem>> -> memref<128xi32, #tpu.memory_space<vmem>>
      %dma_wait3A_135 = arith.constant 0 : i32
      %dma_wait3A_136 = arith.constant 0 : i32
      %dma_wait3A_137 = tpu.memref_slice %arg9[%dma_wait3A_135, %dma_wait3A_136] : memref<10240x16xf32, #tpu.memory_space<vmem_shared>> -> memref<10240x16xf32, #tpu.memory_space<vmem_shared>>
      tpu.wait_indirect_dma semaphore(%arg10 : memref<!tpu.dma_semaphore, #tpu.memory_space<semaphore_mem>>) src(%arg7 : memref<128x16xf32, #tpu.memory_space<vmem>>) dst(%dma_wait3A_137 : memref<10240x16xf32, #tpu.memory_space<vmem_shared>>)
      %dma_wait3A_138 = arith.constant 0 : i32
      %dma_wait3A_139 = tpu.memref_slice %arg6[%add3A_70, %dma_wait3A_138] : memref<80x128xi32, #tpu.memory_space<vmem>> -> memref<1x128xi32, #tpu.memory_space<vmem>>
      %dma_wait3A_140 = tpu.memref_squeeze %dma_wait3A_139 : memref<1x128xi32, #tpu.memory_space<vmem>> -> memref<128xi32, #tpu.memory_space<vmem>>
      %dma_wait3A_141 = arith.constant 0 : i32
      %dma_wait3A_142 = arith.constant 0 : i32
      %dma_wait3A_143 = tpu.memref_slice %arg9[%dma_wait3A_141, %dma_wait3A_142] : memref<10240x16xf32, #tpu.memory_space<vmem_shared>> -> memref<10240x16xf32, #tpu.memory_space<vmem_shared>>
      tpu.wait_indirect_dma semaphore(%arg10 : memref<!tpu.dma_semaphore, #tpu.memory_space<semaphore_mem>>) src(%arg7 : memref<128x16xf32, #tpu.memory_space<vmem>>) dst(%dma_wait3A_143 : memref<10240x16xf32, #tpu.memory_space<vmem_shared>>)
      %dma_wait3A_144 = arith.constant 0 : i32
      %dma_wait3A_145 = tpu.memref_slice %arg6[%add3A_80, %dma_wait3A_144] : memref<80x128xi32, #tpu.memory_space<vmem>> -> memref<1x128xi32, #tpu.memory_space<vmem>>
      %dma_wait3A_146 = tpu.memref_squeeze %dma_wait3A_145 : memref<1x128xi32, #tpu.memory_space<vmem>> -> memref<128xi32, #tpu.memory_space<vmem>>
      %dma_wait3A_147 = arith.constant 0 : i32
      %dma_wait3A_148 = arith.constant 0 : i32
      %dma_wait3A_149 = tpu.memref_slice %arg9[%dma_wait3A_147, %dma_wait3A_148] : memref<10240x16xf32, #tpu.memory_space<vmem_shared>> -> memref<10240x16xf32, #tpu.memory_space<vmem_shared>>
      tpu.wait_indirect_dma semaphore(%arg10 : memref<!tpu.dma_semaphore, #tpu.memory_space<semaphore_mem>>) src(%arg7 : memref<128x16xf32, #tpu.memory_space<vmem>>) dst(%dma_wait3A_149 : memref<10240x16xf32, #tpu.memory_space<vmem_shared>>)
      %dma_wait3A_150 = arith.constant 0 : i32
      %dma_wait3A_151 = tpu.memref_slice %arg6[%add3A_90, %dma_wait3A_150] : memref<80x128xi32, #tpu.memory_space<vmem>> -> memref<1x128xi32, #tpu.memory_space<vmem>>
      %dma_wait3A_152 = tpu.memref_squeeze %dma_wait3A_151 : memref<1x128xi32, #tpu.memory_space<vmem>> -> memref<128xi32, #tpu.memory_space<vmem>>
      %dma_wait3A_153 = arith.constant 0 : i32
      %dma_wait3A_154 = arith.constant 0 : i32
      %dma_wait3A_155 = tpu.memref_slice %arg9[%dma_wait3A_153, %dma_wait3A_154] : memref<10240x16xf32, #tpu.memory_space<vmem_shared>> -> memref<10240x16xf32, #tpu.memory_space<vmem_shared>>
      tpu.wait_indirect_dma semaphore(%arg10 : memref<!tpu.dma_semaphore, #tpu.memory_space<semaphore_mem>>) src(%arg7 : memref<128x16xf32, #tpu.memory_space<vmem>>) dst(%dma_wait3A_155 : memref<10240x16xf32, #tpu.memory_space<vmem_shared>>)
      %dma_wait3A_156 = arith.constant 0 : i32
      %dma_wait3A_157 = tpu.memref_slice %arg6[%add3A_100, %dma_wait3A_156] : memref<80x128xi32, #tpu.memory_space<vmem>> -> memref<1x128xi32, #tpu.memory_space<vmem>>
      %dma_wait3A_158 = tpu.memref_squeeze %dma_wait3A_157 : memref<1x128xi32, #tpu.memory_space<vmem>> -> memref<128xi32, #tpu.memory_space<vmem>>
      %dma_wait3A_159 = arith.constant 0 : i32
      %dma_wait3A_160 = arith.constant 0 : i32
      %dma_wait3A_161 = tpu.memref_slice %arg9[%dma_wait3A_159, %dma_wait3A_160] : memref<10240x16xf32, #tpu.memory_space<vmem_shared>> -> memref<10240x16xf32, #tpu.memory_space<vmem_shared>>
      tpu.wait_indirect_dma semaphore(%arg10 : memref<!tpu.dma_semaphore, #tpu.memory_space<semaphore_mem>>) src(%arg7 : memref<128x16xf32, #tpu.memory_space<vmem>>) dst(%dma_wait3A_161 : memref<10240x16xf32, #tpu.memory_space<vmem_shared>>)
      %dma_wait3A_162 = arith.constant 0 : i32
      %dma_wait3A_163 = tpu.memref_slice %arg6[%add3A_110, %dma_wait3A_162] : memref<80x128xi32, #tpu.memory_space<vmem>> -> memref<1x128xi32, #tpu.memory_space<vmem>>
      %dma_wait3A_164 = tpu.memref_squeeze %dma_wait3A_163 : memref<1x128xi32, #tpu.memory_space<vmem>> -> memref<128xi32, #tpu.memory_space<vmem>>
      %dma_wait3A_165 = arith.constant 0 : i32
      %dma_wait3A_166 = arith.constant 0 : i32
      %dma_wait3A_167 = tpu.memref_slice %arg9[%dma_wait3A_165, %dma_wait3A_166] : memref<10240x16xf32, #tpu.memory_space<vmem_shared>> -> memref<10240x16xf32, #tpu.memory_space<vmem_shared>>
      tpu.wait_indirect_dma semaphore(%arg10 : memref<!tpu.dma_semaphore, #tpu.memory_space<semaphore_mem>>) src(%arg7 : memref<128x16xf32, #tpu.memory_space<vmem>>) dst(%dma_wait3A_167 : memref<10240x16xf32, #tpu.memory_space<vmem_shared>>)
      %dma_wait3A_168 = arith.constant 0 : i32
      %dma_wait3A_169 = tpu.memref_slice %arg6[%add3A_120, %dma_wait3A_168] : memref<80x128xi32, #tpu.memory_space<vmem>> -> memref<1x128xi32, #tpu.memory_space<vmem>>
      %dma_wait3A_170 = tpu.memref_squeeze %dma_wait3A_169 : memref<1x128xi32, #tpu.memory_space<vmem>> -> memref<128xi32, #tpu.memory_space<vmem>>
      %dma_wait3A_171 = arith.constant 0 : i32
      %dma_wait3A_172 = arith.constant 0 : i32
      %dma_wait3A_173 = tpu.memref_slice %arg9[%dma_wait3A_171, %dma_wait3A_172] : memref<10240x16xf32, #tpu.memory_space<vmem_shared>> -> memref<10240x16xf32, #tpu.memory_space<vmem_shared>>
      tpu.wait_indirect_dma semaphore(%arg10 : memref<!tpu.dma_semaphore, #tpu.memory_space<semaphore_mem>>) src(%arg7 : memref<128x16xf32, #tpu.memory_space<vmem>>) dst(%dma_wait3A_173 : memref<10240x16xf32, #tpu.memory_space<vmem_shared>>)
    }
    %scan3A_25 = arith.constant 10 : i32
    %barrier3A_26 = arith.constant 0 : index
    tpu.barrier barrier_id(%barrier3A_26)
    %mul3A_27 = arith.constant 640 : i32
    %mul3A_28 = arith.muli %arg1, %mul3A_27 : i32
    %add3A_29 = arith.constant 0 : i32
    %add3A_30 = arith.addi %mul3A_28, %add3A_29 : i32
    "tpu.region"() ({
      %run_scoped3A = tpu.sem_alloc : memref<!tpu.dma_semaphore, #tpu.memory_space<semaphore_mem>>
      %dma_start3A = arith.constant 0 : i32
      %dma_start3A_47 = tpu.memref_slice %arg9[%add3A_30, %dma_start3A] : memref<10240x16xf32, #tpu.memory_space<vmem_shared>> -> memref<128x16xf32, #tpu.memory_space<vmem_shared>>
      %dma_start3A_48 = arith.constant 0 : i32
      %dma_start3A_49 = tpu.memref_slice %arg9[%add3A_30, %dma_start3A_48] : memref<10240x16xf32, #tpu.memory_space<vmem_shared>> -> memref<128x16xf32, #tpu.memory_space<vmem_shared>>
      tpu.enqueue_dma source(%dma_start3A_49 : memref<128x16xf32, #tpu.memory_space<vmem_shared>>) target(%arg8 : memref<128x16xf32, #tpu.memory_space<vmem>>) target_semaphore(%run_scoped3A : memref<!tpu.dma_semaphore, #tpu.memory_space<semaphore_mem>>)
      %dma_wait3A = arith.constant 0 : i32
      %dma_wait3A_50 = tpu.memref_slice %arg9[%add3A_30, %dma_wait3A] : memref<10240x16xf32, #tpu.memory_space<vmem_shared>> -> memref<128x16xf32, #tpu.memory_space<vmem_shared>>
      %dma_wait3A_51 = arith.constant 0 : i32
      %dma_wait3A_52 = tpu.memref_slice %arg9[%add3A_30, %dma_wait3A_51] : memref<10240x16xf32, #tpu.memory_space<vmem_shared>> -> memref<128x16xf32, #tpu.memory_space<vmem_shared>>
      tpu.wait_dma2 semaphore(%run_scoped3A : memref<!tpu.dma_semaphore, #tpu.memory_space<semaphore_mem>>) src(%dma_wait3A_52 : memref<128x16xf32, #tpu.memory_space<vmem_shared>>) dst(%arg8 : memref<128x16xf32, #tpu.memory_space<vmem>>)
      tpu.yield
    }) : () -> ()
    "tpu.region"() ({
      %run_scoped3A = tpu.sem_alloc : memref<!tpu.dma_semaphore, #tpu.memory_space<semaphore_mem>>
      %dma_start3A = arith.constant 0 : i32
      %dma_start3A_47 = tpu.memref_slice %arg5[%arg0, %add3A_30, %dma_start3A] : memref<2x10240x16xf32, #tpu.memory_space<hbm>> -> memref<1x128x16xf32, #tpu.memory_space<hbm>>
      %dma_start3A_48 = tpu.memref_squeeze %dma_start3A_47 : memref<1x128x16xf32, #tpu.memory_space<hbm>> -> memref<128x16xf32, #tpu.memory_space<hbm>>
      %dma_start3A_49 = arith.constant 0 : i32
      %dma_start3A_50 = tpu.memref_slice %arg5[%arg0, %add3A_30, %dma_start3A_49] : memref<2x10240x16xf32, #tpu.memory_space<hbm>> -> memref<1x128x16xf32, #tpu.memory_space<hbm>>
      %dma_start3A_51 = tpu.memref_squeeze %dma_start3A_50 : memref<1x128x16xf32, #tpu.memory_space<hbm>> -> memref<128x16xf32, #tpu.memory_space<hbm>>
      tpu.enqueue_dma source(%arg8 : memref<128x16xf32, #tpu.memory_space<vmem>>) target(%dma_start3A_51 : memref<128x16xf32, #tpu.memory_space<hbm>>) target_semaphore(%run_scoped3A : memref<!tpu.dma_semaphore, #tpu.memory_space<semaphore_mem>>)
      %dma_wait3A = arith.constant 0 : i32
      %dma_wait3A_52 = tpu.memref_slice %arg5[%arg0, %add3A_30, %dma_wait3A] : memref<2x10240x16xf32, #tpu.memory_space<hbm>> -> memref<1x128x16xf32, #tpu.memory_space<hbm>>
      %dma_wait3A_53 = tpu.memref_squeeze %dma_wait3A_52 : memref<1x128x16xf32, #tpu.memory_space<hbm>> -> memref<128x16xf32, #tpu.memory_space<hbm>>
      %dma_wait3A_54 = arith.constant 0 : i32
      %dma_wait3A_55 = tpu.memref_slice %arg5[%arg0, %add3A_30, %dma_wait3A_54] : memref<2x10240x16xf32, #tpu.memory_space<hbm>> -> memref<1x128x16xf32, #tpu.memory_space<hbm>>
      %dma_wait3A_56 = tpu.memref_squeeze %dma_wait3A_55 : memref<1x128x16xf32, #tpu.memory_space<hbm>> -> memref<128x16xf32, #tpu.memory_space<hbm>>
      tpu.wait_dma2 semaphore(%run_scoped3A : memref<!tpu.dma_semaphore, #tpu.memory_space<semaphore_mem>>) src(%arg8 : memref<128x16xf32, #tpu.memory_space<vmem>>) dst(%dma_wait3A_56 : memref<128x16xf32, #tpu.memory_space<hbm>>)
      tpu.yield
    }) : () -> ()
    %mul3A_31 = arith.constant 640 : i32
    %mul3A_32 = arith.muli %arg1, %mul3A_31 : i32
    %add3A_33 = arith.constant 128 : i32
    %add3A_34 = arith.addi %mul3A_32, %add3A_33 : i32
    "tpu.region"() ({
      %run_scoped3A = tpu.sem_alloc : memref<!tpu.dma_semaphore, #tpu.memory_space<semaphore_mem>>
      %dma_start3A = arith.constant 0 : i32
      %dma_start3A_47 = tpu.memref_slice %arg9[%add3A_34, %dma_start3A] : memref<10240x16xf32, #tpu.memory_space<vmem_shared>> -> memref<128x16xf32, #tpu.memory_space<vmem_shared>>
      %dma_start3A_48 = arith.constant 0 : i32
      %dma_start3A_49 = tpu.memref_slice %arg9[%add3A_34, %dma_start3A_48] : memref<10240x16xf32, #tpu.memory_space<vmem_shared>> -> memref<128x16xf32, #tpu.memory_space<vmem_shared>>
      tpu.enqueue_dma source(%dma_start3A_49 : memref<128x16xf32, #tpu.memory_space<vmem_shared>>) target(%arg8 : memref<128x16xf32, #tpu.memory_space<vmem>>) target_semaphore(%run_scoped3A : memref<!tpu.dma_semaphore, #tpu.memory_space<semaphore_mem>>)
      %dma_wait3A = arith.constant 0 : i32
      %dma_wait3A_50 = tpu.memref_slice %arg9[%add3A_34, %dma_wait3A] : memref<10240x16xf32, #tpu.memory_space<vmem_shared>> -> memref<128x16xf32, #tpu.memory_space<vmem_shared>>
      %dma_wait3A_51 = arith.constant 0 : i32
      %dma_wait3A_52 = tpu.memref_slice %arg9[%add3A_34, %dma_wait3A_51] : memref<10240x16xf32, #tpu.memory_space<vmem_shared>> -> memref<128x16xf32, #tpu.memory_space<vmem_shared>>
      tpu.wait_dma2 semaphore(%run_scoped3A : memref<!tpu.dma_semaphore, #tpu.memory_space<semaphore_mem>>) src(%dma_wait3A_52 : memref<128x16xf32, #tpu.memory_space<vmem_shared>>) dst(%arg8 : memref<128x16xf32, #tpu.memory_space<vmem>>)
      tpu.yield
    }) : () -> ()
    "tpu.region"() ({
      %run_scoped3A = tpu.sem_alloc : memref<!tpu.dma_semaphore, #tpu.memory_space<semaphore_mem>>
      %dma_start3A = arith.constant 0 : i32
      %dma_start3A_47 = tpu.memref_slice %arg5[%arg0, %add3A_34, %dma_start3A] : memref<2x10240x16xf32, #tpu.memory_space<hbm>> -> memref<1x128x16xf32, #tpu.memory_space<hbm>>
      %dma_start3A_48 = tpu.memref_squeeze %dma_start3A_47 : memref<1x128x16xf32, #tpu.memory_space<hbm>> -> memref<128x16xf32, #tpu.memory_space<hbm>>
      %dma_start3A_49 = arith.constant 0 : i32
      %dma_start3A_50 = tpu.memref_slice %arg5[%arg0, %add3A_34, %dma_start3A_49] : memref<2x10240x16xf32, #tpu.memory_space<hbm>> -> memref<1x128x16xf32, #tpu.memory_space<hbm>>
      %dma_start3A_51 = tpu.memref_squeeze %dma_start3A_50 : memref<1x128x16xf32, #tpu.memory_space<hbm>> -> memref<128x16xf32, #tpu.memory_space<hbm>>
      tpu.enqueue_dma source(%arg8 : memref<128x16xf32, #tpu.memory_space<vmem>>) target(%dma_start3A_51 : memref<128x16xf32, #tpu.memory_space<hbm>>) target_semaphore(%run_scoped3A : memref<!tpu.dma_semaphore, #tpu.memory_space<semaphore_mem>>)
      %dma_wait3A = arith.constant 0 : i32
      %dma_wait3A_52 = tpu.memref_slice %arg5[%arg0, %add3A_34, %dma_wait3A] : memref<2x10240x16xf32, #tpu.memory_space<hbm>> -> memref<1x128x16xf32, #tpu.memory_space<hbm>>
      %dma_wait3A_53 = tpu.memref_squeeze %dma_wait3A_52 : memref<1x128x16xf32, #tpu.memory_space<hbm>> -> memref<128x16xf32, #tpu.memory_space<hbm>>
      %dma_wait3A_54 = arith.constant 0 : i32
      %dma_wait3A_55 = tpu.memref_slice %arg5[%arg0, %add3A_34, %dma_wait3A_54] : memref<2x10240x16xf32, #tpu.memory_space<hbm>> -> memref<1x128x16xf32, #tpu.memory_space<hbm>>
      %dma_wait3A_56 = tpu.memref_squeeze %dma_wait3A_55 : memref<1x128x16xf32, #tpu.memory_space<hbm>> -> memref<128x16xf32, #tpu.memory_space<hbm>>
      tpu.wait_dma2 semaphore(%run_scoped3A : memref<!tpu.dma_semaphore, #tpu.memory_space<semaphore_mem>>) src(%arg8 : memref<128x16xf32, #tpu.memory_space<vmem>>) dst(%dma_wait3A_56 : memref<128x16xf32, #tpu.memory_space<hbm>>)
      tpu.yield
    }) : () -> ()
    %mul3A_35 = arith.constant 640 : i32
    %mul3A_36 = arith.muli %arg1, %mul3A_35 : i32
    %add3A_37 = arith.constant 256 : i32
    %add3A_38 = arith.addi %mul3A_36, %add3A_37 : i32
    "tpu.region"() ({
      %run_scoped3A = tpu.sem_alloc : memref<!tpu.dma_semaphore, #tpu.memory_space<semaphore_mem>>
      %dma_start3A = arith.constant 0 : i32
      %dma_start3A_47 = tpu.memref_slice %arg9[%add3A_38, %dma_start3A] : memref<10240x16xf32, #tpu.memory_space<vmem_shared>> -> memref<128x16xf32, #tpu.memory_space<vmem_shared>>
      %dma_start3A_48 = arith.constant 0 : i32
      %dma_start3A_49 = tpu.memref_slice %arg9[%add3A_38, %dma_start3A_48] : memref<10240x16xf32, #tpu.memory_space<vmem_shared>> -> memref<128x16xf32, #tpu.memory_space<vmem_shared>>
      tpu.enqueue_dma source(%dma_start3A_49 : memref<128x16xf32, #tpu.memory_space<vmem_shared>>) target(%arg8 : memref<128x16xf32, #tpu.memory_space<vmem>>) target_semaphore(%run_scoped3A : memref<!tpu.dma_semaphore, #tpu.memory_space<semaphore_mem>>)
      %dma_wait3A = arith.constant 0 : i32
      %dma_wait3A_50 = tpu.memref_slice %arg9[%add3A_38, %dma_wait3A] : memref<10240x16xf32, #tpu.memory_space<vmem_shared>> -> memref<128x16xf32, #tpu.memory_space<vmem_shared>>
      %dma_wait3A_51 = arith.constant 0 : i32
      %dma_wait3A_52 = tpu.memref_slice %arg9[%add3A_38, %dma_wait3A_51] : memref<10240x16xf32, #tpu.memory_space<vmem_shared>> -> memref<128x16xf32, #tpu.memory_space<vmem_shared>>
      tpu.wait_dma2 semaphore(%run_scoped3A : memref<!tpu.dma_semaphore, #tpu.memory_space<semaphore_mem>>) src(%dma_wait3A_52 : memref<128x16xf32, #tpu.memory_space<vmem_shared>>) dst(%arg8 : memref<128x16xf32, #tpu.memory_space<vmem>>)
      tpu.yield
    }) : () -> ()
    "tpu.region"() ({
      %run_scoped3A = tpu.sem_alloc : memref<!tpu.dma_semaphore, #tpu.memory_space<semaphore_mem>>
      %dma_start3A = arith.constant 0 : i32
      %dma_start3A_47 = tpu.memref_slice %arg5[%arg0, %add3A_38, %dma_start3A] : memref<2x10240x16xf32, #tpu.memory_space<hbm>> -> memref<1x128x16xf32, #tpu.memory_space<hbm>>
      %dma_start3A_48 = tpu.memref_squeeze %dma_start3A_47 : memref<1x128x16xf32, #tpu.memory_space<hbm>> -> memref<128x16xf32, #tpu.memory_space<hbm>>
      %dma_start3A_49 = arith.constant 0 : i32
      %dma_start3A_50 = tpu.memref_slice %arg5[%arg0, %add3A_38, %dma_start3A_49] : memref<2x10240x16xf32, #tpu.memory_space<hbm>> -> memref<1x128x16xf32, #tpu.memory_space<hbm>>
      %dma_start3A_51 = tpu.memref_squeeze %dma_start3A_50 : memref<1x128x16xf32, #tpu.memory_space<hbm>> -> memref<128x16xf32, #tpu.memory_space<hbm>>
      tpu.enqueue_dma source(%arg8 : memref<128x16xf32, #tpu.memory_space<vmem>>) target(%dma_start3A_51 : memref<128x16xf32, #tpu.memory_space<hbm>>) target_semaphore(%run_scoped3A : memref<!tpu.dma_semaphore, #tpu.memory_space<semaphore_mem>>)
      %dma_wait3A = arith.constant 0 : i32
      %dma_wait3A_52 = tpu.memref_slice %arg5[%arg0, %add3A_38, %dma_wait3A] : memref<2x10240x16xf32, #tpu.memory_space<hbm>> -> memref<1x128x16xf32, #tpu.memory_space<hbm>>
      %dma_wait3A_53 = tpu.memref_squeeze %dma_wait3A_52 : memref<1x128x16xf32, #tpu.memory_space<hbm>> -> memref<128x16xf32, #tpu.memory_space<hbm>>
      %dma_wait3A_54 = arith.constant 0 : i32
      %dma_wait3A_55 = tpu.memref_slice %arg5[%arg0, %add3A_38, %dma_wait3A_54] : memref<2x10240x16xf32, #tpu.memory_space<hbm>> -> memref<1x128x16xf32, #tpu.memory_space<hbm>>
      %dma_wait3A_56 = tpu.memref_squeeze %dma_wait3A_55 : memref<1x128x16xf32, #tpu.memory_space<hbm>> -> memref<128x16xf32, #tpu.memory_space<hbm>>
      tpu.wait_dma2 semaphore(%run_scoped3A : memref<!tpu.dma_semaphore, #tpu.memory_space<semaphore_mem>>) src(%arg8 : memref<128x16xf32, #tpu.memory_space<vmem>>) dst(%dma_wait3A_56 : memref<128x16xf32, #tpu.memory_space<hbm>>)
      tpu.yield
    }) : () -> ()
    %mul3A_39 = arith.constant 640 : i32
    %mul3A_40 = arith.muli %arg1, %mul3A_39 : i32
    %add3A_41 = arith.constant 384 : i32
    %add3A_42 = arith.addi %mul3A_40, %add3A_41 : i32
    "tpu.region"() ({
      %run_scoped3A = tpu.sem_alloc : memref<!tpu.dma_semaphore, #tpu.memory_space<semaphore_mem>>
      %dma_start3A = arith.constant 0 : i32
      %dma_start3A_47 = tpu.memref_slice %arg9[%add3A_42, %dma_start3A] : memref<10240x16xf32, #tpu.memory_space<vmem_shared>> -> memref<128x16xf32, #tpu.memory_space<vmem_shared>>
      %dma_start3A_48 = arith.constant 0 : i32
      %dma_start3A_49 = tpu.memref_slice %arg9[%add3A_42, %dma_start3A_48] : memref<10240x16xf32, #tpu.memory_space<vmem_shared>> -> memref<128x16xf32, #tpu.memory_space<vmem_shared>>
      tpu.enqueue_dma source(%dma_start3A_49 : memref<128x16xf32, #tpu.memory_space<vmem_shared>>) target(%arg8 : memref<128x16xf32, #tpu.memory_space<vmem>>) target_semaphore(%run_scoped3A : memref<!tpu.dma_semaphore, #tpu.memory_space<semaphore_mem>>)
      %dma_wait3A = arith.constant 0 : i32
      %dma_wait3A_50 = tpu.memref_slice %arg9[%add3A_42, %dma_wait3A] : memref<10240x16xf32, #tpu.memory_space<vmem_shared>> -> memref<128x16xf32, #tpu.memory_space<vmem_shared>>
      %dma_wait3A_51 = arith.constant 0 : i32
      %dma_wait3A_52 = tpu.memref_slice %arg9[%add3A_42, %dma_wait3A_51] : memref<10240x16xf32, #tpu.memory_space<vmem_shared>> -> memref<128x16xf32, #tpu.memory_space<vmem_shared>>
      tpu.wait_dma2 semaphore(%run_scoped3A : memref<!tpu.dma_semaphore, #tpu.memory_space<semaphore_mem>>) src(%dma_wait3A_52 : memref<128x16xf32, #tpu.memory_space<vmem_shared>>) dst(%arg8 : memref<128x16xf32, #tpu.memory_space<vmem>>)
      tpu.yield
    }) : () -> ()
    "tpu.region"() ({
      %run_scoped3A = tpu.sem_alloc : memref<!tpu.dma_semaphore, #tpu.memory_space<semaphore_mem>>
      %dma_start3A = arith.constant 0 : i32
      %dma_start3A_47 = tpu.memref_slice %arg5[%arg0, %add3A_42, %dma_start3A] : memref<2x10240x16xf32, #tpu.memory_space<hbm>> -> memref<1x128x16xf32, #tpu.memory_space<hbm>>
      %dma_start3A_48 = tpu.memref_squeeze %dma_start3A_47 : memref<1x128x16xf32, #tpu.memory_space<hbm>> -> memref<128x16xf32, #tpu.memory_space<hbm>>
      %dma_start3A_49 = arith.constant 0 : i32
      %dma_start3A_50 = tpu.memref_slice %arg5[%arg0, %add3A_42, %dma_start3A_49] : memref<2x10240x16xf32, #tpu.memory_space<hbm>> -> memref<1x128x16xf32, #tpu.memory_space<hbm>>
      %dma_start3A_51 = tpu.memref_squeeze %dma_start3A_50 : memref<1x128x16xf32, #tpu.memory_space<hbm>> -> memref<128x16xf32, #tpu.memory_space<hbm>>
      tpu.enqueue_dma source(%arg8 : memref<128x16xf32, #tpu.memory_space<vmem>>) target(%dma_start3A_51 : memref<128x16xf32, #tpu.memory_space<hbm>>) target_semaphore(%run_scoped3A : memref<!tpu.dma_semaphore, #tpu.memory_space<semaphore_mem>>)
      %dma_wait3A = arith.constant 0 : i32
      %dma_wait3A_52 = tpu.memref_slice %arg5[%arg0, %add3A_42, %dma_wait3A] : memref<2x10240x16xf32, #tpu.memory_space<hbm>> -> memref<1x128x16xf32, #tpu.memory_space<hbm>>
      %dma_wait3A_53 = tpu.memref_squeeze %dma_wait3A_52 : memref<1x128x16xf32, #tpu.memory_space<hbm>> -> memref<128x16xf32, #tpu.memory_space<hbm>>
      %dma_wait3A_54 = arith.constant 0 : i32
      %dma_wait3A_55 = tpu.memref_slice %arg5[%arg0, %add3A_42, %dma_wait3A_54] : memref<2x10240x16xf32, #tpu.memory_space<hbm>> -> memref<1x128x16xf32, #tpu.memory_space<hbm>>
      %dma_wait3A_56 = tpu.memref_squeeze %dma_wait3A_55 : memref<1x128x16xf32, #tpu.memory_space<hbm>> -> memref<128x16xf32, #tpu.memory_space<hbm>>
      tpu.wait_dma2 semaphore(%run_scoped3A : memref<!tpu.dma_semaphore, #tpu.memory_space<semaphore_mem>>) src(%arg8 : memref<128x16xf32, #tpu.memory_space<vmem>>) dst(%dma_wait3A_56 : memref<128x16xf32, #tpu.memory_space<hbm>>)
      tpu.yield
    }) : () -> ()
    %mul3A_43 = arith.constant 640 : i32
    %mul3A_44 = arith.muli %arg1, %mul3A_43 : i32
    %add3A_45 = arith.constant 512 : i32
    %add3A_46 = arith.addi %mul3A_44, %add3A_45 : i32
    "tpu.region"() ({
      %run_scoped3A = tpu.sem_alloc : memref<!tpu.dma_semaphore, #tpu.memory_space<semaphore_mem>>
      %dma_start3A = arith.constant 0 : i32
      %dma_start3A_47 = tpu.memref_slice %arg9[%add3A_46, %dma_start3A] : memref<10240x16xf32, #tpu.memory_space<vmem_shared>> -> memref<128x16xf32, #tpu.memory_space<vmem_shared>>
      %dma_start3A_48 = arith.constant 0 : i32
      %dma_start3A_49 = tpu.memref_slice %arg9[%add3A_46, %dma_start3A_48] : memref<10240x16xf32, #tpu.memory_space<vmem_shared>> -> memref<128x16xf32, #tpu.memory_space<vmem_shared>>
      tpu.enqueue_dma source(%dma_start3A_49 : memref<128x16xf32, #tpu.memory_space<vmem_shared>>) target(%arg8 : memref<128x16xf32, #tpu.memory_space<vmem>>) target_semaphore(%run_scoped3A : memref<!tpu.dma_semaphore, #tpu.memory_space<semaphore_mem>>)
      %dma_wait3A = arith.constant 0 : i32
      %dma_wait3A_50 = tpu.memref_slice %arg9[%add3A_46, %dma_wait3A] : memref<10240x16xf32, #tpu.memory_space<vmem_shared>> -> memref<128x16xf32, #tpu.memory_space<vmem_shared>>
      %dma_wait3A_51 = arith.constant 0 : i32
      %dma_wait3A_52 = tpu.memref_slice %arg9[%add3A_46, %dma_wait3A_51] : memref<10240x16xf32, #tpu.memory_space<vmem_shared>> -> memref<128x16xf32, #tpu.memory_space<vmem_shared>>
      tpu.wait_dma2 semaphore(%run_scoped3A : memref<!tpu.dma_semaphore, #tpu.memory_space<semaphore_mem>>) src(%dma_wait3A_52 : memref<128x16xf32, #tpu.memory_space<vmem_shared>>) dst(%arg8 : memref<128x16xf32, #tpu.memory_space<vmem>>)
      tpu.yield
    }) : () -> ()
    "tpu.region"() ({
      %run_scoped3A = tpu.sem_alloc : memref<!tpu.dma_semaphore, #tpu.memory_space<semaphore_mem>>
      %dma_start3A = arith.constant 0 : i32
      %dma_start3A_47 = tpu.memref_slice %arg5[%arg0, %add3A_46, %dma_start3A] : memref<2x10240x16xf32, #tpu.memory_space<hbm>> -> memref<1x128x16xf32, #tpu.memory_space<hbm>>
      %dma_start3A_48 = tpu.memref_squeeze %dma_start3A_47 : memref<1x128x16xf32, #tpu.memory_space<hbm>> -> memref<128x16xf32, #tpu.memory_space<hbm>>
      %dma_start3A_49 = arith.constant 0 : i32
      %dma_start3A_50 = tpu.memref_slice %arg5[%arg0, %add3A_46, %dma_start3A_49] : memref<2x10240x16xf32, #tpu.memory_space<hbm>> -> memref<1x128x16xf32, #tpu.memory_space<hbm>>
      %dma_start3A_51 = tpu.memref_squeeze %dma_start3A_50 : memref<1x128x16xf32, #tpu.memory_space<hbm>> -> memref<128x16xf32, #tpu.memory_space<hbm>>
      tpu.enqueue_dma source(%arg8 : memref<128x16xf32, #tpu.memory_space<vmem>>) target(%dma_start3A_51 : memref<128x16xf32, #tpu.memory_space<hbm>>) target_semaphore(%run_scoped3A : memref<!tpu.dma_semaphore, #tpu.memory_space<semaphore_mem>>)
      %dma_wait3A = arith.constant 0 : i32
      %dma_wait3A_52 = tpu.memref_slice %arg5[%arg0, %add3A_46, %dma_wait3A] : memref<2x10240x16xf32, #tpu.memory_space<hbm>> -> memref<1x128x16xf32, #tpu.memory_space<hbm>>
      %dma_wait3A_53 = tpu.memref_squeeze %dma_wait3A_52 : memref<1x128x16xf32, #tpu.memory_space<hbm>> -> memref<128x16xf32, #tpu.memory_space<hbm>>
      %dma_wait3A_54 = arith.constant 0 : i32
      %dma_wait3A_55 = tpu.memref_slice %arg5[%arg0, %add3A_46, %dma_wait3A_54] : memref<2x10240x16xf32, #tpu.memory_space<hbm>> -> memref<1x128x16xf32, #tpu.memory_space<hbm>>
      %dma_wait3A_56 = tpu.memref_squeeze %dma_wait3A_55 : memref<1x128x16xf32, #tpu.memory_space<hbm>> -> memref<128x16xf32, #tpu.memory_space<hbm>>
      tpu.wait_dma2 semaphore(%run_scoped3A : memref<!tpu.dma_semaphore, #tpu.memory_space<semaphore_mem>>) src(%arg8 : memref<128x16xf32, #tpu.memory_space<vmem>>) dst(%dma_wait3A_56 : memref<128x16xf32, #tpu.memory_space<hbm>>)
      tpu.yield
    }) : () -> ()
    return
  }
}

#map = affine_map<(d0, d1) -> (0, 0)>
#map1 = affine_map<(d0, d1) -> (0, 0, 0)>
module attributes {stable_mosaic.version = 14 : i64} {
  func.func @sc_agg(%arg0: i32, %arg1: i32, %arg2: memref<20480x64xf32, #tpu.memory_space<hbm>>, %arg3: memref<2x16x20480xi32, #tpu.memory_space<hbm>>, %arg4: memref<16x160x128xi32, #tpu.memory_space<hbm>>, %arg5: memref<128x64xf32, #tpu.memory_space<hbm>>, %arg6: memref<2x10240x64xf32, #tpu.memory_space<hbm>>, %arg7: memref<20480xi32, #tpu.memory_space<vmem>>, %arg8: memref<160x128xi32, #tpu.memory_space<vmem>>, %arg9: memref<128x64xf32, #tpu.memory_space<vmem>>, %arg10: memref<128x64xf32, #tpu.memory_space<vmem>>, %arg11: memref<10240x64xf32, #tpu.memory_space<vmem_shared>>, %arg12: memref<!tpu.dma_semaphore, #tpu.memory_space<semaphore_mem>>, %arg13: memref<!tpu.dma_semaphore, #tpu.memory_space<semaphore_mem>>, %arg14: memref<!tpu.dma_semaphore, #tpu.memory_space<semaphore_mem>>, %arg15: memref<!tpu.dma_semaphore, #tpu.memory_space<semaphore_mem>>) attributes {dimension_semantics = [#tpu.dimension_semantics<core_parallel>, #tpu.dimension_semantics<subcore_parallel>], iteration_bounds = array<i64: 2, 16>, scalar_prefetch = 0 : i64, scratch_operands = 9 : i64, tpu.core_type = #tpu.core_type<sc_vector_subcore>, window_params = [{transform_indices = #map}, {transform_indices = #map1}, {transform_indices = #map1}, {transform_indices = #map}, {transform_indices = #map1}]} {
    "tpu.region"() ({
      %run_scoped3A = tpu.sem_alloc : memref<!tpu.dma_semaphore, #tpu.memory_space<semaphore_mem>>
      %dma_start3A = arith.constant 0 : i32
      %dma_start3A_44 = tpu.memref_slice %arg3[%arg0, %arg1, %dma_start3A] : memref<2x16x20480xi32, #tpu.memory_space<hbm>> -> memref<1x1x20480xi32, #tpu.memory_space<hbm>>
      %dma_start3A_45 = tpu.memref_squeeze %dma_start3A_44 : memref<1x1x20480xi32, #tpu.memory_space<hbm>> -> memref<20480xi32, #tpu.memory_space<hbm>>
      %dma_start3A_46 = arith.constant 0 : i32
      %dma_start3A_47 = tpu.memref_slice %arg3[%arg0, %arg1, %dma_start3A_46] : memref<2x16x20480xi32, #tpu.memory_space<hbm>> -> memref<1x1x20480xi32, #tpu.memory_space<hbm>>
      %dma_start3A_48 = tpu.memref_squeeze %dma_start3A_47 : memref<1x1x20480xi32, #tpu.memory_space<hbm>> -> memref<20480xi32, #tpu.memory_space<hbm>>
      tpu.enqueue_dma source(%dma_start3A_48 : memref<20480xi32, #tpu.memory_space<hbm>>) target(%arg7 : memref<20480xi32, #tpu.memory_space<vmem>>) target_semaphore(%run_scoped3A : memref<!tpu.dma_semaphore, #tpu.memory_space<semaphore_mem>>)
      %dma_wait3A = arith.constant 0 : i32
      %dma_wait3A_49 = tpu.memref_slice %arg3[%arg0, %arg1, %dma_wait3A] : memref<2x16x20480xi32, #tpu.memory_space<hbm>> -> memref<1x1x20480xi32, #tpu.memory_space<hbm>>
      %dma_wait3A_50 = tpu.memref_squeeze %dma_wait3A_49 : memref<1x1x20480xi32, #tpu.memory_space<hbm>> -> memref<20480xi32, #tpu.memory_space<hbm>>
      %dma_wait3A_51 = arith.constant 0 : i32
      %dma_wait3A_52 = tpu.memref_slice %arg3[%arg0, %arg1, %dma_wait3A_51] : memref<2x16x20480xi32, #tpu.memory_space<hbm>> -> memref<1x1x20480xi32, #tpu.memory_space<hbm>>
      %dma_wait3A_53 = tpu.memref_squeeze %dma_wait3A_52 : memref<1x1x20480xi32, #tpu.memory_space<hbm>> -> memref<20480xi32, #tpu.memory_space<hbm>>
      tpu.wait_dma2 semaphore(%run_scoped3A : memref<!tpu.dma_semaphore, #tpu.memory_space<semaphore_mem>>) src(%dma_wait3A_53 : memref<20480xi32, #tpu.memory_space<hbm>>) dst(%arg7 : memref<20480xi32, #tpu.memory_space<vmem>>)
      tpu.yield
    }) : () -> ()
    "tpu.region"() ({
      %run_scoped3A = tpu.sem_alloc : memref<!tpu.dma_semaphore, #tpu.memory_space<semaphore_mem>>
      %dma_start3A = arith.constant 0 : i32
      %dma_start3A_44 = arith.constant 0 : i32
      %dma_start3A_45 = tpu.memref_slice %arg4[%arg1, %dma_start3A, %dma_start3A_44] : memref<16x160x128xi32, #tpu.memory_space<hbm>> -> memref<1x160x128xi32, #tpu.memory_space<hbm>>
      %dma_start3A_46 = tpu.memref_squeeze %dma_start3A_45 : memref<1x160x128xi32, #tpu.memory_space<hbm>> -> memref<160x128xi32, #tpu.memory_space<hbm>>
      %dma_start3A_47 = arith.constant 0 : i32
      %dma_start3A_48 = arith.constant 0 : i32
      %dma_start3A_49 = tpu.memref_slice %arg4[%arg1, %dma_start3A_47, %dma_start3A_48] : memref<16x160x128xi32, #tpu.memory_space<hbm>> -> memref<1x160x128xi32, #tpu.memory_space<hbm>>
      %dma_start3A_50 = tpu.memref_squeeze %dma_start3A_49 : memref<1x160x128xi32, #tpu.memory_space<hbm>> -> memref<160x128xi32, #tpu.memory_space<hbm>>
      tpu.enqueue_dma source(%dma_start3A_50 : memref<160x128xi32, #tpu.memory_space<hbm>>) target(%arg8 : memref<160x128xi32, #tpu.memory_space<vmem>>) target_semaphore(%run_scoped3A : memref<!tpu.dma_semaphore, #tpu.memory_space<semaphore_mem>>)
      %dma_wait3A = arith.constant 0 : i32
      %dma_wait3A_51 = arith.constant 0 : i32
      %dma_wait3A_52 = tpu.memref_slice %arg4[%arg1, %dma_wait3A, %dma_wait3A_51] : memref<16x160x128xi32, #tpu.memory_space<hbm>> -> memref<1x160x128xi32, #tpu.memory_space<hbm>>
      %dma_wait3A_53 = tpu.memref_squeeze %dma_wait3A_52 : memref<1x160x128xi32, #tpu.memory_space<hbm>> -> memref<160x128xi32, #tpu.memory_space<hbm>>
      %dma_wait3A_54 = arith.constant 0 : i32
      %dma_wait3A_55 = arith.constant 0 : i32
      %dma_wait3A_56 = tpu.memref_slice %arg4[%arg1, %dma_wait3A_54, %dma_wait3A_55] : memref<16x160x128xi32, #tpu.memory_space<hbm>> -> memref<1x160x128xi32, #tpu.memory_space<hbm>>
      %dma_wait3A_57 = tpu.memref_squeeze %dma_wait3A_56 : memref<1x160x128xi32, #tpu.memory_space<hbm>> -> memref<160x128xi32, #tpu.memory_space<hbm>>
      tpu.wait_dma2 semaphore(%run_scoped3A : memref<!tpu.dma_semaphore, #tpu.memory_space<semaphore_mem>>) src(%dma_wait3A_57 : memref<160x128xi32, #tpu.memory_space<hbm>>) dst(%arg8 : memref<160x128xi32, #tpu.memory_space<vmem>>)
      tpu.yield
    }) : () -> ()
    "tpu.region"() ({
      %run_scoped3A = tpu.sem_alloc : memref<!tpu.dma_semaphore, #tpu.memory_space<semaphore_mem>>
      tpu.enqueue_dma source(%arg5 : memref<128x64xf32, #tpu.memory_space<hbm>>) target(%arg9 : memref<128x64xf32, #tpu.memory_space<vmem>>) target_semaphore(%run_scoped3A : memref<!tpu.dma_semaphore, #tpu.memory_space<semaphore_mem>>)
      tpu.wait_dma2 semaphore(%run_scoped3A : memref<!tpu.dma_semaphore, #tpu.memory_space<semaphore_mem>>) src(%arg5 : memref<128x64xf32, #tpu.memory_space<hbm>>) dst(%arg9 : memref<128x64xf32, #tpu.memory_space<vmem>>)
      tpu.yield
    }) : () -> ()
    %mul3A = arith.constant 640 : i32
    %mul3A_0 = arith.muli %arg1, %mul3A : i32
    %add3A = arith.constant 0 : i32
    %add3A_1 = arith.addi %mul3A_0, %add3A : i32
    "tpu.region"() ({
      %run_scoped3A = tpu.sem_alloc : memref<!tpu.dma_semaphore, #tpu.memory_space<semaphore_mem>>
      %dma_start3A = arith.constant 0 : i32
      %dma_start3A_44 = tpu.memref_slice %arg11[%add3A_1, %dma_start3A] : memref<10240x64xf32, #tpu.memory_space<vmem_shared>> -> memref<128x64xf32, #tpu.memory_space<vmem_shared>>
      %dma_start3A_45 = arith.constant 0 : i32
      %dma_start3A_46 = tpu.memref_slice %arg11[%add3A_1, %dma_start3A_45] : memref<10240x64xf32, #tpu.memory_space<vmem_shared>> -> memref<128x64xf32, #tpu.memory_space<vmem_shared>>
      tpu.enqueue_dma source(%arg9 : memref<128x64xf32, #tpu.memory_space<vmem>>) target(%dma_start3A_46 : memref<128x64xf32, #tpu.memory_space<vmem_shared>>) target_semaphore(%run_scoped3A : memref<!tpu.dma_semaphore, #tpu.memory_space<semaphore_mem>>)
      %dma_wait3A = arith.constant 0 : i32
      %dma_wait3A_47 = tpu.memref_slice %arg11[%add3A_1, %dma_wait3A] : memref<10240x64xf32, #tpu.memory_space<vmem_shared>> -> memref<128x64xf32, #tpu.memory_space<vmem_shared>>
      %dma_wait3A_48 = arith.constant 0 : i32
      %dma_wait3A_49 = tpu.memref_slice %arg11[%add3A_1, %dma_wait3A_48] : memref<10240x64xf32, #tpu.memory_space<vmem_shared>> -> memref<128x64xf32, #tpu.memory_space<vmem_shared>>
      tpu.wait_dma2 semaphore(%run_scoped3A : memref<!tpu.dma_semaphore, #tpu.memory_space<semaphore_mem>>) src(%arg9 : memref<128x64xf32, #tpu.memory_space<vmem>>) dst(%dma_wait3A_49 : memref<128x64xf32, #tpu.memory_space<vmem_shared>>)
      tpu.yield
    }) : () -> ()
    %mul3A_2 = arith.constant 640 : i32
    %mul3A_3 = arith.muli %arg1, %mul3A_2 : i32
    %add3A_4 = arith.constant 128 : i32
    %add3A_5 = arith.addi %mul3A_3, %add3A_4 : i32
    "tpu.region"() ({
      %run_scoped3A = tpu.sem_alloc : memref<!tpu.dma_semaphore, #tpu.memory_space<semaphore_mem>>
      %dma_start3A = arith.constant 0 : i32
      %dma_start3A_44 = tpu.memref_slice %arg11[%add3A_5, %dma_start3A] : memref<10240x64xf32, #tpu.memory_space<vmem_shared>> -> memref<128x64xf32, #tpu.memory_space<vmem_shared>>
      %dma_start3A_45 = arith.constant 0 : i32
      %dma_start3A_46 = tpu.memref_slice %arg11[%add3A_5, %dma_start3A_45] : memref<10240x64xf32, #tpu.memory_space<vmem_shared>> -> memref<128x64xf32, #tpu.memory_space<vmem_shared>>
      tpu.enqueue_dma source(%arg9 : memref<128x64xf32, #tpu.memory_space<vmem>>) target(%dma_start3A_46 : memref<128x64xf32, #tpu.memory_space<vmem_shared>>) target_semaphore(%run_scoped3A : memref<!tpu.dma_semaphore, #tpu.memory_space<semaphore_mem>>)
      %dma_wait3A = arith.constant 0 : i32
      %dma_wait3A_47 = tpu.memref_slice %arg11[%add3A_5, %dma_wait3A] : memref<10240x64xf32, #tpu.memory_space<vmem_shared>> -> memref<128x64xf32, #tpu.memory_space<vmem_shared>>
      %dma_wait3A_48 = arith.constant 0 : i32
      %dma_wait3A_49 = tpu.memref_slice %arg11[%add3A_5, %dma_wait3A_48] : memref<10240x64xf32, #tpu.memory_space<vmem_shared>> -> memref<128x64xf32, #tpu.memory_space<vmem_shared>>
      tpu.wait_dma2 semaphore(%run_scoped3A : memref<!tpu.dma_semaphore, #tpu.memory_space<semaphore_mem>>) src(%arg9 : memref<128x64xf32, #tpu.memory_space<vmem>>) dst(%dma_wait3A_49 : memref<128x64xf32, #tpu.memory_space<vmem_shared>>)
      tpu.yield
    }) : () -> ()
    %mul3A_6 = arith.constant 640 : i32
    %mul3A_7 = arith.muli %arg1, %mul3A_6 : i32
    %add3A_8 = arith.constant 256 : i32
    %add3A_9 = arith.addi %mul3A_7, %add3A_8 : i32
    "tpu.region"() ({
      %run_scoped3A = tpu.sem_alloc : memref<!tpu.dma_semaphore, #tpu.memory_space<semaphore_mem>>
      %dma_start3A = arith.constant 0 : i32
      %dma_start3A_44 = tpu.memref_slice %arg11[%add3A_9, %dma_start3A] : memref<10240x64xf32, #tpu.memory_space<vmem_shared>> -> memref<128x64xf32, #tpu.memory_space<vmem_shared>>
      %dma_start3A_45 = arith.constant 0 : i32
      %dma_start3A_46 = tpu.memref_slice %arg11[%add3A_9, %dma_start3A_45] : memref<10240x64xf32, #tpu.memory_space<vmem_shared>> -> memref<128x64xf32, #tpu.memory_space<vmem_shared>>
      tpu.enqueue_dma source(%arg9 : memref<128x64xf32, #tpu.memory_space<vmem>>) target(%dma_start3A_46 : memref<128x64xf32, #tpu.memory_space<vmem_shared>>) target_semaphore(%run_scoped3A : memref<!tpu.dma_semaphore, #tpu.memory_space<semaphore_mem>>)
      %dma_wait3A = arith.constant 0 : i32
      %dma_wait3A_47 = tpu.memref_slice %arg11[%add3A_9, %dma_wait3A] : memref<10240x64xf32, #tpu.memory_space<vmem_shared>> -> memref<128x64xf32, #tpu.memory_space<vmem_shared>>
      %dma_wait3A_48 = arith.constant 0 : i32
      %dma_wait3A_49 = tpu.memref_slice %arg11[%add3A_9, %dma_wait3A_48] : memref<10240x64xf32, #tpu.memory_space<vmem_shared>> -> memref<128x64xf32, #tpu.memory_space<vmem_shared>>
      tpu.wait_dma2 semaphore(%run_scoped3A : memref<!tpu.dma_semaphore, #tpu.memory_space<semaphore_mem>>) src(%arg9 : memref<128x64xf32, #tpu.memory_space<vmem>>) dst(%dma_wait3A_49 : memref<128x64xf32, #tpu.memory_space<vmem_shared>>)
      tpu.yield
    }) : () -> ()
    %mul3A_10 = arith.constant 640 : i32
    %mul3A_11 = arith.muli %arg1, %mul3A_10 : i32
    %add3A_12 = arith.constant 384 : i32
    %add3A_13 = arith.addi %mul3A_11, %add3A_12 : i32
    "tpu.region"() ({
      %run_scoped3A = tpu.sem_alloc : memref<!tpu.dma_semaphore, #tpu.memory_space<semaphore_mem>>
      %dma_start3A = arith.constant 0 : i32
      %dma_start3A_44 = tpu.memref_slice %arg11[%add3A_13, %dma_start3A] : memref<10240x64xf32, #tpu.memory_space<vmem_shared>> -> memref<128x64xf32, #tpu.memory_space<vmem_shared>>
      %dma_start3A_45 = arith.constant 0 : i32
      %dma_start3A_46 = tpu.memref_slice %arg11[%add3A_13, %dma_start3A_45] : memref<10240x64xf32, #tpu.memory_space<vmem_shared>> -> memref<128x64xf32, #tpu.memory_space<vmem_shared>>
      tpu.enqueue_dma source(%arg9 : memref<128x64xf32, #tpu.memory_space<vmem>>) target(%dma_start3A_46 : memref<128x64xf32, #tpu.memory_space<vmem_shared>>) target_semaphore(%run_scoped3A : memref<!tpu.dma_semaphore, #tpu.memory_space<semaphore_mem>>)
      %dma_wait3A = arith.constant 0 : i32
      %dma_wait3A_47 = tpu.memref_slice %arg11[%add3A_13, %dma_wait3A] : memref<10240x64xf32, #tpu.memory_space<vmem_shared>> -> memref<128x64xf32, #tpu.memory_space<vmem_shared>>
      %dma_wait3A_48 = arith.constant 0 : i32
      %dma_wait3A_49 = tpu.memref_slice %arg11[%add3A_13, %dma_wait3A_48] : memref<10240x64xf32, #tpu.memory_space<vmem_shared>> -> memref<128x64xf32, #tpu.memory_space<vmem_shared>>
      tpu.wait_dma2 semaphore(%run_scoped3A : memref<!tpu.dma_semaphore, #tpu.memory_space<semaphore_mem>>) src(%arg9 : memref<128x64xf32, #tpu.memory_space<vmem>>) dst(%dma_wait3A_49 : memref<128x64xf32, #tpu.memory_space<vmem_shared>>)
      tpu.yield
    }) : () -> ()
    %mul3A_14 = arith.constant 640 : i32
    %mul3A_15 = arith.muli %arg1, %mul3A_14 : i32
    %add3A_16 = arith.constant 512 : i32
    %add3A_17 = arith.addi %mul3A_15, %add3A_16 : i32
    "tpu.region"() ({
      %run_scoped3A = tpu.sem_alloc : memref<!tpu.dma_semaphore, #tpu.memory_space<semaphore_mem>>
      %dma_start3A = arith.constant 0 : i32
      %dma_start3A_44 = tpu.memref_slice %arg11[%add3A_17, %dma_start3A] : memref<10240x64xf32, #tpu.memory_space<vmem_shared>> -> memref<128x64xf32, #tpu.memory_space<vmem_shared>>
      %dma_start3A_45 = arith.constant 0 : i32
      %dma_start3A_46 = tpu.memref_slice %arg11[%add3A_17, %dma_start3A_45] : memref<10240x64xf32, #tpu.memory_space<vmem_shared>> -> memref<128x64xf32, #tpu.memory_space<vmem_shared>>
      tpu.enqueue_dma source(%arg9 : memref<128x64xf32, #tpu.memory_space<vmem>>) target(%dma_start3A_46 : memref<128x64xf32, #tpu.memory_space<vmem_shared>>) target_semaphore(%run_scoped3A : memref<!tpu.dma_semaphore, #tpu.memory_space<semaphore_mem>>)
      %dma_wait3A = arith.constant 0 : i32
      %dma_wait3A_47 = tpu.memref_slice %arg11[%add3A_17, %dma_wait3A] : memref<10240x64xf32, #tpu.memory_space<vmem_shared>> -> memref<128x64xf32, #tpu.memory_space<vmem_shared>>
      %dma_wait3A_48 = arith.constant 0 : i32
      %dma_wait3A_49 = tpu.memref_slice %arg11[%add3A_17, %dma_wait3A_48] : memref<10240x64xf32, #tpu.memory_space<vmem_shared>> -> memref<128x64xf32, #tpu.memory_space<vmem_shared>>
      tpu.wait_dma2 semaphore(%run_scoped3A : memref<!tpu.dma_semaphore, #tpu.memory_space<semaphore_mem>>) src(%arg9 : memref<128x64xf32, #tpu.memory_space<vmem>>) dst(%dma_wait3A_49 : memref<128x64xf32, #tpu.memory_space<vmem_shared>>)
      tpu.yield
    }) : () -> ()
    %barrier3A = arith.constant 0 : index
    tpu.barrier barrier_id(%barrier3A)
    %scan3A = arith.constant 0 : i32
    %scan3A_18 = arith.constant 0 : i32
    %scan3A_19 = arith.constant 80 : i32
    %scan3A_20 = arith.addi %scan3A_18, %scan3A_19 : i32
    %scan3A_21 = arith.constant 1 : i32
    scf.for %scan3A_44 = %scan3A_18 to %scan3A_20 step %scan3A_21  : i32 {
      %mul3A_45 = arith.constant 2 : i32
      %mul3A_46 = arith.muli %mul3A_45, %scan3A_44 : i32
      %mul3A_47 = arith.constant 2 : i32
      %mul3A_48 = arith.muli %mul3A_47, %scan3A_44 : i32
      %add3A_49 = arith.constant 1 : i32
      %add3A_50 = arith.addi %mul3A_48, %add3A_49 : i32
      %mul3A_51 = arith.constant 128 : i32
      %mul3A_52 = arith.muli %mul3A_46, %mul3A_51 : i32
      %dma_start3A = tpu.memref_slice %arg7[%mul3A_52] : memref<20480xi32, #tpu.memory_space<vmem>> -> memref<128xi32, #tpu.memory_space<vmem>>
      %dma_start3A_53 = arith.constant 0 : i32
      %dma_start3A_54 = arith.constant 0 : i32
      %dma_start3A_55 = tpu.memref_slice %arg2[%dma_start3A_53, %dma_start3A_54] : memref<20480x64xf32, #tpu.memory_space<hbm>> -> memref<20480x64xf32, #tpu.memory_space<hbm>>
      tpu.enqueue_indirect_dma source(%dma_start3A_55 : memref<20480x64xf32, #tpu.memory_space<hbm>>) target(%arg9 : memref<128x64xf32, #tpu.memory_space<vmem>>) offsets(%dma_start3A : memref<128xi32, #tpu.memory_space<vmem>>) semaphore(%arg12 : memref<!tpu.dma_semaphore, #tpu.memory_space<semaphore_mem>>)
      %mul3A_56 = arith.constant 128 : i32
      %mul3A_57 = arith.muli %add3A_50, %mul3A_56 : i32
      %dma_start3A_58 = tpu.memref_slice %arg7[%mul3A_57] : memref<20480xi32, #tpu.memory_space<vmem>> -> memref<128xi32, #tpu.memory_space<vmem>>
      %dma_start3A_59 = arith.constant 0 : i32
      %dma_start3A_60 = arith.constant 0 : i32
      %dma_start3A_61 = tpu.memref_slice %arg2[%dma_start3A_59, %dma_start3A_60] : memref<20480x64xf32, #tpu.memory_space<hbm>> -> memref<20480x64xf32, #tpu.memory_space<hbm>>
      tpu.enqueue_indirect_dma source(%dma_start3A_61 : memref<20480x64xf32, #tpu.memory_space<hbm>>) target(%arg10 : memref<128x64xf32, #tpu.memory_space<vmem>>) offsets(%dma_start3A_58 : memref<128xi32, #tpu.memory_space<vmem>>) semaphore(%arg13 : memref<!tpu.dma_semaphore, #tpu.memory_space<semaphore_mem>>)
      %dma_wait3A = tpu.memref_slice %arg7[%mul3A_52] : memref<20480xi32, #tpu.memory_space<vmem>> -> memref<128xi32, #tpu.memory_space<vmem>>
      %dma_wait3A_62 = arith.constant 0 : i32
      %dma_wait3A_63 = arith.constant 0 : i32
      %dma_wait3A_64 = tpu.memref_slice %arg2[%dma_wait3A_62, %dma_wait3A_63] : memref<20480x64xf32, #tpu.memory_space<hbm>> -> memref<20480x64xf32, #tpu.memory_space<hbm>>
      tpu.wait_indirect_dma semaphore(%arg12 : memref<!tpu.dma_semaphore, #tpu.memory_space<semaphore_mem>>) src(%dma_wait3A_64 : memref<20480x64xf32, #tpu.memory_space<hbm>>) dst(%arg9 : memref<128x64xf32, #tpu.memory_space<vmem>>)
      %dma_start3A_65 = arith.constant 0 : i32
      %dma_start3A_66 = tpu.memref_slice %arg8[%mul3A_46, %dma_start3A_65] : memref<160x128xi32, #tpu.memory_space<vmem>> -> memref<1x128xi32, #tpu.memory_space<vmem>>
      %dma_start3A_67 = tpu.memref_squeeze %dma_start3A_66 : memref<1x128xi32, #tpu.memory_space<vmem>> -> memref<128xi32, #tpu.memory_space<vmem>>
      %dma_start3A_68 = arith.constant 0 : i32
      %dma_start3A_69 = arith.constant 0 : i32
      %dma_start3A_70 = tpu.memref_slice %arg11[%dma_start3A_68, %dma_start3A_69] : memref<10240x64xf32, #tpu.memory_space<vmem_shared>> -> memref<10240x64xf32, #tpu.memory_space<vmem_shared>>
      tpu.enqueue_indirect_dma source(%arg9 : memref<128x64xf32, #tpu.memory_space<vmem>>) target(%dma_start3A_70 : memref<10240x64xf32, #tpu.memory_space<vmem_shared>>) offsets(%dma_start3A_67 : memref<128xi32, #tpu.memory_space<vmem>>) semaphore(%arg14 : memref<!tpu.dma_semaphore, #tpu.memory_space<semaphore_mem>>) {add = true}
      %dma_wait3A_71 = tpu.memref_slice %arg7[%mul3A_57] : memref<20480xi32, #tpu.memory_space<vmem>> -> memref<128xi32, #tpu.memory_space<vmem>>
      %dma_wait3A_72 = arith.constant 0 : i32
      %dma_wait3A_73 = arith.constant 0 : i32
      %dma_wait3A_74 = tpu.memref_slice %arg2[%dma_wait3A_72, %dma_wait3A_73] : memref<20480x64xf32, #tpu.memory_space<hbm>> -> memref<20480x64xf32, #tpu.memory_space<hbm>>
      tpu.wait_indirect_dma semaphore(%arg13 : memref<!tpu.dma_semaphore, #tpu.memory_space<semaphore_mem>>) src(%dma_wait3A_74 : memref<20480x64xf32, #tpu.memory_space<hbm>>) dst(%arg10 : memref<128x64xf32, #tpu.memory_space<vmem>>)
      %dma_start3A_75 = arith.constant 0 : i32
      %dma_start3A_76 = tpu.memref_slice %arg8[%add3A_50, %dma_start3A_75] : memref<160x128xi32, #tpu.memory_space<vmem>> -> memref<1x128xi32, #tpu.memory_space<vmem>>
      %dma_start3A_77 = tpu.memref_squeeze %dma_start3A_76 : memref<1x128xi32, #tpu.memory_space<vmem>> -> memref<128xi32, #tpu.memory_space<vmem>>
      %dma_start3A_78 = arith.constant 0 : i32
      %dma_start3A_79 = arith.constant 0 : i32
      %dma_start3A_80 = tpu.memref_slice %arg11[%dma_start3A_78, %dma_start3A_79] : memref<10240x64xf32, #tpu.memory_space<vmem_shared>> -> memref<10240x64xf32, #tpu.memory_space<vmem_shared>>
      tpu.enqueue_indirect_dma source(%arg10 : memref<128x64xf32, #tpu.memory_space<vmem>>) target(%dma_start3A_80 : memref<10240x64xf32, #tpu.memory_space<vmem_shared>>) offsets(%dma_start3A_77 : memref<128xi32, #tpu.memory_space<vmem>>) semaphore(%arg15 : memref<!tpu.dma_semaphore, #tpu.memory_space<semaphore_mem>>) {add = true}
      %dma_wait3A_81 = arith.constant 0 : i32
      %dma_wait3A_82 = tpu.memref_slice %arg8[%mul3A_46, %dma_wait3A_81] : memref<160x128xi32, #tpu.memory_space<vmem>> -> memref<1x128xi32, #tpu.memory_space<vmem>>
      %dma_wait3A_83 = tpu.memref_squeeze %dma_wait3A_82 : memref<1x128xi32, #tpu.memory_space<vmem>> -> memref<128xi32, #tpu.memory_space<vmem>>
      %dma_wait3A_84 = arith.constant 0 : i32
      %dma_wait3A_85 = arith.constant 0 : i32
      %dma_wait3A_86 = tpu.memref_slice %arg11[%dma_wait3A_84, %dma_wait3A_85] : memref<10240x64xf32, #tpu.memory_space<vmem_shared>> -> memref<10240x64xf32, #tpu.memory_space<vmem_shared>>
      tpu.wait_indirect_dma semaphore(%arg14 : memref<!tpu.dma_semaphore, #tpu.memory_space<semaphore_mem>>) src(%arg9 : memref<128x64xf32, #tpu.memory_space<vmem>>) dst(%dma_wait3A_86 : memref<10240x64xf32, #tpu.memory_space<vmem_shared>>)
      %dma_wait3A_87 = arith.constant 0 : i32
      %dma_wait3A_88 = tpu.memref_slice %arg8[%add3A_50, %dma_wait3A_87] : memref<160x128xi32, #tpu.memory_space<vmem>> -> memref<1x128xi32, #tpu.memory_space<vmem>>
      %dma_wait3A_89 = tpu.memref_squeeze %dma_wait3A_88 : memref<1x128xi32, #tpu.memory_space<vmem>> -> memref<128xi32, #tpu.memory_space<vmem>>
      %dma_wait3A_90 = arith.constant 0 : i32
      %dma_wait3A_91 = arith.constant 0 : i32
      %dma_wait3A_92 = tpu.memref_slice %arg11[%dma_wait3A_90, %dma_wait3A_91] : memref<10240x64xf32, #tpu.memory_space<vmem_shared>> -> memref<10240x64xf32, #tpu.memory_space<vmem_shared>>
      tpu.wait_indirect_dma semaphore(%arg15 : memref<!tpu.dma_semaphore, #tpu.memory_space<semaphore_mem>>) src(%arg10 : memref<128x64xf32, #tpu.memory_space<vmem>>) dst(%dma_wait3A_92 : memref<10240x64xf32, #tpu.memory_space<vmem_shared>>)
    }
    %scan3A_22 = arith.constant 80 : i32
    %barrier3A_23 = arith.constant 0 : index
    tpu.barrier barrier_id(%barrier3A_23)
    %mul3A_24 = arith.constant 640 : i32
    %mul3A_25 = arith.muli %arg1, %mul3A_24 : i32
    %add3A_26 = arith.constant 0 : i32
    %add3A_27 = arith.addi %mul3A_25, %add3A_26 : i32
    "tpu.region"() ({
      %run_scoped3A = tpu.sem_alloc : memref<!tpu.dma_semaphore, #tpu.memory_space<semaphore_mem>>
      %dma_start3A = arith.constant 0 : i32
      %dma_start3A_44 = tpu.memref_slice %arg11[%add3A_27, %dma_start3A] : memref<10240x64xf32, #tpu.memory_space<vmem_shared>> -> memref<128x64xf32, #tpu.memory_space<vmem_shared>>
      %dma_start3A_45 = arith.constant 0 : i32
      %dma_start3A_46 = tpu.memref_slice %arg11[%add3A_27, %dma_start3A_45] : memref<10240x64xf32, #tpu.memory_space<vmem_shared>> -> memref<128x64xf32, #tpu.memory_space<vmem_shared>>
      tpu.enqueue_dma source(%dma_start3A_46 : memref<128x64xf32, #tpu.memory_space<vmem_shared>>) target(%arg9 : memref<128x64xf32, #tpu.memory_space<vmem>>) target_semaphore(%run_scoped3A : memref<!tpu.dma_semaphore, #tpu.memory_space<semaphore_mem>>)
      %dma_wait3A = arith.constant 0 : i32
      %dma_wait3A_47 = tpu.memref_slice %arg11[%add3A_27, %dma_wait3A] : memref<10240x64xf32, #tpu.memory_space<vmem_shared>> -> memref<128x64xf32, #tpu.memory_space<vmem_shared>>
      %dma_wait3A_48 = arith.constant 0 : i32
      %dma_wait3A_49 = tpu.memref_slice %arg11[%add3A_27, %dma_wait3A_48] : memref<10240x64xf32, #tpu.memory_space<vmem_shared>> -> memref<128x64xf32, #tpu.memory_space<vmem_shared>>
      tpu.wait_dma2 semaphore(%run_scoped3A : memref<!tpu.dma_semaphore, #tpu.memory_space<semaphore_mem>>) src(%dma_wait3A_49 : memref<128x64xf32, #tpu.memory_space<vmem_shared>>) dst(%arg9 : memref<128x64xf32, #tpu.memory_space<vmem>>)
      tpu.yield
    }) : () -> ()
    "tpu.region"() ({
      %run_scoped3A = tpu.sem_alloc : memref<!tpu.dma_semaphore, #tpu.memory_space<semaphore_mem>>
      %dma_start3A = arith.constant 0 : i32
      %dma_start3A_44 = tpu.memref_slice %arg6[%arg0, %add3A_27, %dma_start3A] : memref<2x10240x64xf32, #tpu.memory_space<hbm>> -> memref<1x128x64xf32, #tpu.memory_space<hbm>>
      %dma_start3A_45 = tpu.memref_squeeze %dma_start3A_44 : memref<1x128x64xf32, #tpu.memory_space<hbm>> -> memref<128x64xf32, #tpu.memory_space<hbm>>
      %dma_start3A_46 = arith.constant 0 : i32
      %dma_start3A_47 = tpu.memref_slice %arg6[%arg0, %add3A_27, %dma_start3A_46] : memref<2x10240x64xf32, #tpu.memory_space<hbm>> -> memref<1x128x64xf32, #tpu.memory_space<hbm>>
      %dma_start3A_48 = tpu.memref_squeeze %dma_start3A_47 : memref<1x128x64xf32, #tpu.memory_space<hbm>> -> memref<128x64xf32, #tpu.memory_space<hbm>>
      tpu.enqueue_dma source(%arg9 : memref<128x64xf32, #tpu.memory_space<vmem>>) target(%dma_start3A_48 : memref<128x64xf32, #tpu.memory_space<hbm>>) target_semaphore(%run_scoped3A : memref<!tpu.dma_semaphore, #tpu.memory_space<semaphore_mem>>)
      %dma_wait3A = arith.constant 0 : i32
      %dma_wait3A_49 = tpu.memref_slice %arg6[%arg0, %add3A_27, %dma_wait3A] : memref<2x10240x64xf32, #tpu.memory_space<hbm>> -> memref<1x128x64xf32, #tpu.memory_space<hbm>>
      %dma_wait3A_50 = tpu.memref_squeeze %dma_wait3A_49 : memref<1x128x64xf32, #tpu.memory_space<hbm>> -> memref<128x64xf32, #tpu.memory_space<hbm>>
      %dma_wait3A_51 = arith.constant 0 : i32
      %dma_wait3A_52 = tpu.memref_slice %arg6[%arg0, %add3A_27, %dma_wait3A_51] : memref<2x10240x64xf32, #tpu.memory_space<hbm>> -> memref<1x128x64xf32, #tpu.memory_space<hbm>>
      %dma_wait3A_53 = tpu.memref_squeeze %dma_wait3A_52 : memref<1x128x64xf32, #tpu.memory_space<hbm>> -> memref<128x64xf32, #tpu.memory_space<hbm>>
      tpu.wait_dma2 semaphore(%run_scoped3A : memref<!tpu.dma_semaphore, #tpu.memory_space<semaphore_mem>>) src(%arg9 : memref<128x64xf32, #tpu.memory_space<vmem>>) dst(%dma_wait3A_53 : memref<128x64xf32, #tpu.memory_space<hbm>>)
      tpu.yield
    }) : () -> ()
    %mul3A_28 = arith.constant 640 : i32
    %mul3A_29 = arith.muli %arg1, %mul3A_28 : i32
    %add3A_30 = arith.constant 128 : i32
    %add3A_31 = arith.addi %mul3A_29, %add3A_30 : i32
    "tpu.region"() ({
      %run_scoped3A = tpu.sem_alloc : memref<!tpu.dma_semaphore, #tpu.memory_space<semaphore_mem>>
      %dma_start3A = arith.constant 0 : i32
      %dma_start3A_44 = tpu.memref_slice %arg11[%add3A_31, %dma_start3A] : memref<10240x64xf32, #tpu.memory_space<vmem_shared>> -> memref<128x64xf32, #tpu.memory_space<vmem_shared>>
      %dma_start3A_45 = arith.constant 0 : i32
      %dma_start3A_46 = tpu.memref_slice %arg11[%add3A_31, %dma_start3A_45] : memref<10240x64xf32, #tpu.memory_space<vmem_shared>> -> memref<128x64xf32, #tpu.memory_space<vmem_shared>>
      tpu.enqueue_dma source(%dma_start3A_46 : memref<128x64xf32, #tpu.memory_space<vmem_shared>>) target(%arg9 : memref<128x64xf32, #tpu.memory_space<vmem>>) target_semaphore(%run_scoped3A : memref<!tpu.dma_semaphore, #tpu.memory_space<semaphore_mem>>)
      %dma_wait3A = arith.constant 0 : i32
      %dma_wait3A_47 = tpu.memref_slice %arg11[%add3A_31, %dma_wait3A] : memref<10240x64xf32, #tpu.memory_space<vmem_shared>> -> memref<128x64xf32, #tpu.memory_space<vmem_shared>>
      %dma_wait3A_48 = arith.constant 0 : i32
      %dma_wait3A_49 = tpu.memref_slice %arg11[%add3A_31, %dma_wait3A_48] : memref<10240x64xf32, #tpu.memory_space<vmem_shared>> -> memref<128x64xf32, #tpu.memory_space<vmem_shared>>
      tpu.wait_dma2 semaphore(%run_scoped3A : memref<!tpu.dma_semaphore, #tpu.memory_space<semaphore_mem>>) src(%dma_wait3A_49 : memref<128x64xf32, #tpu.memory_space<vmem_shared>>) dst(%arg9 : memref<128x64xf32, #tpu.memory_space<vmem>>)
      tpu.yield
    }) : () -> ()
    "tpu.region"() ({
      %run_scoped3A = tpu.sem_alloc : memref<!tpu.dma_semaphore, #tpu.memory_space<semaphore_mem>>
      %dma_start3A = arith.constant 0 : i32
      %dma_start3A_44 = tpu.memref_slice %arg6[%arg0, %add3A_31, %dma_start3A] : memref<2x10240x64xf32, #tpu.memory_space<hbm>> -> memref<1x128x64xf32, #tpu.memory_space<hbm>>
      %dma_start3A_45 = tpu.memref_squeeze %dma_start3A_44 : memref<1x128x64xf32, #tpu.memory_space<hbm>> -> memref<128x64xf32, #tpu.memory_space<hbm>>
      %dma_start3A_46 = arith.constant 0 : i32
      %dma_start3A_47 = tpu.memref_slice %arg6[%arg0, %add3A_31, %dma_start3A_46] : memref<2x10240x64xf32, #tpu.memory_space<hbm>> -> memref<1x128x64xf32, #tpu.memory_space<hbm>>
      %dma_start3A_48 = tpu.memref_squeeze %dma_start3A_47 : memref<1x128x64xf32, #tpu.memory_space<hbm>> -> memref<128x64xf32, #tpu.memory_space<hbm>>
      tpu.enqueue_dma source(%arg9 : memref<128x64xf32, #tpu.memory_space<vmem>>) target(%dma_start3A_48 : memref<128x64xf32, #tpu.memory_space<hbm>>) target_semaphore(%run_scoped3A : memref<!tpu.dma_semaphore, #tpu.memory_space<semaphore_mem>>)
      %dma_wait3A = arith.constant 0 : i32
      %dma_wait3A_49 = tpu.memref_slice %arg6[%arg0, %add3A_31, %dma_wait3A] : memref<2x10240x64xf32, #tpu.memory_space<hbm>> -> memref<1x128x64xf32, #tpu.memory_space<hbm>>
      %dma_wait3A_50 = tpu.memref_squeeze %dma_wait3A_49 : memref<1x128x64xf32, #tpu.memory_space<hbm>> -> memref<128x64xf32, #tpu.memory_space<hbm>>
      %dma_wait3A_51 = arith.constant 0 : i32
      %dma_wait3A_52 = tpu.memref_slice %arg6[%arg0, %add3A_31, %dma_wait3A_51] : memref<2x10240x64xf32, #tpu.memory_space<hbm>> -> memref<1x128x64xf32, #tpu.memory_space<hbm>>
      %dma_wait3A_53 = tpu.memref_squeeze %dma_wait3A_52 : memref<1x128x64xf32, #tpu.memory_space<hbm>> -> memref<128x64xf32, #tpu.memory_space<hbm>>
      tpu.wait_dma2 semaphore(%run_scoped3A : memref<!tpu.dma_semaphore, #tpu.memory_space<semaphore_mem>>) src(%arg9 : memref<128x64xf32, #tpu.memory_space<vmem>>) dst(%dma_wait3A_53 : memref<128x64xf32, #tpu.memory_space<hbm>>)
      tpu.yield
    }) : () -> ()
    %mul3A_32 = arith.constant 640 : i32
    %mul3A_33 = arith.muli %arg1, %mul3A_32 : i32
    %add3A_34 = arith.constant 256 : i32
    %add3A_35 = arith.addi %mul3A_33, %add3A_34 : i32
    "tpu.region"() ({
      %run_scoped3A = tpu.sem_alloc : memref<!tpu.dma_semaphore, #tpu.memory_space<semaphore_mem>>
      %dma_start3A = arith.constant 0 : i32
      %dma_start3A_44 = tpu.memref_slice %arg11[%add3A_35, %dma_start3A] : memref<10240x64xf32, #tpu.memory_space<vmem_shared>> -> memref<128x64xf32, #tpu.memory_space<vmem_shared>>
      %dma_start3A_45 = arith.constant 0 : i32
      %dma_start3A_46 = tpu.memref_slice %arg11[%add3A_35, %dma_start3A_45] : memref<10240x64xf32, #tpu.memory_space<vmem_shared>> -> memref<128x64xf32, #tpu.memory_space<vmem_shared>>
      tpu.enqueue_dma source(%dma_start3A_46 : memref<128x64xf32, #tpu.memory_space<vmem_shared>>) target(%arg9 : memref<128x64xf32, #tpu.memory_space<vmem>>) target_semaphore(%run_scoped3A : memref<!tpu.dma_semaphore, #tpu.memory_space<semaphore_mem>>)
      %dma_wait3A = arith.constant 0 : i32
      %dma_wait3A_47 = tpu.memref_slice %arg11[%add3A_35, %dma_wait3A] : memref<10240x64xf32, #tpu.memory_space<vmem_shared>> -> memref<128x64xf32, #tpu.memory_space<vmem_shared>>
      %dma_wait3A_48 = arith.constant 0 : i32
      %dma_wait3A_49 = tpu.memref_slice %arg11[%add3A_35, %dma_wait3A_48] : memref<10240x64xf32, #tpu.memory_space<vmem_shared>> -> memref<128x64xf32, #tpu.memory_space<vmem_shared>>
      tpu.wait_dma2 semaphore(%run_scoped3A : memref<!tpu.dma_semaphore, #tpu.memory_space<semaphore_mem>>) src(%dma_wait3A_49 : memref<128x64xf32, #tpu.memory_space<vmem_shared>>) dst(%arg9 : memref<128x64xf32, #tpu.memory_space<vmem>>)
      tpu.yield
    }) : () -> ()
    "tpu.region"() ({
      %run_scoped3A = tpu.sem_alloc : memref<!tpu.dma_semaphore, #tpu.memory_space<semaphore_mem>>
      %dma_start3A = arith.constant 0 : i32
      %dma_start3A_44 = tpu.memref_slice %arg6[%arg0, %add3A_35, %dma_start3A] : memref<2x10240x64xf32, #tpu.memory_space<hbm>> -> memref<1x128x64xf32, #tpu.memory_space<hbm>>
      %dma_start3A_45 = tpu.memref_squeeze %dma_start3A_44 : memref<1x128x64xf32, #tpu.memory_space<hbm>> -> memref<128x64xf32, #tpu.memory_space<hbm>>
      %dma_start3A_46 = arith.constant 0 : i32
      %dma_start3A_47 = tpu.memref_slice %arg6[%arg0, %add3A_35, %dma_start3A_46] : memref<2x10240x64xf32, #tpu.memory_space<hbm>> -> memref<1x128x64xf32, #tpu.memory_space<hbm>>
      %dma_start3A_48 = tpu.memref_squeeze %dma_start3A_47 : memref<1x128x64xf32, #tpu.memory_space<hbm>> -> memref<128x64xf32, #tpu.memory_space<hbm>>
      tpu.enqueue_dma source(%arg9 : memref<128x64xf32, #tpu.memory_space<vmem>>) target(%dma_start3A_48 : memref<128x64xf32, #tpu.memory_space<hbm>>) target_semaphore(%run_scoped3A : memref<!tpu.dma_semaphore, #tpu.memory_space<semaphore_mem>>)
      %dma_wait3A = arith.constant 0 : i32
      %dma_wait3A_49 = tpu.memref_slice %arg6[%arg0, %add3A_35, %dma_wait3A] : memref<2x10240x64xf32, #tpu.memory_space<hbm>> -> memref<1x128x64xf32, #tpu.memory_space<hbm>>
      %dma_wait3A_50 = tpu.memref_squeeze %dma_wait3A_49 : memref<1x128x64xf32, #tpu.memory_space<hbm>> -> memref<128x64xf32, #tpu.memory_space<hbm>>
      %dma_wait3A_51 = arith.constant 0 : i32
      %dma_wait3A_52 = tpu.memref_slice %arg6[%arg0, %add3A_35, %dma_wait3A_51] : memref<2x10240x64xf32, #tpu.memory_space<hbm>> -> memref<1x128x64xf32, #tpu.memory_space<hbm>>
      %dma_wait3A_53 = tpu.memref_squeeze %dma_wait3A_52 : memref<1x128x64xf32, #tpu.memory_space<hbm>> -> memref<128x64xf32, #tpu.memory_space<hbm>>
      tpu.wait_dma2 semaphore(%run_scoped3A : memref<!tpu.dma_semaphore, #tpu.memory_space<semaphore_mem>>) src(%arg9 : memref<128x64xf32, #tpu.memory_space<vmem>>) dst(%dma_wait3A_53 : memref<128x64xf32, #tpu.memory_space<hbm>>)
      tpu.yield
    }) : () -> ()
    %mul3A_36 = arith.constant 640 : i32
    %mul3A_37 = arith.muli %arg1, %mul3A_36 : i32
    %add3A_38 = arith.constant 384 : i32
    %add3A_39 = arith.addi %mul3A_37, %add3A_38 : i32
    "tpu.region"() ({
      %run_scoped3A = tpu.sem_alloc : memref<!tpu.dma_semaphore, #tpu.memory_space<semaphore_mem>>
      %dma_start3A = arith.constant 0 : i32
      %dma_start3A_44 = tpu.memref_slice %arg11[%add3A_39, %dma_start3A] : memref<10240x64xf32, #tpu.memory_space<vmem_shared>> -> memref<128x64xf32, #tpu.memory_space<vmem_shared>>
      %dma_start3A_45 = arith.constant 0 : i32
      %dma_start3A_46 = tpu.memref_slice %arg11[%add3A_39, %dma_start3A_45] : memref<10240x64xf32, #tpu.memory_space<vmem_shared>> -> memref<128x64xf32, #tpu.memory_space<vmem_shared>>
      tpu.enqueue_dma source(%dma_start3A_46 : memref<128x64xf32, #tpu.memory_space<vmem_shared>>) target(%arg9 : memref<128x64xf32, #tpu.memory_space<vmem>>) target_semaphore(%run_scoped3A : memref<!tpu.dma_semaphore, #tpu.memory_space<semaphore_mem>>)
      %dma_wait3A = arith.constant 0 : i32
      %dma_wait3A_47 = tpu.memref_slice %arg11[%add3A_39, %dma_wait3A] : memref<10240x64xf32, #tpu.memory_space<vmem_shared>> -> memref<128x64xf32, #tpu.memory_space<vmem_shared>>
      %dma_wait3A_48 = arith.constant 0 : i32
      %dma_wait3A_49 = tpu.memref_slice %arg11[%add3A_39, %dma_wait3A_48] : memref<10240x64xf32, #tpu.memory_space<vmem_shared>> -> memref<128x64xf32, #tpu.memory_space<vmem_shared>>
      tpu.wait_dma2 semaphore(%run_scoped3A : memref<!tpu.dma_semaphore, #tpu.memory_space<semaphore_mem>>) src(%dma_wait3A_49 : memref<128x64xf32, #tpu.memory_space<vmem_shared>>) dst(%arg9 : memref<128x64xf32, #tpu.memory_space<vmem>>)
      tpu.yield
    }) : () -> ()
    "tpu.region"() ({
      %run_scoped3A = tpu.sem_alloc : memref<!tpu.dma_semaphore, #tpu.memory_space<semaphore_mem>>
      %dma_start3A = arith.constant 0 : i32
      %dma_start3A_44 = tpu.memref_slice %arg6[%arg0, %add3A_39, %dma_start3A] : memref<2x10240x64xf32, #tpu.memory_space<hbm>> -> memref<1x128x64xf32, #tpu.memory_space<hbm>>
      %dma_start3A_45 = tpu.memref_squeeze %dma_start3A_44 : memref<1x128x64xf32, #tpu.memory_space<hbm>> -> memref<128x64xf32, #tpu.memory_space<hbm>>
      %dma_start3A_46 = arith.constant 0 : i32
      %dma_start3A_47 = tpu.memref_slice %arg6[%arg0, %add3A_39, %dma_start3A_46] : memref<2x10240x64xf32, #tpu.memory_space<hbm>> -> memref<1x128x64xf32, #tpu.memory_space<hbm>>
      %dma_start3A_48 = tpu.memref_squeeze %dma_start3A_47 : memref<1x128x64xf32, #tpu.memory_space<hbm>> -> memref<128x64xf32, #tpu.memory_space<hbm>>
      tpu.enqueue_dma source(%arg9 : memref<128x64xf32, #tpu.memory_space<vmem>>) target(%dma_start3A_48 : memref<128x64xf32, #tpu.memory_space<hbm>>) target_semaphore(%run_scoped3A : memref<!tpu.dma_semaphore, #tpu.memory_space<semaphore_mem>>)
      %dma_wait3A = arith.constant 0 : i32
      %dma_wait3A_49 = tpu.memref_slice %arg6[%arg0, %add3A_39, %dma_wait3A] : memref<2x10240x64xf32, #tpu.memory_space<hbm>> -> memref<1x128x64xf32, #tpu.memory_space<hbm>>
      %dma_wait3A_50 = tpu.memref_squeeze %dma_wait3A_49 : memref<1x128x64xf32, #tpu.memory_space<hbm>> -> memref<128x64xf32, #tpu.memory_space<hbm>>
      %dma_wait3A_51 = arith.constant 0 : i32
      %dma_wait3A_52 = tpu.memref_slice %arg6[%arg0, %add3A_39, %dma_wait3A_51] : memref<2x10240x64xf32, #tpu.memory_space<hbm>> -> memref<1x128x64xf32, #tpu.memory_space<hbm>>
      %dma_wait3A_53 = tpu.memref_squeeze %dma_wait3A_52 : memref<1x128x64xf32, #tpu.memory_space<hbm>> -> memref<128x64xf32, #tpu.memory_space<hbm>>
      tpu.wait_dma2 semaphore(%run_scoped3A : memref<!tpu.dma_semaphore, #tpu.memory_space<semaphore_mem>>) src(%arg9 : memref<128x64xf32, #tpu.memory_space<vmem>>) dst(%dma_wait3A_53 : memref<128x64xf32, #tpu.memory_space<hbm>>)
      tpu.yield
    }) : () -> ()
    %mul3A_40 = arith.constant 640 : i32
    %mul3A_41 = arith.muli %arg1, %mul3A_40 : i32
    %add3A_42 = arith.constant 512 : i32
    %add3A_43 = arith.addi %mul3A_41, %add3A_42 : i32
    "tpu.region"() ({
      %run_scoped3A = tpu.sem_alloc : memref<!tpu.dma_semaphore, #tpu.memory_space<semaphore_mem>>
      %dma_start3A = arith.constant 0 : i32
      %dma_start3A_44 = tpu.memref_slice %arg11[%add3A_43, %dma_start3A] : memref<10240x64xf32, #tpu.memory_space<vmem_shared>> -> memref<128x64xf32, #tpu.memory_space<vmem_shared>>
      %dma_start3A_45 = arith.constant 0 : i32
      %dma_start3A_46 = tpu.memref_slice %arg11[%add3A_43, %dma_start3A_45] : memref<10240x64xf32, #tpu.memory_space<vmem_shared>> -> memref<128x64xf32, #tpu.memory_space<vmem_shared>>
      tpu.enqueue_dma source(%dma_start3A_46 : memref<128x64xf32, #tpu.memory_space<vmem_shared>>) target(%arg9 : memref<128x64xf32, #tpu.memory_space<vmem>>) target_semaphore(%run_scoped3A : memref<!tpu.dma_semaphore, #tpu.memory_space<semaphore_mem>>)
      %dma_wait3A = arith.constant 0 : i32
      %dma_wait3A_47 = tpu.memref_slice %arg11[%add3A_43, %dma_wait3A] : memref<10240x64xf32, #tpu.memory_space<vmem_shared>> -> memref<128x64xf32, #tpu.memory_space<vmem_shared>>
      %dma_wait3A_48 = arith.constant 0 : i32
      %dma_wait3A_49 = tpu.memref_slice %arg11[%add3A_43, %dma_wait3A_48] : memref<10240x64xf32, #tpu.memory_space<vmem_shared>> -> memref<128x64xf32, #tpu.memory_space<vmem_shared>>
      tpu.wait_dma2 semaphore(%run_scoped3A : memref<!tpu.dma_semaphore, #tpu.memory_space<semaphore_mem>>) src(%dma_wait3A_49 : memref<128x64xf32, #tpu.memory_space<vmem_shared>>) dst(%arg9 : memref<128x64xf32, #tpu.memory_space<vmem>>)
      tpu.yield
    }) : () -> ()
    "tpu.region"() ({
      %run_scoped3A = tpu.sem_alloc : memref<!tpu.dma_semaphore, #tpu.memory_space<semaphore_mem>>
      %dma_start3A = arith.constant 0 : i32
      %dma_start3A_44 = tpu.memref_slice %arg6[%arg0, %add3A_43, %dma_start3A] : memref<2x10240x64xf32, #tpu.memory_space<hbm>> -> memref<1x128x64xf32, #tpu.memory_space<hbm>>
      %dma_start3A_45 = tpu.memref_squeeze %dma_start3A_44 : memref<1x128x64xf32, #tpu.memory_space<hbm>> -> memref<128x64xf32, #tpu.memory_space<hbm>>
      %dma_start3A_46 = arith.constant 0 : i32
      %dma_start3A_47 = tpu.memref_slice %arg6[%arg0, %add3A_43, %dma_start3A_46] : memref<2x10240x64xf32, #tpu.memory_space<hbm>> -> memref<1x128x64xf32, #tpu.memory_space<hbm>>
      %dma_start3A_48 = tpu.memref_squeeze %dma_start3A_47 : memref<1x128x64xf32, #tpu.memory_space<hbm>> -> memref<128x64xf32, #tpu.memory_space<hbm>>
      tpu.enqueue_dma source(%arg9 : memref<128x64xf32, #tpu.memory_space<vmem>>) target(%dma_start3A_48 : memref<128x64xf32, #tpu.memory_space<hbm>>) target_semaphore(%run_scoped3A : memref<!tpu.dma_semaphore, #tpu.memory_space<semaphore_mem>>)
      %dma_wait3A = arith.constant 0 : i32
      %dma_wait3A_49 = tpu.memref_slice %arg6[%arg0, %add3A_43, %dma_wait3A] : memref<2x10240x64xf32, #tpu.memory_space<hbm>> -> memref<1x128x64xf32, #tpu.memory_space<hbm>>
      %dma_wait3A_50 = tpu.memref_squeeze %dma_wait3A_49 : memref<1x128x64xf32, #tpu.memory_space<hbm>> -> memref<128x64xf32, #tpu.memory_space<hbm>>
      %dma_wait3A_51 = arith.constant 0 : i32
      %dma_wait3A_52 = tpu.memref_slice %arg6[%arg0, %add3A_43, %dma_wait3A_51] : memref<2x10240x64xf32, #tpu.memory_space<hbm>> -> memref<1x128x64xf32, #tpu.memory_space<hbm>>
      %dma_wait3A_53 = tpu.memref_squeeze %dma_wait3A_52 : memref<1x128x64xf32, #tpu.memory_space<hbm>> -> memref<128x64xf32, #tpu.memory_space<hbm>>
      tpu.wait_dma2 semaphore(%run_scoped3A : memref<!tpu.dma_semaphore, #tpu.memory_space<semaphore_mem>>) src(%arg9 : memref<128x64xf32, #tpu.memory_space<vmem>>) dst(%dma_wait3A_53 : memref<128x64xf32, #tpu.memory_space<hbm>>)
      tpu.yield
    }) : () -> ()
    return
  }
}

module attributes {stable_mosaic.version = 14 : i64} {
  func.func @body(%arg0: i32, %arg1: memref<2x1000x16xf32, #tpu.memory_space<vmem>>, %arg2: memref<1000x128xf32, #tpu.memory_space<vmem>>, %arg3: memref<2x1000x64xf32, #tpu.memory_space<vmem>>) attributes {dimension_semantics = [#tpu.dimension_semantics<arbitrary>], iteration_bounds = array<i64: 10>, scalar_prefetch = 0 : i64, scratch_operands = 0 : i64, tpu.core_type = #tpu.core_type<tc>, window_params = [{transform_indices = @transform_0, window_bounds = array<i64: 2, 1000, 16>}, {transform_indices = @transform_1, window_bounds = array<i64: 1000, 128>}, {transform_indices = @transform_2, window_bounds = array<i64: 2, 1000, 64>}]} {
    %get3A = arith.constant 0 : index
    %get3A_0 = arith.constant 0 : index
    %get3A_1 = vector.load %arg2[%get3A, %get3A_0] : memref<1000x128xf32, #tpu.memory_space<vmem>>, vector<1000x128xf32>
    %get3A_2 = arith.constant 0 : index
    %get3A_3 = arith.constant 0 : index
    %get3A_4 = arith.constant 0 : index
    %get3A_5 = vector.load %arg1[%get3A_2, %get3A_3, %get3A_4] : memref<2x1000x16xf32, #tpu.memory_space<vmem>>, vector<1x1000x16xf32>
    %get3A_6 = vector.shape_cast %get3A_5 : vector<1x1000x16xf32> to vector<1000x16xf32>
    %get3A_7 = arith.constant 1 : index
    %get3A_8 = arith.constant 0 : index
    %get3A_9 = arith.constant 0 : index
    %get3A_10 = vector.load %arg1[%get3A_7, %get3A_8, %get3A_9] : memref<2x1000x16xf32, #tpu.memory_space<vmem>>, vector<1x1000x16xf32>
    %get3A_11 = vector.shape_cast %get3A_10 : vector<1x1000x16xf32> to vector<1000x16xf32>
    %add3A = arith.addf %get3A_6, %get3A_11 : vector<1000x16xf32>
    %add3A_12 = arith.constant 1.000000e+00 : f32
    %add3A_13 = vector.broadcast %add3A_12 : f32 to vector<1000x16xf32>
    %add3A_14 = arith.addf %add3A, %add3A_13 : vector<1000x16xf32>
    %rsqrt3A = math.rsqrt %add3A_14 : vector<1000x16xf32>
    %slice3A = vector.extract_strided_slice %rsqrt3A {offsets = [0, 0], sizes = [1000, 1], strides = [1, 1]} : vector<1000x16xf32> to vector<1000x1xf32>
    %mul3A = vector.broadcast %slice3A : vector<1000x1xf32> to vector<1000x128xf32>
    %mul3A_15 = arith.mulf %get3A_1, %mul3A : vector<1000x128xf32>
    %slice3A_16 = vector.extract_strided_slice %mul3A_15 {offsets = [0, 0], sizes = [1000, 64], strides = [1, 1]} : vector<1000x128xf32> to vector<1000x64xf32>
    %swap3A = arith.constant 0 : index
    %swap3A_17 = arith.constant 0 : index
    %swap3A_18 = arith.constant 0 : index
    %swap3A_19 = vector.load %arg3[%swap3A, %swap3A_17, %swap3A_18] : memref<2x1000x64xf32, #tpu.memory_space<vmem>>, vector<1x1000x64xf32>
    %swap3A_20 = vector.shape_cast %swap3A_19 : vector<1x1000x64xf32> to vector<1000x64xf32>
    %swap3A_21 = vector.shape_cast %slice3A_16 : vector<1000x64xf32> to vector<1x1000x64xf32>
    tpu.vector_store %arg3[%swap3A, %swap3A_17, %swap3A_18], %swap3A_21 {strides = array<i32>} : memref<2x1000x64xf32, #tpu.memory_space<vmem>>, vector<1x1000x64xf32>,
    %slice3A_22 = vector.extract_strided_slice %mul3A_15 {offsets = [0, 64], sizes = [1000, 64], strides = [1, 1]} : vector<1000x128xf32> to vector<1000x64xf32>
    %swap3A_23 = arith.constant 1 : index
    %swap3A_24 = arith.constant 0 : index
    %swap3A_25 = arith.constant 0 : index
    %swap3A_26 = vector.load %arg3[%swap3A_23, %swap3A_24, %swap3A_25] : memref<2x1000x64xf32, #tpu.memory_space<vmem>>, vector<1x1000x64xf32>
    %swap3A_27 = vector.shape_cast %swap3A_26 : vector<1x1000x64xf32> to vector<1000x64xf32>
    %swap3A_28 = vector.shape_cast %slice3A_22 : vector<1000x64xf32> to vector<1x1000x64xf32>
    tpu.vector_store %arg3[%swap3A_23, %swap3A_24, %swap3A_25], %swap3A_28 {strides = array<i32>} : memref<2x1000x64xf32, #tpu.memory_space<vmem>>, vector<1x1000x64xf32>,
    return
  }
  func.func @transform_0(%arg0: i32) -> (i32, i32, i32) {
    %c0_i32 = arith.constant 0 : i32
    %c0_i32_0 = arith.constant 0 : i32
    %c0_i32_1 = arith.constant 0 : i32
    return %c0_i32, %arg0, %c0_i32_0 : i32, i32, i32
  }
  func.func @transform_1(%arg0: i32) -> (i32, i32) {
    %c0_i32 = arith.constant 0 : i32
    %c0_i32_0 = arith.constant 0 : i32
    return %arg0, %c0_i32 : i32, i32
  }
  func.func @transform_2(%arg0: i32) -> (i32, i32, i32) {
    %c0_i32 = arith.constant 0 : i32
    %c0_i32_0 = arith.constant 0 : i32
    %c0_i32_1 = arith.constant 0 : i32
    return %c0_i32, %arg0, %c0_i32_0 : i32, i32, i32
  }
}

module attributes {stable_mosaic.version = 14 : i64} {
  func.func @body(%arg0: i32, %arg1: memref<2x1000x16xf32, #tpu.memory_space<vmem>>, %arg2: memref<2x1000x64xf32, #tpu.memory_space<vmem>>, %arg3: memref<1000x128xf32, #tpu.memory_space<vmem>>, %arg4: memref<128x384xf32, #tpu.memory_space<vmem>>, %arg5: memref<1x384xf32, #tpu.memory_space<vmem>>, %arg6: memref<1000x128xf32, #tpu.memory_space<vmem>>, %arg7: memref<4x1000x64xf32, #tpu.memory_space<vmem>>) attributes {dimension_semantics = [#tpu.dimension_semantics<arbitrary>], iteration_bounds = array<i64: 10>, scalar_prefetch = 0 : i64, scratch_operands = 0 : i64, tpu.core_type = #tpu.core_type<tc>, window_params = [{transform_indices = @transform_0, window_bounds = array<i64: 2, 1000, 16>}, {transform_indices = @transform_1, window_bounds = array<i64: 2, 1000, 64>}, {transform_indices = @transform_2, window_bounds = array<i64: 1000, 128>}, {pipeline_mode = #tpu.pipeline_mode<synchronous>, transform_indices = @transform_3, window_bounds = array<i64: 128, 384>}, {pipeline_mode = #tpu.pipeline_mode<synchronous>, transform_indices = @transform_4, window_bounds = array<i64: 1, 384>}, {transform_indices = @transform_5, window_bounds = array<i64: 1000, 128>}, {transform_indices = @transform_6, window_bounds = array<i64: 4, 1000, 64>}]} {
    %get3A = arith.constant 0 : index
    %get3A_0 = arith.constant 0 : index
    %get3A_1 = arith.constant 0 : index
    %get3A_2 = vector.load %arg1[%get3A, %get3A_0, %get3A_1] : memref<2x1000x16xf32, #tpu.memory_space<vmem>>, vector<1x1000x16xf32>
    %get3A_3 = vector.shape_cast %get3A_2 : vector<1x1000x16xf32> to vector<1000x16xf32>
    %get3A_4 = arith.constant 1 : index
    %get3A_5 = arith.constant 0 : index
    %get3A_6 = arith.constant 0 : index
    %get3A_7 = vector.load %arg1[%get3A_4, %get3A_5, %get3A_6] : memref<2x1000x16xf32, #tpu.memory_space<vmem>>, vector<1x1000x16xf32>
    %get3A_8 = vector.shape_cast %get3A_7 : vector<1x1000x16xf32> to vector<1000x16xf32>
    %add3A = arith.addf %get3A_3, %get3A_8 : vector<1000x16xf32>
    %add3A_9 = arith.constant 1.000000e+00 : f32
    %add3A_10 = vector.broadcast %add3A_9 : f32 to vector<1000x16xf32>
    %add3A_11 = arith.addf %add3A, %add3A_10 : vector<1000x16xf32>
    %rsqrt3A = math.rsqrt %add3A_11 : vector<1000x16xf32>
    %slice3A = vector.extract_strided_slice %rsqrt3A {offsets = [0, 0], sizes = [1000, 1], strides = [1, 1]} : vector<1000x16xf32> to vector<1000x1xf32>
    %get3A_12 = arith.constant 0 : index
    %get3A_13 = arith.constant 0 : index
    %get3A_14 = vector.load %arg3[%get3A_12, %get3A_13] : memref<1000x128xf32, #tpu.memory_space<vmem>>, vector<1000x128xf32>
    %mul3A = vector.broadcast %slice3A : vector<1000x1xf32> to vector<1000x128xf32>
    %mul3A_15 = arith.mulf %get3A_14, %mul3A : vector<1000x128xf32>
    %get3A_16 = arith.constant 0 : index
    %get3A_17 = arith.constant 0 : index
    %get3A_18 = arith.constant 0 : index
    %get3A_19 = vector.load %arg2[%get3A_16, %get3A_17, %get3A_18] : memref<2x1000x64xf32, #tpu.memory_space<vmem>>, vector<1x1000x64xf32>
    %get3A_20 = vector.shape_cast %get3A_19 : vector<1x1000x64xf32> to vector<1000x64xf32>
    %get3A_21 = arith.constant 1 : index
    %get3A_22 = arith.constant 0 : index
    %get3A_23 = arith.constant 0 : index
    %get3A_24 = vector.load %arg2[%get3A_21, %get3A_22, %get3A_23] : memref<2x1000x64xf32, #tpu.memory_space<vmem>>, vector<1x1000x64xf32>
    %get3A_25 = vector.shape_cast %get3A_24 : vector<1x1000x64xf32> to vector<1000x64xf32>
    %concatenate3A = tpu.concatenate %get3A_20, %get3A_25 in 1 : vector<1000x64xf32>, vector<1000x64xf32> -> vector<1000x128xf32>
    %add3A_26 = arith.addf %concatenate3A, %mul3A_15 : vector<1000x128xf32>
    %mul3A_27 = vector.broadcast %slice3A : vector<1000x1xf32> to vector<1000x128xf32>
    %mul3A_28 = arith.mulf %add3A_26, %mul3A_27 : vector<1000x128xf32>
    %get3A_29 = arith.constant 0 : index
    %get3A_30 = arith.constant 0 : index
    %get3A_31 = vector.load %arg4[%get3A_29, %get3A_30] : memref<128x384xf32, #tpu.memory_space<vmem>>, vector<128x384xf32>
    %dot_general3A = arith.constant dense<0.000000e+00> : vector<1000x384xf32>
    %dot_general3A_32 = tpu.matmul %mul3A_28, %get3A_31, %dot_general3A {dimension_numbers = #tpu.dot_dimension_numbers<[1], [0], [0], [1], [0, 0, 1, 1], [], []>, transpose_lhs_hint = false} : vector<1000x128xf32>, vector<128x384xf32>, vector<1000x384xf32> -> vector<1000x384xf32>
    %get3A_33 = arith.constant 0 : index
    %get3A_34 = arith.constant 0 : index
    %get3A_35 = vector.load %arg5[%get3A_33, %get3A_34] : memref<1x384xf32, #tpu.memory_space<vmem>>, vector<1x384xf32>
    %add3A_36 = vector.broadcast %get3A_35 : vector<1x384xf32> to vector<1000x384xf32>
    %add3A_37 = arith.addf %dot_general3A_32, %add3A_36 : vector<1000x384xf32>
    %max3A = arith.constant 0.000000e+00 : f32
    %max3A_38 = vector.broadcast %max3A : f32 to vector<1000x384xf32>
    %max3A_39 = arith.maximumf %add3A_37, %max3A_38 : vector<1000x384xf32>
    %slice3A_40 = vector.extract_strided_slice %max3A_39 {offsets = [0, 128], sizes = [1000, 128], strides = [1, 1]} : vector<1000x384xf32> to vector<1000x128xf32>
    %swap3A = arith.constant 0 : index
    %swap3A_41 = arith.constant 0 : index
    %swap3A_42 = vector.load %arg6[%swap3A, %swap3A_41] : memref<1000x128xf32, #tpu.memory_space<vmem>>, vector<1000x128xf32>
    tpu.vector_store %arg6[%swap3A, %swap3A_41], %slice3A_40 {strides = array<i32>} : memref<1000x128xf32, #tpu.memory_space<vmem>>, vector<1000x128xf32>,
    %slice3A_43 = vector.extract_strided_slice %max3A_39 {offsets = [0, 0], sizes = [1000, 64], strides = [1, 1]} : vector<1000x384xf32> to vector<1000x64xf32>
    %mul3A_44 = vector.broadcast %slice3A : vector<1000x1xf32> to vector<1000x64xf32>
    %mul3A_45 = arith.mulf %slice3A_43, %mul3A_44 : vector<1000x64xf32>
    %swap3A_46 = arith.constant 0 : index
    %swap3A_47 = arith.constant 0 : index
    %swap3A_48 = arith.constant 0 : index
    %swap3A_49 = vector.load %arg7[%swap3A_46, %swap3A_47, %swap3A_48] : memref<4x1000x64xf32, #tpu.memory_space<vmem>>, vector<1x1000x64xf32>
    %swap3A_50 = vector.shape_cast %swap3A_49 : vector<1x1000x64xf32> to vector<1000x64xf32>
    %swap3A_51 = vector.shape_cast %mul3A_45 : vector<1000x64xf32> to vector<1x1000x64xf32>
    tpu.vector_store %arg7[%swap3A_46, %swap3A_47, %swap3A_48], %swap3A_51 {strides = array<i32>} : memref<4x1000x64xf32, #tpu.memory_space<vmem>>, vector<1x1000x64xf32>,
    %slice3A_52 = vector.extract_strided_slice %max3A_39 {offsets = [0, 64], sizes = [1000, 64], strides = [1, 1]} : vector<1000x384xf32> to vector<1000x64xf32>
    %mul3A_53 = vector.broadcast %slice3A : vector<1000x1xf32> to vector<1000x64xf32>
    %mul3A_54 = arith.mulf %slice3A_52, %mul3A_53 : vector<1000x64xf32>
    %swap3A_55 = arith.constant 1 : index
    %swap3A_56 = arith.constant 0 : index
    %swap3A_57 = arith.constant 0 : index
    %swap3A_58 = vector.load %arg7[%swap3A_55, %swap3A_56, %swap3A_57] : memref<4x1000x64xf32, #tpu.memory_space<vmem>>, vector<1x1000x64xf32>
    %swap3A_59 = vector.shape_cast %swap3A_58 : vector<1x1000x64xf32> to vector<1000x64xf32>
    %swap3A_60 = vector.shape_cast %mul3A_54 : vector<1000x64xf32> to vector<1x1000x64xf32>
    tpu.vector_store %arg7[%swap3A_55, %swap3A_56, %swap3A_57], %swap3A_60 {strides = array<i32>} : memref<4x1000x64xf32, #tpu.memory_space<vmem>>, vector<1x1000x64xf32>,
    %slice3A_61 = vector.extract_strided_slice %max3A_39 {offsets = [0, 256], sizes = [1000, 64], strides = [1, 1]} : vector<1000x384xf32> to vector<1000x64xf32>
    %mul3A_62 = vector.broadcast %slice3A : vector<1000x1xf32> to vector<1000x64xf32>
    %mul3A_63 = arith.mulf %slice3A_61, %mul3A_62 : vector<1000x64xf32>
    %swap3A_64 = arith.constant 2 : index
    %swap3A_65 = arith.constant 0 : index
    %swap3A_66 = arith.constant 0 : index
    %swap3A_67 = vector.load %arg7[%swap3A_64, %swap3A_65, %swap3A_66] : memref<4x1000x64xf32, #tpu.memory_space<vmem>>, vector<1x1000x64xf32>
    %swap3A_68 = vector.shape_cast %swap3A_67 : vector<1x1000x64xf32> to vector<1000x64xf32>
    %swap3A_69 = vector.shape_cast %mul3A_63 : vector<1000x64xf32> to vector<1x1000x64xf32>
    tpu.vector_store %arg7[%swap3A_64, %swap3A_65, %swap3A_66], %swap3A_69 {strides = array<i32>} : memref<4x1000x64xf32, #tpu.memory_space<vmem>>, vector<1x1000x64xf32>,
    %slice3A_70 = vector.extract_strided_slice %max3A_39 {offsets = [0, 320], sizes = [1000, 64], strides = [1, 1]} : vector<1000x384xf32> to vector<1000x64xf32>
    %mul3A_71 = vector.broadcast %slice3A : vector<1000x1xf32> to vector<1000x64xf32>
    %mul3A_72 = arith.mulf %slice3A_70, %mul3A_71 : vector<1000x64xf32>
    %swap3A_73 = arith.constant 3 : index
    %swap3A_74 = arith.constant 0 : index
    %swap3A_75 = arith.constant 0 : index
    %swap3A_76 = vector.load %arg7[%swap3A_73, %swap3A_74, %swap3A_75] : memref<4x1000x64xf32, #tpu.memory_space<vmem>>, vector<1x1000x64xf32>
    %swap3A_77 = vector.shape_cast %swap3A_76 : vector<1x1000x64xf32> to vector<1000x64xf32>
    %swap3A_78 = vector.shape_cast %mul3A_72 : vector<1000x64xf32> to vector<1x1000x64xf32>
    tpu.vector_store %arg7[%swap3A_73, %swap3A_74, %swap3A_75], %swap3A_78 {strides = array<i32>} : memref<4x1000x64xf32, #tpu.memory_space<vmem>>, vector<1x1000x64xf32>,
    return
  }
  func.func @transform_0(%arg0: i32) -> (i32, i32, i32) {
    %c0_i32 = arith.constant 0 : i32
    %c0_i32_0 = arith.constant 0 : i32
    %c0_i32_1 = arith.constant 0 : i32
    return %c0_i32, %arg0, %c0_i32_0 : i32, i32, i32
  }
  func.func @transform_1(%arg0: i32) -> (i32, i32, i32) {
    %c0_i32 = arith.constant 0 : i32
    %c0_i32_0 = arith.constant 0 : i32
    %c0_i32_1 = arith.constant 0 : i32
    return %c0_i32, %arg0, %c0_i32_0 : i32, i32, i32
  }
  func.func @transform_2(%arg0: i32) -> (i32, i32) {
    %c0_i32 = arith.constant 0 : i32
    %c0_i32_0 = arith.constant 0 : i32
    return %arg0, %c0_i32 : i32, i32
  }
  func.func @transform_3(%arg0: i32) -> (i32, i32) {
    %c0_i32 = arith.constant 0 : i32
    %c0_i32_0 = arith.constant 0 : i32
    %c0_i32_1 = arith.constant 0 : i32
    return %c0_i32, %c0_i32_0 : i32, i32
  }
  func.func @transform_4(%arg0: i32) -> (i32, i32) {
    %c0_i32 = arith.constant 0 : i32
    %c0_i32_0 = arith.constant 0 : i32
    %c0_i32_1 = arith.constant 0 : i32
    return %c0_i32, %c0_i32_0 : i32, i32
  }
  func.func @transform_5(%arg0: i32) -> (i32, i32) {
    %c0_i32 = arith.constant 0 : i32
    %c0_i32_0 = arith.constant 0 : i32
    return %arg0, %c0_i32 : i32, i32
  }
  func.func @transform_6(%arg0: i32) -> (i32, i32, i32) {
    %c0_i32 = arith.constant 0 : i32
    %c0_i32_0 = arith.constant 0 : i32
    %c0_i32_1 = arith.constant 0 : i32
    return %c0_i32, %arg0, %c0_i32_0 : i32, i32, i32
  }
}

module attributes {stable_mosaic.version = 14 : i64} {
  func.func @body(%arg0: i32, %arg1: memref<2x1000x16xf32, #tpu.memory_space<vmem>>, %arg2: memref<2x1000x64xf32, #tpu.memory_space<vmem>>, %arg3: memref<2x1000x64xf32, #tpu.memory_space<vmem>>, %arg4: memref<4x1000x64xf32, #tpu.memory_space<vmem>>, %arg5: memref<1000x128xf32, #tpu.memory_space<vmem>>, %arg6: memref<128x128xf32, #tpu.memory_space<vmem>>, %arg7: memref<1x128xf32, #tpu.memory_space<vmem>>, %arg8: memref<128x128xf32, #tpu.memory_space<vmem>>, %arg9: memref<1x128xf32, #tpu.memory_space<vmem>>, %arg10: memref<1x128xf32, #tpu.memory_space<vmem>>, %arg11: memref<1x1xf32, #tpu.memory_space<vmem>>, %arg12: memref<128x128xf32, #tpu.memory_space<vmem>>, %arg13: memref<128x128xf32, #tpu.memory_space<vmem>>, %arg14: memref<1x128xf32, #tpu.memory_space<vmem>>, %arg15: memref<1000x128xf32, #tpu.memory_space<vmem>>) attributes {dimension_semantics = [#tpu.dimension_semantics<arbitrary>], iteration_bounds = array<i64: 10>, scalar_prefetch = 0 : i64, scratch_operands = 0 : i64, tpu.core_type = #tpu.core_type<tc>, window_params = [{transform_indices = @transform_0, window_bounds = array<i64: 2, 1000, 16>}, {transform_indices = @transform_1, window_bounds = array<i64: 2, 1000, 64>}, {transform_indices = @transform_2, window_bounds = array<i64: 2, 1000, 64>}, {transform_indices = @transform_3, window_bounds = array<i64: 4, 1000, 64>}, {transform_indices = @transform_4, window_bounds = array<i64: 1000, 128>}, {pipeline_mode = #tpu.pipeline_mode<synchronous>, transform_indices = @transform_5, window_bounds = array<i64: 128, 128>}, {pipeline_mode = #tpu.pipeline_mode<synchronous>, transform_indices = @transform_6, window_bounds = array<i64: 1, 128>}, {pipeline_mode = #tpu.pipeline_mode<synchronous>, transform_indices = @transform_7, window_bounds = array<i64: 128, 128>}, {pipeline_mode = #tpu.pipeline_mode<synchronous>, transform_indices = @transform_8, window_bounds = array<i64: 1, 128>}, {pipeline_mode = #tpu.pipeline_mode<synchronous>, transform_indices = @transform_9, window_bounds = array<i64: 1, 128>}, {pipeline_mode = #tpu.pipeline_mode<synchronous>, transform_indices = @transform_10, window_bounds = array<i64: 1, 1>}, {pipeline_mode = #tpu.pipeline_mode<synchronous>, transform_indices = @transform_11, window_bounds = array<i64: 128, 128>}, {pipeline_mode = #tpu.pipeline_mode<synchronous>, transform_indices = @transform_12, window_bounds = array<i64: 128, 128>}, {pipeline_mode = #tpu.pipeline_mode<synchronous>, transform_indices = @transform_13, window_bounds = array<i64: 1, 128>}, {transform_indices = @transform_14, window_bounds = array<i64: 1000, 128>}]} {
    %get3A = arith.constant 0 : index
    %get3A_0 = arith.constant 0 : index
    %get3A_1 = arith.constant 0 : index
    %get3A_2 = vector.load %arg1[%get3A, %get3A_0, %get3A_1] : memref<2x1000x16xf32, #tpu.memory_space<vmem>>, vector<1x1000x16xf32>
    %get3A_3 = vector.shape_cast %get3A_2 : vector<1x1000x16xf32> to vector<1000x16xf32>
    %get3A_4 = arith.constant 1 : index
    %get3A_5 = arith.constant 0 : index
    %get3A_6 = arith.constant 0 : index
    %get3A_7 = vector.load %arg1[%get3A_4, %get3A_5, %get3A_6] : memref<2x1000x16xf32, #tpu.memory_space<vmem>>, vector<1x1000x16xf32>
    %get3A_8 = vector.shape_cast %get3A_7 : vector<1x1000x16xf32> to vector<1000x16xf32>
    %add3A = arith.addf %get3A_3, %get3A_8 : vector<1000x16xf32>
    %add3A_9 = arith.constant 1.000000e+00 : f32
    %add3A_10 = vector.broadcast %add3A_9 : f32 to vector<1000x16xf32>
    %add3A_11 = arith.addf %add3A, %add3A_10 : vector<1000x16xf32>
    %rsqrt3A = math.rsqrt %add3A_11 : vector<1000x16xf32>
    %slice3A = vector.extract_strided_slice %rsqrt3A {offsets = [0, 0], sizes = [1000, 1], strides = [1, 1]} : vector<1000x16xf32> to vector<1000x1xf32>
    %get3A_12 = arith.constant 0 : index
    %get3A_13 = arith.constant 0 : index
    %get3A_14 = arith.constant 0 : index
    %get3A_15 = vector.load %arg2[%get3A_12, %get3A_13, %get3A_14] : memref<2x1000x64xf32, #tpu.memory_space<vmem>>, vector<1x1000x64xf32>
    %get3A_16 = vector.shape_cast %get3A_15 : vector<1x1000x64xf32> to vector<1000x64xf32>
    %get3A_17 = arith.constant 0 : index
    %get3A_18 = arith.constant 0 : index
    %get3A_19 = arith.constant 0 : index
    %get3A_20 = vector.load %arg4[%get3A_17, %get3A_18, %get3A_19] : memref<4x1000x64xf32, #tpu.memory_space<vmem>>, vector<1x1000x64xf32>
    %get3A_21 = vector.shape_cast %get3A_20 : vector<1x1000x64xf32> to vector<1000x64xf32>
    %add3A_22 = arith.addf %get3A_16, %get3A_21 : vector<1000x64xf32>
    %get3A_23 = arith.constant 1 : index
    %get3A_24 = arith.constant 0 : index
    %get3A_25 = arith.constant 0 : index
    %get3A_26 = vector.load %arg2[%get3A_23, %get3A_24, %get3A_25] : memref<2x1000x64xf32, #tpu.memory_space<vmem>>, vector<1x1000x64xf32>
    %get3A_27 = vector.shape_cast %get3A_26 : vector<1x1000x64xf32> to vector<1000x64xf32>
    %get3A_28 = arith.constant 1 : index
    %get3A_29 = arith.constant 0 : index
    %get3A_30 = arith.constant 0 : index
    %get3A_31 = vector.load %arg4[%get3A_28, %get3A_29, %get3A_30] : memref<4x1000x64xf32, #tpu.memory_space<vmem>>, vector<1x1000x64xf32>
    %get3A_32 = vector.shape_cast %get3A_31 : vector<1x1000x64xf32> to vector<1000x64xf32>
    %add3A_33 = arith.addf %get3A_27, %get3A_32 : vector<1000x64xf32>
    %concatenate3A = tpu.concatenate %add3A_22, %add3A_33 in 1 : vector<1000x64xf32>, vector<1000x64xf32> -> vector<1000x128xf32>
    %mul3A = vector.broadcast %slice3A : vector<1000x1xf32> to vector<1000x128xf32>
    %mul3A_34 = arith.mulf %concatenate3A, %mul3A : vector<1000x128xf32>
    %get3A_35 = arith.constant 0 : index
    %get3A_36 = arith.constant 0 : index
    %get3A_37 = vector.load %arg6[%get3A_35, %get3A_36] : memref<128x128xf32, #tpu.memory_space<vmem>>, vector<128x128xf32>
    %dot_general3A = arith.constant dense<0.000000e+00> : vector<1000x128xf32>
    %dot_general3A_38 = tpu.matmul %mul3A_34, %get3A_37, %dot_general3A {dimension_numbers = #tpu.dot_dimension_numbers<[1], [0], [0], [1], [0, 0, 1, 1], [], []>, transpose_lhs_hint = false} : vector<1000x128xf32>, vector<128x128xf32>, vector<1000x128xf32> -> vector<1000x128xf32>
    %get3A_39 = arith.constant 0 : index
    %get3A_40 = arith.constant 0 : index
    %get3A_41 = vector.load %arg7[%get3A_39, %get3A_40] : memref<1x128xf32, #tpu.memory_space<vmem>>, vector<1x128xf32>
    %add3A_42 = vector.broadcast %get3A_41 : vector<1x128xf32> to vector<1000x128xf32>
    %add3A_43 = arith.addf %dot_general3A_38, %add3A_42 : vector<1000x128xf32>
    %max3A = arith.constant 0.000000e+00 : f32
    %max3A_44 = vector.broadcast %max3A : f32 to vector<1000x128xf32>
    %max3A_45 = arith.maximumf %add3A_43, %max3A_44 : vector<1000x128xf32>
    %get3A_46 = arith.constant 0 : index
    %get3A_47 = arith.constant 0 : index
    %get3A_48 = arith.constant 0 : index
    %get3A_49 = vector.load %arg3[%get3A_46, %get3A_47, %get3A_48] : memref<2x1000x64xf32, #tpu.memory_space<vmem>>, vector<1x1000x64xf32>
    %get3A_50 = vector.shape_cast %get3A_49 : vector<1x1000x64xf32> to vector<1000x64xf32>
    %get3A_51 = arith.constant 2 : index
    %get3A_52 = arith.constant 0 : index
    %get3A_53 = arith.constant 0 : index
    %get3A_54 = vector.load %arg4[%get3A_51, %get3A_52, %get3A_53] : memref<4x1000x64xf32, #tpu.memory_space<vmem>>, vector<1x1000x64xf32>
    %get3A_55 = vector.shape_cast %get3A_54 : vector<1x1000x64xf32> to vector<1000x64xf32>
    %add3A_56 = arith.addf %get3A_50, %get3A_55 : vector<1000x64xf32>
    %get3A_57 = arith.constant 1 : index
    %get3A_58 = arith.constant 0 : index
    %get3A_59 = arith.constant 0 : index
    %get3A_60 = vector.load %arg3[%get3A_57, %get3A_58, %get3A_59] : memref<2x1000x64xf32, #tpu.memory_space<vmem>>, vector<1x1000x64xf32>
    %get3A_61 = vector.shape_cast %get3A_60 : vector<1x1000x64xf32> to vector<1000x64xf32>
    %get3A_62 = arith.constant 3 : index
    %get3A_63 = arith.constant 0 : index
    %get3A_64 = arith.constant 0 : index
    %get3A_65 = vector.load %arg4[%get3A_62, %get3A_63, %get3A_64] : memref<4x1000x64xf32, #tpu.memory_space<vmem>>, vector<1x1000x64xf32>
    %get3A_66 = vector.shape_cast %get3A_65 : vector<1x1000x64xf32> to vector<1000x64xf32>
    %add3A_67 = arith.addf %get3A_61, %get3A_66 : vector<1000x64xf32>
    %concatenate3A_68 = tpu.concatenate %add3A_56, %add3A_67 in 1 : vector<1000x64xf32>, vector<1000x64xf32> -> vector<1000x128xf32>
    %mul3A_69 = vector.broadcast %slice3A : vector<1000x1xf32> to vector<1000x128xf32>
    %mul3A_70 = arith.mulf %concatenate3A_68, %mul3A_69 : vector<1000x128xf32>
    %get3A_71 = arith.constant 0 : index
    %get3A_72 = arith.constant 0 : index
    %get3A_73 = vector.load %arg8[%get3A_71, %get3A_72] : memref<128x128xf32, #tpu.memory_space<vmem>>, vector<128x128xf32>
    %dot_general3A_74 = arith.constant dense<0.000000e+00> : vector<1000x128xf32>
    %dot_general3A_75 = tpu.matmul %mul3A_70, %get3A_73, %dot_general3A_74 {dimension_numbers = #tpu.dot_dimension_numbers<[1], [0], [0], [1], [0, 0, 1, 1], [], []>, transpose_lhs_hint = false} : vector<1000x128xf32>, vector<128x128xf32>, vector<1000x128xf32> -> vector<1000x128xf32>
    %get3A_76 = arith.constant 0 : index
    %get3A_77 = arith.constant 0 : index
    %get3A_78 = vector.load %arg9[%get3A_76, %get3A_77] : memref<1x128xf32, #tpu.memory_space<vmem>>, vector<1x128xf32>
    %add3A_79 = vector.broadcast %get3A_78 : vector<1x128xf32> to vector<1000x128xf32>
    %add3A_80 = arith.addf %dot_general3A_75, %add3A_79 : vector<1000x128xf32>
    %max3A_81 = arith.constant 0.000000e+00 : f32
    %max3A_82 = vector.broadcast %max3A_81 : f32 to vector<1000x128xf32>
    %max3A_83 = arith.maximumf %add3A_80, %max3A_82 : vector<1000x128xf32>
    %get3A_84 = arith.constant 0 : index
    %get3A_85 = arith.constant 0 : index
    %get3A_86 = vector.load %arg5[%get3A_84, %get3A_85] : memref<1000x128xf32, #tpu.memory_space<vmem>>, vector<1000x128xf32>
    %get3A_87 = arith.constant 0 : index
    %get3A_88 = arith.constant 0 : index
    %get3A_89 = vector.load %arg10[%get3A_87, %get3A_88] : memref<1x128xf32, #tpu.memory_space<vmem>>, vector<1x128xf32>
    %mul3A_90 = vector.broadcast %get3A_89 : vector<1x128xf32> to vector<1000x128xf32>
    %mul3A_91 = arith.mulf %get3A_86, %mul3A_90 : vector<1000x128xf32>
    %reduce_sum3A = arith.constant dense<0.000000e+00> : vector<1000xf32>
    %reduce_sum3A_92 = vector.multi_reduction <add>, %mul3A_91, %reduce_sum3A [1] : vector<1000x128xf32> to vector<1000xf32>
    %broadcast_in_dim3A = vector.shape_cast %reduce_sum3A_92 : vector<1000xf32> to vector<1000x1xf32>
    %get3A_93 = arith.constant 0 : index
    %get3A_94 = arith.constant 0 : index
    %get3A_95 = vector.load %arg11[%get3A_93, %get3A_94] : memref<1x1xf32, #tpu.memory_space<vmem>>, vector<1x1xf32>
    %get3A_96 = vector.extract %get3A_95[0, 0] : f32 from vector<1x1xf32>
    %add3A_97 = vector.broadcast %get3A_96 : f32 to vector<1000x1xf32>
    %add3A_98 = arith.addf %broadcast_in_dim3A, %add3A_97 : vector<1000x1xf32>
    %get3A_99 = arith.constant 0 : index
    %get3A_100 = arith.constant 0 : index
    %get3A_101 = vector.load %arg10[%get3A_99, %get3A_100] : memref<1x128xf32, #tpu.memory_space<vmem>>, vector<1x128xf32>
    %mul3A_102 = vector.broadcast %get3A_101 : vector<1x128xf32> to vector<1000x128xf32>
    %mul3A_103 = arith.mulf %max3A_83, %mul3A_102 : vector<1000x128xf32>
    %reduce_sum3A_104 = arith.constant dense<0.000000e+00> : vector<1000xf32>
    %reduce_sum3A_105 = vector.multi_reduction <add>, %mul3A_103, %reduce_sum3A_104 [1] : vector<1000x128xf32> to vector<1000xf32>
    %broadcast_in_dim3A_106 = vector.shape_cast %reduce_sum3A_105 : vector<1000xf32> to vector<1000x1xf32>
    %get3A_107 = arith.constant 0 : index
    %get3A_108 = arith.constant 0 : index
    %get3A_109 = vector.load %arg11[%get3A_107, %get3A_108] : memref<1x1xf32, #tpu.memory_space<vmem>>, vector<1x1xf32>
    %get3A_110 = vector.extract %get3A_109[0, 0] : f32 from vector<1x1xf32>
    %add3A_111 = vector.broadcast %get3A_110 : f32 to vector<1000x1xf32>
    %add3A_112 = arith.addf %broadcast_in_dim3A_106, %add3A_111 : vector<1000x1xf32>
    %max3A_113 = arith.maximumf %add3A_98, %add3A_112 : vector<1000x1xf32>
    %sub3A = arith.subf %add3A_98, %max3A_113 : vector<1000x1xf32>
    %exp3A = math.exp %sub3A : vector<1000x1xf32>
    %sub3A_114 = arith.subf %add3A_112, %max3A_113 : vector<1000x1xf32>
    %exp3A_115 = math.exp %sub3A_114 : vector<1000x1xf32>
    %mul3A_116 = vector.broadcast %exp3A : vector<1000x1xf32> to vector<1000x128xf32>
    %mul3A_117 = arith.mulf %mul3A_116, %get3A_86 : vector<1000x128xf32>
    %mul3A_118 = vector.broadcast %exp3A_115 : vector<1000x1xf32> to vector<1000x128xf32>
    %mul3A_119 = arith.mulf %mul3A_118, %max3A_83 : vector<1000x128xf32>
    %add3A_120 = arith.addf %mul3A_117, %mul3A_119 : vector<1000x128xf32>
    %add3A_121 = arith.addf %exp3A, %exp3A_115 : vector<1000x1xf32>
    %div3A = vector.broadcast %add3A_121 : vector<1000x1xf32> to vector<1000x128xf32>
    %div3A_122 = arith.divf %add3A_120, %div3A : vector<1000x128xf32>
    %get3A_123 = arith.constant 0 : index
    %get3A_124 = arith.constant 0 : index
    %get3A_125 = vector.load %arg12[%get3A_123, %get3A_124] : memref<128x128xf32, #tpu.memory_space<vmem>>, vector<128x128xf32>
    %dot_general3A_126 = arith.constant dense<0.000000e+00> : vector<1000x128xf32>
    %dot_general3A_127 = tpu.matmul %max3A_45, %get3A_125, %dot_general3A_126 {dimension_numbers = #tpu.dot_dimension_numbers<[1], [0], [0], [1], [0, 0, 1, 1], [], []>, transpose_lhs_hint = false} : vector<1000x128xf32>, vector<128x128xf32>, vector<1000x128xf32> -> vector<1000x128xf32>
    %get3A_128 = arith.constant 0 : index
    %get3A_129 = arith.constant 0 : index
    %get3A_130 = vector.load %arg13[%get3A_128, %get3A_129] : memref<128x128xf32, #tpu.memory_space<vmem>>, vector<128x128xf32>
    %dot_general3A_131 = arith.constant dense<0.000000e+00> : vector<1000x128xf32>
    %dot_general3A_132 = tpu.matmul %div3A_122, %get3A_130, %dot_general3A_131 {dimension_numbers = #tpu.dot_dimension_numbers<[1], [0], [0], [1], [0, 0, 1, 1], [], []>, transpose_lhs_hint = false} : vector<1000x128xf32>, vector<128x128xf32>, vector<1000x128xf32> -> vector<1000x128xf32>
    %add3A_133 = arith.addf %dot_general3A_127, %dot_general3A_132 : vector<1000x128xf32>
    %get3A_134 = arith.constant 0 : index
    %get3A_135 = arith.constant 0 : index
    %get3A_136 = vector.load %arg14[%get3A_134, %get3A_135] : memref<1x128xf32, #tpu.memory_space<vmem>>, vector<1x128xf32>
    %add3A_137 = vector.broadcast %get3A_136 : vector<1x128xf32> to vector<1000x128xf32>
    %add3A_138 = arith.addf %add3A_133, %add3A_137 : vector<1000x128xf32>
    %swap3A = arith.constant 0 : index
    %swap3A_139 = arith.constant 0 : index
    %swap3A_140 = vector.load %arg15[%swap3A, %swap3A_139] : memref<1000x128xf32, #tpu.memory_space<vmem>>, vector<1000x128xf32>
    tpu.vector_store %arg15[%swap3A, %swap3A_139], %add3A_138 {strides = array<i32>} : memref<1000x128xf32, #tpu.memory_space<vmem>>, vector<1000x128xf32>,
    return
  }
  func.func @transform_0(%arg0: i32) -> (i32, i32, i32) {
    %c0_i32 = arith.constant 0 : i32
    %c0_i32_0 = arith.constant 0 : i32
    %c0_i32_1 = arith.constant 0 : i32
    return %c0_i32, %arg0, %c0_i32_0 : i32, i32, i32
  }
  func.func @transform_1(%arg0: i32) -> (i32, i32, i32) {
    %c0_i32 = arith.constant 0 : i32
    %c0_i32_0 = arith.constant 0 : i32
    %c0_i32_1 = arith.constant 0 : i32
    return %c0_i32, %arg0, %c0_i32_0 : i32, i32, i32
  }
  func.func @transform_2(%arg0: i32) -> (i32, i32, i32) {
    %c0_i32 = arith.constant 0 : i32
    %c0_i32_0 = arith.constant 0 : i32
    %c0_i32_1 = arith.constant 0 : i32
    return %c0_i32, %arg0, %c0_i32_0 : i32, i32, i32
  }
  func.func @transform_3(%arg0: i32) -> (i32, i32, i32) {
    %c0_i32 = arith.constant 0 : i32
    %c0_i32_0 = arith.constant 0 : i32
    %c0_i32_1 = arith.constant 0 : i32
    return %c0_i32, %arg0, %c0_i32_0 : i32, i32, i32
  }
  func.func @transform_4(%arg0: i32) -> (i32, i32) {
    %c0_i32 = arith.constant 0 : i32
    %c0_i32_0 = arith.constant 0 : i32
    return %arg0, %c0_i32 : i32, i32
  }
  func.func @transform_5(%arg0: i32) -> (i32, i32) {
    %c0_i32 = arith.constant 0 : i32
    %c0_i32_0 = arith.constant 0 : i32
    %c0_i32_1 = arith.constant 0 : i32
    return %c0_i32, %c0_i32_0 : i32, i32
  }
  func.func @transform_6(%arg0: i32) -> (i32, i32) {
    %c0_i32 = arith.constant 0 : i32
    %c0_i32_0 = arith.constant 0 : i32
    %c0_i32_1 = arith.constant 0 : i32
    return %c0_i32, %c0_i32_0 : i32, i32
  }
  func.func @transform_7(%arg0: i32) -> (i32, i32) {
    %c0_i32 = arith.constant 0 : i32
    %c0_i32_0 = arith.constant 0 : i32
    %c0_i32_1 = arith.constant 0 : i32
    return %c0_i32, %c0_i32_0 : i32, i32
  }
  func.func @transform_8(%arg0: i32) -> (i32, i32) {
    %c0_i32 = arith.constant 0 : i32
    %c0_i32_0 = arith.constant 0 : i32
    %c0_i32_1 = arith.constant 0 : i32
    return %c0_i32, %c0_i32_0 : i32, i32
  }
  func.func @transform_9(%arg0: i32) -> (i32, i32) {
    %c0_i32 = arith.constant 0 : i32
    %c0_i32_0 = arith.constant 0 : i32
    %c0_i32_1 = arith.constant 0 : i32
    return %c0_i32, %c0_i32_0 : i32, i32
  }
  func.func @transform_10(%arg0: i32) -> (i32, i32) {
    %c0_i32 = arith.constant 0 : i32
    %c0_i32_0 = arith.constant 0 : i32
    %c0_i32_1 = arith.constant 0 : i32
    return %c0_i32, %c0_i32_0 : i32, i32
  }
  func.func @transform_11(%arg0: i32) -> (i32, i32) {
    %c0_i32 = arith.constant 0 : i32
    %c0_i32_0 = arith.constant 0 : i32
    %c0_i32_1 = arith.constant 0 : i32
    return %c0_i32, %c0_i32_0 : i32, i32
  }
  func.func @transform_12(%arg0: i32) -> (i32, i32) {
    %c0_i32 = arith.constant 0 : i32
    %c0_i32_0 = arith.constant 0 : i32
    %c0_i32_1 = arith.constant 0 : i32
    return %c0_i32, %c0_i32_0 : i32, i32
  }
  func.func @transform_13(%arg0: i32) -> (i32, i32) {
    %c0_i32 = arith.constant 0 : i32
    %c0_i32_0 = arith.constant 0 : i32
    %c0_i32_1 = arith.constant 0 : i32
    return %c0_i32, %c0_i32_0 : i32, i32
  }
  func.func @transform_14(%arg0: i32) -> (i32, i32) {
    %c0_i32 = arith.constant 0 : i32
    %c0_i32_0 = arith.constant 0 : i32
    return %arg0, %c0_i32 : i32, i32
  }
}

</mosaic_0001>

<sc_bundles>
// kernel: sc_agg.11.cloned.1.call-start
scs
__scs_entry_jumppad:
0x0: {  	(pc) =	sbr.rel $0x88, $3  }
0x1: {  	(tag) =	ssettag $0x0;
	lr =	simm.s32 $0x1  }
0x2: {  	[smem:$0x3F91] =	sst lr;
	_ =	strace $0xD0000000  }
0x3: {  	_ = 	snop  }
0x4: {  	_ = 	snop  }
0x5: {  	_ = 	snop  }
0x6: {  	_ = 	snop  }
0x7: {  	_ = 	snop  }
__scs_overlays_trampoline_lowered:
0x8: {  	[smem:$0x3FA0] =	sst s0  }
0x9: {  	[smem:$0x3FA1] =	sst s1  }
0xa: {  	[smem:$0x3FA2] =	sst s2  }
0xb: {  	[smem:$0x3FA3] =	sst s3  }
0xc: {  	[smem:$0x3FA4] =	sst s4  }
0xd: {  	[smem:$0x3FA5] =	sst s5  }
0xe: {  	[smem:$0x3FA6] =	sst s6  }
0xf: {  	[smem:$0x3FA7] =	sst s7  }
0x10: {  	[smem:$0x3FA8] =	sst s8  }
0x11: {  	[smem:$0x3FA9] =	sst s9;
	s0 =	simm.s32 @!p0 $0x0  }
0x12: {  	s1 =	sld [smem:$0x3F8F];
	s0 =	simm.s32 @p0 $0x1  }
0x13: {  	[smem:$0x3FAA] =	sst s0;
	s0 =	simm.s32 @!p1 $0x0  }
0x14: {  	s2 =	sld [smem:$0x3F8E];
	s0 =	simm.s32 @p1 $0x1  }
0x15: {  	[smem:$0x3FAB] =	sst s0;
	s0 =	simm.s32 @!p2 $0x0  }
0x16: {  	s3 =	sld [smem:$0x3FDB];
	s0 =	simm.s32 @p2 $0x1  }
0x17: {  	s4 =	simm.s32 $0x1BF5;
	[smem:$0x3FAD] =	sst s0  }
0x18: {  	s0 =	sld [smem:$0x3F90];
	_ =	swait.ge [sflag:s4], $0x0  }
0x19: {  	s7 =	sld [smem:$0x3F91]  }
0x1a: {  	s8 =	sadd.s32 $0xFFFFE003, lr  }
0x1b: {  	s9 =	sadd.s32 $0xFFFFFEF7, lr;
	s5 =	simm.s32 $0xFFFFFFFF;
	p2 =	slt.u32 s8, $0xFFFFF086  }
0x1c: {  	p1 =	slt.u32 s9, $0xF7A;
	s5 =	simm.s32 @!p2 $0x0  }
0x1d: {  	s5 =	simm.s32 @p1 $0x1;
	p0 =	seq.s32 s7, s2  }
0x1e: {  	s7 =	smul.u32 @!p0 $0xF7A, s2;
	p2 =	seq.s32 @!p0 s5, $0x0  }
0x1f: {  	s9 =	smul.u32 $0xF7A, s1;
	s8 =	simm.s32 @!p0 $0x1BF5;
	p2 =	por !p2, p0  }
0x20: {  	[sflag:s8] =	ssyncset.s32 @!p0 $0xFFFFF086;
	s6 =	sadd.s32 @!p0 s3, s7;
	s7 =	simm.s32 @!p0 $0x108  }
0x21: {  	s3 =	sadd.s32 s3, s9;
	s6 =	sadd.s32 @!p0 $0x88, s6;
	s7 =	simm.s32 @p2 $0x1082  }
0x22: {  	[simem:s7], [sflag:s8] =	dma.local @!p0 [hbm:s6], $0xF7A  }
0x23: {  	s9 =	sor.u32 $0xD0000000, s2;
	s6 =	simm.s32 $0x108;
	_ =	swait.ge @!p0 [sflag:s8], $0x0  }
0x24: {  	s3 =	sadd.s32 $0x88, s3;
	s6 =	simm.s32 @!p1 $0x1082;
	[sflag:s4] =	ssyncset.s32 $0xFFFFF086  }
0x25: {  	[simem:s6], [sflag:s4] =	dma.local [hbm:s3], $0xF7A  }
0x26: {  	[smem:$0x3F91] =	sst s1;
	(tag) =	ssettag s2;
	_ =	strace s9  }
0x27: {  	s1 =	sld [smem:$0x3FA1]  }
0x28: {  	s2 =	sld [smem:$0x3FA2]  }
0x29: {  	s4 =	sld [smem:$0x3FA4]  }
0x2a: {  	p0 =	seq.s32 s5, $0x0;
	s5 =	sld [smem:$0x3FA5]  }
0x2b: {  	s6 =	sld [smem:$0x3FA6]  }
0x2c: {  	s7 =	sld [smem:$0x3FA7]  }
0x2d: {  	s3 =	simm.s32 $0x108;
	s8 =	sld [smem:$0x3FA8]  }
0x2e: {  	s3 =	simm.s32 @!p0 $0x1082;
	s9 =	sld [smem:$0x3FA9]  }
0x2f: {  	lr =	sadd.s32 s0, s3;
	s0 =	sld [smem:$0x3FA0]  }
0x30: {  	s3 =	sld [smem:$0x3FA3]  }
0x31: {  	[smem:$0x3FAC] =	sst s10  }
0x32: {  	s10 =	sld [smem:$0x3FAA];
	_ =	sdelay $0x3  }
0x33: {  	p0 =	seq.s32 s10, $0x1;
	s10 =	sld [smem:$0x3FAC];
	_ =	sdelay $0x3  }
0x34: {  	[smem:$0x3FAC] =	sst s10  }
0x35: {  	s10 =	sld [smem:$0x3FAB];
	_ =	sdelay $0x3  }
0x36: {  	p1 =	seq.s32 s10, $0x1;
	s10 =	sld [smem:$0x3FAC];
	_ =	sdelay $0x3  }
0x37: {  	[smem:$0x3FAC] =	sst s10  }
0x38: {  	s10 =	sld [smem:$0x3FAD]  }
0x39: {  	_ = 	snop;
	(pc) =	sbr.ind lr, $3  }
0x3a: {  	_ = 	snop  }
0x3b: {  	_ = 	snop  }
0x3c: {  	p2 =	seq.s32 s10, $0x1;
	s10 =	sld [smem:$0x3FAC]  }
0x3d: {  	_ =	shalt  }
0x3e: {  	_ =	shalt  }
0x3f: {  	_ =	shalt  }
0x40: {  	_ =	shalt  }
0x41: {  	_ =	shalt  }
0x42: {  	_ =	shalt  }
0x43: {  	_ =	shalt  }
0x44: {  	_ =	shalt  }
0x45: {  	_ =	shalt  }
0x46: {  	_ =	shalt  }
0x47: {  	_ =	shalt  }
0x48: {  	_ =	shalt  }
0x49: {  	_ =	shalt  }
0x4a: {  	_ =	shalt  }
0x4b: {  	_ =	shalt  }
0x4c: {  	_ =	shalt  }
0x4d: {  	_ =	shalt  }
0x4e: {  	_ =	shalt  }
0x4f: {  	_ =	shalt  }
0x50: {  	_ =	shalt  }
0x51: {  	_ =	shalt  }
0x52: {  	_ =	shalt  }
0x53: {  	_ =	shalt  }
0x54: {  	_ =	shalt  }
0x55: {  	_ =	shalt  }
0x56: {  	_ =	shalt  }
0x57: {  	_ =	shalt  }
0x58: {  	_ =	shalt  }
0x59: {  	_ =	shalt  }
0x5a: {  	_ =	shalt  }
0x5b: {  	_ =	shalt  }
0x5c: {  	_ =	shalt  }
0x5d: {  	_ =	shalt  }
0x5e: {  	_ =	shalt  }
0x5f: {  	_ =	shalt  }
0x60: {  	_ =	shalt  }
0x61: {  	_ =	shalt  }
0x62: {  	_ =	shalt  }
0x63: {  	_ =	shalt  }
0x64: {  	_ =	shalt  }
0x65: {  	_ =	shalt  }
0x66: {  	_ =	shalt  }
0x67: {  	_ =	shalt  }
0x68: {  	_ =	shalt  }
0x69: {  	_ =	shalt  }
0x6a: {  	_ =	shalt  }
0x6b: {  	_ =	shalt  }
0x6c: {  	_ =	shalt  }
0x6d: {  	_ =	shalt  }
0x6e: {  	_ =	shalt  }
0x6f: {  	_ =	shalt  }
0x70: {  	_ =	shalt  }
0x71: {  	_ =	shalt  }
0x72: {  	_ =	shalt  }
0x73: {  	_ =	shalt  }
0x74: {  	_ =	shalt  }
0x75: {  	_ =	shalt  }
0x76: {  	_ =	shalt  }
0x77: {  	_ =	shalt  }
0x78: {  	_ =	shalt  }
0x79: {  	_ =	shalt  }
0x7a: {  	_ =	shalt  }
0x7b: {  	_ =	shalt  }
0x7c: {  	_ =	shalt  }
0x7d: {  	_ =	shalt  }
0x7e: {  	_ =	shalt  }
0x7f: {  	_ =	shalt  }
0x80: {  	_ =	shalt  }
0x81: {  	_ =	shalt  }
0x82: {  	_ =	shalt  }
0x83: {  	_ =	shalt  }
0x84: {  	_ =	shalt  }
0x85: {  	_ =	shalt  }
0x86: {  	_ =	shalt  }
0x87: {  	_ =	shalt  }
.Lfunc_end0:
.L_simem_size_0:
called_computation.3_lowered:
.L_overlay_start_0:
0x88: {  	s2 =	sld [smem:$0x3FD9]  }
0x89: {  	s3 =	sld [smem:$0x3FFE];
	_ =	sdelay $0x1  }
0x8a: {  	s1 =	srdreg.scid  }
0x8b: {  	s0 =	sand.u32 $0x1, s1  }
0x8c: {  	s17 =	sshll.u32 s0, $0xA;
	s2 =	sadd.s32 s3, s2  }
0x8d: {  	s2 =	sadd.s32 s2, s17  }
0x8e: {  	[smem:$0x3FB8] =	sst s2  }
0x8f: {  	_ = 	snop  }
0x90: {  	s18 =	sld [smem:$0x3FD0];
	(tm) =	ssettm $0x1  }
0x91: {  	s19 =	sld [smem:$0x3FFB];
	_ =	sdelay $0x3  }
0x92: {  	_ =	strace s19  }
0x93: {  	s2 =	sld [smem:$0x3FFC];
	_ =	sdelay $0x3  }
0x94: {  	_ =	strace s2  }
0x95: {  	s2 =	sld [smem:$0x3FFD];
	_ =	sdelay $0x3  }
0x96: {  	_ =	strace s2  }
0x97: {  	_ =	strace $0x8FFFFFFF  }
0x98: {  	s20 =	sld [smem:$0x3FDB];
	_ =	sdelay $0x1  }
0x99: {  	s4 =	simm.s32 $_scs_section_size  }
0x9a: {  	s5 =	simm.s32 $_size__tile_overlayer_lowered;
	s6 =	simm.s32 $_tile_overlayer_lowered  }
0x9b: {  	s7 =	simm.s32 $0x1BFF;
	s21 =	sshll.u32 s6, $0x1;
	s4 =	sadd.s32 s4, s20  }
0x9c: {  	s22 =	simm.s32 $0x0;
	s5 =	sshll.u32 s5, $0x1;
	s6 =	sadd.s32 s21, s4  }
0x9d: {  	[timem:s22], [sflag:s7] =	dma.local [hbm:s6], s5  }
0x9e: {  	_ =	swait.ge [sflag:s7], s5  }
0x9f: {  	s5 =	ssub.s32 $0x0, s5;
	[sflag:s7] =	ssyncset.done $0x0  }
0xa0: {  	[sflag:s7] =	ssyncadd.s32 s5;
	_ =	sdelay $0x1  }
0xa1: {  	s23 =	simm.s32 $0x1B8B  }
0xa2: {  	_ =	swait.ge [sflag:s23], $0x1  }
0xa3: {  	[sflag:s23] =	ssyncset.done $0x0  }
0xa4: {  	[sflag:s23] =	ssyncadd.s32 $0xFFFFFFFF  }
0xa5: {  	s5 =	sld [smem:$0x0]  }
0xa6: {  	s6 =	sand.u32 $0xFFFFFFFE, s1  }
0xa7: {  	p0 =	sne.s32 s1, s6  }
0xa8: {  	s6 =	sshll.u32 @p0 s6, $0xE  }
0xa9: {  	s6 =	sadd.s32 @p0 $0x11B8D, s6;
	s7 =	sshll.u32 @p0 s5, $0x11  }
0xaa: {  	s6 =	sor.u32 @p0 s7, s6  }
0xab: {  	[sflag:s6] =	ssyncadd.remote.s32 @p0 $0x1;
	_ =	sdelay $0x1  }
0xac: {  	s6 =	simm.s32 @p0 $0x1B8D  }
0xad: {  	_ =	swait.eq @p0 [sflag:s6], $0x1  }
0xae: {  	[sflag:s6] =	ssyncadd.s32 @p0 $0xFFFFFFFF  }
0xaf: {  	s7 =	sshll.u32 @!p0 s1, $0xE  }
0xb0: {  	s7 =	sor.u32 @!p0 $0x4000, s7;
	s6 =	simm.s32 @!p0 $0x1B8D  }
0xb1: {  	s5 =	sshll.u32 @!p0 s5, $0x11;
	s7 =	sadd.s32 @!p0 $0x11B8D, s7;
	_ =	swait.eq @!p0 [sflag:s6], $0x1  }
0xb2: {  	s5 =	sor.u32 @!p0 s5, s7;
	[sflag:s6] =	ssyncadd.s32 @!p0 $0xFFFFFFFF  }
0xb3: {  	s25 =	simm.s32 $0x1B8E;
	s24 =	sld [smem:$0x3FFE];
	[sflag:s5] =	ssyncadd.remote.s32 @!p0 $0x1  }
0xb4: {  	s26 =	simm.s32 $execute0_lowered;
	[smem:$0x3FD2] =	sst s25  }
0xb5: {  	s6 =	sshll.u32 s26, $0x1;
	_ =	strace $0x8000004F;
	[dreg:$0x1] =	wrdreg $0xFFFFFFFF  }
0xb6: {  	s28 =	simm.s32 $_size_execute0_lowered;
	s4 =	sadd.s32 s4, s6;
	[dreg:$0x0] =	wrdreg $0x0  }
0xb7: {  	s6 =	sshll.u32 s28, $0x1;
	[dreg:$0x2] =	wrdreg s4  }
0xb8: {  	[dreg:$0x3] =	wrdreg s6  }
0xb9: {  	[dreg:$0x4] =	wrdreg $0xC0  }
0xba: {  	_ =	task [dreg:s22], $0x5FFFF  }
0xbb: {  	[dreg:$0x1] =	wrdreg $0xFFFFFFFF  }
0xbc: {  	[dreg:$0x0] =	wrdreg $0x60  }
0xbd: {  	[dreg:$0x2] =	wrdreg s24  }
0xbe: {  	[dreg:$0x3] =	wrdreg s18  }
0xbf: {  	[dreg:$0x4] =	wrdreg $0xE0000  }
0xc0: {  	[dreg:$0x5] =	wrdreg $0xA  }
0xc1: {  	_ =	task.clear_ibuf [dreg:s22], $0x6FFFF;
	_ =	strace $0x9000004F  }
0xc2: {  	s29 =	simm.s32 $0xA;
	_ =	strace $0x80000051  }
0xc3: {  	_ =	swait.ge [sflag:s29], $0x1  }
0xc4: {  	[sflag:s29] =	ssyncadd.s32 $0xFFFFFFFF  }
0xc5: {  	_ =	strace $0x90000051  }
0xc6: {  	_ =	sfence  }
0xc7: {  	s30 =	sld [smem:$0x0];
	_ =	sdelay $0x2  }
0xc8: {  	s31 =	sshll.u32 s1, $0xD;
	s1 =	sshrl.u32 s1, $0x2  }
0xc9: {  	s4 =	sand.u32 $0x4000, s31;
	s1 =	sadd.s32 s1, s30  }
0xca: {  	s0 =	sor.u32 s4, s0;
	s1 =	sshll.u32 s1, $0x11  }
0xcb: {  	s0 =	sor.u32 s1, s0  }
0xcc: {  	s0 =	sadd.s32 $0x8F2B, s0  }
0xcd: {  	[sflag:s0] =	ssyncadd.remote.s32 $0x1  }
0xce: {  	_ =	sfence.sel $0xFFFF  }
0xcf: {  	[dreg:$0x0] =	wrdreg $0xFFFFFFFF;
	(pc) =	sbr.abs _section_cstart, $3  }
0xd0: {  	[dreg:$0x1] =	wrdreg $0xFFFFFFFF  }
0xd1: {  	_ =	task.clear_ibuf [dreg:s22], $0x2FFFF;
	_ =	strace $0x9FFFFFFF  }
0xd2: {  	(tm) =	ssettm $0x7FFFFFFF  }
0xd3: {  	_ =	shalt  }
tec
execute0_lowered:
.L_overlay_start_1:
0x0: {  	(tag) =	ssettag $0x1  }
0x1: {  	s6 =	rddreg [dreg:$0x0]  }
0x2: {  	s7 =	rddreg [dreg:$0x1]  }
0x3: {  	s2 =	rddreg [dreg:$0x2]  }
0x4: {  	s0 =	stileid.u32;
	s3 =	simm.s32 $0x0;
	s4 =	srdreg.scid  }
0x5: {  	s22 =	simm.s32 $0x80;
	s23 =	simm.s32 $0xC000;
	s24 =	simm.s32 $0x1  }
0x6: {  	s28 =	simm.s32 $0x4;
	s29 =	simm.s32 $0x0;
	s8 =	smul.u32 $0x5000, s0  }
0x7: {  	[smem:$0x7FF] =	sst s3;
	s9 =	sand.u32 $0x1, s4;
	s12 =	smul.u32 $0xA000, s0  }
0x8: {  	s4 =	sadd.s32 $0xCC200, s6;
	s17 =	sadd.s32 $0x144200, s6;
	s10 =	smul.u32 $0x50000, s9  }
0x9: {  	_ =	strace $0x80000050;
	s25 =	ssub.s32 $0x2, s9;
	s15 =	smul.u32 $0xA0000, s9  }
0xa: {  	s5 =	sshrl.u32 s8, $0x3;
	s26 =	sshrl.u32 s25, $0x1;
	s13 =	sadd.s32 $0x2000, s12  }
0xb: {  	s16 =	sadd.s32 $0x4000, s12;
	s19 =	sadd.s32 $0x6000, s12;
	s20 =	sadd.s32 $0x8000, s12  }
0xc: {  	s11 =	sadd.s32 s5, s6;
	s5 =	sadd.s32 $0xDE00, s6;
	s8 =	sadd.s32 s8, s10  }
0xd: {  	s18 =	ssub.s32 s25, s26;
	s9 =	sadd.s32 s13, s2;
	s10 =	sadd.s32 s16, s2  }
0xe: {  	s14 =	sadd.s32 s12, s15;
	s21 =	sadd.s32 s15, s13;
	s16 =	sadd.s32 s15, s16  }
0xf: {  	s25 =	simm.s32 $0x2;
	s26 =	simm.s32 $0x3;
	s8 =	sshrl.u32 s8, $0x3  }
0x10: {  	s14 =	sshrl.u32 s14, $0x3;
	s30 =	sshrl.u32 s21, $0x3;
	s16 =	sshrl.u32 s16, $0x3  }
0x11: {  	s18 =	smax.u32 s18, $0x1;
	s21 =	simm.s32 $0xA000;
	s6 =	sadd.s32 s7, s8  }
0x12: {  	s7 =	sadd.s32 $0x3E00, s11;
	s8 =	sadd.s32 s12, s2;
	s11 =	sadd.s32 s19, s2  }
0x13: {  	s12 =	sadd.s32 s20, s2;
	s13 =	sadd.s32 s17, s14;
	s14 =	sadd.s32 s17, s30  }
0x14: {  	s19 =	sadd.s32 s15, s19;
	s20 =	sadd.s32 s15, s20;
	s15 =	sadd.s32 s17, s16  }
0x15: {  	s19 =	sshrl.u32 s19, $0x3;
	s31 =	sshrl.u32 s20, $0x3;
	s20 =	simm.s32 $0x5000  }
0x16: {  	s16 =	sadd.s32 s17, s19;
	s17 =	sadd.s32 s17, s31;
	s19 =	simm.s32 $0x5  }
.LBB2_1:
0x17: {  	[tilespmem:s3], [sflag:$0x5] =	stream.linear.gather [hbm4b:s6+s3], $0x5000, $0x38;
	[tilespmem:$0x18000] =	vst v63  }
0x18: {  	_ =	swait.ge [sflag:s19], $0x5000  }
0x19: {  	[sflag:s19] =	ssyncset.done $0x0  }
0x1a: {  	[sflag:s19] =	ssyncadd.s32 $0xFFFFB000  }
0x1b: {  	[tilespmem:s20], [sflag:$0x5] =	stream.linear.gather [hbm4b:s7+s3], $0x5000, $0x38;
	[tilespmem:$0x18000] =	vst v63  }
0x1c: {  	_ =	swait.ge [sflag:s19], $0x5000  }
0x1d: {  	[sflag:s19] =	ssyncset.done $0x0  }
0x1e: {  	[sflag:s19] =	ssyncadd.s32 $0xFFFFB000  }
0x1f: {  	[tilespmem:s21], [sflag:$0x5] =	stream.linear.gather [hbm4b:s5+s3], $0x2000, $0x38;
	[tilespmem:$0x18000] =	vst v63  }
0x20: {  	_ =	swait.ge [sflag:s19], $0x2000  }
0x21: {  	[sflag:s19] =	ssyncset.done $0x0  }
0x22: {  	[sflag:s19] =	ssyncadd.s32 $0xFFFFE000  }
0x23: {  	[spmem:s8] =	stream.linear.scatter [tilespmem:s21], [sflag:$0x5], $0x2000, $0x38;
	[tilespmem:$0x18000] =	vst v63  }
0x24: {  	_ =	swait.ge [sflag:s19], $0x2000  }
0x25: {  	[sflag:s19] =	ssyncset.done $0x0  }
0x26: {  	[sflag:s19] =	ssyncadd.s32 $0xFFFFE000  }
0x27: {  	[spmem:s9] =	stream.linear.scatter [tilespmem:s21], [sflag:$0x5], $0x2000, $0x38;
	[tilespmem:$0x18000] =	vst v63  }
0x28: {  	_ =	swait.ge [sflag:s19], $0x2000  }
0x29: {  	[sflag:s19] =	ssyncset.done $0x0  }
0x2a: {  	[sflag:s19] =	ssyncadd.s32 $0xFFFFE000  }
0x2b: {  	[spmem:s10] =	stream.linear.scatter [tilespmem:s21], [sflag:$0x5], $0x2000, $0x38;
	[tilespmem:$0x18000] =	vst v63  }
0x2c: {  	_ =	swait.ge [sflag:s19], $0x2000  }
0x2d: {  	[sflag:s19] =	ssyncset.done $0x0  }
0x2e: {  	[sflag:s19] =	ssyncadd.s32 $0xFFFFE000  }
0x2f: {  	[spmem:s11] =	stream.linear.scatter [tilespmem:s21], [sflag:$0x5], $0x2000, $0x38;
	[tilespmem:$0x18000] =	vst v63  }
0x30: {  	_ =	swait.ge [sflag:s19], $0x2000  }
0x31: {  	[sflag:s19] =	ssyncset.done $0x0  }
0x32: {  	[sflag:s19] =	ssyncadd.s32 $0xFFFFE000  }
0x33: {  	[spmem:s12] =	stream.linear.scatter [tilespmem:s21], [sflag:$0x5], $0x2000, $0x38;
	[tilespmem:$0x18000] =	vst v63  }
0x34: {  	_ =	swait.ge [sflag:s19], $0x2000  }
0x35: {  	[sflag:s19] =	ssyncset.done $0x0  }
0x36: {  	[sflag:s19] =	ssyncadd.s32 $0xFFFFE000  }
0x37: {  	s30 =	simm.s32 $0x0;
	[bflag:$0x0] =	sbarrier.arrive $0xFFFF  }
0x38: {  	[tilespmem:s21], [sflag:$0x1] =	stream.indirect.gather [hbm4b:s4+s22], $0x40, s30, s22, $0xb8;
	[tilespmem:$0x18000] =	vst v63  }
0x39: {  	s30 =	simm.s32 $0x80  }
0x3a: {  	[tilespmem:s23], [sflag:$0x2] =	stream.indirect.gather [hbm4b:s4+s22], $0x40, s30, s22, $0xb8;
	[tilespmem:$0x18000] =	vst v63  }
0x3b: {  	_ =	swait.ge [sflag:s24], $0x2000  }
0x3c: {  	[sflag:s24] =	ssyncset.done $0x0  }
0x3d: {  	s30 =	simm.s32 $0x5000;
	[sflag:s24] =	ssyncadd.s32 $0xFFFFE000  }
0x3e: {  	[spmem:s2] =	stream.indirect.scatter.add.f32 [tilespmem:s21], [sflag:$0x3], $0x40, s30, s22, $0xb8;
	[tilespmem:$0x18000] =	vst v63  }
0x3f: {  	_ =	swait.ge [sflag:s25], $0x2000  }
0x40: {  	[sflag:s25] =	ssyncset.done $0x0  }
0x41: {  	s30 =	simm.s32 $0x5080;
	[sflag:s25] =	ssyncadd.s32 $0xFFFFE000  }
0x42: {  	[spmem:s2] =	stream.indirect.scatter.add.f32 [tilespmem:s23], [sflag:$0x4], $0x40, s30, s22, $0xb8;
	[tilespmem:$0x18000] =	vst v63  }
0x43: {  	_ =	swait.ge [sflag:s26], $0x2000  }
0x44: {  	[sflag:s26] =	ssyncset.done $0x0  }
0x45: {  	[sflag:s26] =	ssyncadd.s32 $0xFFFFE000  }
0x46: {  	_ =	swait.ge [sflag:s28], $0x2000  }
0x47: {  	s31 =	simm.s32 $0x800;
	s30 =	simm.s32 $0x400;
	[sflag:s28] =	ssyncset.done $0x0  }
.LBB2_2:
0x48: {  	s0 =	sshra.s32 s30, $0x2  }
0x49: {  	[sflag:s28] =	ssyncadd.s32 $0xFFFFE000;
	s30 =	smov.u32 s31;
	s1 =	sadd.s32 $0x400, s31  }
0x4a: {  	[tilespmem:s21], [sflag:$0x1] =	stream.indirect.gather [hbm4b:s4+s22], $0x40, s0, s22, $0xb8;
	[tilespmem:$0x18000] =	vst v63  }
0x4b: {  	p0 =	sne.s32 s31, $0x13C00;
	s31 =	sadd.s32 $0x80, s0  }
0x4c: {  	[tilespmem:s23], [sflag:$0x2] =	stream.indirect.gather [hbm4b:s4+s22], $0x40, s31, s22, $0xb8;
	[tilespmem:$0x18000] =	vst v63  }
0x4d: {  	_ =	swait.ge [sflag:s24], $0x2000  }
0x4e: {  	[sflag:s24] =	ssyncset.done $0x0  }
0x4f: {  	s31 =	sadd.s32 $0x5000, s0;
	[sflag:s24] =	ssyncadd.s32 $0xFFFFE000  }
0x50: {  	[spmem:s2] =	stream.indirect.scatter.add.f32 [tilespmem:s21], [sflag:$0x3], $0x40, s31, s22, $0xb8;
	[tilespmem:$0x18000] =	vst v63  }
0x51: {  	_ =	swait.ge [sflag:s25], $0x2000  }
0x52: {  	[sflag:s25] =	ssyncset.done $0x0  }
0x53: {  	s0 =	sadd.s32 $0x5080, s0;
	[sflag:s25] =	ssyncadd.s32 $0xFFFFE000  }
0x54: {  	[spmem:s2] =	stream.indirect.scatter.add.f32 [tilespmem:s23], [sflag:$0x4], $0x40, s0, s22, $0xb8;
	[tilespmem:$0x18000] =	vst v63  }
.Ltmp0:
0x55: {  	_ =	swait.ge [sflag:s26], $0x2000;
	(pc) =	sbr.rel @p0 .LBB2_2-.Ltmp0, $4  }
0x56: {  	[sflag:s26] =	ssyncset.done $0x0  }
0x57: {  	[sflag:s26] =	ssyncadd.s32 $0xFFFFE000  }
0x58: {  	_ =	swait.ge [sflag:s28], $0x2000  }
0x59: {  	s31 =	smov.u32 s1;
	[sflag:s28] =	ssyncset.done $0x0  }
0x5a: {  	s0 =	sshra.s32 s30, $0x2;
	[sflag:s28] =	ssyncadd.s32 $0xFFFFE000  }
0x5b: {  	[tilespmem:s21], [sflag:$0x1] =	stream.indirect.gather [hbm4b:s4+s22], $0x40, s0, s22, $0xb8;
	[tilespmem:$0x18000] =	vst v63  }
0x5c: {  	s1 =	sadd.s32 $0x80, s0  }
0x5d: {  	[tilespmem:s23], [sflag:$0x2] =	stream.indirect.gather [hbm4b:s4+s22], $0x40, s1, s22, $0xb8;
	[tilespmem:$0x18000] =	vst v63  }
0x5e: {  	_ =	swait.ge [sflag:s24], $0x2000  }
0x5f: {  	[sflag:s24] =	ssyncset.done $0x0  }
0x60: {  	s31 =	sadd.s32 $0x5000, s0;
	[sflag:s24] =	ssyncadd.s32 $0xFFFFE000  }
0x61: {  	[spmem:s2] =	stream.indirect.scatter.add.f32 [tilespmem:s21], [sflag:$0x3], $0x40, s31, s22, $0xb8;
	[tilespmem:$0x18000] =	vst v63  }
0x62: {  	_ =	swait.ge [sflag:s25], $0x2000  }
0x63: {  	[sflag:s25] =	ssyncset.done $0x0  }
0x64: {  	s0 =	sadd.s32 $0x5080, s0;
	[sflag:s25] =	ssyncadd.s32 $0xFFFFE000  }
0x65: {  	[spmem:s2] =	stream.indirect.scatter.add.f32 [tilespmem:s23], [sflag:$0x4], $0x40, s0, s22, $0xb8;
	[tilespmem:$0x18000] =	vst v63  }
0x66: {  	_ =	swait.ge [sflag:s26], $0x2000  }
0x67: {  	[sflag:s26] =	ssyncset.done $0x0  }
0x68: {  	[sflag:s26] =	ssyncadd.s32 $0xFFFFE000  }
0x69: {  	_ =	swait.ge [sflag:s28], $0x2000  }
0x6a: {  	[sflag:s28] =	ssyncset.done $0x0  }
0x6b: {  	[sflag:s28] =	ssyncadd.s32 $0xFFFFE000  }
0x6c: {  	[bflag:$0x0] =	sbarrier.arrive $0xFFFF  }
0x6d: {  	[tilespmem:s21], [sflag:$0x5] =	stream.linear.gather [spmem:s8], $0x2000, $0x38;
	[tilespmem:$0x18000] =	vst v63  }
0x6e: {  	_ =	swait.ge [sflag:s19], $0x2000  }
0x6f: {  	[sflag:s19] =	ssyncset.done $0x0  }
0x70: {  	[sflag:s19] =	ssyncadd.s32 $0xFFFFE000  }
0x71: {  	[hbm4b:s13+s3] =	stream.linear.scatter [tilespmem:s21], [sflag:$0x5], $0x2000, $0x38;
	[tilespmem:$0x18000] =	vst v63  }
0x72: {  	_ =	swait.ge [sflag:s19], $0x2000  }
0x73: {  	[sflag:s19] =	ssyncset.done $0x0  }
0x74: {  	[sflag:s19] =	ssyncadd.s32 $0xFFFFE000  }
0x75: {  	[tilespmem:s21], [sflag:$0x5] =	stream.linear.gather [spmem:s9], $0x2000, $0x38;
	[tilespmem:$0x18000] =	vst v63  }
0x76: {  	_ =	swait.ge [sflag:s19], $0x2000  }
0x77: {  	[sflag:s19] =	ssyncset.done $0x0  }
0x78: {  	[sflag:s19] =	ssyncadd.s32 $0xFFFFE000  }
0x79: {  	[hbm4b:s14+s3] =	stream.linear.scatter [tilespmem:s21], [sflag:$0x5], $0x2000, $0x38;
	[tilespmem:$0x18000] =	vst v63  }
0x7a: {  	_ =	swait.ge [sflag:s19], $0x2000  }
0x7b: {  	[sflag:s19] =	ssyncset.done $0x0  }
0x7c: {  	[sflag:s19] =	ssyncadd.s32 $0xFFFFE000  }
0x7d: {  	[tilespmem:s21], [sflag:$0x5] =	stream.linear.gather [spmem:s10], $0x2000, $0x38;
	[tilespmem:$0x18000] =	vst v63  }
0x7e: {  	_ =	swait.ge [sflag:s19], $0x2000  }
0x7f: {  	[sflag:s19] =	ssyncset.done $0x0  }
0x80: {  	[sflag:s19] =	ssyncadd.s32 $0xFFFFE000  }
0x81: {  	[hbm4b:s15+s3] =	stream.linear.scatter [tilespmem:s21], [sflag:$0x5], $0x2000, $0x38;
	[tilespmem:$0x18000] =	vst v63  }
0x82: {  	_ =	swait.ge [sflag:s19], $0x2000  }
0x83: {  	[sflag:s19] =	ssyncset.done $0x0  }
0x84: {  	[sflag:s19] =	ssyncadd.s32 $0xFFFFE000  }
0x85: {  	[tilespmem:s21], [sflag:$0x5] =	stream.linear.gather [spmem:s11], $0x2000, $0x38;
	[tilespmem:$0x18000] =	vst v63  }
0x86: {  	_ =	swait.ge [sflag:s19], $0x2000  }
0x87: {  	[sflag:s19] =	ssyncset.done $0x0  }
0x88: {  	[sflag:s19] =	ssyncadd.s32 $0xFFFFE000  }
0x89: {  	[hbm4b:s16+s3] =	stream.linear.scatter [tilespmem:s21], [sflag:$0x5], $0x2000, $0x38;
	[tilespmem:$0x18000] =	vst v63  }
0x8a: {  	_ =	swait.ge [sflag:s19], $0x2000  }
0x8b: {  	[sflag:s19] =	ssyncset.done $0x0  }
0x8c: {  	[sflag:s19] =	ssyncadd.s32 $0xFFFFE000  }
0x8d: {  	[tilespmem:s21], [sflag:$0x5] =	stream.linear.gather [spmem:s12], $0x2000, $0x38;
	[tilespmem:$0x18000] =	vst v63  }
0x8e: {  	s29 =	sadd.s32 $0x1, s29;
	_ =	swait.ge [sflag:s19], $0x2000  }
0x8f: {  	p0 =	sne.s32 s29, s18;
	[sflag:s19] =	ssyncset.done $0x0  }
.Ltmp1:
0x90: {  	[sflag:s19] =	ssyncadd.s32 $0xFFFFE000;
	(pc) =	sbr.rel @p0 .LBB2_1-.Ltmp1, $4  }
0x91: {  	[hbm4b:s17+s3] =	stream.linear.scatter [tilespmem:s21], [sflag:$0x5], $0x2000, $0x38;
	[tilespmem:$0x18000] =	vst v63  }
0x92: {  	_ =	swait.ge [sflag:s19], $0x2000  }
0x93: {  	[sflag:s19] =	ssyncset.done $0x0  }
0x94: {  	[sflag:s19] =	ssyncadd.s32 $0xFFFFE000  }
0x95: {  	_ =	sfence.sel $0x180000  }
0x96: {  	[bflag:$0x0] =	sbarrier.arrive $0xFFFF  }
0x97: {  	_ =	strace $0x90000050  }
0x98: {  	s0 =	stileid.u32;
	[bflag:$0x2] =	sbarrier.arrive $0xFFFF  }
0x99: {  	p0 =	sne.s32 s0, $0x0;
	s0 =	rddreg [dreg:$0x3]  }
0x9a: {  	s0 =	sadd.s32 @!p0 $0x100000, s0  }
0x9b: {  	[sflag:s0] =	ssyncadd.tile.s32 @!p0 $0x1;
	_ =	shalt  }
.Lfunc_end2:
_tile_overlayer_lowered:
.L_overlay_start_2:
0x9c: {  	(tag) =	ssettag $0x2  }
0x9d: {  	s0 =	rddreg [dreg:$0x0];
	s2 =	stileid.u32  }
0x9e: {  	s1 =	rddreg [dreg:$0x1];
	p0 =	sne.s32 s2, $0x0  }
0x9f: {  	s3 =	rddreg [dreg:$0x2];
	[bflag:$0x3] =	sbarrier.arrive $0xFFFF;
	s2 =	simm.s32 @!p0 $0x1C05  }
0xa0: {  	[timem:s3], [sflag:s2] =	dma.local @!p0 [hbm:s0], s1  }
0xa1: {  	s0 =	simm.s32 @!p0 $0x5  }
0xa2: {  	_ =	swait.ge @!p0 [sflag:s0], s1  }
0xa3: {  	s1 =	ssub.s32 @!p0 $0x0, s1;
	[sflag:s0] =	ssyncset.done @!p0 $0x0  }
0xa4: {  	[sflag:s0] =	ssyncadd.s32 @!p0 s1  }
0xa5: {  	[bflag:$0x3] =	sbarrier.arrive $0xFFFF  }
0xa6: {  	_ =	shalt  }

// kernel: sc_agg.5.cloned.1.call-start
scs
__scs_entry_jumppad:
0x0: {  	(pc) =	sbr.rel $0x88, $3  }
0x1: {  	(tag) =	ssettag $0x0;
	lr =	simm.s32 $0x1  }
0x2: {  	[smem:$0x3F91] =	sst lr;
	_ =	strace $0xD0000000  }
0x3: {  	_ = 	snop  }
0x4: {  	_ = 	snop  }
0x5: {  	_ = 	snop  }
0x6: {  	_ = 	snop  }
0x7: {  	_ = 	snop  }
__scs_overlays_trampoline_lowered:
0x8: {  	[smem:$0x3FA0] =	sst s0  }
0x9: {  	[smem:$0x3FA1] =	sst s1  }
0xa: {  	[smem:$0x3FA2] =	sst s2  }
0xb: {  	[smem:$0x3FA3] =	sst s3  }
0xc: {  	[smem:$0x3FA4] =	sst s4  }
0xd: {  	[smem:$0x3FA5] =	sst s5  }
0xe: {  	[smem:$0x3FA6] =	sst s6  }
0xf: {  	[smem:$0x3FA7] =	sst s7  }
0x10: {  	[smem:$0x3FA8] =	sst s8  }
0x11: {  	[smem:$0x3FA9] =	sst s9;
	s0 =	simm.s32 @!p0 $0x0  }
0x12: {  	s1 =	sld [smem:$0x3F8F];
	s0 =	simm.s32 @p0 $0x1  }
0x13: {  	[smem:$0x3FAA] =	sst s0;
	s0 =	simm.s32 @!p1 $0x0  }
0x14: {  	s2 =	sld [smem:$0x3F8E];
	s0 =	simm.s32 @p1 $0x1  }
0x15: {  	[smem:$0x3FAB] =	sst s0;
	s0 =	simm.s32 @!p2 $0x0  }
0x16: {  	s3 =	sld [smem:$0x3FDB];
	s0 =	simm.s32 @p2 $0x1  }
0x17: {  	s4 =	simm.s32 $0x1BF5;
	[smem:$0x3FAD] =	sst s0  }
0x18: {  	s0 =	sld [smem:$0x3F90];
	_ =	swait.ge [sflag:s4], $0x0  }
0x19: {  	s7 =	sld [smem:$0x3F91]  }
0x1a: {  	s8 =	sadd.s32 $0xFFFFE003, lr  }
0x1b: {  	s9 =	sadd.s32 $0xFFFFFEF7, lr;
	s5 =	simm.s32 $0xFFFFFFFF;
	p2 =	slt.u32 s8, $0xFFFFF086  }
0x1c: {  	p1 =	slt.u32 s9, $0xF7A;
	s5 =	simm.s32 @!p2 $0x0  }
0x1d: {  	s5 =	simm.s32 @p1 $0x1;
	p0 =	seq.s32 s7, s2  }
0x1e: {  	s7 =	smul.u32 @!p0 $0xF7A, s2;
	p2 =	seq.s32 @!p0 s5, $0x0  }
0x1f: {  	s9 =	smul.u32 $0xF7A, s1;
	s8 =	simm.s32 @!p0 $0x1BF5;
	p2 =	por !p2, p0  }
0x20: {  	[sflag:s8] =	ssyncset.s32 @!p0 $0xFFFFF086;
	s6 =	sadd.s32 @!p0 s3, s7;
	s7 =	simm.s32 @!p0 $0x108  }
0x21: {  	s3 =	sadd.s32 s3, s9;
	s6 =	sadd.s32 @!p0 $0x88, s6;
	s7 =	simm.s32 @p2 $0x1082  }
0x22: {  	[simem:s7], [sflag:s8] =	dma.local @!p0 [hbm:s6], $0xF7A  }
0x23: {  	s9 =	sor.u32 $0xD0000000, s2;
	s6 =	simm.s32 $0x108;
	_ =	swait.ge @!p0 [sflag:s8], $0x0  }
0x24: {  	s3 =	sadd.s32 $0x88, s3;
	s6 =	simm.s32 @!p1 $0x1082;
	[sflag:s4] =	ssyncset.s32 $0xFFFFF086  }
0x25: {  	[simem:s6], [sflag:s4] =	dma.local [hbm:s3], $0xF7A  }
0x26: {  	[smem:$0x3F91] =	sst s1;
	(tag) =	ssettag s2;
	_ =	strace s9  }
0x27: {  	s1 =	sld [smem:$0x3FA1]  }
0x28: {  	s2 =	sld [smem:$0x3FA2]  }
0x29: {  	s4 =	sld [smem:$0x3FA4]  }
0x2a: {  	p0 =	seq.s32 s5, $0x0;
	s5 =	sld [smem:$0x3FA5]  }
0x2b: {  	s6 =	sld [smem:$0x3FA6]  }
0x2c: {  	s7 =	sld [smem:$0x3FA7]  }
0x2d: {  	s3 =	simm.s32 $0x108;
	s8 =	sld [smem:$0x3FA8]  }
0x2e: {  	s3 =	simm.s32 @!p0 $0x1082;
	s9 =	sld [smem:$0x3FA9]  }
0x2f: {  	lr =	sadd.s32 s0, s3;
	s0 =	sld [smem:$0x3FA0]  }
0x30: {  	s3 =	sld [smem:$0x3FA3]  }
0x31: {  	[smem:$0x3FAC] =	sst s10  }
0x32: {  	s10 =	sld [smem:$0x3FAA];
	_ =	sdelay $0x3  }
0x33: {  	p0 =	seq.s32 s10, $0x1;
	s10 =	sld [smem:$0x3FAC];
	_ =	sdelay $0x3  }
0x34: {  	[smem:$0x3FAC] =	sst s10  }
0x35: {  	s10 =	sld [smem:$0x3FAB];
	_ =	sdelay $0x3  }
0x36: {  	p1 =	seq.s32 s10, $0x1;
	s10 =	sld [smem:$0x3FAC];
	_ =	sdelay $0x3  }
0x37: {  	[smem:$0x3FAC] =	sst s10  }
0x38: {  	s10 =	sld [smem:$0x3FAD]  }
0x39: {  	_ = 	snop;
	(pc) =	sbr.ind lr, $3  }
0x3a: {  	_ = 	snop  }
0x3b: {  	_ = 	snop  }
0x3c: {  	p2 =	seq.s32 s10, $0x1;
	s10 =	sld [smem:$0x3FAC]  }
0x3d: {  	_ =	shalt  }
0x3e: {  	_ =	shalt  }
0x3f: {  	_ =	shalt  }
0x40: {  	_ =	shalt  }
0x41: {  	_ =	shalt  }
0x42: {  	_ =	shalt  }
0x43: {  	_ =	shalt  }
0x44: {  	_ =	shalt  }
0x45: {  	_ =	shalt  }
0x46: {  	_ =	shalt  }
0x47: {  	_ =	shalt  }
0x48: {  	_ =	shalt  }
0x49: {  	_ =	shalt  }
0x4a: {  	_ =	shalt  }
0x4b: {  	_ =	shalt  }
0x4c: {  	_ =	shalt  }
0x4d: {  	_ =	shalt  }
0x4e: {  	_ =	shalt  }
0x4f: {  	_ =	shalt  }
0x50: {  	_ =	shalt  }
0x51: {  	_ =	shalt  }
0x52: {  	_ =	shalt  }
0x53: {  	_ =	shalt  }
0x54: {  	_ =	shalt  }
0x55: {  	_ =	shalt  }
0x56: {  	_ =	shalt  }
0x57: {  	_ =	shalt  }
0x58: {  	_ =	shalt  }
0x59: {  	_ =	shalt  }
0x5a: {  	_ =	shalt  }
0x5b: {  	_ =	shalt  }
0x5c: {  	_ =	shalt  }
0x5d: {  	_ =	shalt  }
0x5e: {  	_ =	shalt  }
0x5f: {  	_ =	shalt  }
0x60: {  	_ =	shalt  }
0x61: {  	_ =	shalt  }
0x62: {  	_ =	shalt  }
0x63: {  	_ =	shalt  }
0x64: {  	_ =	shalt  }
0x65: {  	_ =	shalt  }
0x66: {  	_ =	shalt  }
0x67: {  	_ =	shalt  }
0x68: {  	_ =	shalt  }
0x69: {  	_ =	shalt  }
0x6a: {  	_ =	shalt  }
0x6b: {  	_ =	shalt  }
0x6c: {  	_ =	shalt  }
0x6d: {  	_ =	shalt  }
0x6e: {  	_ =	shalt  }
0x6f: {  	_ =	shalt  }
0x70: {  	_ =	shalt  }
0x71: {  	_ =	shalt  }
0x72: {  	_ =	shalt  }
0x73: {  	_ =	shalt  }
0x74: {  	_ =	shalt  }
0x75: {  	_ =	shalt  }
0x76: {  	_ =	shalt  }
0x77: {  	_ =	shalt  }
0x78: {  	_ =	shalt  }
0x79: {  	_ =	shalt  }
0x7a: {  	_ =	shalt  }
0x7b: {  	_ =	shalt  }
0x7c: {  	_ =	shalt  }
0x7d: {  	_ =	shalt  }
0x7e: {  	_ =	shalt  }
0x7f: {  	_ =	shalt  }
0x80: {  	_ =	shalt  }
0x81: {  	_ =	shalt  }
0x82: {  	_ =	shalt  }
0x83: {  	_ =	shalt  }
0x84: {  	_ =	shalt  }
0x85: {  	_ =	shalt  }
0x86: {  	_ =	shalt  }
0x87: {  	_ =	shalt  }
.Lfunc_end0:
.L_simem_size_0:
called_computation.1_lowered:
.L_overlay_start_0:
0x88: {  	s2 =	sld [smem:$0x3FD9]  }
0x89: {  	s3 =	sld [smem:$0x3FFE];
	_ =	sdelay $0x1  }
0x8a: {  	s1 =	srdreg.scid  }
0x8b: {  	s0 =	sand.u32 $0x1, s1  }
0x8c: {  	s16 =	sshll.u32 s0, $0xA;
	s2 =	sadd.s32 s3, s2  }
0x8d: {  	s2 =	sadd.s32 s2, s16  }
0x8e: {  	[smem:$0x3FB8] =	sst s2  }
0x8f: {  	_ = 	snop  }
0x90: {  	(tm) =	ssettm $0x1  }
0x91: {  	s17 =	sld [smem:$0x3FFB];
	_ =	sdelay $0x3  }
0x92: {  	_ =	strace s17  }
0x93: {  	s2 =	sld [smem:$0x3FFC];
	_ =	sdelay $0x3  }
0x94: {  	_ =	strace s2  }
0x95: {  	s2 =	sld [smem:$0x3FFD];
	_ =	sdelay $0x3  }
0x96: {  	_ =	strace s2  }
0x97: {  	_ =	strace $0x8FFFFFFF  }
0x98: {  	s18 =	sld [smem:$0x3FDB];
	_ =	sdelay $0x1  }
0x99: {  	s19 =	simm.s32 $_scs_section_size  }
0x9a: {  	s4 =	simm.s32 $_size__tile_overlayer_lowered;
	s5 =	simm.s32 $_tile_overlayer_lowered  }
0x9b: {  	s22 =	simm.s32 $0x1BFF;
	s21 =	sshll.u32 s5, $0x1;
	s2 =	sadd.s32 s19, s18  }
0x9c: {  	s6 =	simm.s32 $0x0;
	s20 =	sshll.u32 s4, $0x1;
	s4 =	sadd.s32 s21, s2  }
0x9d: {  	[timem:s6], [sflag:s22] =	dma.local [hbm:s4], s20  }
0x9e: {  	_ =	swait.ge [sflag:s22], s20  }
0x9f: {  	s3 =	ssub.s32 $0x0, s20;
	[sflag:s22] =	ssyncset.done $0x0  }
0xa0: {  	[sflag:s22] =	ssyncadd.s32 s3;
	_ =	sdelay $0x1  }
0xa1: {  	s23 =	simm.s32 $0x1B8B  }
0xa2: {  	_ =	swait.ge [sflag:s23], $0x1  }
0xa3: {  	[sflag:s23] =	ssyncset.done $0x0  }
0xa4: {  	s25 =	simm.s32 $0x1B8E;
	s24 =	sld [smem:$0x3FFE];
	[sflag:s23] =	ssyncadd.s32 $0xFFFFFFFF  }
0xa5: {  	s26 =	simm.s32 $execute0_lowered;
	[smem:$0x3FD2] =	sst s25  }
0xa6: {  	s4 =	sshll.u32 s26, $0x1;
	_ =	strace $0x80000049;
	[dreg:$0x1] =	wrdreg $0xFFFFFFFF  }
0xa7: {  	s28 =	simm.s32 $_size_execute0_lowered;
	s2 =	sadd.s32 s2, s4;
	[dreg:$0x0] =	wrdreg $0x0  }
0xa8: {  	s4 =	sshll.u32 s28, $0x1;
	[dreg:$0x2] =	wrdreg s2  }
0xa9: {  	[dreg:$0x3] =	wrdreg s4  }
0xaa: {  	[dreg:$0x4] =	wrdreg $0xC0  }
0xab: {  	_ =	task [dreg:s6], $0x5FFFF  }
0xac: {  	[dreg:$0x1] =	wrdreg $0xFFFFFFFF  }
0xad: {  	[dreg:$0x0] =	wrdreg $0x60  }
0xae: {  	[dreg:$0x2] =	wrdreg s24  }
0xaf: {  	[dreg:$0x3] =	wrdreg $0xE0000  }
0xb0: {  	[dreg:$0x4] =	wrdreg $0x9  }
0xb1: {  	_ =	task.clear_ibuf [dreg:s6], $0x5FFFF;
	_ =	strace $0x90000049  }
0xb2: {  	s29 =	simm.s32 $0x9;
	_ =	strace $0x8000004B  }
0xb3: {  	_ =	swait.ge [sflag:s29], $0x1  }
0xb4: {  	[sflag:s29] =	ssyncadd.s32 $0xFFFFFFFF  }
0xb5: {  	_ =	strace $0x9000004B  }
0xb6: {  	_ =	sfence  }
0xb7: {  	s30 =	sld [smem:$0x0];
	_ =	sdelay $0x2  }
0xb8: {  	s31 =	sshll.u32 s1, $0xD;
	s1 =	sshrl.u32 s1, $0x2  }
0xb9: {  	s3 =	sand.u32 $0x4000, s31;
	s1 =	sadd.s32 s1, s30  }
0xba: {  	s0 =	sor.u32 s3, s0;
	s1 =	sshll.u32 s1, $0x11  }
0xbb: {  	s0 =	sor.u32 s1, s0  }
0xbc: {  	s0 =	sadd.s32 $0x8F2B, s0  }
0xbd: {  	[sflag:s0] =	ssyncadd.remote.s32 $0x1  }
0xbe: {  	_ =	sfence.sel $0xFFFF  }
0xbf: {  	[dreg:$0x0] =	wrdreg $0xFFFFFFFF;
	(pc) =	sbr.abs _section_cstart, $3  }
0xc0: {  	[dreg:$0x1] =	wrdreg $0xFFFFFFFF  }
0xc1: {  	_ =	task.clear_ibuf [dreg:s6], $0x2FFFF;
	_ =	strace $0x9FFFFFFF  }
0xc2: {  	(tm) =	ssettm $0x7FFFFFFF  }
0xc3: {  	_ =	shalt  }
tec
execute0_lowered:
.L_overlay_start_1:
0x0: {  	(tag) =	ssettag $0x1  }
0x1: {  	s1 =	srdreg.scid  }
0x2: {  	s0 =	stileid.u32;
	s6 =	rddreg [dreg:$0x0]  }
0x3: {  	s2 =	rddreg [dreg:$0x1];
	s3 =	simm.s32 $0x0;
	s22 =	simm.s32 $0x80  }
0x4: {  	s23 =	simm.s32 $0xC000;
	s24 =	simm.s32 $0x1;
	s25 =	simm.s32 $0x2  }
0x5: {  	s28 =	simm.s32 $0x4;
	s29 =	simm.s32 $0x0;
	s5 =	smul.u32 $0x5000, s0  }
0x6: {  	s9 =	sand.u32 $0x1, s1;
	[smem:$0x7FF] =	sst s3;
	s12 =	smul.u32 $0xA000, s0  }
0x7: {  	s17 =	sadd.s32 $0xA4200, s6;
	s4 =	smul.u32 $0x50000, s9;
	s10 =	ssub.s32 $0x2, s9  }
0x8: {  	_ =	strace $0x8000004A;
	s15 =	smul.u32 $0xA0000, s9;
	s26 =	sshrl.u32 s10, $0x1  }
0x9: {  	s13 =	sadd.s32 $0x2000, s12;
	s16 =	sadd.s32 $0x4000, s12;
	s19 =	sadd.s32 $0x6000, s12  }
0xa: {  	s20 =	sadd.s32 $0x8000, s12;
	s4 =	sadd.s32 s5, s4;
	s5 =	sshrl.u32 s5, $0x3  }
0xb: {  	s18 =	ssub.s32 s10, s26;
	s9 =	sadd.s32 s13, s2;
	s10 =	sadd.s32 s16, s2  }
0xc: {  	s11 =	sadd.s32 s19, s2;
	s14 =	sadd.s32 s12, s15;
	s21 =	sadd.s32 s15, s13  }
0xd: {  	s16 =	sadd.s32 s15, s16;
	s19 =	sadd.s32 s15, s19;
	s26 =	simm.s32 $0x3  }
0xe: {  	s7 =	sshrl.u32 s4, $0x3;
	s4 =	sadd.s32 $0x7C200, s6;
	s8 =	sadd.s32 s5, s6  }
0xf: {  	s5 =	sadd.s32 $0xDE00, s6;
	s14 =	sshrl.u32 s14, $0x3;
	s30 =	sshrl.u32 s21, $0x3  }
0x10: {  	s16 =	sshrl.u32 s16, $0x3;
	s19 =	sshrl.u32 s19, $0x3;
	s18 =	smax.u32 s18, $0x1  }
0x11: {  	s21 =	simm.s32 $0xA000;
	s7 =	sadd.s32 s7, s6;
	s13 =	sadd.s32 s17, s14  }
0x12: {  	s14 =	sadd.s32 s17, s30;
	s6 =	sadd.s32 $0x18200, s7;
	s7 =	sadd.s32 $0x3E00, s8  }
0x13: {  	s8 =	sadd.s32 s12, s2;
	s12 =	sadd.s32 s20, s2;
	s20 =	sadd.s32 s15, s20  }
0x14: {  	s15 =	sadd.s32 s17, s16;
	s16 =	sadd.s32 s17, s19;
	s31 =	sshrl.u32 s20, $0x3  }
0x15: {  	s19 =	simm.s32 $0x5;
	s20 =	simm.s32 $0x5000;
	s17 =	sadd.s32 s17, s31  }
.LBB2_1:
0x16: {  	[tilespmem:s3], [sflag:$0x5] =	stream.linear.gather [hbm4b:s6+s3], $0x5000, $0x38;
	[tilespmem:$0x18000] =	vst v63  }
0x17: {  	_ =	swait.ge [sflag:s19], $0x5000  }
0x18: {  	[sflag:s19] =	ssyncset.done $0x0  }
0x19: {  	[sflag:s19] =	ssyncadd.s32 $0xFFFFB000  }
0x1a: {  	[tilespmem:s20], [sflag:$0x5] =	stream.linear.gather [hbm4b:s7+s3], $0x5000, $0x38;
	[tilespmem:$0x18000] =	vst v63  }
0x1b: {  	_ =	swait.ge [sflag:s19], $0x5000  }
0x1c: {  	[sflag:s19] =	ssyncset.done $0x0  }
0x1d: {  	[sflag:s19] =	ssyncadd.s32 $0xFFFFB000  }
0x1e: {  	[tilespmem:s21], [sflag:$0x5] =	stream.linear.gather [hbm4b:s5+s3], $0x2000, $0x38;
	[tilespmem:$0x18000] =	vst v63  }
0x1f: {  	_ =	swait.ge [sflag:s19], $0x2000  }
0x20: {  	[sflag:s19] =	ssyncset.done $0x0  }
0x21: {  	[sflag:s19] =	ssyncadd.s32 $0xFFFFE000  }
0x22: {  	[spmem:s8] =	stream.linear.scatter [tilespmem:s21], [sflag:$0x5], $0x2000, $0x38;
	[tilespmem:$0x18000] =	vst v63  }
0x23: {  	_ =	swait.ge [sflag:s19], $0x2000  }
0x24: {  	[sflag:s19] =	ssyncset.done $0x0  }
0x25: {  	[sflag:s19] =	ssyncadd.s32 $0xFFFFE000  }
0x26: {  	[spmem:s9] =	stream.linear.scatter [tilespmem:s21], [sflag:$0x5], $0x2000, $0x38;
	[tilespmem:$0x18000] =	vst v63  }
0x27: {  	_ =	swait.ge [sflag:s19], $0x2000  }
0x28: {  	[sflag:s19] =	ssyncset.done $0x0  }
0x29: {  	[sflag:s19] =	ssyncadd.s32 $0xFFFFE000  }
0x2a: {  	[spmem:s10] =	stream.linear.scatter [tilespmem:s21], [sflag:$0x5], $0x2000, $0x38;
	[tilespmem:$0x18000] =	vst v63  }
0x2b: {  	_ =	swait.ge [sflag:s19], $0x2000  }
0x2c: {  	[sflag:s19] =	ssyncset.done $0x0  }
0x2d: {  	[sflag:s19] =	ssyncadd.s32 $0xFFFFE000  }
0x2e: {  	[spmem:s11] =	stream.linear.scatter [tilespmem:s21], [sflag:$0x5], $0x2000, $0x38;
	[tilespmem:$0x18000] =	vst v63  }
0x2f: {  	_ =	swait.ge [sflag:s19], $0x2000  }
0x30: {  	[sflag:s19] =	ssyncset.done $0x0  }
0x31: {  	[sflag:s19] =	ssyncadd.s32 $0xFFFFE000  }
0x32: {  	[spmem:s12] =	stream.linear.scatter [tilespmem:s21], [sflag:$0x5], $0x2000, $0x38;
	[tilespmem:$0x18000] =	vst v63  }
0x33: {  	_ =	swait.ge [sflag:s19], $0x2000  }
0x34: {  	[sflag:s19] =	ssyncset.done $0x0  }
0x35: {  	[sflag:s19] =	ssyncadd.s32 $0xFFFFE000  }
0x36: {  	s30 =	simm.s32 $0x0;
	[bflag:$0x0] =	sbarrier.arrive $0xFFFF  }
0x37: {  	[tilespmem:s21], [sflag:$0x1] =	stream.indirect.gather [hbm4b:s4+s22], $0x40, s30, s22, $0xb8;
	[tilespmem:$0x18000] =	vst v63  }
0x38: {  	s30 =	simm.s32 $0x80  }
0x39: {  	[tilespmem:s23], [sflag:$0x2] =	stream.indirect.gather [hbm4b:s4+s22], $0x40, s30, s22, $0xb8;
	[tilespmem:$0x18000] =	vst v63  }
0x3a: {  	_ =	swait.ge [sflag:s24], $0x2000  }
0x3b: {  	[sflag:s24] =	ssyncset.done $0x0  }
0x3c: {  	s30 =	simm.s32 $0x5000;
	[sflag:s24] =	ssyncadd.s32 $0xFFFFE000  }
0x3d: {  	[spmem:s2] =	stream.indirect.scatter.add.f32 [tilespmem:s21], [sflag:$0x3], $0x40, s30, s22, $0xb8;
	[tilespmem:$0x18000] =	vst v63  }
0x3e: {  	_ =	swait.ge [sflag:s25], $0x2000  }
0x3f: {  	[sflag:s25] =	ssyncset.done $0x0  }
0x40: {  	s30 =	simm.s32 $0x5080;
	[sflag:s25] =	ssyncadd.s32 $0xFFFFE000  }
0x41: {  	[spmem:s2] =	stream.indirect.scatter.add.f32 [tilespmem:s23], [sflag:$0x4], $0x40, s30, s22, $0xb8;
	[tilespmem:$0x18000] =	vst v63  }
0x42: {  	_ =	swait.ge [sflag:s26], $0x2000  }
0x43: {  	[sflag:s26] =	ssyncset.done $0x0  }
0x44: {  	[sflag:s26] =	ssyncadd.s32 $0xFFFFE000  }
0x45: {  	_ =	swait.ge [sflag:s28], $0x2000  }
0x46: {  	s31 =	simm.s32 $0x800;
	s30 =	simm.s32 $0x400;
	[sflag:s28] =	ssyncset.done $0x0  }
.LBB2_2:
0x47: {  	s1 =	sshra.s32 s30, $0x2  }
0x48: {  	[sflag:s28] =	ssyncadd.s32 $0xFFFFE000;
	s30 =	smov.u32 s31;
	s0 =	sadd.s32 $0x400, s31  }
0x49: {  	[tilespmem:s21], [sflag:$0x1] =	stream.indirect.gather [hbm4b:s4+s22], $0x40, s1, s22, $0xb8;
	[tilespmem:$0x18000] =	vst v63  }
0x4a: {  	p0 =	sne.s32 s31, $0x13C00;
	s31 =	sadd.s32 $0x80, s1  }
0x4b: {  	[tilespmem:s23], [sflag:$0x2] =	stream.indirect.gather [hbm4b:s4+s22], $0x40, s31, s22, $0xb8;
	[tilespmem:$0x18000] =	vst v63  }
0x4c: {  	_ =	swait.ge [sflag:s24], $0x2000  }
0x4d: {  	[sflag:s24] =	ssyncset.done $0x0  }
0x4e: {  	s31 =	sadd.s32 $0x5000, s1;
	[sflag:s24] =	ssyncadd.s32 $0xFFFFE000  }
0x4f: {  	[spmem:s2] =	stream.indirect.scatter.add.f32 [tilespmem:s21], [sflag:$0x3], $0x40, s31, s22, $0xb8;
	[tilespmem:$0x18000] =	vst v63  }
0x50: {  	_ =	swait.ge [sflag:s25], $0x2000  }
0x51: {  	[sflag:s25] =	ssyncset.done $0x0  }
0x52: {  	s1 =	sadd.s32 $0x5080, s1;
	[sflag:s25] =	ssyncadd.s32 $0xFFFFE000  }
0x53: {  	[spmem:s2] =	stream.indirect.scatter.add.f32 [tilespmem:s23], [sflag:$0x4], $0x40, s1, s22, $0xb8;
	[tilespmem:$0x18000] =	vst v63  }
.Ltmp0:
0x54: {  	_ =	swait.ge [sflag:s26], $0x2000;
	(pc) =	sbr.rel @p0 .LBB2_2-.Ltmp0, $4  }
0x55: {  	[sflag:s26] =	ssyncset.done $0x0  }
0x56: {  	[sflag:s26] =	ssyncadd.s32 $0xFFFFE000  }
0x57: {  	_ =	swait.ge [sflag:s28], $0x2000  }
0x58: {  	s31 =	smov.u32 s0;
	[sflag:s28] =	ssyncset.done $0x0  }
0x59: {  	s0 =	sshra.s32 s30, $0x2;
	[sflag:s28] =	ssyncadd.s32 $0xFFFFE000  }
0x5a: {  	[tilespmem:s21], [sflag:$0x1] =	stream.indirect.gather [hbm4b:s4+s22], $0x40, s0, s22, $0xb8;
	[tilespmem:$0x18000] =	vst v63  }
0x5b: {  	s1 =	sadd.s32 $0x80, s0  }
0x5c: {  	[tilespmem:s23], [sflag:$0x2] =	stream.indirect.gather [hbm4b:s4+s22], $0x40, s1, s22, $0xb8;
	[tilespmem:$0x18000] =	vst v63  }
0x5d: {  	_ =	swait.ge [sflag:s24], $0x2000  }
0x5e: {  	[sflag:s24] =	ssyncset.done $0x0  }
0x5f: {  	s31 =	sadd.s32 $0x5000, s0;
	[sflag:s24] =	ssyncadd.s32 $0xFFFFE000  }
0x60: {  	[spmem:s2] =	stream.indirect.scatter.add.f32 [tilespmem:s21], [sflag:$0x3], $0x40, s31, s22, $0xb8;
	[tilespmem:$0x18000] =	vst v63  }
0x61: {  	_ =	swait.ge [sflag:s25], $0x2000  }
0x62: {  	[sflag:s25] =	ssyncset.done $0x0  }
0x63: {  	s0 =	sadd.s32 $0x5080, s0;
	[sflag:s25] =	ssyncadd.s32 $0xFFFFE000  }
0x64: {  	[spmem:s2] =	stream.indirect.scatter.add.f32 [tilespmem:s23], [sflag:$0x4], $0x40, s0, s22, $0xb8;
	[tilespmem:$0x18000] =	vst v63  }
0x65: {  	_ =	swait.ge [sflag:s26], $0x2000  }
0x66: {  	[sflag:s26] =	ssyncset.done $0x0  }
0x67: {  	[sflag:s26] =	ssyncadd.s32 $0xFFFFE000  }
0x68: {  	_ =	swait.ge [sflag:s28], $0x2000  }
0x69: {  	[sflag:s28] =	ssyncset.done $0x0  }
0x6a: {  	[sflag:s28] =	ssyncadd.s32 $0xFFFFE000  }
0x6b: {  	[bflag:$0x0] =	sbarrier.arrive $0xFFFF  }
0x6c: {  	[tilespmem:s21], [sflag:$0x5] =	stream.linear.gather [spmem:s8], $0x2000, $0x38;
	[tilespmem:$0x18000] =	vst v63  }
0x6d: {  	_ =	swait.ge [sflag:s19], $0x2000  }
0x6e: {  	[sflag:s19] =	ssyncset.done $0x0  }
0x6f: {  	[sflag:s19] =	ssyncadd.s32 $0xFFFFE000  }
0x70: {  	[hbm4b:s13+s3] =	stream.linear.scatter [tilespmem:s21], [sflag:$0x5], $0x2000, $0x38;
	[tilespmem:$0x18000] =	vst v63  }
0x71: {  	_ =	swait.ge [sflag:s19], $0x2000  }
0x72: {  	[sflag:s19] =	ssyncset.done $0x0  }
0x73: {  	[sflag:s19] =	ssyncadd.s32 $0xFFFFE000  }
0x74: {  	[tilespmem:s21], [sflag:$0x5] =	stream.linear.gather [spmem:s9], $0x2000, $0x38;
	[tilespmem:$0x18000] =	vst v63  }
0x75: {  	_ =	swait.ge [sflag:s19], $0x2000  }
0x76: {  	[sflag:s19] =	ssyncset.done $0x0  }
0x77: {  	[sflag:s19] =	ssyncadd.s32 $0xFFFFE000  }
0x78: {  	[hbm4b:s14+s3] =	stream.linear.scatter [tilespmem:s21], [sflag:$0x5], $0x2000, $0x38;
	[tilespmem:$0x18000] =	vst v63  }
0x79: {  	_ =	swait.ge [sflag:s19], $0x2000  }
0x7a: {  	[sflag:s19] =	ssyncset.done $0x0  }
0x7b: {  	[sflag:s19] =	ssyncadd.s32 $0xFFFFE000  }
0x7c: {  	[tilespmem:s21], [sflag:$0x5] =	stream.linear.gather [spmem:s10], $0x2000, $0x38;
	[tilespmem:$0x18000] =	vst v63  }
0x7d: {  	_ =	swait.ge [sflag:s19], $0x2000  }
0x7e: {  	[sflag:s19] =	ssyncset.done $0x0  }
0x7f: {  	[sflag:s19] =	ssyncadd.s32 $0xFFFFE000  }
0x80: {  	[hbm4b:s15+s3] =	stream.linear.scatter [tilespmem:s21], [sflag:$0x5], $0x2000, $0x38;
	[tilespmem:$0x18000] =	vst v63  }
0x81: {  	_ =	swait.ge [sflag:s19], $0x2000  }
0x82: {  	[sflag:s19] =	ssyncset.done $0x0  }
0x83: {  	[sflag:s19] =	ssyncadd.s32 $0xFFFFE000  }
0x84: {  	[tilespmem:s21], [sflag:$0x5] =	stream.linear.gather [spmem:s11], $0x2000, $0x38;
	[tilespmem:$0x18000] =	vst v63  }
0x85: {  	_ =	swait.ge [sflag:s19], $0x2000  }
0x86: {  	[sflag:s19] =	ssyncset.done $0x0  }
0x87: {  	[sflag:s19] =	ssyncadd.s32 $0xFFFFE000  }
0x88: {  	[hbm4b:s16+s3] =	stream.linear.scatter [tilespmem:s21], [sflag:$0x5], $0x2000, $0x38;
	[tilespmem:$0x18000] =	vst v63  }
0x89: {  	_ =	swait.ge [sflag:s19], $0x2000  }
0x8a: {  	[sflag:s19] =	ssyncset.done $0x0  }
0x8b: {  	[sflag:s19] =	ssyncadd.s32 $0xFFFFE000  }
0x8c: {  	[tilespmem:s21], [sflag:$0x5] =	stream.linear.gather [spmem:s12], $0x2000, $0x38;
	[tilespmem:$0x18000] =	vst v63  }
0x8d: {  	s29 =	sadd.s32 $0x1, s29;
	_ =	swait.ge [sflag:s19], $0x2000  }
0x8e: {  	p0 =	sne.s32 s29, s18;
	[sflag:s19] =	ssyncset.done $0x0  }
.Ltmp1:
0x8f: {  	[sflag:s19] =	ssyncadd.s32 $0xFFFFE000;
	(pc) =	sbr.rel @p0 .LBB2_1-.Ltmp1, $4  }
0x90: {  	[hbm4b:s17+s3] =	stream.linear.scatter [tilespmem:s21], [sflag:$0x5], $0x2000, $0x38;
	[tilespmem:$0x18000] =	vst v63  }
0x91: {  	_ =	swait.ge [sflag:s19], $0x2000  }
0x92: {  	[sflag:s19] =	ssyncset.done $0x0  }
0x93: {  	[sflag:s19] =	ssyncadd.s32 $0xFFFFE000  }
0x94: {  	_ =	sfence.sel $0x180000  }
0x95: {  	[bflag:$0x0] =	sbarrier.arrive $0xFFFF  }
0x96: {  	_ =	strace $0x9000004A  }
0x97: {  	s0 =	stileid.u32;
	[bflag:$0x2] =	sbarrier.arrive $0xFFFF  }
0x98: {  	p0 =	sne.s32 s0, $0x0;
	s0 =	rddreg [dreg:$0x2]  }
0x99: {  	s0 =	sadd.s32 @!p0 $0x100000, s0  }
0x9a: {  	[sflag:s0] =	ssyncadd.tile.s32 @!p0 $0x1;
	_ =	shalt  }
.Lfunc_end2:
_tile_overlayer_lowered:
.L_overlay_start_2:
0x9b: {  	(tag) =	ssettag $0x2  }
0x9c: {  	s0 =	rddreg [dreg:$0x0];
	s2 =	stileid.u32  }
0x9d: {  	s1 =	rddreg [dreg:$0x1];
	p0 =	sne.s32 s2, $0x0  }
0x9e: {  	s3 =	rddreg [dreg:$0x2];
	[bflag:$0x3] =	sbarrier.arrive $0xFFFF;
	s2 =	simm.s32 @!p0 $0x1C05  }
0x9f: {  	[timem:s3], [sflag:s2] =	dma.local @!p0 [hbm:s0], s1  }
0xa0: {  	s0 =	simm.s32 @!p0 $0x5  }
0xa1: {  	_ =	swait.ge @!p0 [sflag:s0], s1  }
0xa2: {  	s1 =	ssub.s32 @!p0 $0x0, s1;
	[sflag:s0] =	ssyncset.done @!p0 $0x0  }
0xa3: {  	[sflag:s0] =	ssyncadd.s32 @!p0 s1  }
0xa4: {  	[bflag:$0x3] =	sbarrier.arrive $0xFFFF  }
0xa5: {  	_ =	shalt  }

// kernel: sc_agg.8.cloned.1.call-start
scs
__scs_entry_jumppad:
0x0: {  	(pc) =	sbr.rel $0x88, $3  }
0x1: {  	(tag) =	ssettag $0x0;
	lr =	simm.s32 $0x1  }
0x2: {  	[smem:$0x3F91] =	sst lr;
	_ =	strace $0xD0000000  }
0x3: {  	_ = 	snop  }
0x4: {  	_ = 	snop  }
0x5: {  	_ = 	snop  }
0x6: {  	_ = 	snop  }
0x7: {  	_ = 	snop  }
__scs_overlays_trampoline_lowered:
0x8: {  	[smem:$0x3FA0] =	sst s0  }
0x9: {  	[smem:$0x3FA1] =	sst s1  }
0xa: {  	[smem:$0x3FA2] =	sst s2  }
0xb: {  	[smem:$0x3FA3] =	sst s3  }
0xc: {  	[smem:$0x3FA4] =	sst s4  }
0xd: {  	[smem:$0x3FA5] =	sst s5  }
0xe: {  	[smem:$0x3FA6] =	sst s6  }
0xf: {  	[smem:$0x3FA7] =	sst s7  }
0x10: {  	[smem:$0x3FA8] =	sst s8  }
0x11: {  	[smem:$0x3FA9] =	sst s9;
	s0 =	simm.s32 @!p0 $0x0  }
0x12: {  	s1 =	sld [smem:$0x3F8F];
	s0 =	simm.s32 @p0 $0x1  }
0x13: {  	[smem:$0x3FAA] =	sst s0;
	s0 =	simm.s32 @!p1 $0x0  }
0x14: {  	s2 =	sld [smem:$0x3F8E];
	s0 =	simm.s32 @p1 $0x1  }
0x15: {  	[smem:$0x3FAB] =	sst s0;
	s0 =	simm.s32 @!p2 $0x0  }
0x16: {  	s3 =	sld [smem:$0x3FDB];
	s0 =	simm.s32 @p2 $0x1  }
0x17: {  	s4 =	simm.s32 $0x1BF5;
	[smem:$0x3FAD] =	sst s0  }
0x18: {  	s0 =	sld [smem:$0x3F90];
	_ =	swait.ge [sflag:s4], $0x0  }
0x19: {  	s7 =	sld [smem:$0x3F91]  }
0x1a: {  	s8 =	sadd.s32 $0xFFFFE003, lr  }
0x1b: {  	s9 =	sadd.s32 $0xFFFFFEF7, lr;
	s5 =	simm.s32 $0xFFFFFFFF;
	p2 =	slt.u32 s8, $0xFFFFF086  }
0x1c: {  	p1 =	slt.u32 s9, $0xF7A;
	s5 =	simm.s32 @!p2 $0x0  }
0x1d: {  	s5 =	simm.s32 @p1 $0x1;
	p0 =	seq.s32 s7, s2  }
0x1e: {  	s7 =	smul.u32 @!p0 $0xF7A, s2;
	p2 =	seq.s32 @!p0 s5, $0x0  }
0x1f: {  	s9 =	smul.u32 $0xF7A, s1;
	s8 =	simm.s32 @!p0 $0x1BF5;
	p2 =	por !p2, p0  }
0x20: {  	[sflag:s8] =	ssyncset.s32 @!p0 $0xFFFFF086;
	s6 =	sadd.s32 @!p0 s3, s7;
	s7 =	simm.s32 @!p0 $0x108  }
0x21: {  	s3 =	sadd.s32 s3, s9;
	s6 =	sadd.s32 @!p0 $0x88, s6;
	s7 =	simm.s32 @p2 $0x1082  }
0x22: {  	[simem:s7], [sflag:s8] =	dma.local @!p0 [hbm:s6], $0xF7A  }
0x23: {  	s9 =	sor.u32 $0xD0000000, s2;
	s6 =	simm.s32 $0x108;
	_ =	swait.ge @!p0 [sflag:s8], $0x0  }
0x24: {  	s3 =	sadd.s32 $0x88, s3;
	s6 =	simm.s32 @!p1 $0x1082;
	[sflag:s4] =	ssyncset.s32 $0xFFFFF086  }
0x25: {  	[simem:s6], [sflag:s4] =	dma.local [hbm:s3], $0xF7A  }
0x26: {  	[smem:$0x3F91] =	sst s1;
	(tag) =	ssettag s2;
	_ =	strace s9  }
0x27: {  	s1 =	sld [smem:$0x3FA1]  }
0x28: {  	s2 =	sld [smem:$0x3FA2]  }
0x29: {  	s4 =	sld [smem:$0x3FA4]  }
0x2a: {  	p0 =	seq.s32 s5, $0x0;
	s5 =	sld [smem:$0x3FA5]  }
0x2b: {  	s6 =	sld [smem:$0x3FA6]  }
0x2c: {  	s7 =	sld [smem:$0x3FA7]  }
0x2d: {  	s3 =	simm.s32 $0x108;
	s8 =	sld [smem:$0x3FA8]  }
0x2e: {  	s3 =	simm.s32 @!p0 $0x1082;
	s9 =	sld [smem:$0x3FA9]  }
0x2f: {  	lr =	sadd.s32 s0, s3;
	s0 =	sld [smem:$0x3FA0]  }
0x30: {  	s3 =	sld [smem:$0x3FA3]  }
0x31: {  	[smem:$0x3FAC] =	sst s10  }
0x32: {  	s10 =	sld [smem:$0x3FAA];
	_ =	sdelay $0x3  }
0x33: {  	p0 =	seq.s32 s10, $0x1;
	s10 =	sld [smem:$0x3FAC];
	_ =	sdelay $0x3  }
0x34: {  	[smem:$0x3FAC] =	sst s10  }
0x35: {  	s10 =	sld [smem:$0x3FAB];
	_ =	sdelay $0x3  }
0x36: {  	p1 =	seq.s32 s10, $0x1;
	s10 =	sld [smem:$0x3FAC];
	_ =	sdelay $0x3  }
0x37: {  	[smem:$0x3FAC] =	sst s10  }
0x38: {  	s10 =	sld [smem:$0x3FAD]  }
0x39: {  	_ = 	snop;
	(pc) =	sbr.ind lr, $3  }
0x3a: {  	_ = 	snop  }
0x3b: {  	_ = 	snop  }
0x3c: {  	p2 =	seq.s32 s10, $0x1;
	s10 =	sld [smem:$0x3FAC]  }
0x3d: {  	_ =	shalt  }
0x3e: {  	_ =	shalt  }
0x3f: {  	_ =	shalt  }
0x40: {  	_ =	shalt  }
0x41: {  	_ =	shalt  }
0x42: {  	_ =	shalt  }
0x43: {  	_ =	shalt  }
0x44: {  	_ =	shalt  }
0x45: {  	_ =	shalt  }
0x46: {  	_ =	shalt  }
0x47: {  	_ =	shalt  }
0x48: {  	_ =	shalt  }
0x49: {  	_ =	shalt  }
0x4a: {  	_ =	shalt  }
0x4b: {  	_ =	shalt  }
0x4c: {  	_ =	shalt  }
0x4d: {  	_ =	shalt  }
0x4e: {  	_ =	shalt  }
0x4f: {  	_ =	shalt  }
0x50: {  	_ =	shalt  }
0x51: {  	_ =	shalt  }
0x52: {  	_ =	shalt  }
0x53: {  	_ =	shalt  }
0x54: {  	_ =	shalt  }
0x55: {  	_ =	shalt  }
0x56: {  	_ =	shalt  }
0x57: {  	_ =	shalt  }
0x58: {  	_ =	shalt  }
0x59: {  	_ =	shalt  }
0x5a: {  	_ =	shalt  }
0x5b: {  	_ =	shalt  }
0x5c: {  	_ =	shalt  }
0x5d: {  	_ =	shalt  }
0x5e: {  	_ =	shalt  }
0x5f: {  	_ =	shalt  }
0x60: {  	_ =	shalt  }
0x61: {  	_ =	shalt  }
0x62: {  	_ =	shalt  }
0x63: {  	_ =	shalt  }
0x64: {  	_ =	shalt  }
0x65: {  	_ =	shalt  }
0x66: {  	_ =	shalt  }
0x67: {  	_ =	shalt  }
0x68: {  	_ =	shalt  }
0x69: {  	_ =	shalt  }
0x6a: {  	_ =	shalt  }
0x6b: {  	_ =	shalt  }
0x6c: {  	_ =	shalt  }
0x6d: {  	_ =	shalt  }
0x6e: {  	_ =	shalt  }
0x6f: {  	_ =	shalt  }
0x70: {  	_ =	shalt  }
0x71: {  	_ =	shalt  }
0x72: {  	_ =	shalt  }
0x73: {  	_ =	shalt  }
0x74: {  	_ =	shalt  }
0x75: {  	_ =	shalt  }
0x76: {  	_ =	shalt  }
0x77: {  	_ =	shalt  }
0x78: {  	_ =	shalt  }
0x79: {  	_ =	shalt  }
0x7a: {  	_ =	shalt  }
0x7b: {  	_ =	shalt  }
0x7c: {  	_ =	shalt  }
0x7d: {  	_ =	shalt  }
0x7e: {  	_ =	shalt  }
0x7f: {  	_ =	shalt  }
0x80: {  	_ =	shalt  }
0x81: {  	_ =	shalt  }
0x82: {  	_ =	shalt  }
0x83: {  	_ =	shalt  }
0x84: {  	_ =	shalt  }
0x85: {  	_ =	shalt  }
0x86: {  	_ =	shalt  }
0x87: {  	_ =	shalt  }
.Lfunc_end0:
.L_simem_size_0:
called_computation.2_lowered:
.L_overlay_start_0:
0x88: {  	s2 =	sld [smem:$0x3FD9]  }
0x89: {  	s3 =	sld [smem:$0x3FFE];
	_ =	sdelay $0x1  }
0x8a: {  	s1 =	srdreg.scid  }
0x8b: {  	s0 =	sand.u32 $0x1, s1  }
0x8c: {  	s16 =	sshll.u32 s0, $0xA;
	s2 =	sadd.s32 s3, s2  }
0x8d: {  	s2 =	sadd.s32 s2, s16  }
0x8e: {  	[smem:$0x3FB8] =	sst s2  }
0x8f: {  	_ = 	snop  }
0x90: {  	(tm) =	ssettm $0x1  }
0x91: {  	s17 =	sld [smem:$0x3FFB];
	_ =	sdelay $0x3  }
0x92: {  	_ =	strace s17  }
0x93: {  	s2 =	sld [smem:$0x3FFC];
	_ =	sdelay $0x3  }
0x94: {  	_ =	strace s2  }
0x95: {  	s2 =	sld [smem:$0x3FFD];
	_ =	sdelay $0x3  }
0x96: {  	_ =	strace s2  }
0x97: {  	_ =	strace $0x8FFFFFFF  }
0x98: {  	s18 =	sld [smem:$0x3FDB];
	_ =	sdelay $0x1  }
0x99: {  	s19 =	simm.s32 $_scs_section_size  }
0x9a: {  	s4 =	simm.s32 $_size__tile_overlayer_lowered;
	s5 =	simm.s32 $_tile_overlayer_lowered  }
0x9b: {  	s22 =	simm.s32 $0x1BFF;
	s21 =	sshll.u32 s5, $0x1;
	s2 =	sadd.s32 s19, s18  }
0x9c: {  	s6 =	simm.s32 $0x0;
	s20 =	sshll.u32 s4, $0x1;
	s4 =	sadd.s32 s21, s2  }
0x9d: {  	[timem:s6], [sflag:s22] =	dma.local [hbm:s4], s20  }
0x9e: {  	_ =	swait.ge [sflag:s22], s20  }
0x9f: {  	s3 =	ssub.s32 $0x0, s20;
	[sflag:s22] =	ssyncset.done $0x0  }
0xa0: {  	[sflag:s22] =	ssyncadd.s32 s3;
	_ =	sdelay $0x1  }
0xa1: {  	s23 =	simm.s32 $0x1B8B  }
0xa2: {  	_ =	swait.ge [sflag:s23], $0x1  }
0xa3: {  	[sflag:s23] =	ssyncset.done $0x0  }
0xa4: {  	s25 =	simm.s32 $0x1B8E;
	s24 =	sld [smem:$0x3FFE];
	[sflag:s23] =	ssyncadd.s32 $0xFFFFFFFF  }
0xa5: {  	s26 =	simm.s32 $execute0_lowered;
	[smem:$0x3FD2] =	sst s25  }
0xa6: {  	s4 =	sshll.u32 s26, $0x1;
	_ =	strace $0x8000004C;
	[dreg:$0x1] =	wrdreg $0xFFFFFFFF  }
0xa7: {  	s28 =	simm.s32 $_size_execute0_lowered;
	s2 =	sadd.s32 s2, s4;
	[dreg:$0x0] =	wrdreg $0x0  }
0xa8: {  	s4 =	sshll.u32 s28, $0x1;
	[dreg:$0x2] =	wrdreg s2  }
0xa9: {  	[dreg:$0x3] =	wrdreg s4  }
0xaa: {  	[dreg:$0x4] =	wrdreg $0xC0  }
0xab: {  	_ =	task [dreg:s6], $0x5FFFF  }
0xac: {  	[dreg:$0x1] =	wrdreg $0xFFFFFFFF  }
0xad: {  	[dreg:$0x0] =	wrdreg $0x60  }
0xae: {  	[dreg:$0x2] =	wrdreg s24  }
0xaf: {  	[dreg:$0x3] =	wrdreg $0xE0000  }
0xb0: {  	[dreg:$0x4] =	wrdreg $0x9  }
0xb1: {  	_ =	task.clear_ibuf [dreg:s6], $0x5FFFF;
	_ =	strace $0x9000004C  }
0xb2: {  	s29 =	simm.s32 $0x9;
	_ =	strace $0x8000004E  }
0xb3: {  	_ =	swait.ge [sflag:s29], $0x1  }
0xb4: {  	[sflag:s29] =	ssyncadd.s32 $0xFFFFFFFF  }
0xb5: {  	_ =	strace $0x9000004E  }
0xb6: {  	_ =	sfence  }
0xb7: {  	s30 =	sld [smem:$0x0];
	_ =	sdelay $0x2  }
0xb8: {  	s31 =	sshll.u32 s1, $0xD;
	s1 =	sshrl.u32 s1, $0x2  }
0xb9: {  	s3 =	sand.u32 $0x4000, s31;
	s1 =	sadd.s32 s1, s30  }
0xba: {  	s0 =	sor.u32 s3, s0;
	s1 =	sshll.u32 s1, $0x11  }
0xbb: {  	s0 =	sor.u32 s1, s0  }
0xbc: {  	s0 =	sadd.s32 $0x8F2B, s0  }
0xbd: {  	[sflag:s0] =	ssyncadd.remote.s32 $0x1  }
0xbe: {  	_ =	sfence.sel $0xFFFF  }
0xbf: {  	[dreg:$0x0] =	wrdreg $0xFFFFFFFF;
	(pc) =	sbr.abs _section_cstart, $3  }
0xc0: {  	[dreg:$0x1] =	wrdreg $0xFFFFFFFF  }
0xc1: {  	_ =	task.clear_ibuf [dreg:s6], $0x2FFFF;
	_ =	strace $0x9FFFFFFF  }
0xc2: {  	(tm) =	ssettm $0x7FFFFFFF  }
0xc3: {  	_ =	shalt  }
tec
execute0_lowered:
.L_overlay_start_1:
0x0: {  	(tag) =	ssettag $0x1  }
0x1: {  	s1 =	srdreg.scid  }
0x2: {  	s0 =	stileid.u32;
	s6 =	rddreg [dreg:$0x0]  }
0x3: {  	s2 =	rddreg [dreg:$0x1];
	s3 =	simm.s32 $0x0;
	s22 =	simm.s32 $0x80  }
0x4: {  	s23 =	simm.s32 $0xC000;
	s24 =	simm.s32 $0x1;
	s25 =	simm.s32 $0x2  }
0x5: {  	s28 =	simm.s32 $0x4;
	s29 =	simm.s32 $0x0;
	s5 =	smul.u32 $0x5000, s0  }
0x6: {  	s9 =	sand.u32 $0x1, s1;
	[smem:$0x7FF] =	sst s3;
	s12 =	smul.u32 $0xA000, s0  }
0x7: {  	s17 =	sadd.s32 $0x11C200, s6;
	s4 =	smul.u32 $0x50000, s9;
	s10 =	ssub.s32 $0x2, s9  }
0x8: {  	_ =	strace $0x8000004D;
	s15 =	smul.u32 $0xA0000, s9;
	s26 =	sshrl.u32 s10, $0x1  }
0x9: {  	s13 =	sadd.s32 $0x2000, s12;
	s16 =	sadd.s32 $0x4000, s12;
	s19 =	sadd.s32 $0x6000, s12  }
0xa: {  	s20 =	sadd.s32 $0x8000, s12;
	s4 =	sadd.s32 s5, s4;
	s5 =	sshrl.u32 s5, $0x3  }
0xb: {  	s18 =	ssub.s32 s10, s26;
	s9 =	sadd.s32 s13, s2;
	s10 =	sadd.s32 s16, s2  }
0xc: {  	s11 =	sadd.s32 s19, s2;
	s14 =	sadd.s32 s12, s15;
	s21 =	sadd.s32 s15, s13  }
0xd: {  	s16 =	sadd.s32 s15, s16;
	s19 =	sadd.s32 s15, s19;
	s26 =	simm.s32 $0x3  }
0xe: {  	s7 =	sshrl.u32 s4, $0x3;
	s4 =	sadd.s32 $0xCC200, s6;
	s8 =	sadd.s32 s5, s6  }
0xf: {  	s5 =	sadd.s32 $0xDE00, s6;
	s14 =	sshrl.u32 s14, $0x3;
	s30 =	sshrl.u32 s21, $0x3  }
0x10: {  	s16 =	sshrl.u32 s16, $0x3;
	s19 =	sshrl.u32 s19, $0x3;
	s18 =	smax.u32 s18, $0x1  }
0x11: {  	s21 =	simm.s32 $0xA000;
	s7 =	sadd.s32 s7, s6;
	s13 =	sadd.s32 s17, s14  }
0x12: {  	s14 =	sadd.s32 s17, s30;
	s6 =	sadd.s32 $0x18200, s7;
	s7 =	sadd.s32 $0x3E00, s8  }
0x13: {  	s8 =	sadd.s32 s12, s2;
	s12 =	sadd.s32 s20, s2;
	s20 =	sadd.s32 s15, s20  }
0x14: {  	s15 =	sadd.s32 s17, s16;
	s16 =	sadd.s32 s17, s19;
	s31 =	sshrl.u32 s20, $0x3  }
0x15: {  	s19 =	simm.s32 $0x5;
	s20 =	simm.s32 $0x5000;
	s17 =	sadd.s32 s17, s31  }
.LBB2_1:
0x16: {  	[tilespmem:s3], [sflag:$0x5] =	stream.linear.gather [hbm4b:s6+s3], $0x5000, $0x38;
	[tilespmem:$0x18000] =	vst v63  }
0x17: {  	_ =	swait.ge [sflag:s19], $0x5000  }
0x18: {  	[sflag:s19] =	ssyncset.done $0x0  }
0x19: {  	[sflag:s19] =	ssyncadd.s32 $0xFFFFB000  }
0x1a: {  	[tilespmem:s20], [sflag:$0x5] =	stream.linear.gather [hbm4b:s7+s3], $0x5000, $0x38;
	[tilespmem:$0x18000] =	vst v63  }
0x1b: {  	_ =	swait.ge [sflag:s19], $0x5000  }
0x1c: {  	[sflag:s19] =	ssyncset.done $0x0  }
0x1d: {  	[sflag:s19] =	ssyncadd.s32 $0xFFFFB000  }
0x1e: {  	[tilespmem:s21], [sflag:$0x5] =	stream.linear.gather [hbm4b:s5+s3], $0x2000, $0x38;
	[tilespmem:$0x18000] =	vst v63  }
0x1f: {  	_ =	swait.ge [sflag:s19], $0x2000  }
0x20: {  	[sflag:s19] =	ssyncset.done $0x0  }
0x21: {  	[sflag:s19] =	ssyncadd.s32 $0xFFFFE000  }
0x22: {  	[spmem:s8] =	stream.linear.scatter [tilespmem:s21], [sflag:$0x5], $0x2000, $0x38;
	[tilespmem:$0x18000] =	vst v63  }
0x23: {  	_ =	swait.ge [sflag:s19], $0x2000  }
0x24: {  	[sflag:s19] =	ssyncset.done $0x0  }
0x25: {  	[sflag:s19] =	ssyncadd.s32 $0xFFFFE000  }
0x26: {  	[spmem:s9] =	stream.linear.scatter [tilespmem:s21], [sflag:$0x5], $0x2000, $0x38;
	[tilespmem:$0x18000] =	vst v63  }
0x27: {  	_ =	swait.ge [sflag:s19], $0x2000  }
0x28: {  	[sflag:s19] =	ssyncset.done $0x0  }
0x29: {  	[sflag:s19] =	ssyncadd.s32 $0xFFFFE000  }
0x2a: {  	[spmem:s10] =	stream.linear.scatter [tilespmem:s21], [sflag:$0x5], $0x2000, $0x38;
	[tilespmem:$0x18000] =	vst v63  }
0x2b: {  	_ =	swait.ge [sflag:s19], $0x2000  }
0x2c: {  	[sflag:s19] =	ssyncset.done $0x0  }
0x2d: {  	[sflag:s19] =	ssyncadd.s32 $0xFFFFE000  }
0x2e: {  	[spmem:s11] =	stream.linear.scatter [tilespmem:s21], [sflag:$0x5], $0x2000, $0x38;
	[tilespmem:$0x18000] =	vst v63  }
0x2f: {  	_ =	swait.ge [sflag:s19], $0x2000  }
0x30: {  	[sflag:s19] =	ssyncset.done $0x0  }
0x31: {  	[sflag:s19] =	ssyncadd.s32 $0xFFFFE000  }
0x32: {  	[spmem:s12] =	stream.linear.scatter [tilespmem:s21], [sflag:$0x5], $0x2000, $0x38;
	[tilespmem:$0x18000] =	vst v63  }
0x33: {  	_ =	swait.ge [sflag:s19], $0x2000  }
0x34: {  	[sflag:s19] =	ssyncset.done $0x0  }
0x35: {  	[sflag:s19] =	ssyncadd.s32 $0xFFFFE000  }
0x36: {  	s30 =	simm.s32 $0x0;
	[bflag:$0x0] =	sbarrier.arrive $0xFFFF  }
0x37: {  	[tilespmem:s21], [sflag:$0x1] =	stream.indirect.gather [hbm4b:s4+s22], $0x40, s30, s22, $0xb8;
	[tilespmem:$0x18000] =	vst v63  }
0x38: {  	s30 =	simm.s32 $0x80  }
0x39: {  	[tilespmem:s23], [sflag:$0x2] =	stream.indirect.gather [hbm4b:s4+s22], $0x40, s30, s22, $0xb8;
	[tilespmem:$0x18000] =	vst v63  }
0x3a: {  	_ =	swait.ge [sflag:s24], $0x2000  }
0x3b: {  	[sflag:s24] =	ssyncset.done $0x0  }
0x3c: {  	s30 =	simm.s32 $0x5000;
	[sflag:s24] =	ssyncadd.s32 $0xFFFFE000  }
0x3d: {  	[spmem:s2] =	stream.indirect.scatter.add.f32 [tilespmem:s21], [sflag:$0x3], $0x40, s30, s22, $0xb8;
	[tilespmem:$0x18000] =	vst v63  }
0x3e: {  	_ =	swait.ge [sflag:s25], $0x2000  }
0x3f: {  	[sflag:s25] =	ssyncset.done $0x0  }
0x40: {  	s30 =	simm.s32 $0x5080;
	[sflag:s25] =	ssyncadd.s32 $0xFFFFE000  }
0x41: {  	[spmem:s2] =	stream.indirect.scatter.add.f32 [tilespmem:s23], [sflag:$0x4], $0x40, s30, s22, $0xb8;
	[tilespmem:$0x18000] =	vst v63  }
0x42: {  	_ =	swait.ge [sflag:s26], $0x2000  }
0x43: {  	[sflag:s26] =	ssyncset.done $0x0  }
0x44: {  	[sflag:s26] =	ssyncadd.s32 $0xFFFFE000  }
0x45: {  	_ =	swait.ge [sflag:s28], $0x2000  }
0x46: {  	s31 =	simm.s32 $0x800;
	s30 =	simm.s32 $0x400;
	[sflag:s28] =	ssyncset.done $0x0  }
.LBB2_2:
0x47: {  	s1 =	sshra.s32 s30, $0x2  }
0x48: {  	[sflag:s28] =	ssyncadd.s32 $0xFFFFE000;
	s30 =	smov.u32 s31;
	s0 =	sadd.s32 $0x400, s31  }
0x49: {  	[tilespmem:s21], [sflag:$0x1] =	stream.indirect.gather [hbm4b:s4+s22], $0x40, s1, s22, $0xb8;
	[tilespmem:$0x18000] =	vst v63  }
0x4a: {  	p0 =	sne.s32 s31, $0x13C00;
	s31 =	sadd.s32 $0x80, s1  }
0x4b: {  	[tilespmem:s23], [sflag:$0x2] =	stream.indirect.gather [hbm4b:s4+s22], $0x40, s31, s22, $0xb8;
	[tilespmem:$0x18000] =	vst v63  }
0x4c: {  	_ =	swait.ge [sflag:s24], $0x2000  }
0x4d: {  	[sflag:s24] =	ssyncset.done $0x0  }
0x4e: {  	s31 =	sadd.s32 $0x5000, s1;
	[sflag:s24] =	ssyncadd.s32 $0xFFFFE000  }
0x4f: {  	[spmem:s2] =	stream.indirect.scatter.add.f32 [tilespmem:s21], [sflag:$0x3], $0x40, s31, s22, $0xb8;
	[tilespmem:$0x18000] =	vst v63  }
0x50: {  	_ =	swait.ge [sflag:s25], $0x2000  }
0x51: {  	[sflag:s25] =	ssyncset.done $0x0  }
0x52: {  	s1 =	sadd.s32 $0x5080, s1;
	[sflag:s25] =	ssyncadd.s32 $0xFFFFE000  }
0x53: {  	[spmem:s2] =	stream.indirect.scatter.add.f32 [tilespmem:s23], [sflag:$0x4], $0x40, s1, s22, $0xb8;
	[tilespmem:$0x18000] =	vst v63  }
.Ltmp0:
0x54: {  	_ =	swait.ge [sflag:s26], $0x2000;
	(pc) =	sbr.rel @p0 .LBB2_2-.Ltmp0, $4  }
0x55: {  	[sflag:s26] =	ssyncset.done $0x0  }
0x56: {  	[sflag:s26] =	ssyncadd.s32 $0xFFFFE000  }
0x57: {  	_ =	swait.ge [sflag:s28], $0x2000  }
0x58: {  	s31 =	smov.u32 s0;
	[sflag:s28] =	ssyncset.done $0x0  }
0x59: {  	s0 =	sshra.s32 s30, $0x2;
	[sflag:s28] =	ssyncadd.s32 $0xFFFFE000  }
0x5a: {  	[tilespmem:s21], [sflag:$0x1] =	stream.indirect.gather [hbm4b:s4+s22], $0x40, s0, s22, $0xb8;
	[tilespmem:$0x18000] =	vst v63  }
0x5b: {  	s1 =	sadd.s32 $0x80, s0  }
0x5c: {  	[tilespmem:s23], [sflag:$0x2] =	stream.indirect.gather [hbm4b:s4+s22], $0x40, s1, s22, $0xb8;
	[tilespmem:$0x18000] =	vst v63  }
0x5d: {  	_ =	swait.ge [sflag:s24], $0x2000  }
0x5e: {  	[sflag:s24] =	ssyncset.done $0x0  }
0x5f: {  	s31 =	sadd.s32 $0x5000, s0;
	[sflag:s24] =	ssyncadd.s32 $0xFFFFE000  }
0x60: {  	[spmem:s2] =	stream.indirect.scatter.add.f32 [tilespmem:s21], [sflag:$0x3], $0x40, s31, s22, $0xb8;
	[tilespmem:$0x18000] =	vst v63  }
0x61: {  	_ =	swait.ge [sflag:s25], $0x2000  }
0x62: {  	[sflag:s25] =	ssyncset.done $0x0  }
0x63: {  	s0 =	sadd.s32 $0x5080, s0;
	[sflag:s25] =	ssyncadd.s32 $0xFFFFE000  }
0x64: {  	[spmem:s2] =	stream.indirect.scatter.add.f32 [tilespmem:s23], [sflag:$0x4], $0x40, s0, s22, $0xb8;
	[tilespmem:$0x18000] =	vst v63  }
0x65: {  	_ =	swait.ge [sflag:s26], $0x2000  }
0x66: {  	[sflag:s26] =	ssyncset.done $0x0  }
0x67: {  	[sflag:s26] =	ssyncadd.s32 $0xFFFFE000  }
0x68: {  	_ =	swait.ge [sflag:s28], $0x2000  }
0x69: {  	[sflag:s28] =	ssyncset.done $0x0  }
0x6a: {  	[sflag:s28] =	ssyncadd.s32 $0xFFFFE000  }
0x6b: {  	[bflag:$0x0] =	sbarrier.arrive $0xFFFF  }
0x6c: {  	[tilespmem:s21], [sflag:$0x5] =	stream.linear.gather [spmem:s8], $0x2000, $0x38;
	[tilespmem:$0x18000] =	vst v63  }
0x6d: {  	_ =	swait.ge [sflag:s19], $0x2000  }
0x6e: {  	[sflag:s19] =	ssyncset.done $0x0  }
0x6f: {  	[sflag:s19] =	ssyncadd.s32 $0xFFFFE000  }
0x70: {  	[hbm4b:s13+s3] =	stream.linear.scatter [tilespmem:s21], [sflag:$0x5], $0x2000, $0x38;
	[tilespmem:$0x18000] =	vst v63  }
0x71: {  	_ =	swait.ge [sflag:s19], $0x2000  }
0x72: {  	[sflag:s19] =	ssyncset.done $0x0  }
0x73: {  	[sflag:s19] =	ssyncadd.s32 $0xFFFFE000  }
0x74: {  	[tilespmem:s21], [sflag:$0x5] =	stream.linear.gather [spmem:s9], $0x2000, $0x38;
	[tilespmem:$0x18000] =	vst v63  }
0x75: {  	_ =	swait.ge [sflag:s19], $0x2000  }
0x76: {  	[sflag:s19] =	ssyncset.done $0x0  }
0x77: {  	[sflag:s19] =	ssyncadd.s32 $0xFFFFE000  }
0x78: {  	[hbm4b:s14+s3] =	stream.linear.scatter [tilespmem:s21], [sflag:$0x5], $0x2000, $0x38;
	[tilespmem:$0x18000] =	vst v63  }
0x79: {  	_ =	swait.ge [sflag:s19], $0x2000  }
0x7a: {  	[sflag:s19] =	ssyncset.done $0x0  }
0x7b: {  	[sflag:s19] =	ssyncadd.s32 $0xFFFFE000  }
0x7c: {  	[tilespmem:s21], [sflag:$0x5] =	stream.linear.gather [spmem:s10], $0x2000, $0x38;
	[tilespmem:$0x18000] =	vst v63  }
0x7d: {  	_ =	swait.ge [sflag:s19], $0x2000  }
0x7e: {  	[sflag:s19] =	ssyncset.done $0x0  }
0x7f: {  	[sflag:s19] =	ssyncadd.s32 $0xFFFFE000  }
0x80: {  	[hbm4b:s15+s3] =	stream.linear.scatter [tilespmem:s21], [sflag:$0x5], $0x2000, $0x38;
	[tilespmem:$0x18000] =	vst v63  }
0x81: {  	_ =	swait.ge [sflag:s19], $0x2000  }
0x82: {  	[sflag:s19] =	ssyncset.done $0x0  }
0x83: {  	[sflag:s19] =	ssyncadd.s32 $0xFFFFE000  }
0x84: {  	[tilespmem:s21], [sflag:$0x5] =	stream.linear.gather [spmem:s11], $0x2000, $0x38;
	[tilespmem:$0x18000] =	vst v63  }
0x85: {  	_ =	swait.ge [sflag:s19], $0x2000  }
0x86: {  	[sflag:s19] =	ssyncset.done $0x0  }
0x87: {  	[sflag:s19] =	ssyncadd.s32 $0xFFFFE000  }
0x88: {  	[hbm4b:s16+s3] =	stream.linear.scatter [tilespmem:s21], [sflag:$0x5], $0x2000, $0x38;
	[tilespmem:$0x18000] =	vst v63  }
0x89: {  	_ =	swait.ge [sflag:s19], $0x2000  }
0x8a: {  	[sflag:s19] =	ssyncset.done $0x0  }
0x8b: {  	[sflag:s19] =	ssyncadd.s32 $0xFFFFE000  }
0x8c: {  	[tilespmem:s21], [sflag:$0x5] =	stream.linear.gather [spmem:s12], $0x2000, $0x38;
	[tilespmem:$0x18000] =	vst v63  }
0x8d: {  	s29 =	sadd.s32 $0x1, s29;
	_ =	swait.ge [sflag:s19], $0x2000  }
0x8e: {  	p0 =	sne.s32 s29, s18;
	[sflag:s19] =	ssyncset.done $0x0  }
.Ltmp1:
0x8f: {  	[sflag:s19] =	ssyncadd.s32 $0xFFFFE000;
	(pc) =	sbr.rel @p0 .LBB2_1-.Ltmp1, $4  }
0x90: {  	[hbm4b:s17+s3] =	stream.linear.scatter [tilespmem:s21], [sflag:$0x5], $0x2000, $0x38;
	[tilespmem:$0x18000] =	vst v63  }
0x91: {  	_ =	swait.ge [sflag:s19], $0x2000  }
0x92: {  	[sflag:s19] =	ssyncset.done $0x0  }
0x93: {  	[sflag:s19] =	ssyncadd.s32 $0xFFFFE000  }
0x94: {  	_ =	sfence.sel $0x180000  }
0x95: {  	[bflag:$0x0] =	sbarrier.arrive $0xFFFF  }
0x96: {  	_ =	strace $0x9000004D  }
0x97: {  	s0 =	stileid.u32;
	[bflag:$0x2] =	sbarrier.arrive $0xFFFF  }
0x98: {  	p0 =	sne.s32 s0, $0x0;
	s0 =	rddreg [dreg:$0x2]  }
0x99: {  	s0 =	sadd.s32 @!p0 $0x100000, s0  }
0x9a: {  	[sflag:s0] =	ssyncadd.tile.s32 @!p0 $0x1;
	_ =	shalt  }
.Lfunc_end2:
_tile_overlayer_lowered:
.L_overlay_start_2:
0x9b: {  	(tag) =	ssettag $0x2  }
0x9c: {  	s0 =	rddreg [dreg:$0x0];
	s2 =	stileid.u32  }
0x9d: {  	s1 =	rddreg [dreg:$0x1];
	p0 =	sne.s32 s2, $0x0  }
0x9e: {  	s3 =	rddreg [dreg:$0x2];
	[bflag:$0x3] =	sbarrier.arrive $0xFFFF;
	s2 =	simm.s32 @!p0 $0x1C05  }
0x9f: {  	[timem:s3], [sflag:s2] =	dma.local @!p0 [hbm:s0], s1  }
0xa0: {  	s0 =	simm.s32 @!p0 $0x5  }
0xa1: {  	_ =	swait.ge @!p0 [sflag:s0], s1  }
0xa2: {  	s1 =	ssub.s32 @!p0 $0x0, s1;
	[sflag:s0] =	ssyncset.done @!p0 $0x0  }
0xa3: {  	[sflag:s0] =	ssyncadd.s32 @!p0 s1  }
0xa4: {  	[bflag:$0x3] =	sbarrier.arrive $0xFFFF  }
0xa5: {  	_ =	shalt  }

// kernel: sc_degree.3.cloned.1.call-start
scs
__scs_entry_jumppad:
0x0: {  	(pc) =	sbr.rel $0x88, $3  }
0x1: {  	(tag) =	ssettag $0x0;
	lr =	simm.s32 $0x1  }
0x2: {  	[smem:$0x3F91] =	sst lr;
	_ =	strace $0xD0000000  }
0x3: {  	_ = 	snop  }
0x4: {  	_ = 	snop  }
0x5: {  	_ = 	snop  }
0x6: {  	_ = 	snop  }
0x7: {  	_ = 	snop  }
__scs_overlays_trampoline_lowered:
0x8: {  	[smem:$0x3FA0] =	sst s0  }
0x9: {  	[smem:$0x3FA1] =	sst s1  }
0xa: {  	[smem:$0x3FA2] =	sst s2  }
0xb: {  	[smem:$0x3FA3] =	sst s3  }
0xc: {  	[smem:$0x3FA4] =	sst s4  }
0xd: {  	[smem:$0x3FA5] =	sst s5  }
0xe: {  	[smem:$0x3FA6] =	sst s6  }
0xf: {  	[smem:$0x3FA7] =	sst s7  }
0x10: {  	[smem:$0x3FA8] =	sst s8  }
0x11: {  	[smem:$0x3FA9] =	sst s9;
	s0 =	simm.s32 @!p0 $0x0  }
0x12: {  	s1 =	sld [smem:$0x3F8F];
	s0 =	simm.s32 @p0 $0x1  }
0x13: {  	[smem:$0x3FAA] =	sst s0;
	s0 =	simm.s32 @!p1 $0x0  }
0x14: {  	s2 =	sld [smem:$0x3F8E];
	s0 =	simm.s32 @p1 $0x1  }
0x15: {  	[smem:$0x3FAB] =	sst s0;
	s0 =	simm.s32 @!p2 $0x0  }
0x16: {  	s3 =	sld [smem:$0x3FDB];
	s0 =	simm.s32 @p2 $0x1  }
0x17: {  	s4 =	simm.s32 $0x1BF5;
	[smem:$0x3FAD] =	sst s0  }
0x18: {  	s0 =	sld [smem:$0x3F90];
	_ =	swait.ge [sflag:s4], $0x0  }
0x19: {  	s7 =	sld [smem:$0x3F91]  }
0x1a: {  	s8 =	sadd.s32 $0xFFFFE003, lr  }
0x1b: {  	s9 =	sadd.s32 $0xFFFFFEF7, lr;
	s5 =	simm.s32 $0xFFFFFFFF;
	p2 =	slt.u32 s8, $0xFFFFF086  }
0x1c: {  	p1 =	slt.u32 s9, $0xF7A;
	s5 =	simm.s32 @!p2 $0x0  }
0x1d: {  	s5 =	simm.s32 @p1 $0x1;
	p0 =	seq.s32 s7, s2  }
0x1e: {  	s7 =	smul.u32 @!p0 $0xF7A, s2;
	p2 =	seq.s32 @!p0 s5, $0x0  }
0x1f: {  	s9 =	smul.u32 $0xF7A, s1;
	s8 =	simm.s32 @!p0 $0x1BF5;
	p2 =	por !p2, p0  }
0x20: {  	[sflag:s8] =	ssyncset.s32 @!p0 $0xFFFFF086;
	s6 =	sadd.s32 @!p0 s3, s7;
	s7 =	simm.s32 @!p0 $0x108  }
0x21: {  	s3 =	sadd.s32 s3, s9;
	s6 =	sadd.s32 @!p0 $0x88, s6;
	s7 =	simm.s32 @p2 $0x1082  }
0x22: {  	[simem:s7], [sflag:s8] =	dma.local @!p0 [hbm:s6], $0xF7A  }
0x23: {  	s9 =	sor.u32 $0xD0000000, s2;
	s6 =	simm.s32 $0x108;
	_ =	swait.ge @!p0 [sflag:s8], $0x0  }
0x24: {  	s3 =	sadd.s32 $0x88, s3;
	s6 =	simm.s32 @!p1 $0x1082;
	[sflag:s4] =	ssyncset.s32 $0xFFFFF086  }
0x25: {  	[simem:s6], [sflag:s4] =	dma.local [hbm:s3], $0xF7A  }
0x26: {  	[smem:$0x3F91] =	sst s1;
	(tag) =	ssettag s2;
	_ =	strace s9  }
0x27: {  	s1 =	sld [smem:$0x3FA1]  }
0x28: {  	s2 =	sld [smem:$0x3FA2]  }
0x29: {  	s4 =	sld [smem:$0x3FA4]  }
0x2a: {  	p0 =	seq.s32 s5, $0x0;
	s5 =	sld [smem:$0x3FA5]  }
0x2b: {  	s6 =	sld [smem:$0x3FA6]  }
0x2c: {  	s7 =	sld [smem:$0x3FA7]  }
0x2d: {  	s3 =	simm.s32 $0x108;
	s8 =	sld [smem:$0x3FA8]  }
0x2e: {  	s3 =	simm.s32 @!p0 $0x1082;
	s9 =	sld [smem:$0x3FA9]  }
0x2f: {  	lr =	sadd.s32 s0, s3;
	s0 =	sld [smem:$0x3FA0]  }
0x30: {  	s3 =	sld [smem:$0x3FA3]  }
0x31: {  	[smem:$0x3FAC] =	sst s10  }
0x32: {  	s10 =	sld [smem:$0x3FAA];
	_ =	sdelay $0x3  }
0x33: {  	p0 =	seq.s32 s10, $0x1;
	s10 =	sld [smem:$0x3FAC];
	_ =	sdelay $0x3  }
0x34: {  	[smem:$0x3FAC] =	sst s10  }
0x35: {  	s10 =	sld [smem:$0x3FAB];
	_ =	sdelay $0x3  }
0x36: {  	p1 =	seq.s32 s10, $0x1;
	s10 =	sld [smem:$0x3FAC];
	_ =	sdelay $0x3  }
0x37: {  	[smem:$0x3FAC] =	sst s10  }
0x38: {  	s10 =	sld [smem:$0x3FAD]  }
0x39: {  	_ = 	snop;
	(pc) =	sbr.ind lr, $3  }
0x3a: {  	_ = 	snop  }
0x3b: {  	_ = 	snop  }
0x3c: {  	p2 =	seq.s32 s10, $0x1;
	s10 =	sld [smem:$0x3FAC]  }
0x3d: {  	_ =	shalt  }
0x3e: {  	_ =	shalt  }
0x3f: {  	_ =	shalt  }
0x40: {  	_ =	shalt  }
0x41: {  	_ =	shalt  }
0x42: {  	_ =	shalt  }
0x43: {  	_ =	shalt  }
0x44: {  	_ =	shalt  }
0x45: {  	_ =	shalt  }
0x46: {  	_ =	shalt  }
0x47: {  	_ =	shalt  }
0x48: {  	_ =	shalt  }
0x49: {  	_ =	shalt  }
0x4a: {  	_ =	shalt  }
0x4b: {  	_ =	shalt  }
0x4c: {  	_ =	shalt  }
0x4d: {  	_ =	shalt  }
0x4e: {  	_ =	shalt  }
0x4f: {  	_ =	shalt  }
0x50: {  	_ =	shalt  }
0x51: {  	_ =	shalt  }
0x52: {  	_ =	shalt  }
0x53: {  	_ =	shalt  }
0x54: {  	_ =	shalt  }
0x55: {  	_ =	shalt  }
0x56: {  	_ =	shalt  }
0x57: {  	_ =	shalt  }
0x58: {  	_ =	shalt  }
0x59: {  	_ =	shalt  }
0x5a: {  	_ =	shalt  }
0x5b: {  	_ =	shalt  }
0x5c: {  	_ =	shalt  }
0x5d: {  	_ =	shalt  }
0x5e: {  	_ =	shalt  }
0x5f: {  	_ =	shalt  }
0x60: {  	_ =	shalt  }
0x61: {  	_ =	shalt  }
0x62: {  	_ =	shalt  }
0x63: {  	_ =	shalt  }
0x64: {  	_ =	shalt  }
0x65: {  	_ =	shalt  }
0x66: {  	_ =	shalt  }
0x67: {  	_ =	shalt  }
0x68: {  	_ =	shalt  }
0x69: {  	_ =	shalt  }
0x6a: {  	_ =	shalt  }
0x6b: {  	_ =	shalt  }
0x6c: {  	_ =	shalt  }
0x6d: {  	_ =	shalt  }
0x6e: {  	_ =	shalt  }
0x6f: {  	_ =	shalt  }
0x70: {  	_ =	shalt  }
0x71: {  	_ =	shalt  }
0x72: {  	_ =	shalt  }
0x73: {  	_ =	shalt  }
0x74: {  	_ =	shalt  }
0x75: {  	_ =	shalt  }
0x76: {  	_ =	shalt  }
0x77: {  	_ =	shalt  }
0x78: {  	_ =	shalt  }
0x79: {  	_ =	shalt  }
0x7a: {  	_ =	shalt  }
0x7b: {  	_ =	shalt  }
0x7c: {  	_ =	shalt  }
0x7d: {  	_ =	shalt  }
0x7e: {  	_ =	shalt  }
0x7f: {  	_ =	shalt  }
0x80: {  	_ =	shalt  }
0x81: {  	_ =	shalt  }
0x82: {  	_ =	shalt  }
0x83: {  	_ =	shalt  }
0x84: {  	_ =	shalt  }
0x85: {  	_ =	shalt  }
0x86: {  	_ =	shalt  }
0x87: {  	_ =	shalt  }
.Lfunc_end0:
.L_simem_size_0:
called_computation_lowered:
.L_overlay_start_0:
0x88: {  	s2 =	sld [smem:$0x3FD9]  }
0x89: {  	s3 =	sld [smem:$0x3FFE];
	_ =	sdelay $0x1  }
0x8a: {  	s1 =	srdreg.scid  }
0x8b: {  	s0 =	sand.u32 $0x1, s1  }
0x8c: {  	s16 =	sshll.u32 s0, $0xA;
	s2 =	sadd.s32 s3, s2  }
0x8d: {  	s2 =	sadd.s32 s2, s16  }
0x8e: {  	[smem:$0x3FB8] =	sst s2  }
0x8f: {  	_ = 	snop  }
0x90: {  	(tm) =	ssettm $0x1  }
0x91: {  	s17 =	sld [smem:$0x3FFB];
	_ =	sdelay $0x3  }
0x92: {  	_ =	strace s17  }
0x93: {  	s2 =	sld [smem:$0x3FFC];
	_ =	sdelay $0x3  }
0x94: {  	_ =	strace s2  }
0x95: {  	s2 =	sld [smem:$0x3FFD];
	_ =	sdelay $0x3  }
0x96: {  	_ =	strace s2  }
0x97: {  	_ =	strace $0x8FFFFFFF  }
0x98: {  	s18 =	sld [smem:$0x3FDB];
	_ =	sdelay $0x1  }
0x99: {  	s19 =	simm.s32 $_scs_section_size  }
0x9a: {  	s4 =	simm.s32 $_size__tile_overlayer_lowered;
	s5 =	simm.s32 $_tile_overlayer_lowered  }
0x9b: {  	s22 =	simm.s32 $0x1BFF;
	s21 =	sshll.u32 s5, $0x1;
	s2 =	sadd.s32 s19, s18  }
0x9c: {  	s6 =	simm.s32 $0x0;
	s20 =	sshll.u32 s4, $0x1;
	s4 =	sadd.s32 s21, s2  }
0x9d: {  	[timem:s6], [sflag:s22] =	dma.local [hbm:s4], s20  }
0x9e: {  	_ =	swait.ge [sflag:s22], s20  }
0x9f: {  	s3 =	ssub.s32 $0x0, s20;
	[sflag:s22] =	ssyncset.done $0x0  }
0xa0: {  	[sflag:s22] =	ssyncadd.s32 s3;
	_ =	sdelay $0x1  }
0xa1: {  	s23 =	simm.s32 $0x1B8B  }
0xa2: {  	_ =	swait.ge [sflag:s23], $0x1  }
0xa3: {  	[sflag:s23] =	ssyncset.done $0x0  }
0xa4: {  	s25 =	simm.s32 $0x1B8E;
	s24 =	sld [smem:$0x3FFE];
	[sflag:s23] =	ssyncadd.s32 $0xFFFFFFFF  }
0xa5: {  	s26 =	simm.s32 $execute0_lowered;
	[smem:$0x3FD2] =	sst s25  }
0xa6: {  	s4 =	sshll.u32 s26, $0x1;
	_ =	strace $0x80000046;
	[dreg:$0x1] =	wrdreg $0xFFFFFFFF  }
0xa7: {  	s28 =	simm.s32 $_size_execute0_lowered;
	s2 =	sadd.s32 s2, s4;
	[dreg:$0x0] =	wrdreg $0x0  }
0xa8: {  	s4 =	sshll.u32 s28, $0x1;
	[dreg:$0x2] =	wrdreg s2  }
0xa9: {  	[dreg:$0x3] =	wrdreg s4  }
0xaa: {  	[dreg:$0x4] =	wrdreg $0xC0  }
0xab: {  	_ =	task [dreg:s6], $0x5FFFF  }
0xac: {  	[dreg:$0x1] =	wrdreg $0xFFFFFFFF  }
0xad: {  	[dreg:$0x0] =	wrdreg $0x60  }
0xae: {  	[dreg:$0x2] =	wrdreg s24  }
0xaf: {  	[dreg:$0x3] =	wrdreg $0x38000  }
0xb0: {  	[dreg:$0x4] =	wrdreg $0x9  }
0xb1: {  	_ =	task.clear_ibuf [dreg:s6], $0x5FFFF;
	_ =	strace $0x90000046  }
0xb2: {  	s29 =	simm.s32 $0x9;
	_ =	strace $0x80000048  }
0xb3: {  	_ =	swait.ge [sflag:s29], $0x1  }
0xb4: {  	[sflag:s29] =	ssyncadd.s32 $0xFFFFFFFF  }
0xb5: {  	_ =	strace $0x90000048  }
0xb6: {  	_ =	sfence  }
0xb7: {  	s30 =	sld [smem:$0x0];
	_ =	sdelay $0x2  }
0xb8: {  	s31 =	sshll.u32 s1, $0xD;
	s1 =	sshrl.u32 s1, $0x2  }
0xb9: {  	s3 =	sand.u32 $0x4000, s31;
	s1 =	sadd.s32 s1, s30  }
0xba: {  	s0 =	sor.u32 s3, s0;
	s1 =	sshll.u32 s1, $0x11  }
0xbb: {  	s0 =	sor.u32 s1, s0  }
0xbc: {  	s0 =	sadd.s32 $0x8F2B, s0  }
0xbd: {  	[sflag:s0] =	ssyncadd.remote.s32 $0x1  }
0xbe: {  	_ =	sfence.sel $0xFFFF  }
0xbf: {  	[dreg:$0x0] =	wrdreg $0xFFFFFFFF;
	(pc) =	sbr.abs _section_cstart, $3  }
0xc0: {  	[dreg:$0x1] =	wrdreg $0xFFFFFFFF  }
0xc1: {  	_ =	task.clear_ibuf [dreg:s6], $0x2FFFF;
	_ =	strace $0x9FFFFFFF  }
0xc2: {  	(tm) =	ssettm $0x7FFFFFFF  }
0xc3: {  	_ =	shalt  }
tec
execute0_lowered:
.L_overlay_start_1:
0x0: {  	(tag) =	ssettag $0x1  }
0x1: {  	s1 =	srdreg.scid;
	s6 =	rddreg [dreg:$0x0]  }
0x2: {  	s0 =	stileid.u32;
	s2 =	rddreg [dreg:$0x1];
	s3 =	simm.s32 $0x0  }
0x3: {  	s21 =	simm.s32 $0x80;
	s22 =	simm.s32 $0x1;
	s23 =	simm.s32 $0x0  }
0x4: {  	s8 =	sand.u32 $0x1, s1;
	s31 =	sshll.u32 s0, $0x1;
	s1 =	rddreg [dreg:$0x2]  }
0x5: {  	[smem:$0x7FF] =	sst s3;
	s11 =	smul.u32 $0x2800, s0;
	s5 =	sadd.s32 $0xDE00, s6  }
0x6: {  	s16 =	sadd.s32 $0xE200, s6;
	s4 =	sor.u32 s8, s31;
	s18 =	smul.u32 $0x28000, s8  }
0x7: {  	_ =	strace $0x80000047;
	s9 =	ssub.s32 $0x2, s8;
	s4 =	smul.u32 $0x500, s4  }
0x8: {  	s10 =	sshrl.u32 s9, $0x1;
	s12 =	sadd.s32 $0x800, s11;
	s14 =	sadd.s32 $0x1000, s11  }
0x9: {  	s15 =	sadd.s32 $0x1800, s11;
	s19 =	sadd.s32 $0x2000, s11;
	s17 =	ssub.s32 s9, s10  }
0xa: {  	s8 =	sadd.s32 s12, s2;
	s9 =	sadd.s32 s14, s2;
	s10 =	sadd.s32 s15, s2  }
0xb: {  	s13 =	sadd.s32 s11, s18;
	s12 =	sadd.s32 s18, s12;
	s14 =	sadd.s32 s18, s14  }
0xc: {  	s15 =	sadd.s32 s18, s15;
	s18 =	sadd.s32 s18, s19;
	s7 =	sadd.s32 s4, s6  }
0xd: {  	s4 =	sadd.s32 $0xE000, s6;
	s13 =	sshrl.u32 s13, $0x3;
	s20 =	sshrl.u32 s12, $0x3  }
0xe: {  	s14 =	sshrl.u32 s14, $0x3;
	s15 =	sshrl.u32 s15, $0x3;
	s18 =	sshrl.u32 s18, $0x3  }
0xf: {  	s17 =	smax.u32 s17, $0x1;
	s6 =	sadd.s32 $0x3E00, s7;
	s7 =	sadd.s32 s11, s2  }
0x10: {  	s11 =	sadd.s32 s19, s2;
	s12 =	sadd.s32 s16, s13;
	s13 =	sadd.s32 s16, s20  }
0x11: {  	s14 =	sadd.s32 s16, s14;
	s15 =	sadd.s32 s16, s15;
	s16 =	sadd.s32 s16, s18  }
0x12: {  	s18 =	simm.s32 $0x2800;
	s19 =	simm.s32 $0x2;
	s20 =	simm.s32 $0x3000  }
.LBB2_1:
0x13: {  	[tilespmem:s18], [sflag:$0x2] =	stream.linear.gather [hbm4b:s4+s3], $0x800, $0x38;
	[tilespmem:$0x6000] =	vst v63  }
0x14: {  	_ =	swait.ge [sflag:s19], $0x800  }
0x15: {  	[sflag:s19] =	ssyncset.done $0x0  }
0x16: {  	[sflag:s19] =	ssyncadd.s32 $0xFFFFF800  }
0x17: {  	[tilespmem:s3], [sflag:$0x2] =	stream.linear.gather [hbm4b:s6+s3], $0x2800, $0x38;
	[tilespmem:$0x6000] =	vst v63  }
0x18: {  	_ =	swait.ge [sflag:s19], $0x2800  }
0x19: {  	[sflag:s19] =	ssyncset.done $0x0  }
0x1a: {  	[sflag:s19] =	ssyncadd.s32 $0xFFFFD800  }
0x1b: {  	[tilespmem:s20], [sflag:$0x2] =	stream.linear.gather [hbm4b:s5+s3], $0x800, $0x38;
	[tilespmem:$0x6000] =	vst v63  }
0x1c: {  	_ =	swait.ge [sflag:s19], $0x800  }
0x1d: {  	[sflag:s19] =	ssyncset.done $0x0  }
0x1e: {  	[sflag:s19] =	ssyncadd.s32 $0xFFFFF800  }
0x1f: {  	[spmem:s7] =	stream.linear.scatter [tilespmem:s20], [sflag:$0x2], $0x800, $0x38;
	[tilespmem:$0x6000] =	vst v63  }
0x20: {  	_ =	swait.ge [sflag:s19], $0x800  }
0x21: {  	[sflag:s19] =	ssyncset.done $0x0  }
0x22: {  	[sflag:s19] =	ssyncadd.s32 $0xFFFFF800  }
0x23: {  	[spmem:s8] =	stream.linear.scatter [tilespmem:s20], [sflag:$0x2], $0x800, $0x38;
	[tilespmem:$0x6000] =	vst v63  }
0x24: {  	_ =	swait.ge [sflag:s19], $0x800  }
0x25: {  	[sflag:s19] =	ssyncset.done $0x0  }
0x26: {  	[sflag:s19] =	ssyncadd.s32 $0xFFFFF800  }
0x27: {  	[spmem:s9] =	stream.linear.scatter [tilespmem:s20], [sflag:$0x2], $0x800, $0x38;
	[tilespmem:$0x6000] =	vst v63  }
0x28: {  	_ =	swait.ge [sflag:s19], $0x800  }
0x29: {  	[sflag:s19] =	ssyncset.done $0x0  }
0x2a: {  	[sflag:s19] =	ssyncadd.s32 $0xFFFFF800  }
0x2b: {  	[spmem:s10] =	stream.linear.scatter [tilespmem:s20], [sflag:$0x2], $0x800, $0x38;
	[tilespmem:$0x6000] =	vst v63  }
0x2c: {  	_ =	swait.ge [sflag:s19], $0x800  }
0x2d: {  	[sflag:s19] =	ssyncset.done $0x0  }
0x2e: {  	[sflag:s19] =	ssyncadd.s32 $0xFFFFF800  }
0x2f: {  	[spmem:s11] =	stream.linear.scatter [tilespmem:s20], [sflag:$0x2], $0x800, $0x38;
	[tilespmem:$0x6000] =	vst v63  }
0x30: {  	_ =	swait.ge [sflag:s19], $0x800  }
0x31: {  	[sflag:s19] =	ssyncset.done $0x0  }
0x32: {  	[sflag:s19] =	ssyncadd.s32 $0xFFFFF800  }
0x33: {  	s24 =	simm.s32 $0x0;
	[bflag:$0x0] =	sbarrier.arrive $0xFFFF  }
0x34: {  	[spmem:s2] =	stream.indirect.scatter.add.f32 [tilespmem:s18], [sflag:$0x1], $0x10, s24, s21, $0xb8;
	[tilespmem:$0x6000] =	vst v63  }
0x35: {  	s31 =	simm.s32 $0x80  }
0x36: {  	[spmem:s2] =	stream.indirect.scatter.add.f32 [tilespmem:s18], [sflag:$0x1], $0x10, s31, s21, $0xb8;
	[tilespmem:$0x6000] =	vst v63  }
0x37: {  	s25 =	simm.s32 $0x100  }
0x38: {  	[spmem:s2] =	stream.indirect.scatter.add.f32 [tilespmem:s18], [sflag:$0x1], $0x10, s25, s21, $0xb8;
	[tilespmem:$0x6000] =	vst v63  }
0x39: {  	s26 =	simm.s32 $0x180  }
0x3a: {  	[spmem:s2] =	stream.indirect.scatter.add.f32 [tilespmem:s18], [sflag:$0x1], $0x10, s26, s21, $0xb8;
	[tilespmem:$0x6000] =	vst v63  }
0x3b: {  	s28 =	simm.s32 $0x200  }
0x3c: {  	[spmem:s2] =	stream.indirect.scatter.add.f32 [tilespmem:s18], [sflag:$0x1], $0x10, s28, s21, $0xb8;
	[tilespmem:$0x6000] =	vst v63  }
0x3d: {  	s29 =	simm.s32 $0x280  }
0x3e: {  	[spmem:s2] =	stream.indirect.scatter.add.f32 [tilespmem:s18], [sflag:$0x1], $0x10, s29, s21, $0xb8;
	[tilespmem:$0x6000] =	vst v63  }
0x3f: {  	s30 =	simm.s32 $0x300  }
0x40: {  	[spmem:s2] =	stream.indirect.scatter.add.f32 [tilespmem:s18], [sflag:$0x1], $0x10, s30, s21, $0xb8;
	[tilespmem:$0x6000] =	vst v63  }
0x41: {  	s31 =	simm.s32 $0x380  }
0x42: {  	[spmem:s2] =	stream.indirect.scatter.add.f32 [tilespmem:s18], [sflag:$0x1], $0x10, s31, s21, $0xb8;
	[tilespmem:$0x6000] =	vst v63  }
0x43: {  	_ =	swait.ge [sflag:s22], $0x800  }
0x44: {  	[sflag:s22] =	ssyncset.done $0x0  }
0x45: {  	[sflag:s22] =	ssyncadd.s32 $0xFFFFF800  }
0x46: {  	_ =	swait.ge [sflag:s22], $0x800  }
0x47: {  	[sflag:s22] =	ssyncset.done $0x0  }
0x48: {  	[sflag:s22] =	ssyncadd.s32 $0xFFFFF800  }
0x49: {  	_ =	swait.ge [sflag:s22], $0x800  }
0x4a: {  	[sflag:s22] =	ssyncset.done $0x0  }
0x4b: {  	[sflag:s22] =	ssyncadd.s32 $0xFFFFF800  }
0x4c: {  	_ =	swait.ge [sflag:s22], $0x800  }
0x4d: {  	[sflag:s22] =	ssyncset.done $0x0  }
0x4e: {  	[sflag:s22] =	ssyncadd.s32 $0xFFFFF800  }
0x4f: {  	_ =	swait.ge [sflag:s22], $0x800  }
0x50: {  	[sflag:s22] =	ssyncset.done $0x0  }
0x51: {  	[sflag:s22] =	ssyncadd.s32 $0xFFFFF800  }
0x52: {  	_ =	swait.ge [sflag:s22], $0x800  }
0x53: {  	[sflag:s22] =	ssyncset.done $0x0  }
0x54: {  	[sflag:s22] =	ssyncadd.s32 $0xFFFFF800  }
0x55: {  	_ =	swait.ge [sflag:s22], $0x800  }
0x56: {  	[sflag:s22] =	ssyncset.done $0x0  }
0x57: {  	[sflag:s22] =	ssyncadd.s32 $0xFFFFF800  }
0x58: {  	_ =	swait.ge [sflag:s22], $0x800  }
0x59: {  	s24 =	simm.s32 $0x1000;
	s26 =	simm.s32 $0x2000;
	[sflag:s22] =	ssyncset.done $0x0  }
.LBB2_2:
0x5a: {  	s28 =	sshra.s32 s24, $0x2  }
0x5b: {  	[sflag:s22] =	ssyncadd.s32 $0xFFFFF800;
	s24 =	smov.u32 s26;
	s25 =	sadd.s32 $0x1000, s26  }
0x5c: {  	[spmem:s2] =	stream.indirect.scatter.add.f32 [tilespmem:s18], [sflag:$0x1], $0x10, s28, s21, $0xb8;
	[tilespmem:$0x6000] =	vst v63  }
0x5d: {  	p0 =	sne.s32 s26, $0x9000;
	s26 =	sadd.s32 $0x80, s28  }
0x5e: {  	[spmem:s2] =	stream.indirect.scatter.add.f32 [tilespmem:s18], [sflag:$0x1], $0x10, s26, s21, $0xb8;
	[tilespmem:$0x6000] =	vst v63  }
0x5f: {  	s26 =	sadd.s32 $0x100, s28  }
0x60: {  	[spmem:s2] =	stream.indirect.scatter.add.f32 [tilespmem:s18], [sflag:$0x1], $0x10, s26, s21, $0xb8;
	[tilespmem:$0x6000] =	vst v63  }
0x61: {  	s26 =	sadd.s32 $0x180, s28  }
0x62: {  	[spmem:s2] =	stream.indirect.scatter.add.f32 [tilespmem:s18], [sflag:$0x1], $0x10, s26, s21, $0xb8;
	[tilespmem:$0x6000] =	vst v63  }
0x63: {  	s26 =	sadd.s32 $0x200, s28  }
0x64: {  	[spmem:s2] =	stream.indirect.scatter.add.f32 [tilespmem:s18], [sflag:$0x1], $0x10, s26, s21, $0xb8;
	[tilespmem:$0x6000] =	vst v63  }
0x65: {  	s26 =	sadd.s32 $0x280, s28  }
0x66: {  	[spmem:s2] =	stream.indirect.scatter.add.f32 [tilespmem:s18], [sflag:$0x1], $0x10, s26, s21, $0xb8;
	[tilespmem:$0x6000] =	vst v63  }
0x67: {  	s26 =	sadd.s32 $0x300, s28  }
0x68: {  	[spmem:s2] =	stream.indirect.scatter.add.f32 [tilespmem:s18], [sflag:$0x1], $0x10, s26, s21, $0xb8;
	[tilespmem:$0x6000] =	vst v63  }
0x69: {  	s26 =	sadd.s32 $0x380, s28  }
0x6a: {  	[spmem:s2] =	stream.indirect.scatter.add.f32 [tilespmem:s18], [sflag:$0x1], $0x10, s26, s21, $0xb8;
	[tilespmem:$0x6000] =	vst v63  }
0x6b: {  	_ =	swait.ge [sflag:s22], $0x800  }
0x6c: {  	[sflag:s22] =	ssyncset.done $0x0  }
0x6d: {  	[sflag:s22] =	ssyncadd.s32 $0xFFFFF800  }
0x6e: {  	_ =	swait.ge [sflag:s22], $0x800  }
0x6f: {  	[sflag:s22] =	ssyncset.done $0x0  }
0x70: {  	[sflag:s22] =	ssyncadd.s32 $0xFFFFF800  }
0x71: {  	_ =	swait.ge [sflag:s22], $0x800  }
0x72: {  	[sflag:s22] =	ssyncset.done $0x0  }
0x73: {  	[sflag:s22] =	ssyncadd.s32 $0xFFFFF800  }
0x74: {  	_ =	swait.ge [sflag:s22], $0x800  }
0x75: {  	[sflag:s22] =	ssyncset.done $0x0  }
0x76: {  	[sflag:s22] =	ssyncadd.s32 $0xFFFFF800  }
0x77: {  	_ =	swait.ge [sflag:s22], $0x800  }
0x78: {  	[sflag:s22] =	ssyncset.done $0x0  }
0x79: {  	[sflag:s22] =	ssyncadd.s32 $0xFFFFF800  }
0x7a: {  	_ =	swait.ge [sflag:s22], $0x800  }
0x7b: {  	[sflag:s22] =	ssyncset.done $0x0  }
0x7c: {  	[sflag:s22] =	ssyncadd.s32 $0xFFFFF800  }
.Ltmp0:
0x7d: {  	_ =	swait.ge [sflag:s22], $0x800;
	(pc) =	sbr.rel @p0 .LBB2_2-.Ltmp0, $4  }
0x7e: {  	[sflag:s22] =	ssyncset.done $0x0  }
0x7f: {  	[sflag:s22] =	ssyncadd.s32 $0xFFFFF800  }
0x80: {  	_ =	swait.ge [sflag:s22], $0x800  }
0x81: {  	s26 =	smov.u32 s25;
	[sflag:s22] =	ssyncset.done $0x0  }
0x82: {  	s24 =	sshra.s32 s24, $0x2;
	[sflag:s22] =	ssyncadd.s32 $0xFFFFF800  }
0x83: {  	[spmem:s2] =	stream.indirect.scatter.add.f32 [tilespmem:s18], [sflag:$0x1], $0x10, s24, s21, $0xb8;
	[tilespmem:$0x6000] =	vst v63  }
0x84: {  	s25 =	sadd.s32 $0x80, s24  }
0x85: {  	[spmem:s2] =	stream.indirect.scatter.add.f32 [tilespmem:s18], [sflag:$0x1], $0x10, s25, s21, $0xb8;
	[tilespmem:$0x6000] =	vst v63  }
0x86: {  	s26 =	sadd.s32 $0x100, s24  }
0x87: {  	[spmem:s2] =	stream.indirect.scatter.add.f32 [tilespmem:s18], [sflag:$0x1], $0x10, s26, s21, $0xb8;
	[tilespmem:$0x6000] =	vst v63  }
0x88: {  	s28 =	sadd.s32 $0x180, s24  }
0x89: {  	[spmem:s2] =	stream.indirect.scatter.add.f32 [tilespmem:s18], [sflag:$0x1], $0x10, s28, s21, $0xb8;
	[tilespmem:$0x6000] =	vst v63  }
0x8a: {  	s29 =	sadd.s32 $0x200, s24  }
0x8b: {  	[spmem:s2] =	stream.indirect.scatter.add.f32 [tilespmem:s18], [sflag:$0x1], $0x10, s29, s21, $0xb8;
	[tilespmem:$0x6000] =	vst v63  }
0x8c: {  	s30 =	sadd.s32 $0x280, s24  }
0x8d: {  	[spmem:s2] =	stream.indirect.scatter.add.f32 [tilespmem:s18], [sflag:$0x1], $0x10, s30, s21, $0xb8;
	[tilespmem:$0x6000] =	vst v63  }
0x8e: {  	s31 =	sadd.s32 $0x300, s24  }
0x8f: {  	[spmem:s2] =	stream.indirect.scatter.add.f32 [tilespmem:s18], [sflag:$0x1], $0x10, s31, s21, $0xb8;
	[tilespmem:$0x6000] =	vst v63  }
0x90: {  	s24 =	sadd.s32 $0x380, s24  }
0x91: {  	[spmem:s2] =	stream.indirect.scatter.add.f32 [tilespmem:s18], [sflag:$0x1], $0x10, s24, s21, $0xb8;
	[tilespmem:$0x6000] =	vst v63  }
0x92: {  	_ =	swait.ge [sflag:s22], $0x800  }
0x93: {  	[sflag:s22] =	ssyncset.done $0x0  }
0x94: {  	[sflag:s22] =	ssyncadd.s32 $0xFFFFF800  }
0x95: {  	_ =	swait.ge [sflag:s22], $0x800  }
0x96: {  	[sflag:s22] =	ssyncset.done $0x0  }
0x97: {  	[sflag:s22] =	ssyncadd.s32 $0xFFFFF800  }
0x98: {  	_ =	swait.ge [sflag:s22], $0x800  }
0x99: {  	[sflag:s22] =	ssyncset.done $0x0  }
0x9a: {  	[sflag:s22] =	ssyncadd.s32 $0xFFFFF800  }
0x9b: {  	_ =	swait.ge [sflag:s22], $0x800  }
0x9c: {  	[sflag:s22] =	ssyncset.done $0x0  }
0x9d: {  	[sflag:s22] =	ssyncadd.s32 $0xFFFFF800  }
0x9e: {  	_ =	swait.ge [sflag:s22], $0x800  }
0x9f: {  	[sflag:s22] =	ssyncset.done $0x0  }
0xa0: {  	[sflag:s22] =	ssyncadd.s32 $0xFFFFF800  }
0xa1: {  	_ =	swait.ge [sflag:s22], $0x800  }
0xa2: {  	[sflag:s22] =	ssyncset.done $0x0  }
0xa3: {  	[sflag:s22] =	ssyncadd.s32 $0xFFFFF800  }
0xa4: {  	_ =	swait.ge [sflag:s22], $0x800  }
0xa5: {  	[sflag:s22] =	ssyncset.done $0x0  }
0xa6: {  	[sflag:s22] =	ssyncadd.s32 $0xFFFFF800  }
0xa7: {  	_ =	swait.ge [sflag:s22], $0x800  }
0xa8: {  	[sflag:s22] =	ssyncset.done $0x0  }
0xa9: {  	[sflag:s22] =	ssyncadd.s32 $0xFFFFF800  }
0xaa: {  	[bflag:$0x0] =	sbarrier.arrive $0xFFFF  }
0xab: {  	[tilespmem:s20], [sflag:$0x2] =	stream.linear.gather [spmem:s7], $0x800, $0x38;
	[tilespmem:$0x6000] =	vst v63  }
0xac: {  	_ =	swait.ge [sflag:s19], $0x800  }
0xad: {  	[sflag:s19] =	ssyncset.done $0x0  }
0xae: {  	[sflag:s19] =	ssyncadd.s32 $0xFFFFF800  }
0xaf: {  	[hbm4b:s12+s3] =	stream.linear.scatter [tilespmem:s20], [sflag:$0x2], $0x800, $0x38;
	[tilespmem:$0x6000] =	vst v63  }
0xb0: {  	_ =	swait.ge [sflag:s19], $0x800  }
0xb1: {  	[sflag:s19] =	ssyncset.done $0x0  }
0xb2: {  	[sflag:s19] =	ssyncadd.s32 $0xFFFFF800  }
0xb3: {  	[tilespmem:s20], [sflag:$0x2] =	stream.linear.gather [spmem:s8], $0x800, $0x38;
	[tilespmem:$0x6000] =	vst v63  }
0xb4: {  	_ =	swait.ge [sflag:s19], $0x800  }
0xb5: {  	[sflag:s19] =	ssyncset.done $0x0  }
0xb6: {  	[sflag:s19] =	ssyncadd.s32 $0xFFFFF800  }
0xb7: {  	[hbm4b:s13+s3] =	stream.linear.scatter [tilespmem:s20], [sflag:$0x2], $0x800, $0x38;
	[tilespmem:$0x6000] =	vst v63  }
0xb8: {  	_ =	swait.ge [sflag:s19], $0x800  }
0xb9: {  	[sflag:s19] =	ssyncset.done $0x0  }
0xba: {  	[sflag:s19] =	ssyncadd.s32 $0xFFFFF800  }
0xbb: {  	[tilespmem:s20], [sflag:$0x2] =	stream.linear.gather [spmem:s9], $0x800, $0x38;
	[tilespmem:$0x6000] =	vst v63  }
0xbc: {  	_ =	swait.ge [sflag:s19], $0x800  }
0xbd: {  	[sflag:s19] =	ssyncset.done $0x0  }
0xbe: {  	[sflag:s19] =	ssyncadd.s32 $0xFFFFF800  }
0xbf: {  	[hbm4b:s14+s3] =	stream.linear.scatter [tilespmem:s20], [sflag:$0x2], $0x800, $0x38;
	[tilespmem:$0x6000] =	vst v63  }
0xc0: {  	_ =	swait.ge [sflag:s19], $0x800  }
0xc1: {  	[sflag:s19] =	ssyncset.done $0x0  }
0xc2: {  	[sflag:s19] =	ssyncadd.s32 $0xFFFFF800  }
0xc3: {  	[tilespmem:s20], [sflag:$0x2] =	stream.linear.gather [spmem:s10], $0x800, $0x38;
	[tilespmem:$0x6000] =	vst v63  }
0xc4: {  	_ =	swait.ge [sflag:s19], $0x800  }
0xc5: {  	[sflag:s19] =	ssyncset.done $0x0  }
0xc6: {  	[sflag:s19] =	ssyncadd.s32 $0xFFFFF800  }
0xc7: {  	[hbm4b:s15+s3] =	stream.linear.scatter [tilespmem:s20], [sflag:$0x2], $0x800, $0x38;
	[tilespmem:$0x6000] =	vst v63  }
0xc8: {  	_ =	swait.ge [sflag:s19], $0x800  }
0xc9: {  	[sflag:s19] =	ssyncset.done $0x0  }
0xca: {  	[sflag:s19] =	ssyncadd.s32 $0xFFFFF800  }
0xcb: {  	[tilespmem:s20], [sflag:$0x2] =	stream.linear.gather [spmem:s11], $0x800, $0x38;
	[tilespmem:$0x6000] =	vst v63  }
0xcc: {  	s23 =	sadd.s32 $0x1, s23;
	_ =	swait.ge [sflag:s19], $0x800  }
0xcd: {  	p0 =	sne.s32 s23, s17;
	[sflag:s19] =	ssyncset.done $0x0  }
.Ltmp1:
0xce: {  	[sflag:s19] =	ssyncadd.s32 $0xFFFFF800;
	(pc) =	sbr.rel @p0 .LBB2_1-.Ltmp1, $4  }
0xcf: {  	[hbm4b:s16+s3] =	stream.linear.scatter [tilespmem:s20], [sflag:$0x2], $0x800, $0x38;
	[tilespmem:$0x6000] =	vst v63  }
0xd0: {  	_ =	swait.ge [sflag:s19], $0x800  }
0xd1: {  	[sflag:s19] =	ssyncset.done $0x0  }
0xd2: {  	[sflag:s19] =	ssyncadd.s32 $0xFFFFF800  }
0xd3: {  	_ =	sfence.sel $0x180000  }
0xd4: {  	[bflag:$0x0] =	sbarrier.arrive $0xFFFF  }
0xd5: {  	p0 =	sne.s32 s0, $0x0;
	_ =	strace $0x90000047  }
0xd6: {  	s0 =	sadd.s32 @!p0 $0x100000, s1;
	[bflag:$0x2] =	sbarrier.arrive $0xFFFF  }
0xd7: {  	[sflag:s0] =	ssyncadd.tile.s32 @!p0 $0x1;
	_ =	shalt  }
.Lfunc_end2:
_tile_overlayer_lowered:
.L_overlay_start_2:
0xd8: {  	(tag) =	ssettag $0x2  }
0xd9: {  	s0 =	rddreg [dreg:$0x0];
	s2 =	stileid.u32  }
0xda: {  	s1 =	rddreg [dreg:$0x1];
	p0 =	sne.s32 s2, $0x0  }
0xdb: {  	s3 =	rddreg [dreg:$0x2];
	[bflag:$0x3] =	sbarrier.arrive $0xFFFF;
	s2 =	simm.s32 @!p0 $0x1C02  }
0xdc: {  	[timem:s3], [sflag:s2] =	dma.local @!p0 [hbm:s0], s1  }
0xdd: {  	s0 =	simm.s32 @!p0 $0x2  }
0xde: {  	_ =	swait.ge @!p0 [sflag:s0], s1  }
0xdf: {  	s1 =	ssub.s32 @!p0 $0x0, s1;
	[sflag:s0] =	ssyncset.done @!p0 $0x0  }
0xe0: {  	[sflag:s0] =	ssyncadd.s32 @!p0 s1  }
0xe1: {  	[bflag:$0x3] =	sbarrier.arrive $0xFFFF  }
0xe2: {  	_ =	shalt  }

</sc_bundles>
